<compile_context>
chip_gen: v7x
topology: tpu7x:2x2x1
jax: 0.10.2.dev20260603
libtpu: 0.0.44.dev20260713+nightly
codegen_flags: <defaults>
</compile_context>

<pallas_src>
import functools

import jax
import jax.numpy as jnp
from jax import lax
from jax.experimental import pallas as pl
from jax.experimental.pallas import tpu as pltpu
from jax.experimental.pallas import tpu_sc as plsc

EMB = 32
NTOK = 16384
LANES = 16

NC = 2
NS = 16
NW = NC * NS
TPW = NTOK // NW
GRP = 16
HALF = 8
NGRP = TPW // GRP


def _emb_body(tok_hbm, wt_hbm, out_hbm, tok_v, dwin, swin_s, col_v, out_v,
              sa, sw, sb):
    sid = lax.axis_index("s")
    wid = sid * NC + lax.axis_index("c")
    base = wid * TPW
    swin = swin_s.at[sid]
    pltpu.sync_copy(tok_hbm.at[pl.ds(base, TPW)], tok_v)

    e_lo = lax.iota(jnp.int32, LANES)
    e_hi = e_lo + LANES

    def enq_direct(t, b):
        c0 = (t // 128) * 128
        pltpu.async_copy(wt_hbm.at[:, pl.ds(c0, 128)], dwin.at[b], sa.at[b])

    def wait_direct(b):
        pltpu.make_async_copy(
            wt_hbm.at[:, pl.ds(0, 128)], dwin.at[b], sa.at[b]
        ).wait()

    def extract_direct(t, i, b):
        col = t - (t // 128) * 128
        col_vec = jnp.full((LANES,), col, jnp.int32)
        pos_v = jnp.full((LANES,), i, jnp.int32)
        lo = plsc.load_gather(dwin.at[b], [e_lo, col_vec])
        hi = plsc.load_gather(dwin.at[b], [e_hi, col_vec])
        plsc.store_scatter(out_v, [e_lo, pos_v], lo)
        plsc.store_scatter(out_v, [e_hi, pos_v], hi)

    def enq_swin(t, j):
        c0 = (t // 128) * 128
        pltpu.async_copy(wt_hbm.at[:, pl.ds(c0, 128)], swin.at[j], sw.at[j])

    def wait_swin(j):
        pltpu.make_async_copy(
            wt_hbm.at[:, pl.ds(0, 128)], swin.at[j], sw.at[j]
        ).wait()

    def enq_column(t, j):
        q16 = ((t - (t // 128) * 128) // 16) * 16
        pltpu.async_copy(
            swin.at[j, :, pl.ds(q16, 16)],
            col_v.at[:, pl.ds(j * 16, 16)],
            sb,
        )

    def wait_columns():
        pltpu.make_async_copy(
            wt_hbm.at[:, pl.ds(0, 128)], col_v, sb
        ).wait()

    def extract_col(t, i, j):
        lane = j * 16 + (t - (t // 16) * 16)
        lane_v = jnp.full((LANES,), lane, jnp.int32)
        pos_v = jnp.full((LANES,), i, jnp.int32)
        lo = plsc.load_gather(col_v, [e_lo, lane_v])
        hi = plsc.load_gather(col_v, [e_hi, lane_v])
        plsc.store_scatter(out_v, [e_lo, pos_v], lo)
        plsc.store_scatter(out_v, [e_hi, pos_v], hi)

    tv0 = tok_v[pl.ds(0, GRP)]
    for b in range(HALF):
        enq_direct(tv0[b], b)
    for j in range(HALF):
        enq_swin(tv0[HALF + j], j)

    def step(g, _):
        tv = tok_v[pl.ds(g * GRP, GRP)]
        tnext = tok_v[pl.ds(jnp.minimum(g + 1, NGRP - 1) * GRP, GRP)]
        for j in range(HALF):
            wait_swin(j)
            enq_column(tv[HALF + j], j)
        for b in range(HALF):
            i = g * GRP + b
            wait_direct(b)
            extract_direct(tv[b], i, b)

            @pl.when(g + 1 < NGRP)
            def _():
                enq_direct(tnext[b], b)

        wait_columns()
        for j in range(HALF):
            i = g * GRP + HALF + j
            extract_col(tv[HALF + j], i, j)

            @pl.when(g + 1 < NGRP)
            def _():
                enq_swin(tnext[HALF + j], j)

        return _

    lax.fori_loop(0, NGRP, step, None, unroll=False)

    pltpu.sync_copy(out_v, out_hbm.at[:, pl.ds(base, TPW)])


_emb = functools.partial(
    pl.kernel,
    out_type=jax.ShapeDtypeStruct((EMB, NTOK), jnp.float32),
    mesh=plsc.VectorSubcoreMesh(core_axis_name="c", subcore_axis_name="s"),
    scratch_types=[
        pltpu.VMEM((TPW,), jnp.int32),
        pltpu.VMEM((HALF, EMB, 128), jnp.float32),
        pltpu.VMEM_SHARED((NS, HALF, EMB, 128), jnp.float32),
        pltpu.VMEM((EMB, 128), jnp.float32),
        pltpu.VMEM((EMB, TPW), jnp.float32),
        pltpu.SemaphoreType.DMA((HALF,)),
        pltpu.SemaphoreType.DMA((HALF,)),
        pltpu.SemaphoreType.DMA,
    ],
    compiler_params=pltpu.CompilerParams(needs_layout_passes=False),
)(_emb_body)


def kernel(tokens, weight, bias):
    out_t = _emb(tokens, weight.T)
    out = out_t.T
    return (out, out)

# --- scband reference (transcript-rebuilt; emitter-appended) ---
"""Pipeline reference for scband-embedding-17197049053433 (READ-ONLY COPY).

The authoritative reference and input builder live on the scoring server;
editing this copy changes nothing except your own understanding.
"""

import jax, jax.numpy as jnp
import numpy as np

VOCAB = 1000000
EMB = 32
NTOK = 16384

def setup_inputs(seed: int = 0) -> dict:
    key = jax.random.key(seed)
    k1, k2 = jax.random.split(key)
    tokens = jax.random.randint(k1, (NTOK,), 0, VOCAB, dtype=jnp.int32)
    weight = jax.random.normal(k2, (VOCAB, EMB), dtype=jnp.float32)
    bias = jnp.zeros((VOCAB,), dtype=jnp.float32)
    return {"tokens": tokens, "weight": weight, "bias": bias}

def reference(tokens, weight, bias):
    # faithful translation of Embedding.forward with noise_std=0.0
    x0 = jnp.take(weight, tokens, axis=0)
    noise_std = 0.0
    eps = jax.random.normal(jax.random.key(1), x0.shape, dtype=x0.dtype) * noise_std
    x0_noised = x0 + eps
    return (x0, x0_noised)

if __name__ == "__main__":
    import jax
    _d = setup_inputs()
    print(jax.jit(kernel)(*tuple(_d.values())))

</pallas_src>

<mosaic_0001>
#map = affine_map<(d0, d1) -> (0)>
#map1 = affine_map<(d0, d1) -> (0, 0)>
module attributes {stable_mosaic.version = 14 : i64} {
  func.func @_emb_body(%arg0: i32, %arg1: i32, %arg2: memref<16384xi32, #tpu.memory_space<hbm>>, %arg3: memref<32x1000000xf32, #tpu.memory_space<hbm>>, %arg4: memref<32x16384xf32, #tpu.memory_space<hbm>>, %arg5: memref<512xi32, #tpu.memory_space<vmem>>, %arg6: memref<8x32x128xf32, #tpu.memory_space<vmem>>, %arg7: memref<16x8x32x128xf32, #tpu.memory_space<vmem_shared>>, %arg8: memref<32x128xf32, #tpu.memory_space<vmem>>, %arg9: memref<32x512xf32, #tpu.memory_space<vmem>>, %arg10: memref<8x!tpu.dma_semaphore, #tpu.memory_space<semaphore_mem>>, %arg11: memref<8x!tpu.dma_semaphore, #tpu.memory_space<semaphore_mem>>, %arg12: memref<!tpu.dma_semaphore, #tpu.memory_space<semaphore_mem>>) attributes {dimension_semantics = [#tpu.dimension_semantics<core_parallel>, #tpu.dimension_semantics<subcore_parallel>], iteration_bounds = array<i64: 2, 16>, scalar_prefetch = 0 : i64, scratch_operands = 8 : i64, tpu.core_type = #tpu.core_type<sc_vector_subcore>, window_params = [{transform_indices = #map}, {transform_indices = #map1}, {transform_indices = #map1}]} {
    %mul3A = arith.constant 2 : i32
    %mul3A_0 = arith.muli %arg1, %mul3A : i32
    %add3A = arith.addi %mul3A_0, %arg0 : i32
    %mul3A_1 = arith.constant 512 : i32
    %mul3A_2 = arith.muli %add3A, %mul3A_1 : i32
    "tpu.region"() ({
      %run_scoped3A = tpu.sem_alloc : memref<!tpu.dma_semaphore, #tpu.memory_space<semaphore_mem>>
      %dma_start3A_696 = tpu.memref_slice %arg2[%mul3A_2] : memref<16384xi32, #tpu.memory_space<hbm>> -> memref<512xi32, #tpu.memory_space<hbm>>
      %dma_start3A_697 = tpu.memref_slice %arg2[%mul3A_2] : memref<16384xi32, #tpu.memory_space<hbm>> -> memref<512xi32, #tpu.memory_space<hbm>>
      tpu.enqueue_dma source(%dma_start3A_697 : memref<512xi32, #tpu.memory_space<hbm>>) target(%arg5 : memref<512xi32, #tpu.memory_space<vmem>>) target_semaphore(%run_scoped3A : memref<!tpu.dma_semaphore, #tpu.memory_space<semaphore_mem>>)
      %dma_wait3A = tpu.memref_slice %arg2[%mul3A_2] : memref<16384xi32, #tpu.memory_space<hbm>> -> memref<512xi32, #tpu.memory_space<hbm>>
      %dma_wait3A_698 = tpu.memref_slice %arg2[%mul3A_2] : memref<16384xi32, #tpu.memory_space<hbm>> -> memref<512xi32, #tpu.memory_space<hbm>>
      tpu.wait_dma2 semaphore(%run_scoped3A : memref<!tpu.dma_semaphore, #tpu.memory_space<semaphore_mem>>) src(%dma_wait3A_698 : memref<512xi32, #tpu.memory_space<hbm>>) dst(%arg5 : memref<512xi32, #tpu.memory_space<vmem>>)
      tpu.yield
    }) : () -> ()
    %iota3A = tpu.iota {dimensions = array<i32: 0>} : vector<16xi32>
    %add3A_3 = arith.constant 16 : i32
    %add3A_4 = vector.broadcast %add3A_3 : i32 to vector<16xi32>
    %add3A_5 = arith.addi %iota3A, %add3A_4 : vector<16xi32>
    %get3A = arith.constant 0 : index
    %get3A_6 = tpu.vector_load %arg5[%get3A] {strides = array<i32>} : memref<512xi32, #tpu.memory_space<vmem>>, vector<16xi32>,
    %slice3A = vector.extract_strided_slice %get3A_6 {offsets = [0], sizes = [1], strides = [1]} : vector<16xi32> to vector<1xi32>
    %squeeze3A = vector.extract %slice3A[0] : i32 from vector<1xi32>
    %jit3A = arith.constant 128 : i32
    %div3A = arith.divsi %squeeze3A, %jit3A : i32
    %sign3A = arith.constant 0 : i32
    %sign3A_7 = arith.cmpi sgt, %squeeze3A, %sign3A : i32
    %sign3A_8 = arith.extui %sign3A_7 : i1 to i32
    %sign3A_9 = arith.constant 0 : i32
    %sign3A_10 = arith.cmpi slt, %squeeze3A, %sign3A_9 : i32
    %sign3A_11 = arith.extui %sign3A_10 : i1 to i32
    %sign3A_12 = arith.subi %sign3A_8, %sign3A_11 : i32
    %sign3A_13 = arith.constant 0 : i32
    %sign3A_14 = arith.cmpi sgt, %jit3A, %sign3A_13 : i32
    %sign3A_15 = arith.extui %sign3A_14 : i1 to i32
    %sign3A_16 = arith.constant 0 : i32
    %sign3A_17 = arith.cmpi slt, %jit3A, %sign3A_16 : i32
    %sign3A_18 = arith.extui %sign3A_17 : i1 to i32
    %sign3A_19 = arith.subi %sign3A_15, %sign3A_18 : i32
    %ne3A = arith.cmpi ne, %sign3A_12, %sign3A_19 : i32
    %rem3A = arith.remsi %squeeze3A, %jit3A : i32
    %ne3A_20 = arith.constant 0 : i32
    %ne3A_21 = arith.cmpi ne, %rem3A, %ne3A_20 : i32
    %and3A = arith.andi %ne3A, %ne3A_21 : i1
    %sub3A = arith.constant 1 : i32
    %sub3A_22 = arith.subi %div3A, %sub3A : i32
    %select_n3A = arith.select %and3A, %sub3A_22, %div3A : i32
    %mul3A_23 = arith.constant 128 : i32
    %mul3A_24 = arith.muli %select_n3A, %mul3A_23 : i32
    %dma_start3A = arith.constant 0 : i32
    %dma_start3A_25 = arith.constant 0 : i32
    %dma_start3A_26 = arith.constant 0 : i32
    %dma_start3A_27 = arith.constant 0 : i32
    %dma_start3A_28 = tpu.memref_slice %arg6[%dma_start3A, %dma_start3A_26, %dma_start3A_27] : memref<8x32x128xf32, #tpu.memory_space<vmem>> -> memref<1x32x128xf32, #tpu.memory_space<vmem>>
    %dma_start3A_29 = tpu.memref_squeeze %dma_start3A_28 : memref<1x32x128xf32, #tpu.memory_space<vmem>> -> memref<32x128xf32, #tpu.memory_space<vmem>>
    %dma_start3A_30 = arith.constant 0 : i32
    %dma_start3A_31 = tpu.memref_slice %arg3[%dma_start3A_30, %mul3A_24] : memref<32x1000000xf32, #tpu.memory_space<hbm>> -> memref<32x128xf32, #tpu.memory_space<hbm>>
    %dma_start3A_32 = tpu.memref_slice %arg10[%dma_start3A_25] : memref<8x!tpu.dma_semaphore, #tpu.memory_space<semaphore_mem>> -> memref<1x!tpu.dma_semaphore, #tpu.memory_space<semaphore_mem>>
    %dma_start3A_33 = tpu.memref_squeeze %dma_start3A_32 : memref<1x!tpu.dma_semaphore, #tpu.memory_space<semaphore_mem>> -> memref<!tpu.dma_semaphore, #tpu.memory_space<semaphore_mem>>
    %dma_start3A_34 = arith.constant 0 : i32
    %dma_start3A_35 = arith.constant 0 : i32
    %dma_start3A_36 = tpu.memref_slice %arg6[%dma_start3A, %dma_start3A_34, %dma_start3A_35] : memref<8x32x128xf32, #tpu.memory_space<vmem>> -> memref<1x32x128xf32, #tpu.memory_space<vmem>>
    %dma_start3A_37 = tpu.memref_squeeze %dma_start3A_36 : memref<1x32x128xf32, #tpu.memory_space<vmem>> -> memref<32x128xf32, #tpu.memory_space<vmem>>
    %dma_start3A_38 = arith.constant 0 : i32
    %dma_start3A_39 = tpu.memref_slice %arg3[%dma_start3A_38, %mul3A_24] : memref<32x1000000xf32, #tpu.memory_space<hbm>> -> memref<32x128xf32, #tpu.memory_space<hbm>>
    tpu.enqueue_dma source(%dma_start3A_39 : memref<32x128xf32, #tpu.memory_space<hbm>>) target(%dma_start3A_37 : memref<32x128xf32, #tpu.memory_space<vmem>>) target_semaphore(%dma_start3A_33 : memref<!tpu.dma_semaphore, #tpu.memory_space<semaphore_mem>>)
    %slice3A_40 = vector.extract_strided_slice %get3A_6 {offsets = [1], sizes = [1], strides = [1]} : vector<16xi32> to vector<1xi32>
    %squeeze3A_41 = vector.extract %slice3A_40[0] : i32 from vector<1xi32>
    %jit3A_42 = arith.constant 128 : i32
    %div3A_43 = arith.divsi %squeeze3A_41, %jit3A_42 : i32
    %sign3A_44 = arith.constant 0 : i32
    %sign3A_45 = arith.cmpi sgt, %squeeze3A_41, %sign3A_44 : i32
    %sign3A_46 = arith.extui %sign3A_45 : i1 to i32
    %sign3A_47 = arith.constant 0 : i32
    %sign3A_48 = arith.cmpi slt, %squeeze3A_41, %sign3A_47 : i32
    %sign3A_49 = arith.extui %sign3A_48 : i1 to i32
    %sign3A_50 = arith.subi %sign3A_46, %sign3A_49 : i32
    %sign3A_51 = arith.constant 0 : i32
    %sign3A_52 = arith.cmpi sgt, %jit3A_42, %sign3A_51 : i32
    %sign3A_53 = arith.extui %sign3A_52 : i1 to i32
    %sign3A_54 = arith.constant 0 : i32
    %sign3A_55 = arith.cmpi slt, %jit3A_42, %sign3A_54 : i32
    %sign3A_56 = arith.extui %sign3A_55 : i1 to i32
    %sign3A_57 = arith.subi %sign3A_53, %sign3A_56 : i32
    %ne3A_58 = arith.cmpi ne, %sign3A_50, %sign3A_57 : i32
    %rem3A_59 = arith.remsi %squeeze3A_41, %jit3A_42 : i32
    %ne3A_60 = arith.constant 0 : i32
    %ne3A_61 = arith.cmpi ne, %rem3A_59, %ne3A_60 : i32
    %and3A_62 = arith.andi %ne3A_58, %ne3A_61 : i1
    %sub3A_63 = arith.constant 1 : i32
    %sub3A_64 = arith.subi %div3A_43, %sub3A_63 : i32
    %select_n3A_65 = arith.select %and3A_62, %sub3A_64, %div3A_43 : i32
    %mul3A_66 = arith.constant 128 : i32
    %mul3A_67 = arith.muli %select_n3A_65, %mul3A_66 : i32
    %dma_start3A_68 = arith.constant 1 : i32
    %dma_start3A_69 = arith.constant 1 : i32
    %dma_start3A_70 = arith.constant 0 : i32
    %dma_start3A_71 = arith.constant 0 : i32
    %dma_start3A_72 = tpu.memref_slice %arg6[%dma_start3A_68, %dma_start3A_70, %dma_start3A_71] : memref<8x32x128xf32, #tpu.memory_space<vmem>> -> memref<1x32x128xf32, #tpu.memory_space<vmem>>
    %dma_start3A_73 = tpu.memref_squeeze %dma_start3A_72 : memref<1x32x128xf32, #tpu.memory_space<vmem>> -> memref<32x128xf32, #tpu.memory_space<vmem>>
    %dma_start3A_74 = arith.constant 0 : i32
    %dma_start3A_75 = tpu.memref_slice %arg3[%dma_start3A_74, %mul3A_67] : memref<32x1000000xf32, #tpu.memory_space<hbm>> -> memref<32x128xf32, #tpu.memory_space<hbm>>
    %dma_start3A_76 = tpu.memref_slice %arg10[%dma_start3A_69] : memref<8x!tpu.dma_semaphore, #tpu.memory_space<semaphore_mem>> -> memref<1x!tpu.dma_semaphore, #tpu.memory_space<semaphore_mem>>
    %dma_start3A_77 = tpu.memref_squeeze %dma_start3A_76 : memref<1x!tpu.dma_semaphore, #tpu.memory_space<semaphore_mem>> -> memref<!tpu.dma_semaphore, #tpu.memory_space<semaphore_mem>>
    %dma_start3A_78 = arith.constant 0 : i32
    %dma_start3A_79 = arith.constant 0 : i32
    %dma_start3A_80 = tpu.memref_slice %arg6[%dma_start3A_68, %dma_start3A_78, %dma_start3A_79] : memref<8x32x128xf32, #tpu.memory_space<vmem>> -> memref<1x32x128xf32, #tpu.memory_space<vmem>>
    %dma_start3A_81 = tpu.memref_squeeze %dma_start3A_80 : memref<1x32x128xf32, #tpu.memory_space<vmem>> -> memref<32x128xf32, #tpu.memory_space<vmem>>
    %dma_start3A_82 = arith.constant 0 : i32
    %dma_start3A_83 = tpu.memref_slice %arg3[%dma_start3A_82, %mul3A_67] : memref<32x1000000xf32, #tpu.memory_space<hbm>> -> memref<32x128xf32, #tpu.memory_space<hbm>>
    tpu.enqueue_dma source(%dma_start3A_83 : memref<32x128xf32, #tpu.memory_space<hbm>>) target(%dma_start3A_81 : memref<32x128xf32, #tpu.memory_space<vmem>>) target_semaphore(%dma_start3A_77 : memref<!tpu.dma_semaphore, #tpu.memory_space<semaphore_mem>>)
    %slice3A_84 = vector.extract_strided_slice %get3A_6 {offsets = [2], sizes = [1], strides = [1]} : vector<16xi32> to vector<1xi32>
    %squeeze3A_85 = vector.extract %slice3A_84[0] : i32 from vector<1xi32>
    %jit3A_86 = arith.constant 128 : i32
    %div3A_87 = arith.divsi %squeeze3A_85, %jit3A_86 : i32
    %sign3A_88 = arith.constant 0 : i32
    %sign3A_89 = arith.cmpi sgt, %squeeze3A_85, %sign3A_88 : i32
    %sign3A_90 = arith.extui %sign3A_89 : i1 to i32
    %sign3A_91 = arith.constant 0 : i32
    %sign3A_92 = arith.cmpi slt, %squeeze3A_85, %sign3A_91 : i32
    %sign3A_93 = arith.extui %sign3A_92 : i1 to i32
    %sign3A_94 = arith.subi %sign3A_90, %sign3A_93 : i32
    %sign3A_95 = arith.constant 0 : i32
    %sign3A_96 = arith.cmpi sgt, %jit3A_86, %sign3A_95 : i32
    %sign3A_97 = arith.extui %sign3A_96 : i1 to i32
    %sign3A_98 = arith.constant 0 : i32
    %sign3A_99 = arith.cmpi slt, %jit3A_86, %sign3A_98 : i32
    %sign3A_100 = arith.extui %sign3A_99 : i1 to i32
    %sign3A_101 = arith.subi %sign3A_97, %sign3A_100 : i32
    %ne3A_102 = arith.cmpi ne, %sign3A_94, %sign3A_101 : i32
    %rem3A_103 = arith.remsi %squeeze3A_85, %jit3A_86 : i32
    %ne3A_104 = arith.constant 0 : i32
    %ne3A_105 = arith.cmpi ne, %rem3A_103, %ne3A_104 : i32
    %and3A_106 = arith.andi %ne3A_102, %ne3A_105 : i1
    %sub3A_107 = arith.constant 1 : i32
    %sub3A_108 = arith.subi %div3A_87, %sub3A_107 : i32
    %select_n3A_109 = arith.select %and3A_106, %sub3A_108, %div3A_87 : i32
    %mul3A_110 = arith.constant 128 : i32
    %mul3A_111 = arith.muli %select_n3A_109, %mul3A_110 : i32
    %dma_start3A_112 = arith.constant 2 : i32
    %dma_start3A_113 = arith.constant 2 : i32
    %dma_start3A_114 = arith.constant 0 : i32
    %dma_start3A_115 = arith.constant 0 : i32
    %dma_start3A_116 = tpu.memref_slice %arg6[%dma_start3A_112, %dma_start3A_114, %dma_start3A_115] : memref<8x32x128xf32, #tpu.memory_space<vmem>> -> memref<1x32x128xf32, #tpu.memory_space<vmem>>
    %dma_start3A_117 = tpu.memref_squeeze %dma_start3A_116 : memref<1x32x128xf32, #tpu.memory_space<vmem>> -> memref<32x128xf32, #tpu.memory_space<vmem>>
    %dma_start3A_118 = arith.constant 0 : i32
    %dma_start3A_119 = tpu.memref_slice %arg3[%dma_start3A_118, %mul3A_111] : memref<32x1000000xf32, #tpu.memory_space<hbm>> -> memref<32x128xf32, #tpu.memory_space<hbm>>
    %dma_start3A_120 = tpu.memref_slice %arg10[%dma_start3A_113] : memref<8x!tpu.dma_semaphore, #tpu.memory_space<semaphore_mem>> -> memref<1x!tpu.dma_semaphore, #tpu.memory_space<semaphore_mem>>
    %dma_start3A_121 = tpu.memref_squeeze %dma_start3A_120 : memref<1x!tpu.dma_semaphore, #tpu.memory_space<semaphore_mem>> -> memref<!tpu.dma_semaphore, #tpu.memory_space<semaphore_mem>>
    %dma_start3A_122 = arith.constant 0 : i32
    %dma_start3A_123 = arith.constant 0 : i32
    %dma_start3A_124 = tpu.memref_slice %arg6[%dma_start3A_112, %dma_start3A_122, %dma_start3A_123] : memref<8x32x128xf32, #tpu.memory_space<vmem>> -> memref<1x32x128xf32, #tpu.memory_space<vmem>>
    %dma_start3A_125 = tpu.memref_squeeze %dma_start3A_124 : memref<1x32x128xf32, #tpu.memory_space<vmem>> -> memref<32x128xf32, #tpu.memory_space<vmem>>
    %dma_start3A_126 = arith.constant 0 : i32
    %dma_start3A_127 = tpu.memref_slice %arg3[%dma_start3A_126, %mul3A_111] : memref<32x1000000xf32, #tpu.memory_space<hbm>> -> memref<32x128xf32, #tpu.memory_space<hbm>>
    tpu.enqueue_dma source(%dma_start3A_127 : memref<32x128xf32, #tpu.memory_space<hbm>>) target(%dma_start3A_125 : memref<32x128xf32, #tpu.memory_space<vmem>>) target_semaphore(%dma_start3A_121 : memref<!tpu.dma_semaphore, #tpu.memory_space<semaphore_mem>>)
    %slice3A_128 = vector.extract_strided_slice %get3A_6 {offsets = [3], sizes = [1], strides = [1]} : vector<16xi32> to vector<1xi32>
    %squeeze3A_129 = vector.extract %slice3A_128[0] : i32 from vector<1xi32>
    %jit3A_130 = arith.constant 128 : i32
    %div3A_131 = arith.divsi %squeeze3A_129, %jit3A_130 : i32
    %sign3A_132 = arith.constant 0 : i32
    %sign3A_133 = arith.cmpi sgt, %squeeze3A_129, %sign3A_132 : i32
    %sign3A_134 = arith.extui %sign3A_133 : i1 to i32
    %sign3A_135 = arith.constant 0 : i32
    %sign3A_136 = arith.cmpi slt, %squeeze3A_129, %sign3A_135 : i32
    %sign3A_137 = arith.extui %sign3A_136 : i1 to i32
    %sign3A_138 = arith.subi %sign3A_134, %sign3A_137 : i32
    %sign3A_139 = arith.constant 0 : i32
    %sign3A_140 = arith.cmpi sgt, %jit3A_130, %sign3A_139 : i32
    %sign3A_141 = arith.extui %sign3A_140 : i1 to i32
    %sign3A_142 = arith.constant 0 : i32
    %sign3A_143 = arith.cmpi slt, %jit3A_130, %sign3A_142 : i32
    %sign3A_144 = arith.extui %sign3A_143 : i1 to i32
    %sign3A_145 = arith.subi %sign3A_141, %sign3A_144 : i32
    %ne3A_146 = arith.cmpi ne, %sign3A_138, %sign3A_145 : i32
    %rem3A_147 = arith.remsi %squeeze3A_129, %jit3A_130 : i32
    %ne3A_148 = arith.constant 0 : i32
    %ne3A_149 = arith.cmpi ne, %rem3A_147, %ne3A_148 : i32
    %and3A_150 = arith.andi %ne3A_146, %ne3A_149 : i1
    %sub3A_151 = arith.constant 1 : i32
    %sub3A_152 = arith.subi %div3A_131, %sub3A_151 : i32
    %select_n3A_153 = arith.select %and3A_150, %sub3A_152, %div3A_131 : i32
    %mul3A_154 = arith.constant 128 : i32
    %mul3A_155 = arith.muli %select_n3A_153, %mul3A_154 : i32
    %dma_start3A_156 = arith.constant 3 : i32
    %dma_start3A_157 = arith.constant 3 : i32
    %dma_start3A_158 = arith.constant 0 : i32
    %dma_start3A_159 = arith.constant 0 : i32
    %dma_start3A_160 = tpu.memref_slice %arg6[%dma_start3A_156, %dma_start3A_158, %dma_start3A_159] : memref<8x32x128xf32, #tpu.memory_space<vmem>> -> memref<1x32x128xf32, #tpu.memory_space<vmem>>
    %dma_start3A_161 = tpu.memref_squeeze %dma_start3A_160 : memref<1x32x128xf32, #tpu.memory_space<vmem>> -> memref<32x128xf32, #tpu.memory_space<vmem>>
    %dma_start3A_162 = arith.constant 0 : i32
    %dma_start3A_163 = tpu.memref_slice %arg3[%dma_start3A_162, %mul3A_155] : memref<32x1000000xf32, #tpu.memory_space<hbm>> -> memref<32x128xf32, #tpu.memory_space<hbm>>
    %dma_start3A_164 = tpu.memref_slice %arg10[%dma_start3A_157] : memref<8x!tpu.dma_semaphore, #tpu.memory_space<semaphore_mem>> -> memref<1x!tpu.dma_semaphore, #tpu.memory_space<semaphore_mem>>
    %dma_start3A_165 = tpu.memref_squeeze %dma_start3A_164 : memref<1x!tpu.dma_semaphore, #tpu.memory_space<semaphore_mem>> -> memref<!tpu.dma_semaphore, #tpu.memory_space<semaphore_mem>>
    %dma_start3A_166 = arith.constant 0 : i32
    %dma_start3A_167 = arith.constant 0 : i32
    %dma_start3A_168 = tpu.memref_slice %arg6[%dma_start3A_156, %dma_start3A_166, %dma_start3A_167] : memref<8x32x128xf32, #tpu.memory_space<vmem>> -> memref<1x32x128xf32, #tpu.memory_space<vmem>>
    %dma_start3A_169 = tpu.memref_squeeze %dma_start3A_168 : memref<1x32x128xf32, #tpu.memory_space<vmem>> -> memref<32x128xf32, #tpu.memory_space<vmem>>
    %dma_start3A_170 = arith.constant 0 : i32
    %dma_start3A_171 = tpu.memref_slice %arg3[%dma_start3A_170, %mul3A_155] : memref<32x1000000xf32, #tpu.memory_space<hbm>> -> memref<32x128xf32, #tpu.memory_space<hbm>>
    tpu.enqueue_dma source(%dma_start3A_171 : memref<32x128xf32, #tpu.memory_space<hbm>>) target(%dma_start3A_169 : memref<32x128xf32, #tpu.memory_space<vmem>>) target_semaphore(%dma_start3A_165 : memref<!tpu.dma_semaphore, #tpu.memory_space<semaphore_mem>>)
    %slice3A_172 = vector.extract_strided_slice %get3A_6 {offsets = [4], sizes = [1], strides = [1]} : vector<16xi32> to vector<1xi32>
    %squeeze3A_173 = vector.extract %slice3A_172[0] : i32 from vector<1xi32>
    %jit3A_174 = arith.constant 128 : i32
    %div3A_175 = arith.divsi %squeeze3A_173, %jit3A_174 : i32
    %sign3A_176 = arith.constant 0 : i32
    %sign3A_177 = arith.cmpi sgt, %squeeze3A_173, %sign3A_176 : i32
    %sign3A_178 = arith.extui %sign3A_177 : i1 to i32
    %sign3A_179 = arith.constant 0 : i32
    %sign3A_180 = arith.cmpi slt, %squeeze3A_173, %sign3A_179 : i32
    %sign3A_181 = arith.extui %sign3A_180 : i1 to i32
    %sign3A_182 = arith.subi %sign3A_178, %sign3A_181 : i32
    %sign3A_183 = arith.constant 0 : i32
    %sign3A_184 = arith.cmpi sgt, %jit3A_174, %sign3A_183 : i32
    %sign3A_185 = arith.extui %sign3A_184 : i1 to i32
    %sign3A_186 = arith.constant 0 : i32
    %sign3A_187 = arith.cmpi slt, %jit3A_174, %sign3A_186 : i32
    %sign3A_188 = arith.extui %sign3A_187 : i1 to i32
    %sign3A_189 = arith.subi %sign3A_185, %sign3A_188 : i32
    %ne3A_190 = arith.cmpi ne, %sign3A_182, %sign3A_189 : i32
    %rem3A_191 = arith.remsi %squeeze3A_173, %jit3A_174 : i32
    %ne3A_192 = arith.constant 0 : i32
    %ne3A_193 = arith.cmpi ne, %rem3A_191, %ne3A_192 : i32
    %and3A_194 = arith.andi %ne3A_190, %ne3A_193 : i1
    %sub3A_195 = arith.constant 1 : i32
    %sub3A_196 = arith.subi %div3A_175, %sub3A_195 : i32
    %select_n3A_197 = arith.select %and3A_194, %sub3A_196, %div3A_175 : i32
    %mul3A_198 = arith.constant 128 : i32
    %mul3A_199 = arith.muli %select_n3A_197, %mul3A_198 : i32
    %dma_start3A_200 = arith.constant 4 : i32
    %dma_start3A_201 = arith.constant 4 : i32
    %dma_start3A_202 = arith.constant 0 : i32
    %dma_start3A_203 = arith.constant 0 : i32
    %dma_start3A_204 = tpu.memref_slice %arg6[%dma_start3A_200, %dma_start3A_202, %dma_start3A_203] : memref<8x32x128xf32, #tpu.memory_space<vmem>> -> memref<1x32x128xf32, #tpu.memory_space<vmem>>
    %dma_start3A_205 = tpu.memref_squeeze %dma_start3A_204 : memref<1x32x128xf32, #tpu.memory_space<vmem>> -> memref<32x128xf32, #tpu.memory_space<vmem>>
    %dma_start3A_206 = arith.constant 0 : i32
    %dma_start3A_207 = tpu.memref_slice %arg3[%dma_start3A_206, %mul3A_199] : memref<32x1000000xf32, #tpu.memory_space<hbm>> -> memref<32x128xf32, #tpu.memory_space<hbm>>
    %dma_start3A_208 = tpu.memref_slice %arg10[%dma_start3A_201] : memref<8x!tpu.dma_semaphore, #tpu.memory_space<semaphore_mem>> -> memref<1x!tpu.dma_semaphore, #tpu.memory_space<semaphore_mem>>
    %dma_start3A_209 = tpu.memref_squeeze %dma_start3A_208 : memref<1x!tpu.dma_semaphore, #tpu.memory_space<semaphore_mem>> -> memref<!tpu.dma_semaphore, #tpu.memory_space<semaphore_mem>>
    %dma_start3A_210 = arith.constant 0 : i32
    %dma_start3A_211 = arith.constant 0 : i32
    %dma_start3A_212 = tpu.memref_slice %arg6[%dma_start3A_200, %dma_start3A_210, %dma_start3A_211] : memref<8x32x128xf32, #tpu.memory_space<vmem>> -> memref<1x32x128xf32, #tpu.memory_space<vmem>>
    %dma_start3A_213 = tpu.memref_squeeze %dma_start3A_212 : memref<1x32x128xf32, #tpu.memory_space<vmem>> -> memref<32x128xf32, #tpu.memory_space<vmem>>
    %dma_start3A_214 = arith.constant 0 : i32
    %dma_start3A_215 = tpu.memref_slice %arg3[%dma_start3A_214, %mul3A_199] : memref<32x1000000xf32, #tpu.memory_space<hbm>> -> memref<32x128xf32, #tpu.memory_space<hbm>>
    tpu.enqueue_dma source(%dma_start3A_215 : memref<32x128xf32, #tpu.memory_space<hbm>>) target(%dma_start3A_213 : memref<32x128xf32, #tpu.memory_space<vmem>>) target_semaphore(%dma_start3A_209 : memref<!tpu.dma_semaphore, #tpu.memory_space<semaphore_mem>>)
    %slice3A_216 = vector.extract_strided_slice %get3A_6 {offsets = [5], sizes = [1], strides = [1]} : vector<16xi32> to vector<1xi32>
    %squeeze3A_217 = vector.extract %slice3A_216[0] : i32 from vector<1xi32>
    %jit3A_218 = arith.constant 128 : i32
    %div3A_219 = arith.divsi %squeeze3A_217, %jit3A_218 : i32
    %sign3A_220 = arith.constant 0 : i32
    %sign3A_221 = arith.cmpi sgt, %squeeze3A_217, %sign3A_220 : i32
    %sign3A_222 = arith.extui %sign3A_221 : i1 to i32
    %sign3A_223 = arith.constant 0 : i32
    %sign3A_224 = arith.cmpi slt, %squeeze3A_217, %sign3A_223 : i32
    %sign3A_225 = arith.extui %sign3A_224 : i1 to i32
    %sign3A_226 = arith.subi %sign3A_222, %sign3A_225 : i32
    %sign3A_227 = arith.constant 0 : i32
    %sign3A_228 = arith.cmpi sgt, %jit3A_218, %sign3A_227 : i32
    %sign3A_229 = arith.extui %sign3A_228 : i1 to i32
    %sign3A_230 = arith.constant 0 : i32
    %sign3A_231 = arith.cmpi slt, %jit3A_218, %sign3A_230 : i32
    %sign3A_232 = arith.extui %sign3A_231 : i1 to i32
    %sign3A_233 = arith.subi %sign3A_229, %sign3A_232 : i32
    %ne3A_234 = arith.cmpi ne, %sign3A_226, %sign3A_233 : i32
    %rem3A_235 = arith.remsi %squeeze3A_217, %jit3A_218 : i32
    %ne3A_236 = arith.constant 0 : i32
    %ne3A_237 = arith.cmpi ne, %rem3A_235, %ne3A_236 : i32
    %and3A_238 = arith.andi %ne3A_234, %ne3A_237 : i1
    %sub3A_239 = arith.constant 1 : i32
    %sub3A_240 = arith.subi %div3A_219, %sub3A_239 : i32
    %select_n3A_241 = arith.select %and3A_238, %sub3A_240, %div3A_219 : i32
    %mul3A_242 = arith.constant 128 : i32
    %mul3A_243 = arith.muli %select_n3A_241, %mul3A_242 : i32
    %dma_start3A_244 = arith.constant 5 : i32
    %dma_start3A_245 = arith.constant 5 : i32
    %dma_start3A_246 = arith.constant 0 : i32
    %dma_start3A_247 = arith.constant 0 : i32
    %dma_start3A_248 = tpu.memref_slice %arg6[%dma_start3A_244, %dma_start3A_246, %dma_start3A_247] : memref<8x32x128xf32, #tpu.memory_space<vmem>> -> memref<1x32x128xf32, #tpu.memory_space<vmem>>
    %dma_start3A_249 = tpu.memref_squeeze %dma_start3A_248 : memref<1x32x128xf32, #tpu.memory_space<vmem>> -> memref<32x128xf32, #tpu.memory_space<vmem>>
    %dma_start3A_250 = arith.constant 0 : i32
    %dma_start3A_251 = tpu.memref_slice %arg3[%dma_start3A_250, %mul3A_243] : memref<32x1000000xf32, #tpu.memory_space<hbm>> -> memref<32x128xf32, #tpu.memory_space<hbm>>
    %dma_start3A_252 = tpu.memref_slice %arg10[%dma_start3A_245] : memref<8x!tpu.dma_semaphore, #tpu.memory_space<semaphore_mem>> -> memref<1x!tpu.dma_semaphore, #tpu.memory_space<semaphore_mem>>
    %dma_start3A_253 = tpu.memref_squeeze %dma_start3A_252 : memref<1x!tpu.dma_semaphore, #tpu.memory_space<semaphore_mem>> -> memref<!tpu.dma_semaphore, #tpu.memory_space<semaphore_mem>>
    %dma_start3A_254 = arith.constant 0 : i32
    %dma_start3A_255 = arith.constant 0 : i32
    %dma_start3A_256 = tpu.memref_slice %arg6[%dma_start3A_244, %dma_start3A_254, %dma_start3A_255] : memref<8x32x128xf32, #tpu.memory_space<vmem>> -> memref<1x32x128xf32, #tpu.memory_space<vmem>>
    %dma_start3A_257 = tpu.memref_squeeze %dma_start3A_256 : memref<1x32x128xf32, #tpu.memory_space<vmem>> -> memref<32x128xf32, #tpu.memory_space<vmem>>
    %dma_start3A_258 = arith.constant 0 : i32
    %dma_start3A_259 = tpu.memref_slice %arg3[%dma_start3A_258, %mul3A_243] : memref<32x1000000xf32, #tpu.memory_space<hbm>> -> memref<32x128xf32, #tpu.memory_space<hbm>>
    tpu.enqueue_dma source(%dma_start3A_259 : memref<32x128xf32, #tpu.memory_space<hbm>>) target(%dma_start3A_257 : memref<32x128xf32, #tpu.memory_space<vmem>>) target_semaphore(%dma_start3A_253 : memref<!tpu.dma_semaphore, #tpu.memory_space<semaphore_mem>>)
    %slice3A_260 = vector.extract_strided_slice %get3A_6 {offsets = [6], sizes = [1], strides = [1]} : vector<16xi32> to vector<1xi32>
    %squeeze3A_261 = vector.extract %slice3A_260[0] : i32 from vector<1xi32>
    %jit3A_262 = arith.constant 128 : i32
    %div3A_263 = arith.divsi %squeeze3A_261, %jit3A_262 : i32
    %sign3A_264 = arith.constant 0 : i32
    %sign3A_265 = arith.cmpi sgt, %squeeze3A_261, %sign3A_264 : i32
    %sign3A_266 = arith.extui %sign3A_265 : i1 to i32
    %sign3A_267 = arith.constant 0 : i32
    %sign3A_268 = arith.cmpi slt, %squeeze3A_261, %sign3A_267 : i32
    %sign3A_269 = arith.extui %sign3A_268 : i1 to i32
    %sign3A_270 = arith.subi %sign3A_266, %sign3A_269 : i32
    %sign3A_271 = arith.constant 0 : i32
    %sign3A_272 = arith.cmpi sgt, %jit3A_262, %sign3A_271 : i32
    %sign3A_273 = arith.extui %sign3A_272 : i1 to i32
    %sign3A_274 = arith.constant 0 : i32
    %sign3A_275 = arith.cmpi slt, %jit3A_262, %sign3A_274 : i32
    %sign3A_276 = arith.extui %sign3A_275 : i1 to i32
    %sign3A_277 = arith.subi %sign3A_273, %sign3A_276 : i32
    %ne3A_278 = arith.cmpi ne, %sign3A_270, %sign3A_277 : i32
    %rem3A_279 = arith.remsi %squeeze3A_261, %jit3A_262 : i32
    %ne3A_280 = arith.constant 0 : i32
    %ne3A_281 = arith.cmpi ne, %rem3A_279, %ne3A_280 : i32
    %and3A_282 = arith.andi %ne3A_278, %ne3A_281 : i1
    %sub3A_283 = arith.constant 1 : i32
    %sub3A_284 = arith.subi %div3A_263, %sub3A_283 : i32
    %select_n3A_285 = arith.select %and3A_282, %sub3A_284, %div3A_263 : i32
    %mul3A_286 = arith.constant 128 : i32
    %mul3A_287 = arith.muli %select_n3A_285, %mul3A_286 : i32
    %dma_start3A_288 = arith.constant 6 : i32
    %dma_start3A_289 = arith.constant 6 : i32
    %dma_start3A_290 = arith.constant 0 : i32
    %dma_start3A_291 = arith.constant 0 : i32
    %dma_start3A_292 = tpu.memref_slice %arg6[%dma_start3A_288, %dma_start3A_290, %dma_start3A_291] : memref<8x32x128xf32, #tpu.memory_space<vmem>> -> memref<1x32x128xf32, #tpu.memory_space<vmem>>
    %dma_start3A_293 = tpu.memref_squeeze %dma_start3A_292 : memref<1x32x128xf32, #tpu.memory_space<vmem>> -> memref<32x128xf32, #tpu.memory_space<vmem>>
    %dma_start3A_294 = arith.constant 0 : i32
    %dma_start3A_295 = tpu.memref_slice %arg3[%dma_start3A_294, %mul3A_287] : memref<32x1000000xf32, #tpu.memory_space<hbm>> -> memref<32x128xf32, #tpu.memory_space<hbm>>
    %dma_start3A_296 = tpu.memref_slice %arg10[%dma_start3A_289] : memref<8x!tpu.dma_semaphore, #tpu.memory_space<semaphore_mem>> -> memref<1x!tpu.dma_semaphore, #tpu.memory_space<semaphore_mem>>
    %dma_start3A_297 = tpu.memref_squeeze %dma_start3A_296 : memref<1x!tpu.dma_semaphore, #tpu.memory_space<semaphore_mem>> -> memref<!tpu.dma_semaphore, #tpu.memory_space<semaphore_mem>>
    %dma_start3A_298 = arith.constant 0 : i32
    %dma_start3A_299 = arith.constant 0 : i32
    %dma_start3A_300 = tpu.memref_slice %arg6[%dma_start3A_288, %dma_start3A_298, %dma_start3A_299] : memref<8x32x128xf32, #tpu.memory_space<vmem>> -> memref<1x32x128xf32, #tpu.memory_space<vmem>>
    %dma_start3A_301 = tpu.memref_squeeze %dma_start3A_300 : memref<1x32x128xf32, #tpu.memory_space<vmem>> -> memref<32x128xf32, #tpu.memory_space<vmem>>
    %dma_start3A_302 = arith.constant 0 : i32
    %dma_start3A_303 = tpu.memref_slice %arg3[%dma_start3A_302, %mul3A_287] : memref<32x1000000xf32, #tpu.memory_space<hbm>> -> memref<32x128xf32, #tpu.memory_space<hbm>>
    tpu.enqueue_dma source(%dma_start3A_303 : memref<32x128xf32, #tpu.memory_space<hbm>>) target(%dma_start3A_301 : memref<32x128xf32, #tpu.memory_space<vmem>>) target_semaphore(%dma_start3A_297 : memref<!tpu.dma_semaphore, #tpu.memory_space<semaphore_mem>>)
    %slice3A_304 = vector.extract_strided_slice %get3A_6 {offsets = [7], sizes = [1], strides = [1]} : vector<16xi32> to vector<1xi32>
    %squeeze3A_305 = vector.extract %slice3A_304[0] : i32 from vector<1xi32>
    %jit3A_306 = arith.constant 128 : i32
    %div3A_307 = arith.divsi %squeeze3A_305, %jit3A_306 : i32
    %sign3A_308 = arith.constant 0 : i32
    %sign3A_309 = arith.cmpi sgt, %squeeze3A_305, %sign3A_308 : i32
    %sign3A_310 = arith.extui %sign3A_309 : i1 to i32
    %sign3A_311 = arith.constant 0 : i32
    %sign3A_312 = arith.cmpi slt, %squeeze3A_305, %sign3A_311 : i32
    %sign3A_313 = arith.extui %sign3A_312 : i1 to i32
    %sign3A_314 = arith.subi %sign3A_310, %sign3A_313 : i32
    %sign3A_315 = arith.constant 0 : i32
    %sign3A_316 = arith.cmpi sgt, %jit3A_306, %sign3A_315 : i32
    %sign3A_317 = arith.extui %sign3A_316 : i1 to i32
    %sign3A_318 = arith.constant 0 : i32
    %sign3A_319 = arith.cmpi slt, %jit3A_306, %sign3A_318 : i32
    %sign3A_320 = arith.extui %sign3A_319 : i1 to i32
    %sign3A_321 = arith.subi %sign3A_317, %sign3A_320 : i32
    %ne3A_322 = arith.cmpi ne, %sign3A_314, %sign3A_321 : i32
    %rem3A_323 = arith.remsi %squeeze3A_305, %jit3A_306 : i32
    %ne3A_324 = arith.constant 0 : i32
    %ne3A_325 = arith.cmpi ne, %rem3A_323, %ne3A_324 : i32
    %and3A_326 = arith.andi %ne3A_322, %ne3A_325 : i1
    %sub3A_327 = arith.constant 1 : i32
    %sub3A_328 = arith.subi %div3A_307, %sub3A_327 : i32
    %select_n3A_329 = arith.select %and3A_326, %sub3A_328, %div3A_307 : i32
    %mul3A_330 = arith.constant 128 : i32
    %mul3A_331 = arith.muli %select_n3A_329, %mul3A_330 : i32
    %dma_start3A_332 = arith.constant 7 : i32
    %dma_start3A_333 = arith.constant 7 : i32
    %dma_start3A_334 = arith.constant 0 : i32
    %dma_start3A_335 = arith.constant 0 : i32
    %dma_start3A_336 = tpu.memref_slice %arg6[%dma_start3A_332, %dma_start3A_334, %dma_start3A_335] : memref<8x32x128xf32, #tpu.memory_space<vmem>> -> memref<1x32x128xf32, #tpu.memory_space<vmem>>
    %dma_start3A_337 = tpu.memref_squeeze %dma_start3A_336 : memref<1x32x128xf32, #tpu.memory_space<vmem>> -> memref<32x128xf32, #tpu.memory_space<vmem>>
    %dma_start3A_338 = arith.constant 0 : i32
    %dma_start3A_339 = tpu.memref_slice %arg3[%dma_start3A_338, %mul3A_331] : memref<32x1000000xf32, #tpu.memory_space<hbm>> -> memref<32x128xf32, #tpu.memory_space<hbm>>
    %dma_start3A_340 = tpu.memref_slice %arg10[%dma_start3A_333] : memref<8x!tpu.dma_semaphore, #tpu.memory_space<semaphore_mem>> -> memref<1x!tpu.dma_semaphore, #tpu.memory_space<semaphore_mem>>
    %dma_start3A_341 = tpu.memref_squeeze %dma_start3A_340 : memref<1x!tpu.dma_semaphore, #tpu.memory_space<semaphore_mem>> -> memref<!tpu.dma_semaphore, #tpu.memory_space<semaphore_mem>>
    %dma_start3A_342 = arith.constant 0 : i32
    %dma_start3A_343 = arith.constant 0 : i32
    %dma_start3A_344 = tpu.memref_slice %arg6[%dma_start3A_332, %dma_start3A_342, %dma_start3A_343] : memref<8x32x128xf32, #tpu.memory_space<vmem>> -> memref<1x32x128xf32, #tpu.memory_space<vmem>>
    %dma_start3A_345 = tpu.memref_squeeze %dma_start3A_344 : memref<1x32x128xf32, #tpu.memory_space<vmem>> -> memref<32x128xf32, #tpu.memory_space<vmem>>
    %dma_start3A_346 = arith.constant 0 : i32
    %dma_start3A_347 = tpu.memref_slice %arg3[%dma_start3A_346, %mul3A_331] : memref<32x1000000xf32, #tpu.memory_space<hbm>> -> memref<32x128xf32, #tpu.memory_space<hbm>>
    tpu.enqueue_dma source(%dma_start3A_347 : memref<32x128xf32, #tpu.memory_space<hbm>>) target(%dma_start3A_345 : memref<32x128xf32, #tpu.memory_space<vmem>>) target_semaphore(%dma_start3A_341 : memref<!tpu.dma_semaphore, #tpu.memory_space<semaphore_mem>>)
    %slice3A_348 = vector.extract_strided_slice %get3A_6 {offsets = [8], sizes = [1], strides = [1]} : vector<16xi32> to vector<1xi32>
    %squeeze3A_349 = vector.extract %slice3A_348[0] : i32 from vector<1xi32>
    %jit3A_350 = arith.constant 128 : i32
    %div3A_351 = arith.divsi %squeeze3A_349, %jit3A_350 : i32
    %sign3A_352 = arith.constant 0 : i32
    %sign3A_353 = arith.cmpi sgt, %squeeze3A_349, %sign3A_352 : i32
    %sign3A_354 = arith.extui %sign3A_353 : i1 to i32
    %sign3A_355 = arith.constant 0 : i32
    %sign3A_356 = arith.cmpi slt, %squeeze3A_349, %sign3A_355 : i32
    %sign3A_357 = arith.extui %sign3A_356 : i1 to i32
    %sign3A_358 = arith.subi %sign3A_354, %sign3A_357 : i32
    %sign3A_359 = arith.constant 0 : i32
    %sign3A_360 = arith.cmpi sgt, %jit3A_350, %sign3A_359 : i32
    %sign3A_361 = arith.extui %sign3A_360 : i1 to i32
    %sign3A_362 = arith.constant 0 : i32
    %sign3A_363 = arith.cmpi slt, %jit3A_350, %sign3A_362 : i32
    %sign3A_364 = arith.extui %sign3A_363 : i1 to i32
    %sign3A_365 = arith.subi %sign3A_361, %sign3A_364 : i32
    %ne3A_366 = arith.cmpi ne, %sign3A_358, %sign3A_365 : i32
    %rem3A_367 = arith.remsi %squeeze3A_349, %jit3A_350 : i32
    %ne3A_368 = arith.constant 0 : i32
    %ne3A_369 = arith.cmpi ne, %rem3A_367, %ne3A_368 : i32
    %and3A_370 = arith.andi %ne3A_366, %ne3A_369 : i1
    %sub3A_371 = arith.constant 1 : i32
    %sub3A_372 = arith.subi %div3A_351, %sub3A_371 : i32
    %select_n3A_373 = arith.select %and3A_370, %sub3A_372, %div3A_351 : i32
    %mul3A_374 = arith.constant 128 : i32
    %mul3A_375 = arith.muli %select_n3A_373, %mul3A_374 : i32
    %dma_start3A_376 = arith.constant 0 : i32
    %dma_start3A_377 = arith.constant 0 : i32
    %dma_start3A_378 = tpu.memref_slice %arg11[%dma_start3A_377] : memref<8x!tpu.dma_semaphore, #tpu.memory_space<semaphore_mem>> -> memref<1x!tpu.dma_semaphore, #tpu.memory_space<semaphore_mem>>
    %dma_start3A_379 = tpu.memref_squeeze %dma_start3A_378 : memref<1x!tpu.dma_semaphore, #tpu.memory_space<semaphore_mem>> -> memref<!tpu.dma_semaphore, #tpu.memory_space<semaphore_mem>>
    %dma_start3A_380 = arith.constant 0 : i32
    %dma_start3A_381 = arith.constant 0 : i32
    %dma_start3A_382 = arith.constant 0 : i32
    %dma_start3A_383 = tpu.memref_slice %arg7[%arg1, %dma_start3A_380, %dma_start3A_381, %dma_start3A_382] : memref<16x8x32x128xf32, #tpu.memory_space<vmem_shared>> -> memref<1x8x32x128xf32, #tpu.memory_space<vmem_shared>>
    %dma_start3A_384 = tpu.memref_squeeze %dma_start3A_383 : memref<1x8x32x128xf32, #tpu.memory_space<vmem_shared>> -> memref<8x32x128xf32, #tpu.memory_space<vmem_shared>>
    %dma_start3A_385 = arith.constant 0 : i32
    %dma_start3A_386 = arith.constant 0 : i32
    %dma_start3A_387 = tpu.memref_slice %dma_start3A_384[%dma_start3A_376, %dma_start3A_385, %dma_start3A_386] : memref<8x32x128xf32, #tpu.memory_space<vmem_shared>> -> memref<1x32x128xf32, #tpu.memory_space<vmem_shared>>
    %dma_start3A_388 = tpu.memref_squeeze %dma_start3A_387 : memref<1x32x128xf32, #tpu.memory_space<vmem_shared>> -> memref<32x128xf32, #tpu.memory_space<vmem_shared>>
    %dma_start3A_389 = arith.constant 0 : i32
    %dma_start3A_390 = tpu.memref_slice %arg3[%dma_start3A_389, %mul3A_375] : memref<32x1000000xf32, #tpu.memory_space<hbm>> -> memref<32x128xf32, #tpu.memory_space<hbm>>
    tpu.enqueue_dma source(%dma_start3A_390 : memref<32x128xf32, #tpu.memory_space<hbm>>) target(%dma_start3A_388 : memref<32x128xf32, #tpu.memory_space<vmem_shared>>) target_semaphore(%dma_start3A_379 : memref<!tpu.dma_semaphore, #tpu.memory_space<semaphore_mem>>)
    %slice3A_391 = vector.extract_strided_slice %get3A_6 {offsets = [9], sizes = [1], strides = [1]} : vector<16xi32> to vector<1xi32>
    %squeeze3A_392 = vector.extract %slice3A_391[0] : i32 from vector<1xi32>
    %jit3A_393 = arith.constant 128 : i32
    %div3A_394 = arith.divsi %squeeze3A_392, %jit3A_393 : i32
    %sign3A_395 = arith.constant 0 : i32
    %sign3A_396 = arith.cmpi sgt, %squeeze3A_392, %sign3A_395 : i32
    %sign3A_397 = arith.extui %sign3A_396 : i1 to i32
    %sign3A_398 = arith.constant 0 : i32
    %sign3A_399 = arith.cmpi slt, %squeeze3A_392, %sign3A_398 : i32
    %sign3A_400 = arith.extui %sign3A_399 : i1 to i32
    %sign3A_401 = arith.subi %sign3A_397, %sign3A_400 : i32
    %sign3A_402 = arith.constant 0 : i32
    %sign3A_403 = arith.cmpi sgt, %jit3A_393, %sign3A_402 : i32
    %sign3A_404 = arith.extui %sign3A_403 : i1 to i32
    %sign3A_405 = arith.constant 0 : i32
    %sign3A_406 = arith.cmpi slt, %jit3A_393, %sign3A_405 : i32
    %sign3A_407 = arith.extui %sign3A_406 : i1 to i32
    %sign3A_408 = arith.subi %sign3A_404, %sign3A_407 : i32
    %ne3A_409 = arith.cmpi ne, %sign3A_401, %sign3A_408 : i32
    %rem3A_410 = arith.remsi %squeeze3A_392, %jit3A_393 : i32
    %ne3A_411 = arith.constant 0 : i32
    %ne3A_412 = arith.cmpi ne, %rem3A_410, %ne3A_411 : i32
    %and3A_413 = arith.andi %ne3A_409, %ne3A_412 : i1
    %sub3A_414 = arith.constant 1 : i32
    %sub3A_415 = arith.subi %div3A_394, %sub3A_414 : i32
    %select_n3A_416 = arith.select %and3A_413, %sub3A_415, %div3A_394 : i32
    %mul3A_417 = arith.constant 128 : i32
    %mul3A_418 = arith.muli %select_n3A_416, %mul3A_417 : i32
    %dma_start3A_419 = arith.constant 1 : i32
    %dma_start3A_420 = arith.constant 1 : i32
    %dma_start3A_421 = tpu.memref_slice %arg11[%dma_start3A_420] : memref<8x!tpu.dma_semaphore, #tpu.memory_space<semaphore_mem>> -> memref<1x!tpu.dma_semaphore, #tpu.memory_space<semaphore_mem>>
    %dma_start3A_422 = tpu.memref_squeeze %dma_start3A_421 : memref<1x!tpu.dma_semaphore, #tpu.memory_space<semaphore_mem>> -> memref<!tpu.dma_semaphore, #tpu.memory_space<semaphore_mem>>
    %dma_start3A_423 = arith.constant 0 : i32
    %dma_start3A_424 = arith.constant 0 : i32
    %dma_start3A_425 = arith.constant 0 : i32
    %dma_start3A_426 = tpu.memref_slice %arg7[%arg1, %dma_start3A_423, %dma_start3A_424, %dma_start3A_425] : memref<16x8x32x128xf32, #tpu.memory_space<vmem_shared>> -> memref<1x8x32x128xf32, #tpu.memory_space<vmem_shared>>
    %dma_start3A_427 = tpu.memref_squeeze %dma_start3A_426 : memref<1x8x32x128xf32, #tpu.memory_space<vmem_shared>> -> memref<8x32x128xf32, #tpu.memory_space<vmem_shared>>
    %dma_start3A_428 = arith.constant 0 : i32
    %dma_start3A_429 = arith.constant 0 : i32
    %dma_start3A_430 = tpu.memref_slice %dma_start3A_427[%dma_start3A_419, %dma_start3A_428, %dma_start3A_429] : memref<8x32x128xf32, #tpu.memory_space<vmem_shared>> -> memref<1x32x128xf32, #tpu.memory_space<vmem_shared>>
    %dma_start3A_431 = tpu.memref_squeeze %dma_start3A_430 : memref<1x32x128xf32, #tpu.memory_space<vmem_shared>> -> memref<32x128xf32, #tpu.memory_space<vmem_shared>>
    %dma_start3A_432 = arith.constant 0 : i32
    %dma_start3A_433 = tpu.memref_slice %arg3[%dma_start3A_432, %mul3A_418] : memref<32x1000000xf32, #tpu.memory_space<hbm>> -> memref<32x128xf32, #tpu.memory_space<hbm>>
    tpu.enqueue_dma source(%dma_start3A_433 : memref<32x128xf32, #tpu.memory_space<hbm>>) target(%dma_start3A_431 : memref<32x128xf32, #tpu.memory_space<vmem_shared>>) target_semaphore(%dma_start3A_422 : memref<!tpu.dma_semaphore, #tpu.memory_space<semaphore_mem>>)
    %slice3A_434 = vector.extract_strided_slice %get3A_6 {offsets = [10], sizes = [1], strides = [1]} : vector<16xi32> to vector<1xi32>
    %squeeze3A_435 = vector.extract %slice3A_434[0] : i32 from vector<1xi32>
    %jit3A_436 = arith.constant 128 : i32
    %div3A_437 = arith.divsi %squeeze3A_435, %jit3A_436 : i32
    %sign3A_438 = arith.constant 0 : i32
    %sign3A_439 = arith.cmpi sgt, %squeeze3A_435, %sign3A_438 : i32
    %sign3A_440 = arith.extui %sign3A_439 : i1 to i32
    %sign3A_441 = arith.constant 0 : i32
    %sign3A_442 = arith.cmpi slt, %squeeze3A_435, %sign3A_441 : i32
    %sign3A_443 = arith.extui %sign3A_442 : i1 to i32
    %sign3A_444 = arith.subi %sign3A_440, %sign3A_443 : i32
    %sign3A_445 = arith.constant 0 : i32
    %sign3A_446 = arith.cmpi sgt, %jit3A_436, %sign3A_445 : i32
    %sign3A_447 = arith.extui %sign3A_446 : i1 to i32
    %sign3A_448 = arith.constant 0 : i32
    %sign3A_449 = arith.cmpi slt, %jit3A_436, %sign3A_448 : i32
    %sign3A_450 = arith.extui %sign3A_449 : i1 to i32
    %sign3A_451 = arith.subi %sign3A_447, %sign3A_450 : i32
    %ne3A_452 = arith.cmpi ne, %sign3A_444, %sign3A_451 : i32
    %rem3A_453 = arith.remsi %squeeze3A_435, %jit3A_436 : i32
    %ne3A_454 = arith.constant 0 : i32
    %ne3A_455 = arith.cmpi ne, %rem3A_453, %ne3A_454 : i32
    %and3A_456 = arith.andi %ne3A_452, %ne3A_455 : i1
    %sub3A_457 = arith.constant 1 : i32
    %sub3A_458 = arith.subi %div3A_437, %sub3A_457 : i32
    %select_n3A_459 = arith.select %and3A_456, %sub3A_458, %div3A_437 : i32
    %mul3A_460 = arith.constant 128 : i32
    %mul3A_461 = arith.muli %select_n3A_459, %mul3A_460 : i32
    %dma_start3A_462 = arith.constant 2 : i32
    %dma_start3A_463 = arith.constant 2 : i32
    %dma_start3A_464 = tpu.memref_slice %arg11[%dma_start3A_463] : memref<8x!tpu.dma_semaphore, #tpu.memory_space<semaphore_mem>> -> memref<1x!tpu.dma_semaphore, #tpu.memory_space<semaphore_mem>>
    %dma_start3A_465 = tpu.memref_squeeze %dma_start3A_464 : memref<1x!tpu.dma_semaphore, #tpu.memory_space<semaphore_mem>> -> memref<!tpu.dma_semaphore, #tpu.memory_space<semaphore_mem>>
    %dma_start3A_466 = arith.constant 0 : i32
    %dma_start3A_467 = arith.constant 0 : i32
    %dma_start3A_468 = arith.constant 0 : i32
    %dma_start3A_469 = tpu.memref_slice %arg7[%arg1, %dma_start3A_466, %dma_start3A_467, %dma_start3A_468] : memref<16x8x32x128xf32, #tpu.memory_space<vmem_shared>> -> memref<1x8x32x128xf32, #tpu.memory_space<vmem_shared>>
    %dma_start3A_470 = tpu.memref_squeeze %dma_start3A_469 : memref<1x8x32x128xf32, #tpu.memory_space<vmem_shared>> -> memref<8x32x128xf32, #tpu.memory_space<vmem_shared>>
    %dma_start3A_471 = arith.constant 0 : i32
    %dma_start3A_472 = arith.constant 0 : i32
    %dma_start3A_473 = tpu.memref_slice %dma_start3A_470[%dma_start3A_462, %dma_start3A_471, %dma_start3A_472] : memref<8x32x128xf32, #tpu.memory_space<vmem_shared>> -> memref<1x32x128xf32, #tpu.memory_space<vmem_shared>>
    %dma_start3A_474 = tpu.memref_squeeze %dma_start3A_473 : memref<1x32x128xf32, #tpu.memory_space<vmem_shared>> -> memref<32x128xf32, #tpu.memory_space<vmem_shared>>
    %dma_start3A_475 = arith.constant 0 : i32
    %dma_start3A_476 = tpu.memref_slice %arg3[%dma_start3A_475, %mul3A_461] : memref<32x1000000xf32, #tpu.memory_space<hbm>> -> memref<32x128xf32, #tpu.memory_space<hbm>>
    tpu.enqueue_dma source(%dma_start3A_476 : memref<32x128xf32, #tpu.memory_space<hbm>>) target(%dma_start3A_474 : memref<32x128xf32, #tpu.memory_space<vmem_shared>>) target_semaphore(%dma_start3A_465 : memref<!tpu.dma_semaphore, #tpu.memory_space<semaphore_mem>>)
    %slice3A_477 = vector.extract_strided_slice %get3A_6 {offsets = [11], sizes = [1], strides = [1]} : vector<16xi32> to vector<1xi32>
    %squeeze3A_478 = vector.extract %slice3A_477[0] : i32 from vector<1xi32>
    %jit3A_479 = arith.constant 128 : i32
    %div3A_480 = arith.divsi %squeeze3A_478, %jit3A_479 : i32
    %sign3A_481 = arith.constant 0 : i32
    %sign3A_482 = arith.cmpi sgt, %squeeze3A_478, %sign3A_481 : i32
    %sign3A_483 = arith.extui %sign3A_482 : i1 to i32
    %sign3A_484 = arith.constant 0 : i32
    %sign3A_485 = arith.cmpi slt, %squeeze3A_478, %sign3A_484 : i32
    %sign3A_486 = arith.extui %sign3A_485 : i1 to i32
    %sign3A_487 = arith.subi %sign3A_483, %sign3A_486 : i32
    %sign3A_488 = arith.constant 0 : i32
    %sign3A_489 = arith.cmpi sgt, %jit3A_479, %sign3A_488 : i32
    %sign3A_490 = arith.extui %sign3A_489 : i1 to i32
    %sign3A_491 = arith.constant 0 : i32
    %sign3A_492 = arith.cmpi slt, %jit3A_479, %sign3A_491 : i32
    %sign3A_493 = arith.extui %sign3A_492 : i1 to i32
    %sign3A_494 = arith.subi %sign3A_490, %sign3A_493 : i32
    %ne3A_495 = arith.cmpi ne, %sign3A_487, %sign3A_494 : i32
    %rem3A_496 = arith.remsi %squeeze3A_478, %jit3A_479 : i32
    %ne3A_497 = arith.constant 0 : i32
    %ne3A_498 = arith.cmpi ne, %rem3A_496, %ne3A_497 : i32
    %and3A_499 = arith.andi %ne3A_495, %ne3A_498 : i1
    %sub3A_500 = arith.constant 1 : i32
    %sub3A_501 = arith.subi %div3A_480, %sub3A_500 : i32
    %select_n3A_502 = arith.select %and3A_499, %sub3A_501, %div3A_480 : i32
    %mul3A_503 = arith.constant 128 : i32
    %mul3A_504 = arith.muli %select_n3A_502, %mul3A_503 : i32
    %dma_start3A_505 = arith.constant 3 : i32
    %dma_start3A_506 = arith.constant 3 : i32
    %dma_start3A_507 = tpu.memref_slice %arg11[%dma_start3A_506] : memref<8x!tpu.dma_semaphore, #tpu.memory_space<semaphore_mem>> -> memref<1x!tpu.dma_semaphore, #tpu.memory_space<semaphore_mem>>
    %dma_start3A_508 = tpu.memref_squeeze %dma_start3A_507 : memref<1x!tpu.dma_semaphore, #tpu.memory_space<semaphore_mem>> -> memref<!tpu.dma_semaphore, #tpu.memory_space<semaphore_mem>>
    %dma_start3A_509 = arith.constant 0 : i32
    %dma_start3A_510 = arith.constant 0 : i32
    %dma_start3A_511 = arith.constant 0 : i32
    %dma_start3A_512 = tpu.memref_slice %arg7[%arg1, %dma_start3A_509, %dma_start3A_510, %dma_start3A_511] : memref<16x8x32x128xf32, #tpu.memory_space<vmem_shared>> -> memref<1x8x32x128xf32, #tpu.memory_space<vmem_shared>>
    %dma_start3A_513 = tpu.memref_squeeze %dma_start3A_512 : memref<1x8x32x128xf32, #tpu.memory_space<vmem_shared>> -> memref<8x32x128xf32, #tpu.memory_space<vmem_shared>>
    %dma_start3A_514 = arith.constant 0 : i32
    %dma_start3A_515 = arith.constant 0 : i32
    %dma_start3A_516 = tpu.memref_slice %dma_start3A_513[%dma_start3A_505, %dma_start3A_514, %dma_start3A_515] : memref<8x32x128xf32, #tpu.memory_space<vmem_shared>> -> memref<1x32x128xf32, #tpu.memory_space<vmem_shared>>
    %dma_start3A_517 = tpu.memref_squeeze %dma_start3A_516 : memref<1x32x128xf32, #tpu.memory_space<vmem_shared>> -> memref<32x128xf32, #tpu.memory_space<vmem_shared>>
    %dma_start3A_518 = arith.constant 0 : i32
    %dma_start3A_519 = tpu.memref_slice %arg3[%dma_start3A_518, %mul3A_504] : memref<32x1000000xf32, #tpu.memory_space<hbm>> -> memref<32x128xf32, #tpu.memory_space<hbm>>
    tpu.enqueue_dma source(%dma_start3A_519 : memref<32x128xf32, #tpu.memory_space<hbm>>) target(%dma_start3A_517 : memref<32x128xf32, #tpu.memory_space<vmem_shared>>) target_semaphore(%dma_start3A_508 : memref<!tpu.dma_semaphore, #tpu.memory_space<semaphore_mem>>)
    %slice3A_520 = vector.extract_strided_slice %get3A_6 {offsets = [12], sizes = [1], strides = [1]} : vector<16xi32> to vector<1xi32>
    %squeeze3A_521 = vector.extract %slice3A_520[0] : i32 from vector<1xi32>
    %jit3A_522 = arith.constant 128 : i32
    %div3A_523 = arith.divsi %squeeze3A_521, %jit3A_522 : i32
    %sign3A_524 = arith.constant 0 : i32
    %sign3A_525 = arith.cmpi sgt, %squeeze3A_521, %sign3A_524 : i32
    %sign3A_526 = arith.extui %sign3A_525 : i1 to i32
    %sign3A_527 = arith.constant 0 : i32
    %sign3A_528 = arith.cmpi slt, %squeeze3A_521, %sign3A_527 : i32
    %sign3A_529 = arith.extui %sign3A_528 : i1 to i32
    %sign3A_530 = arith.subi %sign3A_526, %sign3A_529 : i32
    %sign3A_531 = arith.constant 0 : i32
    %sign3A_532 = arith.cmpi sgt, %jit3A_522, %sign3A_531 : i32
    %sign3A_533 = arith.extui %sign3A_532 : i1 to i32
    %sign3A_534 = arith.constant 0 : i32
    %sign3A_535 = arith.cmpi slt, %jit3A_522, %sign3A_534 : i32
    %sign3A_536 = arith.extui %sign3A_535 : i1 to i32
    %sign3A_537 = arith.subi %sign3A_533, %sign3A_536 : i32
    %ne3A_538 = arith.cmpi ne, %sign3A_530, %sign3A_537 : i32
    %rem3A_539 = arith.remsi %squeeze3A_521, %jit3A_522 : i32
    %ne3A_540 = arith.constant 0 : i32
    %ne3A_541 = arith.cmpi ne, %rem3A_539, %ne3A_540 : i32
    %and3A_542 = arith.andi %ne3A_538, %ne3A_541 : i1
    %sub3A_543 = arith.constant 1 : i32
    %sub3A_544 = arith.subi %div3A_523, %sub3A_543 : i32
    %select_n3A_545 = arith.select %and3A_542, %sub3A_544, %div3A_523 : i32
    %mul3A_546 = arith.constant 128 : i32
    %mul3A_547 = arith.muli %select_n3A_545, %mul3A_546 : i32
    %dma_start3A_548 = arith.constant 4 : i32
    %dma_start3A_549 = arith.constant 4 : i32
    %dma_start3A_550 = tpu.memref_slice %arg11[%dma_start3A_549] : memref<8x!tpu.dma_semaphore, #tpu.memory_space<semaphore_mem>> -> memref<1x!tpu.dma_semaphore, #tpu.memory_space<semaphore_mem>>
    %dma_start3A_551 = tpu.memref_squeeze %dma_start3A_550 : memref<1x!tpu.dma_semaphore, #tpu.memory_space<semaphore_mem>> -> memref<!tpu.dma_semaphore, #tpu.memory_space<semaphore_mem>>
    %dma_start3A_552 = arith.constant 0 : i32
    %dma_start3A_553 = arith.constant 0 : i32
    %dma_start3A_554 = arith.constant 0 : i32
    %dma_start3A_555 = tpu.memref_slice %arg7[%arg1, %dma_start3A_552, %dma_start3A_553, %dma_start3A_554] : memref<16x8x32x128xf32, #tpu.memory_space<vmem_shared>> -> memref<1x8x32x128xf32, #tpu.memory_space<vmem_shared>>
    %dma_start3A_556 = tpu.memref_squeeze %dma_start3A_555 : memref<1x8x32x128xf32, #tpu.memory_space<vmem_shared>> -> memref<8x32x128xf32, #tpu.memory_space<vmem_shared>>
    %dma_start3A_557 = arith.constant 0 : i32
    %dma_start3A_558 = arith.constant 0 : i32
    %dma_start3A_559 = tpu.memref_slice %dma_start3A_556[%dma_start3A_548, %dma_start3A_557, %dma_start3A_558] : memref<8x32x128xf32, #tpu.memory_space<vmem_shared>> -> memref<1x32x128xf32, #tpu.memory_space<vmem_shared>>
    %dma_start3A_560 = tpu.memref_squeeze %dma_start3A_559 : memref<1x32x128xf32, #tpu.memory_space<vmem_shared>> -> memref<32x128xf32, #tpu.memory_space<vmem_shared>>
    %dma_start3A_561 = arith.constant 0 : i32
    %dma_start3A_562 = tpu.memref_slice %arg3[%dma_start3A_561, %mul3A_547] : memref<32x1000000xf32, #tpu.memory_space<hbm>> -> memref<32x128xf32, #tpu.memory_space<hbm>>
    tpu.enqueue_dma source(%dma_start3A_562 : memref<32x128xf32, #tpu.memory_space<hbm>>) target(%dma_start3A_560 : memref<32x128xf32, #tpu.memory_space<vmem_shared>>) target_semaphore(%dma_start3A_551 : memref<!tpu.dma_semaphore, #tpu.memory_space<semaphore_mem>>)
    %slice3A_563 = vector.extract_strided_slice %get3A_6 {offsets = [13], sizes = [1], strides = [1]} : vector<16xi32> to vector<1xi32>
    %squeeze3A_564 = vector.extract %slice3A_563[0] : i32 from vector<1xi32>
    %jit3A_565 = arith.constant 128 : i32
    %div3A_566 = arith.divsi %squeeze3A_564, %jit3A_565 : i32
    %sign3A_567 = arith.constant 0 : i32
    %sign3A_568 = arith.cmpi sgt, %squeeze3A_564, %sign3A_567 : i32
    %sign3A_569 = arith.extui %sign3A_568 : i1 to i32
    %sign3A_570 = arith.constant 0 : i32
    %sign3A_571 = arith.cmpi slt, %squeeze3A_564, %sign3A_570 : i32
    %sign3A_572 = arith.extui %sign3A_571 : i1 to i32
    %sign3A_573 = arith.subi %sign3A_569, %sign3A_572 : i32
    %sign3A_574 = arith.constant 0 : i32
    %sign3A_575 = arith.cmpi sgt, %jit3A_565, %sign3A_574 : i32
    %sign3A_576 = arith.extui %sign3A_575 : i1 to i32
    %sign3A_577 = arith.constant 0 : i32
    %sign3A_578 = arith.cmpi slt, %jit3A_565, %sign3A_577 : i32
    %sign3A_579 = arith.extui %sign3A_578 : i1 to i32
    %sign3A_580 = arith.subi %sign3A_576, %sign3A_579 : i32
    %ne3A_581 = arith.cmpi ne, %sign3A_573, %sign3A_580 : i32
    %rem3A_582 = arith.remsi %squeeze3A_564, %jit3A_565 : i32
    %ne3A_583 = arith.constant 0 : i32
    %ne3A_584 = arith.cmpi ne, %rem3A_582, %ne3A_583 : i32
    %and3A_585 = arith.andi %ne3A_581, %ne3A_584 : i1
    %sub3A_586 = arith.constant 1 : i32
    %sub3A_587 = arith.subi %div3A_566, %sub3A_586 : i32
    %select_n3A_588 = arith.select %and3A_585, %sub3A_587, %div3A_566 : i32
    %mul3A_589 = arith.constant 128 : i32
    %mul3A_590 = arith.muli %select_n3A_588, %mul3A_589 : i32
    %dma_start3A_591 = arith.constant 5 : i32
    %dma_start3A_592 = arith.constant 5 : i32
    %dma_start3A_593 = tpu.memref_slice %arg11[%dma_start3A_592] : memref<8x!tpu.dma_semaphore, #tpu.memory_space<semaphore_mem>> -> memref<1x!tpu.dma_semaphore, #tpu.memory_space<semaphore_mem>>
    %dma_start3A_594 = tpu.memref_squeeze %dma_start3A_593 : memref<1x!tpu.dma_semaphore, #tpu.memory_space<semaphore_mem>> -> memref<!tpu.dma_semaphore, #tpu.memory_space<semaphore_mem>>
    %dma_start3A_595 = arith.constant 0 : i32
    %dma_start3A_596 = arith.constant 0 : i32
    %dma_start3A_597 = arith.constant 0 : i32
    %dma_start3A_598 = tpu.memref_slice %arg7[%arg1, %dma_start3A_595, %dma_start3A_596, %dma_start3A_597] : memref<16x8x32x128xf32, #tpu.memory_space<vmem_shared>> -> memref<1x8x32x128xf32, #tpu.memory_space<vmem_shared>>
    %dma_start3A_599 = tpu.memref_squeeze %dma_start3A_598 : memref<1x8x32x128xf32, #tpu.memory_space<vmem_shared>> -> memref<8x32x128xf32, #tpu.memory_space<vmem_shared>>
    %dma_start3A_600 = arith.constant 0 : i32
    %dma_start3A_601 = arith.constant 0 : i32
    %dma_start3A_602 = tpu.memref_slice %dma_start3A_599[%dma_start3A_591, %dma_start3A_600, %dma_start3A_601] : memref<8x32x128xf32, #tpu.memory_space<vmem_shared>> -> memref<1x32x128xf32, #tpu.memory_space<vmem_shared>>
    %dma_start3A_603 = tpu.memref_squeeze %dma_start3A_602 : memref<1x32x128xf32, #tpu.memory_space<vmem_shared>> -> memref<32x128xf32, #tpu.memory_space<vmem_shared>>
    %dma_start3A_604 = arith.constant 0 : i32
    %dma_start3A_605 = tpu.memref_slice %arg3[%dma_start3A_604, %mul3A_590] : memref<32x1000000xf32, #tpu.memory_space<hbm>> -> memref<32x128xf32, #tpu.memory_space<hbm>>
    tpu.enqueue_dma source(%dma_start3A_605 : memref<32x128xf32, #tpu.memory_space<hbm>>) target(%dma_start3A_603 : memref<32x128xf32, #tpu.memory_space<vmem_shared>>) target_semaphore(%dma_start3A_594 : memref<!tpu.dma_semaphore, #tpu.memory_space<semaphore_mem>>)
    %slice3A_606 = vector.extract_strided_slice %get3A_6 {offsets = [14], sizes = [1], strides = [1]} : vector<16xi32> to vector<1xi32>
    %squeeze3A_607 = vector.extract %slice3A_606[0] : i32 from vector<1xi32>
    %jit3A_608 = arith.constant 128 : i32
    %div3A_609 = arith.divsi %squeeze3A_607, %jit3A_608 : i32
    %sign3A_610 = arith.constant 0 : i32
    %sign3A_611 = arith.cmpi sgt, %squeeze3A_607, %sign3A_610 : i32
    %sign3A_612 = arith.extui %sign3A_611 : i1 to i32
    %sign3A_613 = arith.constant 0 : i32
    %sign3A_614 = arith.cmpi slt, %squeeze3A_607, %sign3A_613 : i32
    %sign3A_615 = arith.extui %sign3A_614 : i1 to i32
    %sign3A_616 = arith.subi %sign3A_612, %sign3A_615 : i32
    %sign3A_617 = arith.constant 0 : i32
    %sign3A_618 = arith.cmpi sgt, %jit3A_608, %sign3A_617 : i32
    %sign3A_619 = arith.extui %sign3A_618 : i1 to i32
    %sign3A_620 = arith.constant 0 : i32
    %sign3A_621 = arith.cmpi slt, %jit3A_608, %sign3A_620 : i32
    %sign3A_622 = arith.extui %sign3A_621 : i1 to i32
    %sign3A_623 = arith.subi %sign3A_619, %sign3A_622 : i32
    %ne3A_624 = arith.cmpi ne, %sign3A_616, %sign3A_623 : i32
    %rem3A_625 = arith.remsi %squeeze3A_607, %jit3A_608 : i32
    %ne3A_626 = arith.constant 0 : i32
    %ne3A_627 = arith.cmpi ne, %rem3A_625, %ne3A_626 : i32
    %and3A_628 = arith.andi %ne3A_624, %ne3A_627 : i1
    %sub3A_629 = arith.constant 1 : i32
    %sub3A_630 = arith.subi %div3A_609, %sub3A_629 : i32
    %select_n3A_631 = arith.select %and3A_628, %sub3A_630, %div3A_609 : i32
    %mul3A_632 = arith.constant 128 : i32
    %mul3A_633 = arith.muli %select_n3A_631, %mul3A_632 : i32
    %dma_start3A_634 = arith.constant 6 : i32
    %dma_start3A_635 = arith.constant 6 : i32
    %dma_start3A_636 = tpu.memref_slice %arg11[%dma_start3A_635] : memref<8x!tpu.dma_semaphore, #tpu.memory_space<semaphore_mem>> -> memref<1x!tpu.dma_semaphore, #tpu.memory_space<semaphore_mem>>
    %dma_start3A_637 = tpu.memref_squeeze %dma_start3A_636 : memref<1x!tpu.dma_semaphore, #tpu.memory_space<semaphore_mem>> -> memref<!tpu.dma_semaphore, #tpu.memory_space<semaphore_mem>>
    %dma_start3A_638 = arith.constant 0 : i32
    %dma_start3A_639 = arith.constant 0 : i32
    %dma_start3A_640 = arith.constant 0 : i32
    %dma_start3A_641 = tpu.memref_slice %arg7[%arg1, %dma_start3A_638, %dma_start3A_639, %dma_start3A_640] : memref<16x8x32x128xf32, #tpu.memory_space<vmem_shared>> -> memref<1x8x32x128xf32, #tpu.memory_space<vmem_shared>>
    %dma_start3A_642 = tpu.memref_squeeze %dma_start3A_641 : memref<1x8x32x128xf32, #tpu.memory_space<vmem_shared>> -> memref<8x32x128xf32, #tpu.memory_space<vmem_shared>>
    %dma_start3A_643 = arith.constant 0 : i32
    %dma_start3A_644 = arith.constant 0 : i32
    %dma_start3A_645 = tpu.memref_slice %dma_start3A_642[%dma_start3A_634, %dma_start3A_643, %dma_start3A_644] : memref<8x32x128xf32, #tpu.memory_space<vmem_shared>> -> memref<1x32x128xf32, #tpu.memory_space<vmem_shared>>
    %dma_start3A_646 = tpu.memref_squeeze %dma_start3A_645 : memref<1x32x128xf32, #tpu.memory_space<vmem_shared>> -> memref<32x128xf32, #tpu.memory_space<vmem_shared>>
    %dma_start3A_647 = arith.constant 0 : i32
    %dma_start3A_648 = tpu.memref_slice %arg3[%dma_start3A_647, %mul3A_633] : memref<32x1000000xf32, #tpu.memory_space<hbm>> -> memref<32x128xf32, #tpu.memory_space<hbm>>
    tpu.enqueue_dma source(%dma_start3A_648 : memref<32x128xf32, #tpu.memory_space<hbm>>) target(%dma_start3A_646 : memref<32x128xf32, #tpu.memory_space<vmem_shared>>) target_semaphore(%dma_start3A_637 : memref<!tpu.dma_semaphore, #tpu.memory_space<semaphore_mem>>)
    %slice3A_649 = vector.extract_strided_slice %get3A_6 {offsets = [15], sizes = [1], strides = [1]} : vector<16xi32> to vector<1xi32>
    %squeeze3A_650 = vector.extract %slice3A_649[0] : i32 from vector<1xi32>
    %jit3A_651 = arith.constant 128 : i32
    %div3A_652 = arith.divsi %squeeze3A_650, %jit3A_651 : i32
    %sign3A_653 = arith.constant 0 : i32
    %sign3A_654 = arith.cmpi sgt, %squeeze3A_650, %sign3A_653 : i32
    %sign3A_655 = arith.extui %sign3A_654 : i1 to i32
    %sign3A_656 = arith.constant 0 : i32
    %sign3A_657 = arith.cmpi slt, %squeeze3A_650, %sign3A_656 : i32
    %sign3A_658 = arith.extui %sign3A_657 : i1 to i32
    %sign3A_659 = arith.subi %sign3A_655, %sign3A_658 : i32
    %sign3A_660 = arith.constant 0 : i32
    %sign3A_661 = arith.cmpi sgt, %jit3A_651, %sign3A_660 : i32
    %sign3A_662 = arith.extui %sign3A_661 : i1 to i32
    %sign3A_663 = arith.constant 0 : i32
    %sign3A_664 = arith.cmpi slt, %jit3A_651, %sign3A_663 : i32
    %sign3A_665 = arith.extui %sign3A_664 : i1 to i32
    %sign3A_666 = arith.subi %sign3A_662, %sign3A_665 : i32
    %ne3A_667 = arith.cmpi ne, %sign3A_659, %sign3A_666 : i32
    %rem3A_668 = arith.remsi %squeeze3A_650, %jit3A_651 : i32
    %ne3A_669 = arith.constant 0 : i32
    %ne3A_670 = arith.cmpi ne, %rem3A_668, %ne3A_669 : i32
    %and3A_671 = arith.andi %ne3A_667, %ne3A_670 : i1
    %sub3A_672 = arith.constant 1 : i32
    %sub3A_673 = arith.subi %div3A_652, %sub3A_672 : i32
    %select_n3A_674 = arith.select %and3A_671, %sub3A_673, %div3A_652 : i32
    %mul3A_675 = arith.constant 128 : i32
    %mul3A_676 = arith.muli %select_n3A_674, %mul3A_675 : i32
    %dma_start3A_677 = arith.constant 7 : i32
    %dma_start3A_678 = arith.constant 7 : i32
    %dma_start3A_679 = tpu.memref_slice %arg11[%dma_start3A_678] : memref<8x!tpu.dma_semaphore, #tpu.memory_space<semaphore_mem>> -> memref<1x!tpu.dma_semaphore, #tpu.memory_space<semaphore_mem>>
    %dma_start3A_680 = tpu.memref_squeeze %dma_start3A_679 : memref<1x!tpu.dma_semaphore, #tpu.memory_space<semaphore_mem>> -> memref<!tpu.dma_semaphore, #tpu.memory_space<semaphore_mem>>
    %dma_start3A_681 = arith.constant 0 : i32
    %dma_start3A_682 = arith.constant 0 : i32
    %dma_start3A_683 = arith.constant 0 : i32
    %dma_start3A_684 = tpu.memref_slice %arg7[%arg1, %dma_start3A_681, %dma_start3A_682, %dma_start3A_683] : memref<16x8x32x128xf32, #tpu.memory_space<vmem_shared>> -> memref<1x8x32x128xf32, #tpu.memory_space<vmem_shared>>
    %dma_start3A_685 = tpu.memref_squeeze %dma_start3A_684 : memref<1x8x32x128xf32, #tpu.memory_space<vmem_shared>> -> memref<8x32x128xf32, #tpu.memory_space<vmem_shared>>
    %dma_start3A_686 = arith.constant 0 : i32
    %dma_start3A_687 = arith.constant 0 : i32
    %dma_start3A_688 = tpu.memref_slice %dma_start3A_685[%dma_start3A_677, %dma_start3A_686, %dma_start3A_687] : memref<8x32x128xf32, #tpu.memory_space<vmem_shared>> -> memref<1x32x128xf32, #tpu.memory_space<vmem_shared>>
    %dma_start3A_689 = tpu.memref_squeeze %dma_start3A_688 : memref<1x32x128xf32, #tpu.memory_space<vmem_shared>> -> memref<32x128xf32, #tpu.memory_space<vmem_shared>>
    %dma_start3A_690 = arith.constant 0 : i32
    %dma_start3A_691 = tpu.memref_slice %arg3[%dma_start3A_690, %mul3A_676] : memref<32x1000000xf32, #tpu.memory_space<hbm>> -> memref<32x128xf32, #tpu.memory_space<hbm>>
    tpu.enqueue_dma source(%dma_start3A_691 : memref<32x128xf32, #tpu.memory_space<hbm>>) target(%dma_start3A_689 : memref<32x128xf32, #tpu.memory_space<vmem_shared>>) target_semaphore(%dma_start3A_680 : memref<!tpu.dma_semaphore, #tpu.memory_space<semaphore_mem>>)
    %scan3A = arith.constant 0 : i32
    %scan3A_692 = arith.constant 32 : i32
    %scan3A_693 = arith.addi %scan3A, %scan3A_692 : i32
    %scan3A_694 = arith.constant 1 : i32
    scf.for %scan3A_696 = %scan3A to %scan3A_693 step %scan3A_694  : i32 {
      %mul3A_697 = arith.constant 16 : i32
      %mul3A_698 = arith.muli %scan3A_696, %mul3A_697 : i32
      %get3A_699 = arith.index_cast %mul3A_698 : i32 to index
      %get3A_700 = tpu.vector_load %arg5[%get3A_699] {strides = array<i32>} : memref<512xi32, #tpu.memory_space<vmem>>, vector<16xi32>,
      %add3A_701 = arith.constant 1 : i32
      %add3A_702 = arith.addi %scan3A_696, %add3A_701 : i32
      %min3A = arith.constant 31 : i32
      %min3A_703 = arith.minsi %add3A_702, %min3A : i32
      %mul3A_704 = arith.constant 16 : i32
      %mul3A_705 = arith.muli %min3A_703, %mul3A_704 : i32
      %get3A_706 = arith.index_cast %mul3A_705 : i32 to index
      %get3A_707 = tpu.vector_load %arg5[%get3A_706] {strides = array<i32>} : memref<512xi32, #tpu.memory_space<vmem>>, vector<16xi32>,
      %dma_wait3A = arith.constant 0 : i32
      %dma_wait3A_708 = arith.constant 0 : i32
      %dma_wait3A_709 = tpu.memref_slice %arg11[%dma_wait3A_708] : memref<8x!tpu.dma_semaphore, #tpu.memory_space<semaphore_mem>> -> memref<1x!tpu.dma_semaphore, #tpu.memory_space<semaphore_mem>>
      %dma_wait3A_710 = tpu.memref_squeeze %dma_wait3A_709 : memref<1x!tpu.dma_semaphore, #tpu.memory_space<semaphore_mem>> -> memref<!tpu.dma_semaphore, #tpu.memory_space<semaphore_mem>>
      %dma_wait3A_711 = arith.constant 0 : i32
      %dma_wait3A_712 = arith.constant 0 : i32
      %dma_wait3A_713 = arith.constant 0 : i32
      %dma_wait3A_714 = tpu.memref_slice %arg7[%arg1, %dma_wait3A_711, %dma_wait3A_712, %dma_wait3A_713] : memref<16x8x32x128xf32, #tpu.memory_space<vmem_shared>> -> memref<1x8x32x128xf32, #tpu.memory_space<vmem_shared>>
      %dma_wait3A_715 = tpu.memref_squeeze %dma_wait3A_714 : memref<1x8x32x128xf32, #tpu.memory_space<vmem_shared>> -> memref<8x32x128xf32, #tpu.memory_space<vmem_shared>>
      %dma_wait3A_716 = arith.constant 0 : i32
      %dma_wait3A_717 = arith.constant 0 : i32
      %dma_wait3A_718 = tpu.memref_slice %dma_wait3A_715[%dma_wait3A, %dma_wait3A_716, %dma_wait3A_717] : memref<8x32x128xf32, #tpu.memory_space<vmem_shared>> -> memref<1x32x128xf32, #tpu.memory_space<vmem_shared>>
      %dma_wait3A_719 = tpu.memref_squeeze %dma_wait3A_718 : memref<1x32x128xf32, #tpu.memory_space<vmem_shared>> -> memref<32x128xf32, #tpu.memory_space<vmem_shared>>
      %dma_wait3A_720 = arith.constant 0 : i32
      %dma_wait3A_721 = arith.constant 0 : i32
      %dma_wait3A_722 = tpu.memref_slice %arg3[%dma_wait3A_720, %dma_wait3A_721] : memref<32x1000000xf32, #tpu.memory_space<hbm>> -> memref<32x128xf32, #tpu.memory_space<hbm>>
      tpu.wait_dma2 semaphore(%dma_wait3A_710 : memref<!tpu.dma_semaphore, #tpu.memory_space<semaphore_mem>>) src(%dma_wait3A_722 : memref<32x128xf32, #tpu.memory_space<hbm>>) dst(%dma_wait3A_719 : memref<32x128xf32, #tpu.memory_space<vmem_shared>>)
      %slice3A_723 = vector.extract_strided_slice %get3A_700 {offsets = [8], sizes = [1], strides = [1]} : vector<16xi32> to vector<1xi32>
      %squeeze3A_724 = vector.extract %slice3A_723[0] : i32 from vector<1xi32>
      %jit3A_725 = arith.constant 128 : i32
      %div3A_726 = arith.divsi %squeeze3A_724, %jit3A_725 : i32
      %sign3A_727 = arith.constant 0 : i32
      %sign3A_728 = arith.cmpi sgt, %squeeze3A_724, %sign3A_727 : i32
      %sign3A_729 = arith.extui %sign3A_728 : i1 to i32
      %sign3A_730 = arith.constant 0 : i32
      %sign3A_731 = arith.cmpi slt, %squeeze3A_724, %sign3A_730 : i32
      %sign3A_732 = arith.extui %sign3A_731 : i1 to i32
      %sign3A_733 = arith.subi %sign3A_729, %sign3A_732 : i32
      %sign3A_734 = arith.constant 0 : i32
      %sign3A_735 = arith.cmpi sgt, %jit3A_725, %sign3A_734 : i32
      %sign3A_736 = arith.extui %sign3A_735 : i1 to i32
      %sign3A_737 = arith.constant 0 : i32
      %sign3A_738 = arith.cmpi slt, %jit3A_725, %sign3A_737 : i32
      %sign3A_739 = arith.extui %sign3A_738 : i1 to i32
      %sign3A_740 = arith.subi %sign3A_736, %sign3A_739 : i32
      %ne3A_741 = arith.cmpi ne, %sign3A_733, %sign3A_740 : i32
      %rem3A_742 = arith.remsi %squeeze3A_724, %jit3A_725 : i32
      %ne3A_743 = arith.constant 0 : i32
      %ne3A_744 = arith.cmpi ne, %rem3A_742, %ne3A_743 : i32
      %and3A_745 = arith.andi %ne3A_741, %ne3A_744 : i1
      %sub3A_746 = arith.constant 1 : i32
      %sub3A_747 = arith.subi %div3A_726, %sub3A_746 : i32
      %select_n3A_748 = arith.select %and3A_745, %sub3A_747, %div3A_726 : i32
      %mul3A_749 = arith.constant 128 : i32
      %mul3A_750 = arith.muli %select_n3A_748, %mul3A_749 : i32
      %sub3A_751 = arith.subi %squeeze3A_724, %mul3A_750 : i32
      %jit3A_752 = arith.constant 16 : i32
      %div3A_753 = arith.divsi %sub3A_751, %jit3A_752 : i32
      %sign3A_754 = arith.constant 0 : i32
      %sign3A_755 = arith.cmpi sgt, %sub3A_751, %sign3A_754 : i32
      %sign3A_756 = arith.extui %sign3A_755 : i1 to i32
      %sign3A_757 = arith.constant 0 : i32
      %sign3A_758 = arith.cmpi slt, %sub3A_751, %sign3A_757 : i32
      %sign3A_759 = arith.extui %sign3A_758 : i1 to i32
      %sign3A_760 = arith.subi %sign3A_756, %sign3A_759 : i32
      %sign3A_761 = arith.constant 0 : i32
      %sign3A_762 = arith.cmpi sgt, %jit3A_752, %sign3A_761 : i32
      %sign3A_763 = arith.extui %sign3A_762 : i1 to i32
      %sign3A_764 = arith.constant 0 : i32
      %sign3A_765 = arith.cmpi slt, %jit3A_752, %sign3A_764 : i32
      %sign3A_766 = arith.extui %sign3A_765 : i1 to i32
      %sign3A_767 = arith.subi %sign3A_763, %sign3A_766 : i32
      %ne3A_768 = arith.cmpi ne, %sign3A_760, %sign3A_767 : i32
      %rem3A_769 = arith.remsi %sub3A_751, %jit3A_752 : i32
      %ne3A_770 = arith.constant 0 : i32
      %ne3A_771 = arith.cmpi ne, %rem3A_769, %ne3A_770 : i32
      %and3A_772 = arith.andi %ne3A_768, %ne3A_771 : i1
      %sub3A_773 = arith.constant 1 : i32
      %sub3A_774 = arith.subi %div3A_753, %sub3A_773 : i32
      %select_n3A_775 = arith.select %and3A_772, %sub3A_774, %div3A_753 : i32
      %mul3A_776 = arith.constant 16 : i32
      %mul3A_777 = arith.muli %select_n3A_775, %mul3A_776 : i32
      %dma_start3A_778 = arith.constant 0 : i32
      %dma_start3A_779 = arith.constant 0 : i32
      %dma_start3A_780 = arith.constant 0 : i32
      %dma_start3A_781 = tpu.memref_slice %arg8[%dma_start3A_779, %dma_start3A_780] : memref<32x128xf32, #tpu.memory_space<vmem>> -> memref<32x16xf32, #tpu.memory_space<vmem>>
      %dma_start3A_782 = arith.constant 0 : i32
      %dma_start3A_783 = arith.constant 0 : i32
      %dma_start3A_784 = arith.constant 0 : i32
      %dma_start3A_785 = tpu.memref_slice %arg7[%arg1, %dma_start3A_782, %dma_start3A_783, %dma_start3A_784] : memref<16x8x32x128xf32, #tpu.memory_space<vmem_shared>> -> memref<1x8x32x128xf32, #tpu.memory_space<vmem_shared>>
      %dma_start3A_786 = tpu.memref_squeeze %dma_start3A_785 : memref<1x8x32x128xf32, #tpu.memory_space<vmem_shared>> -> memref<8x32x128xf32, #tpu.memory_space<vmem_shared>>
      %dma_start3A_787 = arith.constant 0 : i32
      %dma_start3A_788 = tpu.memref_slice %dma_start3A_786[%dma_start3A_778, %dma_start3A_787, %mul3A_777] : memref<8x32x128xf32, #tpu.memory_space<vmem_shared>> -> memref<1x32x16xf32, #tpu.memory_space<vmem_shared>>
      %dma_start3A_789 = tpu.memref_squeeze %dma_start3A_788 : memref<1x32x16xf32, #tpu.memory_space<vmem_shared>> -> memref<32x16xf32, #tpu.memory_space<vmem_shared>>
      %dma_start3A_790 = arith.constant 0 : i32
      %dma_start3A_791 = arith.constant 0 : i32
      %dma_start3A_792 = tpu.memref_slice %arg8[%dma_start3A_790, %dma_start3A_791] : memref<32x128xf32, #tpu.memory_space<vmem>> -> memref<32x16xf32, #tpu.memory_space<vmem>>
      %dma_start3A_793 = arith.constant 0 : i32
      %dma_start3A_794 = arith.constant 0 : i32
      %dma_start3A_795 = arith.constant 0 : i32
      %dma_start3A_796 = tpu.memref_slice %arg7[%arg1, %dma_start3A_793, %dma_start3A_794, %dma_start3A_795] : memref<16x8x32x128xf32, #tpu.memory_space<vmem_shared>> -> memref<1x8x32x128xf32, #tpu.memory_space<vmem_shared>>
      %dma_start3A_797 = tpu.memref_squeeze %dma_start3A_796 : memref<1x8x32x128xf32, #tpu.memory_space<vmem_shared>> -> memref<8x32x128xf32, #tpu.memory_space<vmem_shared>>
      %dma_start3A_798 = arith.constant 0 : i32
      %dma_start3A_799 = tpu.memref_slice %dma_start3A_797[%dma_start3A_778, %dma_start3A_798, %mul3A_777] : memref<8x32x128xf32, #tpu.memory_space<vmem_shared>> -> memref<1x32x16xf32, #tpu.memory_space<vmem_shared>>
      %dma_start3A_800 = tpu.memref_squeeze %dma_start3A_799 : memref<1x32x16xf32, #tpu.memory_space<vmem_shared>> -> memref<32x16xf32, #tpu.memory_space<vmem_shared>>
      tpu.enqueue_dma source(%dma_start3A_800 : memref<32x16xf32, #tpu.memory_space<vmem_shared>>) target(%dma_start3A_792 : memref<32x16xf32, #tpu.memory_space<vmem>>) target_semaphore(%arg12 : memref<!tpu.dma_semaphore, #tpu.memory_space<semaphore_mem>>)
      %dma_wait3A_801 = arith.constant 1 : i32
      %dma_wait3A_802 = arith.constant 1 : i32
      %dma_wait3A_803 = tpu.memref_slice %arg11[%dma_wait3A_802] : memref<8x!tpu.dma_semaphore, #tpu.memory_space<semaphore_mem>> -> memref<1x!tpu.dma_semaphore, #tpu.memory_space<semaphore_mem>>
      %dma_wait3A_804 = tpu.memref_squeeze %dma_wait3A_803 : memref<1x!tpu.dma_semaphore, #tpu.memory_space<semaphore_mem>> -> memref<!tpu.dma_semaphore, #tpu.memory_space<semaphore_mem>>
      %dma_wait3A_805 = arith.constant 0 : i32
      %dma_wait3A_806 = arith.constant 0 : i32
      %dma_wait3A_807 = arith.constant 0 : i32
      %dma_wait3A_808 = tpu.memref_slice %arg7[%arg1, %dma_wait3A_805, %dma_wait3A_806, %dma_wait3A_807] : memref<16x8x32x128xf32, #tpu.memory_space<vmem_shared>> -> memref<1x8x32x128xf32, #tpu.memory_space<vmem_shared>>
      %dma_wait3A_809 = tpu.memref_squeeze %dma_wait3A_808 : memref<1x8x32x128xf32, #tpu.memory_space<vmem_shared>> -> memref<8x32x128xf32, #tpu.memory_space<vmem_shared>>
      %dma_wait3A_810 = arith.constant 0 : i32
      %dma_wait3A_811 = arith.constant 0 : i32
      %dma_wait3A_812 = tpu.memref_slice %dma_wait3A_809[%dma_wait3A_801, %dma_wait3A_810, %dma_wait3A_811] : memref<8x32x128xf32, #tpu.memory_space<vmem_shared>> -> memref<1x32x128xf32, #tpu.memory_space<vmem_shared>>
      %dma_wait3A_813 = tpu.memref_squeeze %dma_wait3A_812 : memref<1x32x128xf32, #tpu.memory_space<vmem_shared>> -> memref<32x128xf32, #tpu.memory_space<vmem_shared>>
      %dma_wait3A_814 = arith.constant 0 : i32
      %dma_wait3A_815 = arith.constant 0 : i32
      %dma_wait3A_816 = tpu.memref_slice %arg3[%dma_wait3A_814, %dma_wait3A_815] : memref<32x1000000xf32, #tpu.memory_space<hbm>> -> memref<32x128xf32, #tpu.memory_space<hbm>>
      tpu.wait_dma2 semaphore(%dma_wait3A_804 : memref<!tpu.dma_semaphore, #tpu.memory_space<semaphore_mem>>) src(%dma_wait3A_816 : memref<32x128xf32, #tpu.memory_space<hbm>>) dst(%dma_wait3A_813 : memref<32x128xf32, #tpu.memory_space<vmem_shared>>)
      %slice3A_817 = vector.extract_strided_slice %get3A_700 {offsets = [9], sizes = [1], strides = [1]} : vector<16xi32> to vector<1xi32>
      %squeeze3A_818 = vector.extract %slice3A_817[0] : i32 from vector<1xi32>
      %jit3A_819 = arith.constant 128 : i32
      %div3A_820 = arith.divsi %squeeze3A_818, %jit3A_819 : i32
      %sign3A_821 = arith.constant 0 : i32
      %sign3A_822 = arith.cmpi sgt, %squeeze3A_818, %sign3A_821 : i32
      %sign3A_823 = arith.extui %sign3A_822 : i1 to i32
      %sign3A_824 = arith.constant 0 : i32
      %sign3A_825 = arith.cmpi slt, %squeeze3A_818, %sign3A_824 : i32
      %sign3A_826 = arith.extui %sign3A_825 : i1 to i32
      %sign3A_827 = arith.subi %sign3A_823, %sign3A_826 : i32
      %sign3A_828 = arith.constant 0 : i32
      %sign3A_829 = arith.cmpi sgt, %jit3A_819, %sign3A_828 : i32
      %sign3A_830 = arith.extui %sign3A_829 : i1 to i32
      %sign3A_831 = arith.constant 0 : i32
      %sign3A_832 = arith.cmpi slt, %jit3A_819, %sign3A_831 : i32
      %sign3A_833 = arith.extui %sign3A_832 : i1 to i32
      %sign3A_834 = arith.subi %sign3A_830, %sign3A_833 : i32
      %ne3A_835 = arith.cmpi ne, %sign3A_827, %sign3A_834 : i32
      %rem3A_836 = arith.remsi %squeeze3A_818, %jit3A_819 : i32
      %ne3A_837 = arith.constant 0 : i32
      %ne3A_838 = arith.cmpi ne, %rem3A_836, %ne3A_837 : i32
      %and3A_839 = arith.andi %ne3A_835, %ne3A_838 : i1
      %sub3A_840 = arith.constant 1 : i32
      %sub3A_841 = arith.subi %div3A_820, %sub3A_840 : i32
      %select_n3A_842 = arith.select %and3A_839, %sub3A_841, %div3A_820 : i32
      %mul3A_843 = arith.constant 128 : i32
      %mul3A_844 = arith.muli %select_n3A_842, %mul3A_843 : i32
      %sub3A_845 = arith.subi %squeeze3A_818, %mul3A_844 : i32
      %jit3A_846 = arith.constant 16 : i32
      %div3A_847 = arith.divsi %sub3A_845, %jit3A_846 : i32
      %sign3A_848 = arith.constant 0 : i32
      %sign3A_849 = arith.cmpi sgt, %sub3A_845, %sign3A_848 : i32
      %sign3A_850 = arith.extui %sign3A_849 : i1 to i32
      %sign3A_851 = arith.constant 0 : i32
      %sign3A_852 = arith.cmpi slt, %sub3A_845, %sign3A_851 : i32
      %sign3A_853 = arith.extui %sign3A_852 : i1 to i32
      %sign3A_854 = arith.subi %sign3A_850, %sign3A_853 : i32
      %sign3A_855 = arith.constant 0 : i32
      %sign3A_856 = arith.cmpi sgt, %jit3A_846, %sign3A_855 : i32
      %sign3A_857 = arith.extui %sign3A_856 : i1 to i32
      %sign3A_858 = arith.constant 0 : i32
      %sign3A_859 = arith.cmpi slt, %jit3A_846, %sign3A_858 : i32
      %sign3A_860 = arith.extui %sign3A_859 : i1 to i32
      %sign3A_861 = arith.subi %sign3A_857, %sign3A_860 : i32
      %ne3A_862 = arith.cmpi ne, %sign3A_854, %sign3A_861 : i32
      %rem3A_863 = arith.remsi %sub3A_845, %jit3A_846 : i32
      %ne3A_864 = arith.constant 0 : i32
      %ne3A_865 = arith.cmpi ne, %rem3A_863, %ne3A_864 : i32
      %and3A_866 = arith.andi %ne3A_862, %ne3A_865 : i1
      %sub3A_867 = arith.constant 1 : i32
      %sub3A_868 = arith.subi %div3A_847, %sub3A_867 : i32
      %select_n3A_869 = arith.select %and3A_866, %sub3A_868, %div3A_847 : i32
      %mul3A_870 = arith.constant 16 : i32
      %mul3A_871 = arith.muli %select_n3A_869, %mul3A_870 : i32
      %dma_start3A_872 = arith.constant 1 : i32
      %dma_start3A_873 = arith.constant 0 : i32
      %dma_start3A_874 = arith.constant 16 : i32
      %dma_start3A_875 = tpu.memref_slice %arg8[%dma_start3A_873, %dma_start3A_874] : memref<32x128xf32, #tpu.memory_space<vmem>> -> memref<32x16xf32, #tpu.memory_space<vmem>>
      %dma_start3A_876 = arith.constant 0 : i32
      %dma_start3A_877 = arith.constant 0 : i32
      %dma_start3A_878 = arith.constant 0 : i32
      %dma_start3A_879 = tpu.memref_slice %arg7[%arg1, %dma_start3A_876, %dma_start3A_877, %dma_start3A_878] : memref<16x8x32x128xf32, #tpu.memory_space<vmem_shared>> -> memref<1x8x32x128xf32, #tpu.memory_space<vmem_shared>>
      %dma_start3A_880 = tpu.memref_squeeze %dma_start3A_879 : memref<1x8x32x128xf32, #tpu.memory_space<vmem_shared>> -> memref<8x32x128xf32, #tpu.memory_space<vmem_shared>>
      %dma_start3A_881 = arith.constant 0 : i32
      %dma_start3A_882 = tpu.memref_slice %dma_start3A_880[%dma_start3A_872, %dma_start3A_881, %mul3A_871] : memref<8x32x128xf32, #tpu.memory_space<vmem_shared>> -> memref<1x32x16xf32, #tpu.memory_space<vmem_shared>>
      %dma_start3A_883 = tpu.memref_squeeze %dma_start3A_882 : memref<1x32x16xf32, #tpu.memory_space<vmem_shared>> -> memref<32x16xf32, #tpu.memory_space<vmem_shared>>
      %dma_start3A_884 = arith.constant 0 : i32
      %dma_start3A_885 = arith.constant 16 : i32
      %dma_start3A_886 = tpu.memref_slice %arg8[%dma_start3A_884, %dma_start3A_885] : memref<32x128xf32, #tpu.memory_space<vmem>> -> memref<32x16xf32, #tpu.memory_space<vmem>>
      %dma_start3A_887 = arith.constant 0 : i32
      %dma_start3A_888 = arith.constant 0 : i32
      %dma_start3A_889 = arith.constant 0 : i32
      %dma_start3A_890 = tpu.memref_slice %arg7[%arg1, %dma_start3A_887, %dma_start3A_888, %dma_start3A_889] : memref<16x8x32x128xf32, #tpu.memory_space<vmem_shared>> -> memref<1x8x32x128xf32, #tpu.memory_space<vmem_shared>>
      %dma_start3A_891 = tpu.memref_squeeze %dma_start3A_890 : memref<1x8x32x128xf32, #tpu.memory_space<vmem_shared>> -> memref<8x32x128xf32, #tpu.memory_space<vmem_shared>>
      %dma_start3A_892 = arith.constant 0 : i32
      %dma_start3A_893 = tpu.memref_slice %dma_start3A_891[%dma_start3A_872, %dma_start3A_892, %mul3A_871] : memref<8x32x128xf32, #tpu.memory_space<vmem_shared>> -> memref<1x32x16xf32, #tpu.memory_space<vmem_shared>>
      %dma_start3A_894 = tpu.memref_squeeze %dma_start3A_893 : memref<1x32x16xf32, #tpu.memory_space<vmem_shared>> -> memref<32x16xf32, #tpu.memory_space<vmem_shared>>
      tpu.enqueue_dma source(%dma_start3A_894 : memref<32x16xf32, #tpu.memory_space<vmem_shared>>) target(%dma_start3A_886 : memref<32x16xf32, #tpu.memory_space<vmem>>) target_semaphore(%arg12 : memref<!tpu.dma_semaphore, #tpu.memory_space<semaphore_mem>>)
      %dma_wait3A_895 = arith.constant 2 : i32
      %dma_wait3A_896 = arith.constant 2 : i32
      %dma_wait3A_897 = tpu.memref_slice %arg11[%dma_wait3A_896] : memref<8x!tpu.dma_semaphore, #tpu.memory_space<semaphore_mem>> -> memref<1x!tpu.dma_semaphore, #tpu.memory_space<semaphore_mem>>
      %dma_wait3A_898 = tpu.memref_squeeze %dma_wait3A_897 : memref<1x!tpu.dma_semaphore, #tpu.memory_space<semaphore_mem>> -> memref<!tpu.dma_semaphore, #tpu.memory_space<semaphore_mem>>
      %dma_wait3A_899 = arith.constant 0 : i32
      %dma_wait3A_900 = arith.constant 0 : i32
      %dma_wait3A_901 = arith.constant 0 : i32
      %dma_wait3A_902 = tpu.memref_slice %arg7[%arg1, %dma_wait3A_899, %dma_wait3A_900, %dma_wait3A_901] : memref<16x8x32x128xf32, #tpu.memory_space<vmem_shared>> -> memref<1x8x32x128xf32, #tpu.memory_space<vmem_shared>>
      %dma_wait3A_903 = tpu.memref_squeeze %dma_wait3A_902 : memref<1x8x32x128xf32, #tpu.memory_space<vmem_shared>> -> memref<8x32x128xf32, #tpu.memory_space<vmem_shared>>
      %dma_wait3A_904 = arith.constant 0 : i32
      %dma_wait3A_905 = arith.constant 0 : i32
      %dma_wait3A_906 = tpu.memref_slice %dma_wait3A_903[%dma_wait3A_895, %dma_wait3A_904, %dma_wait3A_905] : memref<8x32x128xf32, #tpu.memory_space<vmem_shared>> -> memref<1x32x128xf32, #tpu.memory_space<vmem_shared>>
      %dma_wait3A_907 = tpu.memref_squeeze %dma_wait3A_906 : memref<1x32x128xf32, #tpu.memory_space<vmem_shared>> -> memref<32x128xf32, #tpu.memory_space<vmem_shared>>
      %dma_wait3A_908 = arith.constant 0 : i32
      %dma_wait3A_909 = arith.constant 0 : i32
      %dma_wait3A_910 = tpu.memref_slice %arg3[%dma_wait3A_908, %dma_wait3A_909] : memref<32x1000000xf32, #tpu.memory_space<hbm>> -> memref<32x128xf32, #tpu.memory_space<hbm>>
      tpu.wait_dma2 semaphore(%dma_wait3A_898 : memref<!tpu.dma_semaphore, #tpu.memory_space<semaphore_mem>>) src(%dma_wait3A_910 : memref<32x128xf32, #tpu.memory_space<hbm>>) dst(%dma_wait3A_907 : memref<32x128xf32, #tpu.memory_space<vmem_shared>>)
      %slice3A_911 = vector.extract_strided_slice %get3A_700 {offsets = [10], sizes = [1], strides = [1]} : vector<16xi32> to vector<1xi32>
      %squeeze3A_912 = vector.extract %slice3A_911[0] : i32 from vector<1xi32>
      %jit3A_913 = arith.constant 128 : i32
      %div3A_914 = arith.divsi %squeeze3A_912, %jit3A_913 : i32
      %sign3A_915 = arith.constant 0 : i32
      %sign3A_916 = arith.cmpi sgt, %squeeze3A_912, %sign3A_915 : i32
      %sign3A_917 = arith.extui %sign3A_916 : i1 to i32
      %sign3A_918 = arith.constant 0 : i32
      %sign3A_919 = arith.cmpi slt, %squeeze3A_912, %sign3A_918 : i32
      %sign3A_920 = arith.extui %sign3A_919 : i1 to i32
      %sign3A_921 = arith.subi %sign3A_917, %sign3A_920 : i32
      %sign3A_922 = arith.constant 0 : i32
      %sign3A_923 = arith.cmpi sgt, %jit3A_913, %sign3A_922 : i32
      %sign3A_924 = arith.extui %sign3A_923 : i1 to i32
      %sign3A_925 = arith.constant 0 : i32
      %sign3A_926 = arith.cmpi slt, %jit3A_913, %sign3A_925 : i32
      %sign3A_927 = arith.extui %sign3A_926 : i1 to i32
      %sign3A_928 = arith.subi %sign3A_924, %sign3A_927 : i32
      %ne3A_929 = arith.cmpi ne, %sign3A_921, %sign3A_928 : i32
      %rem3A_930 = arith.remsi %squeeze3A_912, %jit3A_913 : i32
      %ne3A_931 = arith.constant 0 : i32
      %ne3A_932 = arith.cmpi ne, %rem3A_930, %ne3A_931 : i32
      %and3A_933 = arith.andi %ne3A_929, %ne3A_932 : i1
      %sub3A_934 = arith.constant 1 : i32
      %sub3A_935 = arith.subi %div3A_914, %sub3A_934 : i32
      %select_n3A_936 = arith.select %and3A_933, %sub3A_935, %div3A_914 : i32
      %mul3A_937 = arith.constant 128 : i32
      %mul3A_938 = arith.muli %select_n3A_936, %mul3A_937 : i32
      %sub3A_939 = arith.subi %squeeze3A_912, %mul3A_938 : i32
      %jit3A_940 = arith.constant 16 : i32
      %div3A_941 = arith.divsi %sub3A_939, %jit3A_940 : i32
      %sign3A_942 = arith.constant 0 : i32
      %sign3A_943 = arith.cmpi sgt, %sub3A_939, %sign3A_942 : i32
      %sign3A_944 = arith.extui %sign3A_943 : i1 to i32
      %sign3A_945 = arith.constant 0 : i32
      %sign3A_946 = arith.cmpi slt, %sub3A_939, %sign3A_945 : i32
      %sign3A_947 = arith.extui %sign3A_946 : i1 to i32
      %sign3A_948 = arith.subi %sign3A_944, %sign3A_947 : i32
      %sign3A_949 = arith.constant 0 : i32
      %sign3A_950 = arith.cmpi sgt, %jit3A_940, %sign3A_949 : i32
      %sign3A_951 = arith.extui %sign3A_950 : i1 to i32
      %sign3A_952 = arith.constant 0 : i32
      %sign3A_953 = arith.cmpi slt, %jit3A_940, %sign3A_952 : i32
      %sign3A_954 = arith.extui %sign3A_953 : i1 to i32
      %sign3A_955 = arith.subi %sign3A_951, %sign3A_954 : i32
      %ne3A_956 = arith.cmpi ne, %sign3A_948, %sign3A_955 : i32
      %rem3A_957 = arith.remsi %sub3A_939, %jit3A_940 : i32
      %ne3A_958 = arith.constant 0 : i32
      %ne3A_959 = arith.cmpi ne, %rem3A_957, %ne3A_958 : i32
      %and3A_960 = arith.andi %ne3A_956, %ne3A_959 : i1
      %sub3A_961 = arith.constant 1 : i32
      %sub3A_962 = arith.subi %div3A_941, %sub3A_961 : i32
      %select_n3A_963 = arith.select %and3A_960, %sub3A_962, %div3A_941 : i32
      %mul3A_964 = arith.constant 16 : i32
      %mul3A_965 = arith.muli %select_n3A_963, %mul3A_964 : i32
      %dma_start3A_966 = arith.constant 2 : i32
      %dma_start3A_967 = arith.constant 0 : i32
      %dma_start3A_968 = arith.constant 32 : i32
      %dma_start3A_969 = tpu.memref_slice %arg8[%dma_start3A_967, %dma_start3A_968] : memref<32x128xf32, #tpu.memory_space<vmem>> -> memref<32x16xf32, #tpu.memory_space<vmem>>
      %dma_start3A_970 = arith.constant 0 : i32
      %dma_start3A_971 = arith.constant 0 : i32
      %dma_start3A_972 = arith.constant 0 : i32
      %dma_start3A_973 = tpu.memref_slice %arg7[%arg1, %dma_start3A_970, %dma_start3A_971, %dma_start3A_972] : memref<16x8x32x128xf32, #tpu.memory_space<vmem_shared>> -> memref<1x8x32x128xf32, #tpu.memory_space<vmem_shared>>
      %dma_start3A_974 = tpu.memref_squeeze %dma_start3A_973 : memref<1x8x32x128xf32, #tpu.memory_space<vmem_shared>> -> memref<8x32x128xf32, #tpu.memory_space<vmem_shared>>
      %dma_start3A_975 = arith.constant 0 : i32
      %dma_start3A_976 = tpu.memref_slice %dma_start3A_974[%dma_start3A_966, %dma_start3A_975, %mul3A_965] : memref<8x32x128xf32, #tpu.memory_space<vmem_shared>> -> memref<1x32x16xf32, #tpu.memory_space<vmem_shared>>
      %dma_start3A_977 = tpu.memref_squeeze %dma_start3A_976 : memref<1x32x16xf32, #tpu.memory_space<vmem_shared>> -> memref<32x16xf32, #tpu.memory_space<vmem_shared>>
      %dma_start3A_978 = arith.constant 0 : i32
      %dma_start3A_979 = arith.constant 32 : i32
      %dma_start3A_980 = tpu.memref_slice %arg8[%dma_start3A_978, %dma_start3A_979] : memref<32x128xf32, #tpu.memory_space<vmem>> -> memref<32x16xf32, #tpu.memory_space<vmem>>
      %dma_start3A_981 = arith.constant 0 : i32
      %dma_start3A_982 = arith.constant 0 : i32
      %dma_start3A_983 = arith.constant 0 : i32
      %dma_start3A_984 = tpu.memref_slice %arg7[%arg1, %dma_start3A_981, %dma_start3A_982, %dma_start3A_983] : memref<16x8x32x128xf32, #tpu.memory_space<vmem_shared>> -> memref<1x8x32x128xf32, #tpu.memory_space<vmem_shared>>
      %dma_start3A_985 = tpu.memref_squeeze %dma_start3A_984 : memref<1x8x32x128xf32, #tpu.memory_space<vmem_shared>> -> memref<8x32x128xf32, #tpu.memory_space<vmem_shared>>
      %dma_start3A_986 = arith.constant 0 : i32
      %dma_start3A_987 = tpu.memref_slice %dma_start3A_985[%dma_start3A_966, %dma_start3A_986, %mul3A_965] : memref<8x32x128xf32, #tpu.memory_space<vmem_shared>> -> memref<1x32x16xf32, #tpu.memory_space<vmem_shared>>
      %dma_start3A_988 = tpu.memref_squeeze %dma_start3A_987 : memref<1x32x16xf32, #tpu.memory_space<vmem_shared>> -> memref<32x16xf32, #tpu.memory_space<vmem_shared>>
      tpu.enqueue_dma source(%dma_start3A_988 : memref<32x16xf32, #tpu.memory_space<vmem_shared>>) target(%dma_start3A_980 : memref<32x16xf32, #tpu.memory_space<vmem>>) target_semaphore(%arg12 : memref<!tpu.dma_semaphore, #tpu.memory_space<semaphore_mem>>)
      %dma_wait3A_989 = arith.constant 3 : i32
      %dma_wait3A_990 = arith.constant 3 : i32
      %dma_wait3A_991 = tpu.memref_slice %arg11[%dma_wait3A_990] : memref<8x!tpu.dma_semaphore, #tpu.memory_space<semaphore_mem>> -> memref<1x!tpu.dma_semaphore, #tpu.memory_space<semaphore_mem>>
      %dma_wait3A_992 = tpu.memref_squeeze %dma_wait3A_991 : memref<1x!tpu.dma_semaphore, #tpu.memory_space<semaphore_mem>> -> memref<!tpu.dma_semaphore, #tpu.memory_space<semaphore_mem>>
      %dma_wait3A_993 = arith.constant 0 : i32
      %dma_wait3A_994 = arith.constant 0 : i32
      %dma_wait3A_995 = arith.constant 0 : i32
      %dma_wait3A_996 = tpu.memref_slice %arg7[%arg1, %dma_wait3A_993, %dma_wait3A_994, %dma_wait3A_995] : memref<16x8x32x128xf32, #tpu.memory_space<vmem_shared>> -> memref<1x8x32x128xf32, #tpu.memory_space<vmem_shared>>
      %dma_wait3A_997 = tpu.memref_squeeze %dma_wait3A_996 : memref<1x8x32x128xf32, #tpu.memory_space<vmem_shared>> -> memref<8x32x128xf32, #tpu.memory_space<vmem_shared>>
      %dma_wait3A_998 = arith.constant 0 : i32
      %dma_wait3A_999 = arith.constant 0 : i32
      %dma_wait3A_1000 = tpu.memref_slice %dma_wait3A_997[%dma_wait3A_989, %dma_wait3A_998, %dma_wait3A_999] : memref<8x32x128xf32, #tpu.memory_space<vmem_shared>> -> memref<1x32x128xf32, #tpu.memory_space<vmem_shared>>
      %dma_wait3A_1001 = tpu.memref_squeeze %dma_wait3A_1000 : memref<1x32x128xf32, #tpu.memory_space<vmem_shared>> -> memref<32x128xf32, #tpu.memory_space<vmem_shared>>
      %dma_wait3A_1002 = arith.constant 0 : i32
      %dma_wait3A_1003 = arith.constant 0 : i32
      %dma_wait3A_1004 = tpu.memref_slice %arg3[%dma_wait3A_1002, %dma_wait3A_1003] : memref<32x1000000xf32, #tpu.memory_space<hbm>> -> memref<32x128xf32, #tpu.memory_space<hbm>>
      tpu.wait_dma2 semaphore(%dma_wait3A_992 : memref<!tpu.dma_semaphore, #tpu.memory_space<semaphore_mem>>) src(%dma_wait3A_1004 : memref<32x128xf32, #tpu.memory_space<hbm>>) dst(%dma_wait3A_1001 : memref<32x128xf32, #tpu.memory_space<vmem_shared>>)
      %slice3A_1005 = vector.extract_strided_slice %get3A_700 {offsets = [11], sizes = [1], strides = [1]} : vector<16xi32> to vector<1xi32>
      %squeeze3A_1006 = vector.extract %slice3A_1005[0] : i32 from vector<1xi32>
      %jit3A_1007 = arith.constant 128 : i32
      %div3A_1008 = arith.divsi %squeeze3A_1006, %jit3A_1007 : i32
      %sign3A_1009 = arith.constant 0 : i32
      %sign3A_1010 = arith.cmpi sgt, %squeeze3A_1006, %sign3A_1009 : i32
      %sign3A_1011 = arith.extui %sign3A_1010 : i1 to i32
      %sign3A_1012 = arith.constant 0 : i32
      %sign3A_1013 = arith.cmpi slt, %squeeze3A_1006, %sign3A_1012 : i32
      %sign3A_1014 = arith.extui %sign3A_1013 : i1 to i32
      %sign3A_1015 = arith.subi %sign3A_1011, %sign3A_1014 : i32
      %sign3A_1016 = arith.constant 0 : i32
      %sign3A_1017 = arith.cmpi sgt, %jit3A_1007, %sign3A_1016 : i32
      %sign3A_1018 = arith.extui %sign3A_1017 : i1 to i32
      %sign3A_1019 = arith.constant 0 : i32
      %sign3A_1020 = arith.cmpi slt, %jit3A_1007, %sign3A_1019 : i32
      %sign3A_1021 = arith.extui %sign3A_1020 : i1 to i32
      %sign3A_1022 = arith.subi %sign3A_1018, %sign3A_1021 : i32
      %ne3A_1023 = arith.cmpi ne, %sign3A_1015, %sign3A_1022 : i32
      %rem3A_1024 = arith.remsi %squeeze3A_1006, %jit3A_1007 : i32
      %ne3A_1025 = arith.constant 0 : i32
      %ne3A_1026 = arith.cmpi ne, %rem3A_1024, %ne3A_1025 : i32
      %and3A_1027 = arith.andi %ne3A_1023, %ne3A_1026 : i1
      %sub3A_1028 = arith.constant 1 : i32
      %sub3A_1029 = arith.subi %div3A_1008, %sub3A_1028 : i32
      %select_n3A_1030 = arith.select %and3A_1027, %sub3A_1029, %div3A_1008 : i32
      %mul3A_1031 = arith.constant 128 : i32
      %mul3A_1032 = arith.muli %select_n3A_1030, %mul3A_1031 : i32
      %sub3A_1033 = arith.subi %squeeze3A_1006, %mul3A_1032 : i32
      %jit3A_1034 = arith.constant 16 : i32
      %div3A_1035 = arith.divsi %sub3A_1033, %jit3A_1034 : i32
      %sign3A_1036 = arith.constant 0 : i32
      %sign3A_1037 = arith.cmpi sgt, %sub3A_1033, %sign3A_1036 : i32
      %sign3A_1038 = arith.extui %sign3A_1037 : i1 to i32
      %sign3A_1039 = arith.constant 0 : i32
      %sign3A_1040 = arith.cmpi slt, %sub3A_1033, %sign3A_1039 : i32
      %sign3A_1041 = arith.extui %sign3A_1040 : i1 to i32
      %sign3A_1042 = arith.subi %sign3A_1038, %sign3A_1041 : i32
      %sign3A_1043 = arith.constant 0 : i32
      %sign3A_1044 = arith.cmpi sgt, %jit3A_1034, %sign3A_1043 : i32
      %sign3A_1045 = arith.extui %sign3A_1044 : i1 to i32
      %sign3A_1046 = arith.constant 0 : i32
      %sign3A_1047 = arith.cmpi slt, %jit3A_1034, %sign3A_1046 : i32
      %sign3A_1048 = arith.extui %sign3A_1047 : i1 to i32
      %sign3A_1049 = arith.subi %sign3A_1045, %sign3A_1048 : i32
      %ne3A_1050 = arith.cmpi ne, %sign3A_1042, %sign3A_1049 : i32
      %rem3A_1051 = arith.remsi %sub3A_1033, %jit3A_1034 : i32
      %ne3A_1052 = arith.constant 0 : i32
      %ne3A_1053 = arith.cmpi ne, %rem3A_1051, %ne3A_1052 : i32
      %and3A_1054 = arith.andi %ne3A_1050, %ne3A_1053 : i1
      %sub3A_1055 = arith.constant 1 : i32
      %sub3A_1056 = arith.subi %div3A_1035, %sub3A_1055 : i32
      %select_n3A_1057 = arith.select %and3A_1054, %sub3A_1056, %div3A_1035 : i32
      %mul3A_1058 = arith.constant 16 : i32
      %mul3A_1059 = arith.muli %select_n3A_1057, %mul3A_1058 : i32
      %dma_start3A_1060 = arith.constant 3 : i32
      %dma_start3A_1061 = arith.constant 0 : i32
      %dma_start3A_1062 = arith.constant 48 : i32
      %dma_start3A_1063 = tpu.memref_slice %arg8[%dma_start3A_1061, %dma_start3A_1062] : memref<32x128xf32, #tpu.memory_space<vmem>> -> memref<32x16xf32, #tpu.memory_space<vmem>>
      %dma_start3A_1064 = arith.constant 0 : i32
      %dma_start3A_1065 = arith.constant 0 : i32
      %dma_start3A_1066 = arith.constant 0 : i32
      %dma_start3A_1067 = tpu.memref_slice %arg7[%arg1, %dma_start3A_1064, %dma_start3A_1065, %dma_start3A_1066] : memref<16x8x32x128xf32, #tpu.memory_space<vmem_shared>> -> memref<1x8x32x128xf32, #tpu.memory_space<vmem_shared>>
      %dma_start3A_1068 = tpu.memref_squeeze %dma_start3A_1067 : memref<1x8x32x128xf32, #tpu.memory_space<vmem_shared>> -> memref<8x32x128xf32, #tpu.memory_space<vmem_shared>>
      %dma_start3A_1069 = arith.constant 0 : i32
      %dma_start3A_1070 = tpu.memref_slice %dma_start3A_1068[%dma_start3A_1060, %dma_start3A_1069, %mul3A_1059] : memref<8x32x128xf32, #tpu.memory_space<vmem_shared>> -> memref<1x32x16xf32, #tpu.memory_space<vmem_shared>>
      %dma_start3A_1071 = tpu.memref_squeeze %dma_start3A_1070 : memref<1x32x16xf32, #tpu.memory_space<vmem_shared>> -> memref<32x16xf32, #tpu.memory_space<vmem_shared>>
      %dma_start3A_1072 = arith.constant 0 : i32
      %dma_start3A_1073 = arith.constant 48 : i32
      %dma_start3A_1074 = tpu.memref_slice %arg8[%dma_start3A_1072, %dma_start3A_1073] : memref<32x128xf32, #tpu.memory_space<vmem>> -> memref<32x16xf32, #tpu.memory_space<vmem>>
      %dma_start3A_1075 = arith.constant 0 : i32
      %dma_start3A_1076 = arith.constant 0 : i32
      %dma_start3A_1077 = arith.constant 0 : i32
      %dma_start3A_1078 = tpu.memref_slice %arg7[%arg1, %dma_start3A_1075, %dma_start3A_1076, %dma_start3A_1077] : memref<16x8x32x128xf32, #tpu.memory_space<vmem_shared>> -> memref<1x8x32x128xf32, #tpu.memory_space<vmem_shared>>
      %dma_start3A_1079 = tpu.memref_squeeze %dma_start3A_1078 : memref<1x8x32x128xf32, #tpu.memory_space<vmem_shared>> -> memref<8x32x128xf32, #tpu.memory_space<vmem_shared>>
      %dma_start3A_1080 = arith.constant 0 : i32
      %dma_start3A_1081 = tpu.memref_slice %dma_start3A_1079[%dma_start3A_1060, %dma_start3A_1080, %mul3A_1059] : memref<8x32x128xf32, #tpu.memory_space<vmem_shared>> -> memref<1x32x16xf32, #tpu.memory_space<vmem_shared>>
      %dma_start3A_1082 = tpu.memref_squeeze %dma_start3A_1081 : memref<1x32x16xf32, #tpu.memory_space<vmem_shared>> -> memref<32x16xf32, #tpu.memory_space<vmem_shared>>
      tpu.enqueue_dma source(%dma_start3A_1082 : memref<32x16xf32, #tpu.memory_space<vmem_shared>>) target(%dma_start3A_1074 : memref<32x16xf32, #tpu.memory_space<vmem>>) target_semaphore(%arg12 : memref<!tpu.dma_semaphore, #tpu.memory_space<semaphore_mem>>)
      %dma_wait3A_1083 = arith.constant 4 : i32
      %dma_wait3A_1084 = arith.constant 4 : i32
      %dma_wait3A_1085 = tpu.memref_slice %arg11[%dma_wait3A_1084] : memref<8x!tpu.dma_semaphore, #tpu.memory_space<semaphore_mem>> -> memref<1x!tpu.dma_semaphore, #tpu.memory_space<semaphore_mem>>
      %dma_wait3A_1086 = tpu.memref_squeeze %dma_wait3A_1085 : memref<1x!tpu.dma_semaphore, #tpu.memory_space<semaphore_mem>> -> memref<!tpu.dma_semaphore, #tpu.memory_space<semaphore_mem>>
      %dma_wait3A_1087 = arith.constant 0 : i32
      %dma_wait3A_1088 = arith.constant 0 : i32
      %dma_wait3A_1089 = arith.constant 0 : i32
      %dma_wait3A_1090 = tpu.memref_slice %arg7[%arg1, %dma_wait3A_1087, %dma_wait3A_1088, %dma_wait3A_1089] : memref<16x8x32x128xf32, #tpu.memory_space<vmem_shared>> -> memref<1x8x32x128xf32, #tpu.memory_space<vmem_shared>>
      %dma_wait3A_1091 = tpu.memref_squeeze %dma_wait3A_1090 : memref<1x8x32x128xf32, #tpu.memory_space<vmem_shared>> -> memref<8x32x128xf32, #tpu.memory_space<vmem_shared>>
      %dma_wait3A_1092 = arith.constant 0 : i32
      %dma_wait3A_1093 = arith.constant 0 : i32
      %dma_wait3A_1094 = tpu.memref_slice %dma_wait3A_1091[%dma_wait3A_1083, %dma_wait3A_1092, %dma_wait3A_1093] : memref<8x32x128xf32, #tpu.memory_space<vmem_shared>> -> memref<1x32x128xf32, #tpu.memory_space<vmem_shared>>
      %dma_wait3A_1095 = tpu.memref_squeeze %dma_wait3A_1094 : memref<1x32x128xf32, #tpu.memory_space<vmem_shared>> -> memref<32x128xf32, #tpu.memory_space<vmem_shared>>
      %dma_wait3A_1096 = arith.constant 0 : i32
      %dma_wait3A_1097 = arith.constant 0 : i32
      %dma_wait3A_1098 = tpu.memref_slice %arg3[%dma_wait3A_1096, %dma_wait3A_1097] : memref<32x1000000xf32, #tpu.memory_space<hbm>> -> memref<32x128xf32, #tpu.memory_space<hbm>>
      tpu.wait_dma2 semaphore(%dma_wait3A_1086 : memref<!tpu.dma_semaphore, #tpu.memory_space<semaphore_mem>>) src(%dma_wait3A_1098 : memref<32x128xf32, #tpu.memory_space<hbm>>) dst(%dma_wait3A_1095 : memref<32x128xf32, #tpu.memory_space<vmem_shared>>)
      %slice3A_1099 = vector.extract_strided_slice %get3A_700 {offsets = [12], sizes = [1], strides = [1]} : vector<16xi32> to vector<1xi32>
      %squeeze3A_1100 = vector.extract %slice3A_1099[0] : i32 from vector<1xi32>
      %jit3A_1101 = arith.constant 128 : i32
      %div3A_1102 = arith.divsi %squeeze3A_1100, %jit3A_1101 : i32
      %sign3A_1103 = arith.constant 0 : i32
      %sign3A_1104 = arith.cmpi sgt, %squeeze3A_1100, %sign3A_1103 : i32
      %sign3A_1105 = arith.extui %sign3A_1104 : i1 to i32
      %sign3A_1106 = arith.constant 0 : i32
      %sign3A_1107 = arith.cmpi slt, %squeeze3A_1100, %sign3A_1106 : i32
      %sign3A_1108 = arith.extui %sign3A_1107 : i1 to i32
      %sign3A_1109 = arith.subi %sign3A_1105, %sign3A_1108 : i32
      %sign3A_1110 = arith.constant 0 : i32
      %sign3A_1111 = arith.cmpi sgt, %jit3A_1101, %sign3A_1110 : i32
      %sign3A_1112 = arith.extui %sign3A_1111 : i1 to i32
      %sign3A_1113 = arith.constant 0 : i32
      %sign3A_1114 = arith.cmpi slt, %jit3A_1101, %sign3A_1113 : i32
      %sign3A_1115 = arith.extui %sign3A_1114 : i1 to i32
      %sign3A_1116 = arith.subi %sign3A_1112, %sign3A_1115 : i32
      %ne3A_1117 = arith.cmpi ne, %sign3A_1109, %sign3A_1116 : i32
      %rem3A_1118 = arith.remsi %squeeze3A_1100, %jit3A_1101 : i32
      %ne3A_1119 = arith.constant 0 : i32
      %ne3A_1120 = arith.cmpi ne, %rem3A_1118, %ne3A_1119 : i32
      %and3A_1121 = arith.andi %ne3A_1117, %ne3A_1120 : i1
      %sub3A_1122 = arith.constant 1 : i32
      %sub3A_1123 = arith.subi %div3A_1102, %sub3A_1122 : i32
      %select_n3A_1124 = arith.select %and3A_1121, %sub3A_1123, %div3A_1102 : i32
      %mul3A_1125 = arith.constant 128 : i32
      %mul3A_1126 = arith.muli %select_n3A_1124, %mul3A_1125 : i32
      %sub3A_1127 = arith.subi %squeeze3A_1100, %mul3A_1126 : i32
      %jit3A_1128 = arith.constant 16 : i32
      %div3A_1129 = arith.divsi %sub3A_1127, %jit3A_1128 : i32
      %sign3A_1130 = arith.constant 0 : i32
      %sign3A_1131 = arith.cmpi sgt, %sub3A_1127, %sign3A_1130 : i32
      %sign3A_1132 = arith.extui %sign3A_1131 : i1 to i32
      %sign3A_1133 = arith.constant 0 : i32
      %sign3A_1134 = arith.cmpi slt, %sub3A_1127, %sign3A_1133 : i32
      %sign3A_1135 = arith.extui %sign3A_1134 : i1 to i32
      %sign3A_1136 = arith.subi %sign3A_1132, %sign3A_1135 : i32
      %sign3A_1137 = arith.constant 0 : i32
      %sign3A_1138 = arith.cmpi sgt, %jit3A_1128, %sign3A_1137 : i32
      %sign3A_1139 = arith.extui %sign3A_1138 : i1 to i32
      %sign3A_1140 = arith.constant 0 : i32
      %sign3A_1141 = arith.cmpi slt, %jit3A_1128, %sign3A_1140 : i32
      %sign3A_1142 = arith.extui %sign3A_1141 : i1 to i32
      %sign3A_1143 = arith.subi %sign3A_1139, %sign3A_1142 : i32
      %ne3A_1144 = arith.cmpi ne, %sign3A_1136, %sign3A_1143 : i32
      %rem3A_1145 = arith.remsi %sub3A_1127, %jit3A_1128 : i32
      %ne3A_1146 = arith.constant 0 : i32
      %ne3A_1147 = arith.cmpi ne, %rem3A_1145, %ne3A_1146 : i32
      %and3A_1148 = arith.andi %ne3A_1144, %ne3A_1147 : i1
      %sub3A_1149 = arith.constant 1 : i32
      %sub3A_1150 = arith.subi %div3A_1129, %sub3A_1149 : i32
      %select_n3A_1151 = arith.select %and3A_1148, %sub3A_1150, %div3A_1129 : i32
      %mul3A_1152 = arith.constant 16 : i32
      %mul3A_1153 = arith.muli %select_n3A_1151, %mul3A_1152 : i32
      %dma_start3A_1154 = arith.constant 4 : i32
      %dma_start3A_1155 = arith.constant 0 : i32
      %dma_start3A_1156 = arith.constant 64 : i32
      %dma_start3A_1157 = tpu.memref_slice %arg8[%dma_start3A_1155, %dma_start3A_1156] : memref<32x128xf32, #tpu.memory_space<vmem>> -> memref<32x16xf32, #tpu.memory_space<vmem>>
      %dma_start3A_1158 = arith.constant 0 : i32
      %dma_start3A_1159 = arith.constant 0 : i32
      %dma_start3A_1160 = arith.constant 0 : i32
      %dma_start3A_1161 = tpu.memref_slice %arg7[%arg1, %dma_start3A_1158, %dma_start3A_1159, %dma_start3A_1160] : memref<16x8x32x128xf32, #tpu.memory_space<vmem_shared>> -> memref<1x8x32x128xf32, #tpu.memory_space<vmem_shared>>
      %dma_start3A_1162 = tpu.memref_squeeze %dma_start3A_1161 : memref<1x8x32x128xf32, #tpu.memory_space<vmem_shared>> -> memref<8x32x128xf32, #tpu.memory_space<vmem_shared>>
      %dma_start3A_1163 = arith.constant 0 : i32
      %dma_start3A_1164 = tpu.memref_slice %dma_start3A_1162[%dma_start3A_1154, %dma_start3A_1163, %mul3A_1153] : memref<8x32x128xf32, #tpu.memory_space<vmem_shared>> -> memref<1x32x16xf32, #tpu.memory_space<vmem_shared>>
      %dma_start3A_1165 = tpu.memref_squeeze %dma_start3A_1164 : memref<1x32x16xf32, #tpu.memory_space<vmem_shared>> -> memref<32x16xf32, #tpu.memory_space<vmem_shared>>
      %dma_start3A_1166 = arith.constant 0 : i32
      %dma_start3A_1167 = arith.constant 64 : i32
      %dma_start3A_1168 = tpu.memref_slice %arg8[%dma_start3A_1166, %dma_start3A_1167] : memref<32x128xf32, #tpu.memory_space<vmem>> -> memref<32x16xf32, #tpu.memory_space<vmem>>
      %dma_start3A_1169 = arith.constant 0 : i32
      %dma_start3A_1170 = arith.constant 0 : i32
      %dma_start3A_1171 = arith.constant 0 : i32
      %dma_start3A_1172 = tpu.memref_slice %arg7[%arg1, %dma_start3A_1169, %dma_start3A_1170, %dma_start3A_1171] : memref<16x8x32x128xf32, #tpu.memory_space<vmem_shared>> -> memref<1x8x32x128xf32, #tpu.memory_space<vmem_shared>>
      %dma_start3A_1173 = tpu.memref_squeeze %dma_start3A_1172 : memref<1x8x32x128xf32, #tpu.memory_space<vmem_shared>> -> memref<8x32x128xf32, #tpu.memory_space<vmem_shared>>
      %dma_start3A_1174 = arith.constant 0 : i32
      %dma_start3A_1175 = tpu.memref_slice %dma_start3A_1173[%dma_start3A_1154, %dma_start3A_1174, %mul3A_1153] : memref<8x32x128xf32, #tpu.memory_space<vmem_shared>> -> memref<1x32x16xf32, #tpu.memory_space<vmem_shared>>
      %dma_start3A_1176 = tpu.memref_squeeze %dma_start3A_1175 : memref<1x32x16xf32, #tpu.memory_space<vmem_shared>> -> memref<32x16xf32, #tpu.memory_space<vmem_shared>>
      tpu.enqueue_dma source(%dma_start3A_1176 : memref<32x16xf32, #tpu.memory_space<vmem_shared>>) target(%dma_start3A_1168 : memref<32x16xf32, #tpu.memory_space<vmem>>) target_semaphore(%arg12 : memref<!tpu.dma_semaphore, #tpu.memory_space<semaphore_mem>>)
      %dma_wait3A_1177 = arith.constant 5 : i32
      %dma_wait3A_1178 = arith.constant 5 : i32
      %dma_wait3A_1179 = tpu.memref_slice %arg11[%dma_wait3A_1178] : memref<8x!tpu.dma_semaphore, #tpu.memory_space<semaphore_mem>> -> memref<1x!tpu.dma_semaphore, #tpu.memory_space<semaphore_mem>>
      %dma_wait3A_1180 = tpu.memref_squeeze %dma_wait3A_1179 : memref<1x!tpu.dma_semaphore, #tpu.memory_space<semaphore_mem>> -> memref<!tpu.dma_semaphore, #tpu.memory_space<semaphore_mem>>
      %dma_wait3A_1181 = arith.constant 0 : i32
      %dma_wait3A_1182 = arith.constant 0 : i32
      %dma_wait3A_1183 = arith.constant 0 : i32
      %dma_wait3A_1184 = tpu.memref_slice %arg7[%arg1, %dma_wait3A_1181, %dma_wait3A_1182, %dma_wait3A_1183] : memref<16x8x32x128xf32, #tpu.memory_space<vmem_shared>> -> memref<1x8x32x128xf32, #tpu.memory_space<vmem_shared>>
      %dma_wait3A_1185 = tpu.memref_squeeze %dma_wait3A_1184 : memref<1x8x32x128xf32, #tpu.memory_space<vmem_shared>> -> memref<8x32x128xf32, #tpu.memory_space<vmem_shared>>
      %dma_wait3A_1186 = arith.constant 0 : i32
      %dma_wait3A_1187 = arith.constant 0 : i32
      %dma_wait3A_1188 = tpu.memref_slice %dma_wait3A_1185[%dma_wait3A_1177, %dma_wait3A_1186, %dma_wait3A_1187] : memref<8x32x128xf32, #tpu.memory_space<vmem_shared>> -> memref<1x32x128xf32, #tpu.memory_space<vmem_shared>>
      %dma_wait3A_1189 = tpu.memref_squeeze %dma_wait3A_1188 : memref<1x32x128xf32, #tpu.memory_space<vmem_shared>> -> memref<32x128xf32, #tpu.memory_space<vmem_shared>>
      %dma_wait3A_1190 = arith.constant 0 : i32
      %dma_wait3A_1191 = arith.constant 0 : i32
      %dma_wait3A_1192 = tpu.memref_slice %arg3[%dma_wait3A_1190, %dma_wait3A_1191] : memref<32x1000000xf32, #tpu.memory_space<hbm>> -> memref<32x128xf32, #tpu.memory_space<hbm>>
      tpu.wait_dma2 semaphore(%dma_wait3A_1180 : memref<!tpu.dma_semaphore, #tpu.memory_space<semaphore_mem>>) src(%dma_wait3A_1192 : memref<32x128xf32, #tpu.memory_space<hbm>>) dst(%dma_wait3A_1189 : memref<32x128xf32, #tpu.memory_space<vmem_shared>>)
      %slice3A_1193 = vector.extract_strided_slice %get3A_700 {offsets = [13], sizes = [1], strides = [1]} : vector<16xi32> to vector<1xi32>
      %squeeze3A_1194 = vector.extract %slice3A_1193[0] : i32 from vector<1xi32>
      %jit3A_1195 = arith.constant 128 : i32
      %div3A_1196 = arith.divsi %squeeze3A_1194, %jit3A_1195 : i32
      %sign3A_1197 = arith.constant 0 : i32
      %sign3A_1198 = arith.cmpi sgt, %squeeze3A_1194, %sign3A_1197 : i32
      %sign3A_1199 = arith.extui %sign3A_1198 : i1 to i32
      %sign3A_1200 = arith.constant 0 : i32
      %sign3A_1201 = arith.cmpi slt, %squeeze3A_1194, %sign3A_1200 : i32
      %sign3A_1202 = arith.extui %sign3A_1201 : i1 to i32
      %sign3A_1203 = arith.subi %sign3A_1199, %sign3A_1202 : i32
      %sign3A_1204 = arith.constant 0 : i32
      %sign3A_1205 = arith.cmpi sgt, %jit3A_1195, %sign3A_1204 : i32
      %sign3A_1206 = arith.extui %sign3A_1205 : i1 to i32
      %sign3A_1207 = arith.constant 0 : i32
      %sign3A_1208 = arith.cmpi slt, %jit3A_1195, %sign3A_1207 : i32
      %sign3A_1209 = arith.extui %sign3A_1208 : i1 to i32
      %sign3A_1210 = arith.subi %sign3A_1206, %sign3A_1209 : i32
      %ne3A_1211 = arith.cmpi ne, %sign3A_1203, %sign3A_1210 : i32
      %rem3A_1212 = arith.remsi %squeeze3A_1194, %jit3A_1195 : i32
      %ne3A_1213 = arith.constant 0 : i32
      %ne3A_1214 = arith.cmpi ne, %rem3A_1212, %ne3A_1213 : i32
      %and3A_1215 = arith.andi %ne3A_1211, %ne3A_1214 : i1
      %sub3A_1216 = arith.constant 1 : i32
      %sub3A_1217 = arith.subi %div3A_1196, %sub3A_1216 : i32
      %select_n3A_1218 = arith.select %and3A_1215, %sub3A_1217, %div3A_1196 : i32
      %mul3A_1219 = arith.constant 128 : i32
      %mul3A_1220 = arith.muli %select_n3A_1218, %mul3A_1219 : i32
      %sub3A_1221 = arith.subi %squeeze3A_1194, %mul3A_1220 : i32
      %jit3A_1222 = arith.constant 16 : i32
      %div3A_1223 = arith.divsi %sub3A_1221, %jit3A_1222 : i32
      %sign3A_1224 = arith.constant 0 : i32
      %sign3A_1225 = arith.cmpi sgt, %sub3A_1221, %sign3A_1224 : i32
      %sign3A_1226 = arith.extui %sign3A_1225 : i1 to i32
      %sign3A_1227 = arith.constant 0 : i32
      %sign3A_1228 = arith.cmpi slt, %sub3A_1221, %sign3A_1227 : i32
      %sign3A_1229 = arith.extui %sign3A_1228 : i1 to i32
      %sign3A_1230 = arith.subi %sign3A_1226, %sign3A_1229 : i32
      %sign3A_1231 = arith.constant 0 : i32
      %sign3A_1232 = arith.cmpi sgt, %jit3A_1222, %sign3A_1231 : i32
      %sign3A_1233 = arith.extui %sign3A_1232 : i1 to i32
      %sign3A_1234 = arith.constant 0 : i32
      %sign3A_1235 = arith.cmpi slt, %jit3A_1222, %sign3A_1234 : i32
      %sign3A_1236 = arith.extui %sign3A_1235 : i1 to i32
      %sign3A_1237 = arith.subi %sign3A_1233, %sign3A_1236 : i32
      %ne3A_1238 = arith.cmpi ne, %sign3A_1230, %sign3A_1237 : i32
      %rem3A_1239 = arith.remsi %sub3A_1221, %jit3A_1222 : i32
      %ne3A_1240 = arith.constant 0 : i32
      %ne3A_1241 = arith.cmpi ne, %rem3A_1239, %ne3A_1240 : i32
      %and3A_1242 = arith.andi %ne3A_1238, %ne3A_1241 : i1
      %sub3A_1243 = arith.constant 1 : i32
      %sub3A_1244 = arith.subi %div3A_1223, %sub3A_1243 : i32
      %select_n3A_1245 = arith.select %and3A_1242, %sub3A_1244, %div3A_1223 : i32
      %mul3A_1246 = arith.constant 16 : i32
      %mul3A_1247 = arith.muli %select_n3A_1245, %mul3A_1246 : i32
      %dma_start3A_1248 = arith.constant 5 : i32
      %dma_start3A_1249 = arith.constant 0 : i32
      %dma_start3A_1250 = arith.constant 80 : i32
      %dma_start3A_1251 = tpu.memref_slice %arg8[%dma_start3A_1249, %dma_start3A_1250] : memref<32x128xf32, #tpu.memory_space<vmem>> -> memref<32x16xf32, #tpu.memory_space<vmem>>
      %dma_start3A_1252 = arith.constant 0 : i32
      %dma_start3A_1253 = arith.constant 0 : i32
      %dma_start3A_1254 = arith.constant 0 : i32
      %dma_start3A_1255 = tpu.memref_slice %arg7[%arg1, %dma_start3A_1252, %dma_start3A_1253, %dma_start3A_1254] : memref<16x8x32x128xf32, #tpu.memory_space<vmem_shared>> -> memref<1x8x32x128xf32, #tpu.memory_space<vmem_shared>>
      %dma_start3A_1256 = tpu.memref_squeeze %dma_start3A_1255 : memref<1x8x32x128xf32, #tpu.memory_space<vmem_shared>> -> memref<8x32x128xf32, #tpu.memory_space<vmem_shared>>
      %dma_start3A_1257 = arith.constant 0 : i32
      %dma_start3A_1258 = tpu.memref_slice %dma_start3A_1256[%dma_start3A_1248, %dma_start3A_1257, %mul3A_1247] : memref<8x32x128xf32, #tpu.memory_space<vmem_shared>> -> memref<1x32x16xf32, #tpu.memory_space<vmem_shared>>
      %dma_start3A_1259 = tpu.memref_squeeze %dma_start3A_1258 : memref<1x32x16xf32, #tpu.memory_space<vmem_shared>> -> memref<32x16xf32, #tpu.memory_space<vmem_shared>>
      %dma_start3A_1260 = arith.constant 0 : i32
      %dma_start3A_1261 = arith.constant 80 : i32
      %dma_start3A_1262 = tpu.memref_slice %arg8[%dma_start3A_1260, %dma_start3A_1261] : memref<32x128xf32, #tpu.memory_space<vmem>> -> memref<32x16xf32, #tpu.memory_space<vmem>>
      %dma_start3A_1263 = arith.constant 0 : i32
      %dma_start3A_1264 = arith.constant 0 : i32
      %dma_start3A_1265 = arith.constant 0 : i32
      %dma_start3A_1266 = tpu.memref_slice %arg7[%arg1, %dma_start3A_1263, %dma_start3A_1264, %dma_start3A_1265] : memref<16x8x32x128xf32, #tpu.memory_space<vmem_shared>> -> memref<1x8x32x128xf32, #tpu.memory_space<vmem_shared>>
      %dma_start3A_1267 = tpu.memref_squeeze %dma_start3A_1266 : memref<1x8x32x128xf32, #tpu.memory_space<vmem_shared>> -> memref<8x32x128xf32, #tpu.memory_space<vmem_shared>>
      %dma_start3A_1268 = arith.constant 0 : i32
      %dma_start3A_1269 = tpu.memref_slice %dma_start3A_1267[%dma_start3A_1248, %dma_start3A_1268, %mul3A_1247] : memref<8x32x128xf32, #tpu.memory_space<vmem_shared>> -> memref<1x32x16xf32, #tpu.memory_space<vmem_shared>>
      %dma_start3A_1270 = tpu.memref_squeeze %dma_start3A_1269 : memref<1x32x16xf32, #tpu.memory_space<vmem_shared>> -> memref<32x16xf32, #tpu.memory_space<vmem_shared>>
      tpu.enqueue_dma source(%dma_start3A_1270 : memref<32x16xf32, #tpu.memory_space<vmem_shared>>) target(%dma_start3A_1262 : memref<32x16xf32, #tpu.memory_space<vmem>>) target_semaphore(%arg12 : memref<!tpu.dma_semaphore, #tpu.memory_space<semaphore_mem>>)
      %dma_wait3A_1271 = arith.constant 6 : i32
      %dma_wait3A_1272 = arith.constant 6 : i32
      %dma_wait3A_1273 = tpu.memref_slice %arg11[%dma_wait3A_1272] : memref<8x!tpu.dma_semaphore, #tpu.memory_space<semaphore_mem>> -> memref<1x!tpu.dma_semaphore, #tpu.memory_space<semaphore_mem>>
      %dma_wait3A_1274 = tpu.memref_squeeze %dma_wait3A_1273 : memref<1x!tpu.dma_semaphore, #tpu.memory_space<semaphore_mem>> -> memref<!tpu.dma_semaphore, #tpu.memory_space<semaphore_mem>>
      %dma_wait3A_1275 = arith.constant 0 : i32
      %dma_wait3A_1276 = arith.constant 0 : i32
      %dma_wait3A_1277 = arith.constant 0 : i32
      %dma_wait3A_1278 = tpu.memref_slice %arg7[%arg1, %dma_wait3A_1275, %dma_wait3A_1276, %dma_wait3A_1277] : memref<16x8x32x128xf32, #tpu.memory_space<vmem_shared>> -> memref<1x8x32x128xf32, #tpu.memory_space<vmem_shared>>
      %dma_wait3A_1279 = tpu.memref_squeeze %dma_wait3A_1278 : memref<1x8x32x128xf32, #tpu.memory_space<vmem_shared>> -> memref<8x32x128xf32, #tpu.memory_space<vmem_shared>>
      %dma_wait3A_1280 = arith.constant 0 : i32
      %dma_wait3A_1281 = arith.constant 0 : i32
      %dma_wait3A_1282 = tpu.memref_slice %dma_wait3A_1279[%dma_wait3A_1271, %dma_wait3A_1280, %dma_wait3A_1281] : memref<8x32x128xf32, #tpu.memory_space<vmem_shared>> -> memref<1x32x128xf32, #tpu.memory_space<vmem_shared>>
      %dma_wait3A_1283 = tpu.memref_squeeze %dma_wait3A_1282 : memref<1x32x128xf32, #tpu.memory_space<vmem_shared>> -> memref<32x128xf32, #tpu.memory_space<vmem_shared>>
      %dma_wait3A_1284 = arith.constant 0 : i32
      %dma_wait3A_1285 = arith.constant 0 : i32
      %dma_wait3A_1286 = tpu.memref_slice %arg3[%dma_wait3A_1284, %dma_wait3A_1285] : memref<32x1000000xf32, #tpu.memory_space<hbm>> -> memref<32x128xf32, #tpu.memory_space<hbm>>
      tpu.wait_dma2 semaphore(%dma_wait3A_1274 : memref<!tpu.dma_semaphore, #tpu.memory_space<semaphore_mem>>) src(%dma_wait3A_1286 : memref<32x128xf32, #tpu.memory_space<hbm>>) dst(%dma_wait3A_1283 : memref<32x128xf32, #tpu.memory_space<vmem_shared>>)
      %slice3A_1287 = vector.extract_strided_slice %get3A_700 {offsets = [14], sizes = [1], strides = [1]} : vector<16xi32> to vector<1xi32>
      %squeeze3A_1288 = vector.extract %slice3A_1287[0] : i32 from vector<1xi32>
      %jit3A_1289 = arith.constant 128 : i32
      %div3A_1290 = arith.divsi %squeeze3A_1288, %jit3A_1289 : i32
      %sign3A_1291 = arith.constant 0 : i32
      %sign3A_1292 = arith.cmpi sgt, %squeeze3A_1288, %sign3A_1291 : i32
      %sign3A_1293 = arith.extui %sign3A_1292 : i1 to i32
      %sign3A_1294 = arith.constant 0 : i32
      %sign3A_1295 = arith.cmpi slt, %squeeze3A_1288, %sign3A_1294 : i32
      %sign3A_1296 = arith.extui %sign3A_1295 : i1 to i32
      %sign3A_1297 = arith.subi %sign3A_1293, %sign3A_1296 : i32
      %sign3A_1298 = arith.constant 0 : i32
      %sign3A_1299 = arith.cmpi sgt, %jit3A_1289, %sign3A_1298 : i32
      %sign3A_1300 = arith.extui %sign3A_1299 : i1 to i32
      %sign3A_1301 = arith.constant 0 : i32
      %sign3A_1302 = arith.cmpi slt, %jit3A_1289, %sign3A_1301 : i32
      %sign3A_1303 = arith.extui %sign3A_1302 : i1 to i32
      %sign3A_1304 = arith.subi %sign3A_1300, %sign3A_1303 : i32
      %ne3A_1305 = arith.cmpi ne, %sign3A_1297, %sign3A_1304 : i32
      %rem3A_1306 = arith.remsi %squeeze3A_1288, %jit3A_1289 : i32
      %ne3A_1307 = arith.constant 0 : i32
      %ne3A_1308 = arith.cmpi ne, %rem3A_1306, %ne3A_1307 : i32
      %and3A_1309 = arith.andi %ne3A_1305, %ne3A_1308 : i1
      %sub3A_1310 = arith.constant 1 : i32
      %sub3A_1311 = arith.subi %div3A_1290, %sub3A_1310 : i32
      %select_n3A_1312 = arith.select %and3A_1309, %sub3A_1311, %div3A_1290 : i32
      %mul3A_1313 = arith.constant 128 : i32
      %mul3A_1314 = arith.muli %select_n3A_1312, %mul3A_1313 : i32
      %sub3A_1315 = arith.subi %squeeze3A_1288, %mul3A_1314 : i32
      %jit3A_1316 = arith.constant 16 : i32
      %div3A_1317 = arith.divsi %sub3A_1315, %jit3A_1316 : i32
      %sign3A_1318 = arith.constant 0 : i32
      %sign3A_1319 = arith.cmpi sgt, %sub3A_1315, %sign3A_1318 : i32
      %sign3A_1320 = arith.extui %sign3A_1319 : i1 to i32
      %sign3A_1321 = arith.constant 0 : i32
      %sign3A_1322 = arith.cmpi slt, %sub3A_1315, %sign3A_1321 : i32
      %sign3A_1323 = arith.extui %sign3A_1322 : i1 to i32
      %sign3A_1324 = arith.subi %sign3A_1320, %sign3A_1323 : i32
      %sign3A_1325 = arith.constant 0 : i32
      %sign3A_1326 = arith.cmpi sgt, %jit3A_1316, %sign3A_1325 : i32
      %sign3A_1327 = arith.extui %sign3A_1326 : i1 to i32
      %sign3A_1328 = arith.constant 0 : i32
      %sign3A_1329 = arith.cmpi slt, %jit3A_1316, %sign3A_1328 : i32
      %sign3A_1330 = arith.extui %sign3A_1329 : i1 to i32
      %sign3A_1331 = arith.subi %sign3A_1327, %sign3A_1330 : i32
      %ne3A_1332 = arith.cmpi ne, %sign3A_1324, %sign3A_1331 : i32
      %rem3A_1333 = arith.remsi %sub3A_1315, %jit3A_1316 : i32
      %ne3A_1334 = arith.constant 0 : i32
      %ne3A_1335 = arith.cmpi ne, %rem3A_1333, %ne3A_1334 : i32
      %and3A_1336 = arith.andi %ne3A_1332, %ne3A_1335 : i1
      %sub3A_1337 = arith.constant 1 : i32
      %sub3A_1338 = arith.subi %div3A_1317, %sub3A_1337 : i32
      %select_n3A_1339 = arith.select %and3A_1336, %sub3A_1338, %div3A_1317 : i32
      %mul3A_1340 = arith.constant 16 : i32
      %mul3A_1341 = arith.muli %select_n3A_1339, %mul3A_1340 : i32
      %dma_start3A_1342 = arith.constant 6 : i32
      %dma_start3A_1343 = arith.constant 0 : i32
      %dma_start3A_1344 = arith.constant 96 : i32
      %dma_start3A_1345 = tpu.memref_slice %arg8[%dma_start3A_1343, %dma_start3A_1344] : memref<32x128xf32, #tpu.memory_space<vmem>> -> memref<32x16xf32, #tpu.memory_space<vmem>>
      %dma_start3A_1346 = arith.constant 0 : i32
      %dma_start3A_1347 = arith.constant 0 : i32
      %dma_start3A_1348 = arith.constant 0 : i32
      %dma_start3A_1349 = tpu.memref_slice %arg7[%arg1, %dma_start3A_1346, %dma_start3A_1347, %dma_start3A_1348] : memref<16x8x32x128xf32, #tpu.memory_space<vmem_shared>> -> memref<1x8x32x128xf32, #tpu.memory_space<vmem_shared>>
      %dma_start3A_1350 = tpu.memref_squeeze %dma_start3A_1349 : memref<1x8x32x128xf32, #tpu.memory_space<vmem_shared>> -> memref<8x32x128xf32, #tpu.memory_space<vmem_shared>>
      %dma_start3A_1351 = arith.constant 0 : i32
      %dma_start3A_1352 = tpu.memref_slice %dma_start3A_1350[%dma_start3A_1342, %dma_start3A_1351, %mul3A_1341] : memref<8x32x128xf32, #tpu.memory_space<vmem_shared>> -> memref<1x32x16xf32, #tpu.memory_space<vmem_shared>>
      %dma_start3A_1353 = tpu.memref_squeeze %dma_start3A_1352 : memref<1x32x16xf32, #tpu.memory_space<vmem_shared>> -> memref<32x16xf32, #tpu.memory_space<vmem_shared>>
      %dma_start3A_1354 = arith.constant 0 : i32
      %dma_start3A_1355 = arith.constant 96 : i32
      %dma_start3A_1356 = tpu.memref_slice %arg8[%dma_start3A_1354, %dma_start3A_1355] : memref<32x128xf32, #tpu.memory_space<vmem>> -> memref<32x16xf32, #tpu.memory_space<vmem>>
      %dma_start3A_1357 = arith.constant 0 : i32
      %dma_start3A_1358 = arith.constant 0 : i32
      %dma_start3A_1359 = arith.constant 0 : i32
      %dma_start3A_1360 = tpu.memref_slice %arg7[%arg1, %dma_start3A_1357, %dma_start3A_1358, %dma_start3A_1359] : memref<16x8x32x128xf32, #tpu.memory_space<vmem_shared>> -> memref<1x8x32x128xf32, #tpu.memory_space<vmem_shared>>
      %dma_start3A_1361 = tpu.memref_squeeze %dma_start3A_1360 : memref<1x8x32x128xf32, #tpu.memory_space<vmem_shared>> -> memref<8x32x128xf32, #tpu.memory_space<vmem_shared>>
      %dma_start3A_1362 = arith.constant 0 : i32
      %dma_start3A_1363 = tpu.memref_slice %dma_start3A_1361[%dma_start3A_1342, %dma_start3A_1362, %mul3A_1341] : memref<8x32x128xf32, #tpu.memory_space<vmem_shared>> -> memref<1x32x16xf32, #tpu.memory_space<vmem_shared>>
      %dma_start3A_1364 = tpu.memref_squeeze %dma_start3A_1363 : memref<1x32x16xf32, #tpu.memory_space<vmem_shared>> -> memref<32x16xf32, #tpu.memory_space<vmem_shared>>
      tpu.enqueue_dma source(%dma_start3A_1364 : memref<32x16xf32, #tpu.memory_space<vmem_shared>>) target(%dma_start3A_1356 : memref<32x16xf32, #tpu.memory_space<vmem>>) target_semaphore(%arg12 : memref<!tpu.dma_semaphore, #tpu.memory_space<semaphore_mem>>)
      %dma_wait3A_1365 = arith.constant 7 : i32
      %dma_wait3A_1366 = arith.constant 7 : i32
      %dma_wait3A_1367 = tpu.memref_slice %arg11[%dma_wait3A_1366] : memref<8x!tpu.dma_semaphore, #tpu.memory_space<semaphore_mem>> -> memref<1x!tpu.dma_semaphore, #tpu.memory_space<semaphore_mem>>
      %dma_wait3A_1368 = tpu.memref_squeeze %dma_wait3A_1367 : memref<1x!tpu.dma_semaphore, #tpu.memory_space<semaphore_mem>> -> memref<!tpu.dma_semaphore, #tpu.memory_space<semaphore_mem>>
      %dma_wait3A_1369 = arith.constant 0 : i32
      %dma_wait3A_1370 = arith.constant 0 : i32
      %dma_wait3A_1371 = arith.constant 0 : i32
      %dma_wait3A_1372 = tpu.memref_slice %arg7[%arg1, %dma_wait3A_1369, %dma_wait3A_1370, %dma_wait3A_1371] : memref<16x8x32x128xf32, #tpu.memory_space<vmem_shared>> -> memref<1x8x32x128xf32, #tpu.memory_space<vmem_shared>>
      %dma_wait3A_1373 = tpu.memref_squeeze %dma_wait3A_1372 : memref<1x8x32x128xf32, #tpu.memory_space<vmem_shared>> -> memref<8x32x128xf32, #tpu.memory_space<vmem_shared>>
      %dma_wait3A_1374 = arith.constant 0 : i32
      %dma_wait3A_1375 = arith.constant 0 : i32
      %dma_wait3A_1376 = tpu.memref_slice %dma_wait3A_1373[%dma_wait3A_1365, %dma_wait3A_1374, %dma_wait3A_1375] : memref<8x32x128xf32, #tpu.memory_space<vmem_shared>> -> memref<1x32x128xf32, #tpu.memory_space<vmem_shared>>
      %dma_wait3A_1377 = tpu.memref_squeeze %dma_wait3A_1376 : memref<1x32x128xf32, #tpu.memory_space<vmem_shared>> -> memref<32x128xf32, #tpu.memory_space<vmem_shared>>
      %dma_wait3A_1378 = arith.constant 0 : i32
      %dma_wait3A_1379 = arith.constant 0 : i32
      %dma_wait3A_1380 = tpu.memref_slice %arg3[%dma_wait3A_1378, %dma_wait3A_1379] : memref<32x1000000xf32, #tpu.memory_space<hbm>> -> memref<32x128xf32, #tpu.memory_space<hbm>>
      tpu.wait_dma2 semaphore(%dma_wait3A_1368 : memref<!tpu.dma_semaphore, #tpu.memory_space<semaphore_mem>>) src(%dma_wait3A_1380 : memref<32x128xf32, #tpu.memory_space<hbm>>) dst(%dma_wait3A_1377 : memref<32x128xf32, #tpu.memory_space<vmem_shared>>)
      %slice3A_1381 = vector.extract_strided_slice %get3A_700 {offsets = [15], sizes = [1], strides = [1]} : vector<16xi32> to vector<1xi32>
      %squeeze3A_1382 = vector.extract %slice3A_1381[0] : i32 from vector<1xi32>
      %jit3A_1383 = arith.constant 128 : i32
      %div3A_1384 = arith.divsi %squeeze3A_1382, %jit3A_1383 : i32
      %sign3A_1385 = arith.constant 0 : i32
      %sign3A_1386 = arith.cmpi sgt, %squeeze3A_1382, %sign3A_1385 : i32
      %sign3A_1387 = arith.extui %sign3A_1386 : i1 to i32
      %sign3A_1388 = arith.constant 0 : i32
      %sign3A_1389 = arith.cmpi slt, %squeeze3A_1382, %sign3A_1388 : i32
      %sign3A_1390 = arith.extui %sign3A_1389 : i1 to i32
      %sign3A_1391 = arith.subi %sign3A_1387, %sign3A_1390 : i32
      %sign3A_1392 = arith.constant 0 : i32
      %sign3A_1393 = arith.cmpi sgt, %jit3A_1383, %sign3A_1392 : i32
      %sign3A_1394 = arith.extui %sign3A_1393 : i1 to i32
      %sign3A_1395 = arith.constant 0 : i32
      %sign3A_1396 = arith.cmpi slt, %jit3A_1383, %sign3A_1395 : i32
      %sign3A_1397 = arith.extui %sign3A_1396 : i1 to i32
      %sign3A_1398 = arith.subi %sign3A_1394, %sign3A_1397 : i32
      %ne3A_1399 = arith.cmpi ne, %sign3A_1391, %sign3A_1398 : i32
      %rem3A_1400 = arith.remsi %squeeze3A_1382, %jit3A_1383 : i32
      %ne3A_1401 = arith.constant 0 : i32
      %ne3A_1402 = arith.cmpi ne, %rem3A_1400, %ne3A_1401 : i32
      %and3A_1403 = arith.andi %ne3A_1399, %ne3A_1402 : i1
      %sub3A_1404 = arith.constant 1 : i32
      %sub3A_1405 = arith.subi %div3A_1384, %sub3A_1404 : i32
      %select_n3A_1406 = arith.select %and3A_1403, %sub3A_1405, %div3A_1384 : i32
      %mul3A_1407 = arith.constant 128 : i32
      %mul3A_1408 = arith.muli %select_n3A_1406, %mul3A_1407 : i32
      %sub3A_1409 = arith.subi %squeeze3A_1382, %mul3A_1408 : i32
      %jit3A_1410 = arith.constant 16 : i32
      %div3A_1411 = arith.divsi %sub3A_1409, %jit3A_1410 : i32
      %sign3A_1412 = arith.constant 0 : i32
      %sign3A_1413 = arith.cmpi sgt, %sub3A_1409, %sign3A_1412 : i32
      %sign3A_1414 = arith.extui %sign3A_1413 : i1 to i32
      %sign3A_1415 = arith.constant 0 : i32
      %sign3A_1416 = arith.cmpi slt, %sub3A_1409, %sign3A_1415 : i32
      %sign3A_1417 = arith.extui %sign3A_1416 : i1 to i32
      %sign3A_1418 = arith.subi %sign3A_1414, %sign3A_1417 : i32
      %sign3A_1419 = arith.constant 0 : i32
      %sign3A_1420 = arith.cmpi sgt, %jit3A_1410, %sign3A_1419 : i32
      %sign3A_1421 = arith.extui %sign3A_1420 : i1 to i32
      %sign3A_1422 = arith.constant 0 : i32
      %sign3A_1423 = arith.cmpi slt, %jit3A_1410, %sign3A_1422 : i32
      %sign3A_1424 = arith.extui %sign3A_1423 : i1 to i32
      %sign3A_1425 = arith.subi %sign3A_1421, %sign3A_1424 : i32
      %ne3A_1426 = arith.cmpi ne, %sign3A_1418, %sign3A_1425 : i32
      %rem3A_1427 = arith.remsi %sub3A_1409, %jit3A_1410 : i32
      %ne3A_1428 = arith.constant 0 : i32
      %ne3A_1429 = arith.cmpi ne, %rem3A_1427, %ne3A_1428 : i32
      %and3A_1430 = arith.andi %ne3A_1426, %ne3A_1429 : i1
      %sub3A_1431 = arith.constant 1 : i32
      %sub3A_1432 = arith.subi %div3A_1411, %sub3A_1431 : i32
      %select_n3A_1433 = arith.select %and3A_1430, %sub3A_1432, %div3A_1411 : i32
      %mul3A_1434 = arith.constant 16 : i32
      %mul3A_1435 = arith.muli %select_n3A_1433, %mul3A_1434 : i32
      %dma_start3A_1436 = arith.constant 7 : i32
      %dma_start3A_1437 = arith.constant 0 : i32
      %dma_start3A_1438 = arith.constant 112 : i32
      %dma_start3A_1439 = tpu.memref_slice %arg8[%dma_start3A_1437, %dma_start3A_1438] : memref<32x128xf32, #tpu.memory_space<vmem>> -> memref<32x16xf32, #tpu.memory_space<vmem>>
      %dma_start3A_1440 = arith.constant 0 : i32
      %dma_start3A_1441 = arith.constant 0 : i32
      %dma_start3A_1442 = arith.constant 0 : i32
      %dma_start3A_1443 = tpu.memref_slice %arg7[%arg1, %dma_start3A_1440, %dma_start3A_1441, %dma_start3A_1442] : memref<16x8x32x128xf32, #tpu.memory_space<vmem_shared>> -> memref<1x8x32x128xf32, #tpu.memory_space<vmem_shared>>
      %dma_start3A_1444 = tpu.memref_squeeze %dma_start3A_1443 : memref<1x8x32x128xf32, #tpu.memory_space<vmem_shared>> -> memref<8x32x128xf32, #tpu.memory_space<vmem_shared>>
      %dma_start3A_1445 = arith.constant 0 : i32
      %dma_start3A_1446 = tpu.memref_slice %dma_start3A_1444[%dma_start3A_1436, %dma_start3A_1445, %mul3A_1435] : memref<8x32x128xf32, #tpu.memory_space<vmem_shared>> -> memref<1x32x16xf32, #tpu.memory_space<vmem_shared>>
      %dma_start3A_1447 = tpu.memref_squeeze %dma_start3A_1446 : memref<1x32x16xf32, #tpu.memory_space<vmem_shared>> -> memref<32x16xf32, #tpu.memory_space<vmem_shared>>
      %dma_start3A_1448 = arith.constant 0 : i32
      %dma_start3A_1449 = arith.constant 112 : i32
      %dma_start3A_1450 = tpu.memref_slice %arg8[%dma_start3A_1448, %dma_start3A_1449] : memref<32x128xf32, #tpu.memory_space<vmem>> -> memref<32x16xf32, #tpu.memory_space<vmem>>
      %dma_start3A_1451 = arith.constant 0 : i32
      %dma_start3A_1452 = arith.constant 0 : i32
      %dma_start3A_1453 = arith.constant 0 : i32
      %dma_start3A_1454 = tpu.memref_slice %arg7[%arg1, %dma_start3A_1451, %dma_start3A_1452, %dma_start3A_1453] : memref<16x8x32x128xf32, #tpu.memory_space<vmem_shared>> -> memref<1x8x32x128xf32, #tpu.memory_space<vmem_shared>>
      %dma_start3A_1455 = tpu.memref_squeeze %dma_start3A_1454 : memref<1x8x32x128xf32, #tpu.memory_space<vmem_shared>> -> memref<8x32x128xf32, #tpu.memory_space<vmem_shared>>
      %dma_start3A_1456 = arith.constant 0 : i32
      %dma_start3A_1457 = tpu.memref_slice %dma_start3A_1455[%dma_start3A_1436, %dma_start3A_1456, %mul3A_1435] : memref<8x32x128xf32, #tpu.memory_space<vmem_shared>> -> memref<1x32x16xf32, #tpu.memory_space<vmem_shared>>
      %dma_start3A_1458 = tpu.memref_squeeze %dma_start3A_1457 : memref<1x32x16xf32, #tpu.memory_space<vmem_shared>> -> memref<32x16xf32, #tpu.memory_space<vmem_shared>>
      tpu.enqueue_dma source(%dma_start3A_1458 : memref<32x16xf32, #tpu.memory_space<vmem_shared>>) target(%dma_start3A_1450 : memref<32x16xf32, #tpu.memory_space<vmem>>) target_semaphore(%arg12 : memref<!tpu.dma_semaphore, #tpu.memory_space<semaphore_mem>>)
      %mul3A_1459 = arith.constant 16 : i32
      %mul3A_1460 = arith.muli %scan3A_696, %mul3A_1459 : i32
      %add3A_1461 = arith.constant 0 : i32
      %add3A_1462 = arith.addi %mul3A_1460, %add3A_1461 : i32
      %dma_wait3A_1463 = arith.constant 0 : i32
      %dma_wait3A_1464 = arith.constant 0 : i32
      %dma_wait3A_1465 = arith.constant 0 : i32
      %dma_wait3A_1466 = arith.constant 0 : i32
      %dma_wait3A_1467 = tpu.memref_slice %arg6[%dma_wait3A_1463, %dma_wait3A_1465, %dma_wait3A_1466] : memref<8x32x128xf32, #tpu.memory_space<vmem>> -> memref<1x32x128xf32, #tpu.memory_space<vmem>>
      %dma_wait3A_1468 = tpu.memref_squeeze %dma_wait3A_1467 : memref<1x32x128xf32, #tpu.memory_space<vmem>> -> memref<32x128xf32, #tpu.memory_space<vmem>>
      %dma_wait3A_1469 = arith.constant 0 : i32
      %dma_wait3A_1470 = arith.constant 0 : i32
      %dma_wait3A_1471 = tpu.memref_slice %arg3[%dma_wait3A_1469, %dma_wait3A_1470] : memref<32x1000000xf32, #tpu.memory_space<hbm>> -> memref<32x128xf32, #tpu.memory_space<hbm>>
      %dma_wait3A_1472 = tpu.memref_slice %arg10[%dma_wait3A_1464] : memref<8x!tpu.dma_semaphore, #tpu.memory_space<semaphore_mem>> -> memref<1x!tpu.dma_semaphore, #tpu.memory_space<semaphore_mem>>
      %dma_wait3A_1473 = tpu.memref_squeeze %dma_wait3A_1472 : memref<1x!tpu.dma_semaphore, #tpu.memory_space<semaphore_mem>> -> memref<!tpu.dma_semaphore, #tpu.memory_space<semaphore_mem>>
      %dma_wait3A_1474 = arith.constant 0 : i32
      %dma_wait3A_1475 = arith.constant 0 : i32
      %dma_wait3A_1476 = tpu.memref_slice %arg6[%dma_wait3A_1463, %dma_wait3A_1474, %dma_wait3A_1475] : memref<8x32x128xf32, #tpu.memory_space<vmem>> -> memref<1x32x128xf32, #tpu.memory_space<vmem>>
      %dma_wait3A_1477 = tpu.memref_squeeze %dma_wait3A_1476 : memref<1x32x128xf32, #tpu.memory_space<vmem>> -> memref<32x128xf32, #tpu.memory_space<vmem>>
      %dma_wait3A_1478 = arith.constant 0 : i32
      %dma_wait3A_1479 = arith.constant 0 : i32
      %dma_wait3A_1480 = tpu.memref_slice %arg3[%dma_wait3A_1478, %dma_wait3A_1479] : memref<32x1000000xf32, #tpu.memory_space<hbm>> -> memref<32x128xf32, #tpu.memory_space<hbm>>
      tpu.wait_dma2 semaphore(%dma_wait3A_1473 : memref<!tpu.dma_semaphore, #tpu.memory_space<semaphore_mem>>) src(%dma_wait3A_1480 : memref<32x128xf32, #tpu.memory_space<hbm>>) dst(%dma_wait3A_1477 : memref<32x128xf32, #tpu.memory_space<vmem>>)
      %slice3A_1481 = vector.extract_strided_slice %get3A_700 {offsets = [0], sizes = [1], strides = [1]} : vector<16xi32> to vector<1xi32>
      %squeeze3A_1482 = vector.extract %slice3A_1481[0] : i32 from vector<1xi32>
      %jit3A_1483 = arith.constant 128 : i32
      %div3A_1484 = arith.divsi %squeeze3A_1482, %jit3A_1483 : i32
      %sign3A_1485 = arith.constant 0 : i32
      %sign3A_1486 = arith.cmpi sgt, %squeeze3A_1482, %sign3A_1485 : i32
      %sign3A_1487 = arith.extui %sign3A_1486 : i1 to i32
      %sign3A_1488 = arith.constant 0 : i32
      %sign3A_1489 = arith.cmpi slt, %squeeze3A_1482, %sign3A_1488 : i32
      %sign3A_1490 = arith.extui %sign3A_1489 : i1 to i32
      %sign3A_1491 = arith.subi %sign3A_1487, %sign3A_1490 : i32
      %sign3A_1492 = arith.constant 0 : i32
      %sign3A_1493 = arith.cmpi sgt, %jit3A_1483, %sign3A_1492 : i32
      %sign3A_1494 = arith.extui %sign3A_1493 : i1 to i32
      %sign3A_1495 = arith.constant 0 : i32
      %sign3A_1496 = arith.cmpi slt, %jit3A_1483, %sign3A_1495 : i32
      %sign3A_1497 = arith.extui %sign3A_1496 : i1 to i32
      %sign3A_1498 = arith.subi %sign3A_1494, %sign3A_1497 : i32
      %ne3A_1499 = arith.cmpi ne, %sign3A_1491, %sign3A_1498 : i32
      %rem3A_1500 = arith.remsi %squeeze3A_1482, %jit3A_1483 : i32
      %ne3A_1501 = arith.constant 0 : i32
      %ne3A_1502 = arith.cmpi ne, %rem3A_1500, %ne3A_1501 : i32
      %and3A_1503 = arith.andi %ne3A_1499, %ne3A_1502 : i1
      %sub3A_1504 = arith.constant 1 : i32
      %sub3A_1505 = arith.subi %div3A_1484, %sub3A_1504 : i32
      %select_n3A_1506 = arith.select %and3A_1503, %sub3A_1505, %div3A_1484 : i32
      %mul3A_1507 = arith.constant 128 : i32
      %mul3A_1508 = arith.muli %select_n3A_1506, %mul3A_1507 : i32
      %sub3A_1509 = arith.subi %squeeze3A_1482, %mul3A_1508 : i32
      %broadcast_in_dim3A = vector.broadcast %sub3A_1509 : i32 to vector<16xi32>
      %broadcast_in_dim3A_1510 = vector.broadcast %add3A_1462 : i32 to vector<16xi32>
      %gather3A = arith.constant 0 : i32
      %gather3A_1511 = arith.constant 0 : i32
      %gather3A_1512 = arith.constant 0 : i32
      %gather3A_1513 = tpu.memref_slice %arg6[%gather3A, %gather3A_1511, %gather3A_1512] : memref<8x32x128xf32, #tpu.memory_space<vmem>> -> memref<1x32x128xf32, #tpu.memory_space<vmem>>
      %gather3A_1514 = tpu.memref_squeeze %gather3A_1513 : memref<1x32x128xf32, #tpu.memory_space<vmem>> -> memref<32x128xf32, #tpu.memory_space<vmem>>
      %gather3A_1515 = tpu.vector_load_idx %gather3A_1514[%iota3A, %broadcast_in_dim3A] : memref<32x128xf32, #tpu.memory_space<vmem>>[vector<16xi32>, vector<16xi32>], vector<16xf32>,
      %gather3A_1516 = arith.constant 0 : i32
      %gather3A_1517 = arith.constant 0 : i32
      %gather3A_1518 = arith.constant 0 : i32
      %gather3A_1519 = tpu.memref_slice %arg6[%gather3A_1516, %gather3A_1517, %gather3A_1518] : memref<8x32x128xf32, #tpu.memory_space<vmem>> -> memref<1x32x128xf32, #tpu.memory_space<vmem>>
      %gather3A_1520 = tpu.memref_squeeze %gather3A_1519 : memref<1x32x128xf32, #tpu.memory_space<vmem>> -> memref<32x128xf32, #tpu.memory_space<vmem>>
      %gather3A_1521 = tpu.vector_load_idx %gather3A_1520[%add3A_5, %broadcast_in_dim3A] : memref<32x128xf32, #tpu.memory_space<vmem>>[vector<16xi32>, vector<16xi32>], vector<16xf32>,
      tpu.vector_store_idx %arg9[%iota3A, %broadcast_in_dim3A_1510], %gather3A_1515 : memref<32x512xf32, #tpu.memory_space<vmem>>[vector<16xi32>, vector<16xi32>], vector<16xf32>,
      tpu.vector_store_idx %arg9[%add3A_5, %broadcast_in_dim3A_1510], %gather3A_1521 : memref<32x512xf32, #tpu.memory_space<vmem>>[vector<16xi32>, vector<16xi32>], vector<16xf32>,
      %add3A_1522 = arith.constant 1 : i32
      %add3A_1523 = arith.addi %scan3A_696, %add3A_1522 : i32
      %lt3A = arith.constant 32 : i32
      %lt3A_1524 = arith.cmpi slt, %add3A_1523, %lt3A : i32
      %convert_element_type3A = arith.extui %lt3A_1524 : i1 to i32
      %cond3A = arith.constant 0 : i32
      %cond3A_1525 = arith.cmpi ne, %convert_element_type3A, %cond3A : i32
      scf.if %cond3A_1525 {
        %slice3A_2420 = vector.extract_strided_slice %get3A_707 {offsets = [0], sizes = [1], strides = [1]} : vector<16xi32> to vector<1xi32>
        %squeeze3A_2421 = vector.extract %slice3A_2420[0] : i32 from vector<1xi32>
        %jit3A_2422 = arith.constant 128 : i32
        %div3A_2423 = arith.divsi %squeeze3A_2421, %jit3A_2422 : i32
        %sign3A_2424 = arith.constant 0 : i32
        %sign3A_2425 = arith.cmpi sgt, %squeeze3A_2421, %sign3A_2424 : i32
        %sign3A_2426 = arith.extui %sign3A_2425 : i1 to i32
        %sign3A_2427 = arith.constant 0 : i32
        %sign3A_2428 = arith.cmpi slt, %squeeze3A_2421, %sign3A_2427 : i32
        %sign3A_2429 = arith.extui %sign3A_2428 : i1 to i32
        %sign3A_2430 = arith.subi %sign3A_2426, %sign3A_2429 : i32
        %sign3A_2431 = arith.constant 0 : i32
        %sign3A_2432 = arith.cmpi sgt, %jit3A_2422, %sign3A_2431 : i32
        %sign3A_2433 = arith.extui %sign3A_2432 : i1 to i32
        %sign3A_2434 = arith.constant 0 : i32
        %sign3A_2435 = arith.cmpi slt, %jit3A_2422, %sign3A_2434 : i32
        %sign3A_2436 = arith.extui %sign3A_2435 : i1 to i32
        %sign3A_2437 = arith.subi %sign3A_2433, %sign3A_2436 : i32
        %ne3A_2438 = arith.cmpi ne, %sign3A_2430, %sign3A_2437 : i32
        %rem3A_2439 = arith.remsi %squeeze3A_2421, %jit3A_2422 : i32
        %ne3A_2440 = arith.constant 0 : i32
        %ne3A_2441 = arith.cmpi ne, %rem3A_2439, %ne3A_2440 : i32
        %and3A_2442 = arith.andi %ne3A_2438, %ne3A_2441 : i1
        %sub3A_2443 = arith.constant 1 : i32
        %sub3A_2444 = arith.subi %div3A_2423, %sub3A_2443 : i32
        %select_n3A_2445 = arith.select %and3A_2442, %sub3A_2444, %div3A_2423 : i32
        %mul3A_2446 = arith.constant 128 : i32
        %mul3A_2447 = arith.muli %select_n3A_2445, %mul3A_2446 : i32
        %dma_start3A_2448 = arith.constant 0 : i32
        %dma_start3A_2449 = arith.constant 0 : i32
        %dma_start3A_2450 = arith.constant 0 : i32
        %dma_start3A_2451 = arith.constant 0 : i32
        %dma_start3A_2452 = tpu.memref_slice %arg6[%dma_start3A_2448, %dma_start3A_2450, %dma_start3A_2451] : memref<8x32x128xf32, #tpu.memory_space<vmem>> -> memref<1x32x128xf32, #tpu.memory_space<vmem>>
        %dma_start3A_2453 = tpu.memref_squeeze %dma_start3A_2452 : memref<1x32x128xf32, #tpu.memory_space<vmem>> -> memref<32x128xf32, #tpu.memory_space<vmem>>
        %dma_start3A_2454 = arith.constant 0 : i32
        %dma_start3A_2455 = tpu.memref_slice %arg3[%dma_start3A_2454, %mul3A_2447] : memref<32x1000000xf32, #tpu.memory_space<hbm>> -> memref<32x128xf32, #tpu.memory_space<hbm>>
        %dma_start3A_2456 = tpu.memref_slice %arg10[%dma_start3A_2449] : memref<8x!tpu.dma_semaphore, #tpu.memory_space<semaphore_mem>> -> memref<1x!tpu.dma_semaphore, #tpu.memory_space<semaphore_mem>>
        %dma_start3A_2457 = tpu.memref_squeeze %dma_start3A_2456 : memref<1x!tpu.dma_semaphore, #tpu.memory_space<semaphore_mem>> -> memref<!tpu.dma_semaphore, #tpu.memory_space<semaphore_mem>>
        %dma_start3A_2458 = arith.constant 0 : i32
        %dma_start3A_2459 = arith.constant 0 : i32
        %dma_start3A_2460 = tpu.memref_slice %arg6[%dma_start3A_2448, %dma_start3A_2458, %dma_start3A_2459] : memref<8x32x128xf32, #tpu.memory_space<vmem>> -> memref<1x32x128xf32, #tpu.memory_space<vmem>>
        %dma_start3A_2461 = tpu.memref_squeeze %dma_start3A_2460 : memref<1x32x128xf32, #tpu.memory_space<vmem>> -> memref<32x128xf32, #tpu.memory_space<vmem>>
        %dma_start3A_2462 = arith.constant 0 : i32
        %dma_start3A_2463 = tpu.memref_slice %arg3[%dma_start3A_2462, %mul3A_2447] : memref<32x1000000xf32, #tpu.memory_space<hbm>> -> memref<32x128xf32, #tpu.memory_space<hbm>>
        tpu.enqueue_dma source(%dma_start3A_2463 : memref<32x128xf32, #tpu.memory_space<hbm>>) target(%dma_start3A_2461 : memref<32x128xf32, #tpu.memory_space<vmem>>) target_semaphore(%dma_start3A_2457 : memref<!tpu.dma_semaphore, #tpu.memory_space<semaphore_mem>>)
      } else {
      }
      %mul3A_1526 = arith.constant 16 : i32
      %mul3A_1527 = arith.muli %scan3A_696, %mul3A_1526 : i32
      %add3A_1528 = arith.constant 1 : i32
      %add3A_1529 = arith.addi %mul3A_1527, %add3A_1528 : i32
      %dma_wait3A_1530 = arith.constant 1 : i32
      %dma_wait3A_1531 = arith.constant 1 : i32
      %dma_wait3A_1532 = arith.constant 0 : i32
      %dma_wait3A_1533 = arith.constant 0 : i32
      %dma_wait3A_1534 = tpu.memref_slice %arg6[%dma_wait3A_1530, %dma_wait3A_1532, %dma_wait3A_1533] : memref<8x32x128xf32, #tpu.memory_space<vmem>> -> memref<1x32x128xf32, #tpu.memory_space<vmem>>
      %dma_wait3A_1535 = tpu.memref_squeeze %dma_wait3A_1534 : memref<1x32x128xf32, #tpu.memory_space<vmem>> -> memref<32x128xf32, #tpu.memory_space<vmem>>
      %dma_wait3A_1536 = arith.constant 0 : i32
      %dma_wait3A_1537 = arith.constant 0 : i32
      %dma_wait3A_1538 = tpu.memref_slice %arg3[%dma_wait3A_1536, %dma_wait3A_1537] : memref<32x1000000xf32, #tpu.memory_space<hbm>> -> memref<32x128xf32, #tpu.memory_space<hbm>>
      %dma_wait3A_1539 = tpu.memref_slice %arg10[%dma_wait3A_1531] : memref<8x!tpu.dma_semaphore, #tpu.memory_space<semaphore_mem>> -> memref<1x!tpu.dma_semaphore, #tpu.memory_space<semaphore_mem>>
      %dma_wait3A_1540 = tpu.memref_squeeze %dma_wait3A_1539 : memref<1x!tpu.dma_semaphore, #tpu.memory_space<semaphore_mem>> -> memref<!tpu.dma_semaphore, #tpu.memory_space<semaphore_mem>>
      %dma_wait3A_1541 = arith.constant 0 : i32
      %dma_wait3A_1542 = arith.constant 0 : i32
      %dma_wait3A_1543 = tpu.memref_slice %arg6[%dma_wait3A_1530, %dma_wait3A_1541, %dma_wait3A_1542] : memref<8x32x128xf32, #tpu.memory_space<vmem>> -> memref<1x32x128xf32, #tpu.memory_space<vmem>>
      %dma_wait3A_1544 = tpu.memref_squeeze %dma_wait3A_1543 : memref<1x32x128xf32, #tpu.memory_space<vmem>> -> memref<32x128xf32, #tpu.memory_space<vmem>>
      %dma_wait3A_1545 = arith.constant 0 : i32
      %dma_wait3A_1546 = arith.constant 0 : i32
      %dma_wait3A_1547 = tpu.memref_slice %arg3[%dma_wait3A_1545, %dma_wait3A_1546] : memref<32x1000000xf32, #tpu.memory_space<hbm>> -> memref<32x128xf32, #tpu.memory_space<hbm>>
      tpu.wait_dma2 semaphore(%dma_wait3A_1540 : memref<!tpu.dma_semaphore, #tpu.memory_space<semaphore_mem>>) src(%dma_wait3A_1547 : memref<32x128xf32, #tpu.memory_space<hbm>>) dst(%dma_wait3A_1544 : memref<32x128xf32, #tpu.memory_space<vmem>>)
      %slice3A_1548 = vector.extract_strided_slice %get3A_700 {offsets = [1], sizes = [1], strides = [1]} : vector<16xi32> to vector<1xi32>
      %squeeze3A_1549 = vector.extract %slice3A_1548[0] : i32 from vector<1xi32>
      %jit3A_1550 = arith.constant 128 : i32
      %div3A_1551 = arith.divsi %squeeze3A_1549, %jit3A_1550 : i32
      %sign3A_1552 = arith.constant 0 : i32
      %sign3A_1553 = arith.cmpi sgt, %squeeze3A_1549, %sign3A_1552 : i32
      %sign3A_1554 = arith.extui %sign3A_1553 : i1 to i32
      %sign3A_1555 = arith.constant 0 : i32
      %sign3A_1556 = arith.cmpi slt, %squeeze3A_1549, %sign3A_1555 : i32
      %sign3A_1557 = arith.extui %sign3A_1556 : i1 to i32
      %sign3A_1558 = arith.subi %sign3A_1554, %sign3A_1557 : i32
      %sign3A_1559 = arith.constant 0 : i32
      %sign3A_1560 = arith.cmpi sgt, %jit3A_1550, %sign3A_1559 : i32
      %sign3A_1561 = arith.extui %sign3A_1560 : i1 to i32
      %sign3A_1562 = arith.constant 0 : i32
      %sign3A_1563 = arith.cmpi slt, %jit3A_1550, %sign3A_1562 : i32
      %sign3A_1564 = arith.extui %sign3A_1563 : i1 to i32
      %sign3A_1565 = arith.subi %sign3A_1561, %sign3A_1564 : i32
      %ne3A_1566 = arith.cmpi ne, %sign3A_1558, %sign3A_1565 : i32
      %rem3A_1567 = arith.remsi %squeeze3A_1549, %jit3A_1550 : i32
      %ne3A_1568 = arith.constant 0 : i32
      %ne3A_1569 = arith.cmpi ne, %rem3A_1567, %ne3A_1568 : i32
      %and3A_1570 = arith.andi %ne3A_1566, %ne3A_1569 : i1
      %sub3A_1571 = arith.constant 1 : i32
      %sub3A_1572 = arith.subi %div3A_1551, %sub3A_1571 : i32
      %select_n3A_1573 = arith.select %and3A_1570, %sub3A_1572, %div3A_1551 : i32
      %mul3A_1574 = arith.constant 128 : i32
      %mul3A_1575 = arith.muli %select_n3A_1573, %mul3A_1574 : i32
      %sub3A_1576 = arith.subi %squeeze3A_1549, %mul3A_1575 : i32
      %broadcast_in_dim3A_1577 = vector.broadcast %sub3A_1576 : i32 to vector<16xi32>
      %broadcast_in_dim3A_1578 = vector.broadcast %add3A_1529 : i32 to vector<16xi32>
      %gather3A_1579 = arith.constant 1 : i32
      %gather3A_1580 = arith.constant 0 : i32
      %gather3A_1581 = arith.constant 0 : i32
      %gather3A_1582 = tpu.memref_slice %arg6[%gather3A_1579, %gather3A_1580, %gather3A_1581] : memref<8x32x128xf32, #tpu.memory_space<vmem>> -> memref<1x32x128xf32, #tpu.memory_space<vmem>>
      %gather3A_1583 = tpu.memref_squeeze %gather3A_1582 : memref<1x32x128xf32, #tpu.memory_space<vmem>> -> memref<32x128xf32, #tpu.memory_space<vmem>>
      %gather3A_1584 = tpu.vector_load_idx %gather3A_1583[%iota3A, %broadcast_in_dim3A_1577] : memref<32x128xf32, #tpu.memory_space<vmem>>[vector<16xi32>, vector<16xi32>], vector<16xf32>,
      %gather3A_1585 = arith.constant 1 : i32
      %gather3A_1586 = arith.constant 0 : i32
      %gather3A_1587 = arith.constant 0 : i32
      %gather3A_1588 = tpu.memref_slice %arg6[%gather3A_1585, %gather3A_1586, %gather3A_1587] : memref<8x32x128xf32, #tpu.memory_space<vmem>> -> memref<1x32x128xf32, #tpu.memory_space<vmem>>
      %gather3A_1589 = tpu.memref_squeeze %gather3A_1588 : memref<1x32x128xf32, #tpu.memory_space<vmem>> -> memref<32x128xf32, #tpu.memory_space<vmem>>
      %gather3A_1590 = tpu.vector_load_idx %gather3A_1589[%add3A_5, %broadcast_in_dim3A_1577] : memref<32x128xf32, #tpu.memory_space<vmem>>[vector<16xi32>, vector<16xi32>], vector<16xf32>,
      tpu.vector_store_idx %arg9[%iota3A, %broadcast_in_dim3A_1578], %gather3A_1584 : memref<32x512xf32, #tpu.memory_space<vmem>>[vector<16xi32>, vector<16xi32>], vector<16xf32>,
      tpu.vector_store_idx %arg9[%add3A_5, %broadcast_in_dim3A_1578], %gather3A_1590 : memref<32x512xf32, #tpu.memory_space<vmem>>[vector<16xi32>, vector<16xi32>], vector<16xf32>,
      %add3A_1591 = arith.constant 1 : i32
      %add3A_1592 = arith.addi %scan3A_696, %add3A_1591 : i32
      %lt3A_1593 = arith.constant 32 : i32
      %lt3A_1594 = arith.cmpi slt, %add3A_1592, %lt3A_1593 : i32
      %convert_element_type3A_1595 = arith.extui %lt3A_1594 : i1 to i32
      %cond3A_1596 = arith.constant 0 : i32
      %cond3A_1597 = arith.cmpi ne, %convert_element_type3A_1595, %cond3A_1596 : i32
      scf.if %cond3A_1597 {
        %slice3A_2420 = vector.extract_strided_slice %get3A_707 {offsets = [1], sizes = [1], strides = [1]} : vector<16xi32> to vector<1xi32>
        %squeeze3A_2421 = vector.extract %slice3A_2420[0] : i32 from vector<1xi32>
        %jit3A_2422 = arith.constant 128 : i32
        %div3A_2423 = arith.divsi %squeeze3A_2421, %jit3A_2422 : i32
        %sign3A_2424 = arith.constant 0 : i32
        %sign3A_2425 = arith.cmpi sgt, %squeeze3A_2421, %sign3A_2424 : i32
        %sign3A_2426 = arith.extui %sign3A_2425 : i1 to i32
        %sign3A_2427 = arith.constant 0 : i32
        %sign3A_2428 = arith.cmpi slt, %squeeze3A_2421, %sign3A_2427 : i32
        %sign3A_2429 = arith.extui %sign3A_2428 : i1 to i32
        %sign3A_2430 = arith.subi %sign3A_2426, %sign3A_2429 : i32
        %sign3A_2431 = arith.constant 0 : i32
        %sign3A_2432 = arith.cmpi sgt, %jit3A_2422, %sign3A_2431 : i32
        %sign3A_2433 = arith.extui %sign3A_2432 : i1 to i32
        %sign3A_2434 = arith.constant 0 : i32
        %sign3A_2435 = arith.cmpi slt, %jit3A_2422, %sign3A_2434 : i32
        %sign3A_2436 = arith.extui %sign3A_2435 : i1 to i32
        %sign3A_2437 = arith.subi %sign3A_2433, %sign3A_2436 : i32
        %ne3A_2438 = arith.cmpi ne, %sign3A_2430, %sign3A_2437 : i32
        %rem3A_2439 = arith.remsi %squeeze3A_2421, %jit3A_2422 : i32
        %ne3A_2440 = arith.constant 0 : i32
        %ne3A_2441 = arith.cmpi ne, %rem3A_2439, %ne3A_2440 : i32
        %and3A_2442 = arith.andi %ne3A_2438, %ne3A_2441 : i1
        %sub3A_2443 = arith.constant 1 : i32
        %sub3A_2444 = arith.subi %div3A_2423, %sub3A_2443 : i32
        %select_n3A_2445 = arith.select %and3A_2442, %sub3A_2444, %div3A_2423 : i32
        %mul3A_2446 = arith.constant 128 : i32
        %mul3A_2447 = arith.muli %select_n3A_2445, %mul3A_2446 : i32
        %dma_start3A_2448 = arith.constant 1 : i32
        %dma_start3A_2449 = arith.constant 1 : i32
        %dma_start3A_2450 = arith.constant 0 : i32
        %dma_start3A_2451 = arith.constant 0 : i32
        %dma_start3A_2452 = tpu.memref_slice %arg6[%dma_start3A_2448, %dma_start3A_2450, %dma_start3A_2451] : memref<8x32x128xf32, #tpu.memory_space<vmem>> -> memref<1x32x128xf32, #tpu.memory_space<vmem>>
        %dma_start3A_2453 = tpu.memref_squeeze %dma_start3A_2452 : memref<1x32x128xf32, #tpu.memory_space<vmem>> -> memref<32x128xf32, #tpu.memory_space<vmem>>
        %dma_start3A_2454 = arith.constant 0 : i32
        %dma_start3A_2455 = tpu.memref_slice %arg3[%dma_start3A_2454, %mul3A_2447] : memref<32x1000000xf32, #tpu.memory_space<hbm>> -> memref<32x128xf32, #tpu.memory_space<hbm>>
        %dma_start3A_2456 = tpu.memref_slice %arg10[%dma_start3A_2449] : memref<8x!tpu.dma_semaphore, #tpu.memory_space<semaphore_mem>> -> memref<1x!tpu.dma_semaphore, #tpu.memory_space<semaphore_mem>>
        %dma_start3A_2457 = tpu.memref_squeeze %dma_start3A_2456 : memref<1x!tpu.dma_semaphore, #tpu.memory_space<semaphore_mem>> -> memref<!tpu.dma_semaphore, #tpu.memory_space<semaphore_mem>>
        %dma_start3A_2458 = arith.constant 0 : i32
        %dma_start3A_2459 = arith.constant 0 : i32
        %dma_start3A_2460 = tpu.memref_slice %arg6[%dma_start3A_2448, %dma_start3A_2458, %dma_start3A_2459] : memref<8x32x128xf32, #tpu.memory_space<vmem>> -> memref<1x32x128xf32, #tpu.memory_space<vmem>>
        %dma_start3A_2461 = tpu.memref_squeeze %dma_start3A_2460 : memref<1x32x128xf32, #tpu.memory_space<vmem>> -> memref<32x128xf32, #tpu.memory_space<vmem>>
        %dma_start3A_2462 = arith.constant 0 : i32
        %dma_start3A_2463 = tpu.memref_slice %arg3[%dma_start3A_2462, %mul3A_2447] : memref<32x1000000xf32, #tpu.memory_space<hbm>> -> memref<32x128xf32, #tpu.memory_space<hbm>>
        tpu.enqueue_dma source(%dma_start3A_2463 : memref<32x128xf32, #tpu.memory_space<hbm>>) target(%dma_start3A_2461 : memref<32x128xf32, #tpu.memory_space<vmem>>) target_semaphore(%dma_start3A_2457 : memref<!tpu.dma_semaphore, #tpu.memory_space<semaphore_mem>>)
      } else {
      }
      %mul3A_1598 = arith.constant 16 : i32
      %mul3A_1599 = arith.muli %scan3A_696, %mul3A_1598 : i32
      %add3A_1600 = arith.constant 2 : i32
      %add3A_1601 = arith.addi %mul3A_1599, %add3A_1600 : i32
      %dma_wait3A_1602 = arith.constant 2 : i32
      %dma_wait3A_1603 = arith.constant 2 : i32
      %dma_wait3A_1604 = arith.constant 0 : i32
      %dma_wait3A_1605 = arith.constant 0 : i32
      %dma_wait3A_1606 = tpu.memref_slice %arg6[%dma_wait3A_1602, %dma_wait3A_1604, %dma_wait3A_1605] : memref<8x32x128xf32, #tpu.memory_space<vmem>> -> memref<1x32x128xf32, #tpu.memory_space<vmem>>
      %dma_wait3A_1607 = tpu.memref_squeeze %dma_wait3A_1606 : memref<1x32x128xf32, #tpu.memory_space<vmem>> -> memref<32x128xf32, #tpu.memory_space<vmem>>
      %dma_wait3A_1608 = arith.constant 0 : i32
      %dma_wait3A_1609 = arith.constant 0 : i32
      %dma_wait3A_1610 = tpu.memref_slice %arg3[%dma_wait3A_1608, %dma_wait3A_1609] : memref<32x1000000xf32, #tpu.memory_space<hbm>> -> memref<32x128xf32, #tpu.memory_space<hbm>>
      %dma_wait3A_1611 = tpu.memref_slice %arg10[%dma_wait3A_1603] : memref<8x!tpu.dma_semaphore, #tpu.memory_space<semaphore_mem>> -> memref<1x!tpu.dma_semaphore, #tpu.memory_space<semaphore_mem>>
      %dma_wait3A_1612 = tpu.memref_squeeze %dma_wait3A_1611 : memref<1x!tpu.dma_semaphore, #tpu.memory_space<semaphore_mem>> -> memref<!tpu.dma_semaphore, #tpu.memory_space<semaphore_mem>>
      %dma_wait3A_1613 = arith.constant 0 : i32
      %dma_wait3A_1614 = arith.constant 0 : i32
      %dma_wait3A_1615 = tpu.memref_slice %arg6[%dma_wait3A_1602, %dma_wait3A_1613, %dma_wait3A_1614] : memref<8x32x128xf32, #tpu.memory_space<vmem>> -> memref<1x32x128xf32, #tpu.memory_space<vmem>>
      %dma_wait3A_1616 = tpu.memref_squeeze %dma_wait3A_1615 : memref<1x32x128xf32, #tpu.memory_space<vmem>> -> memref<32x128xf32, #tpu.memory_space<vmem>>
      %dma_wait3A_1617 = arith.constant 0 : i32
      %dma_wait3A_1618 = arith.constant 0 : i32
      %dma_wait3A_1619 = tpu.memref_slice %arg3[%dma_wait3A_1617, %dma_wait3A_1618] : memref<32x1000000xf32, #tpu.memory_space<hbm>> -> memref<32x128xf32, #tpu.memory_space<hbm>>
      tpu.wait_dma2 semaphore(%dma_wait3A_1612 : memref<!tpu.dma_semaphore, #tpu.memory_space<semaphore_mem>>) src(%dma_wait3A_1619 : memref<32x128xf32, #tpu.memory_space<hbm>>) dst(%dma_wait3A_1616 : memref<32x128xf32, #tpu.memory_space<vmem>>)
      %slice3A_1620 = vector.extract_strided_slice %get3A_700 {offsets = [2], sizes = [1], strides = [1]} : vector<16xi32> to vector<1xi32>
      %squeeze3A_1621 = vector.extract %slice3A_1620[0] : i32 from vector<1xi32>
      %jit3A_1622 = arith.constant 128 : i32
      %div3A_1623 = arith.divsi %squeeze3A_1621, %jit3A_1622 : i32
      %sign3A_1624 = arith.constant 0 : i32
      %sign3A_1625 = arith.cmpi sgt, %squeeze3A_1621, %sign3A_1624 : i32
      %sign3A_1626 = arith.extui %sign3A_1625 : i1 to i32
      %sign3A_1627 = arith.constant 0 : i32
      %sign3A_1628 = arith.cmpi slt, %squeeze3A_1621, %sign3A_1627 : i32
      %sign3A_1629 = arith.extui %sign3A_1628 : i1 to i32
      %sign3A_1630 = arith.subi %sign3A_1626, %sign3A_1629 : i32
      %sign3A_1631 = arith.constant 0 : i32
      %sign3A_1632 = arith.cmpi sgt, %jit3A_1622, %sign3A_1631 : i32
      %sign3A_1633 = arith.extui %sign3A_1632 : i1 to i32
      %sign3A_1634 = arith.constant 0 : i32
      %sign3A_1635 = arith.cmpi slt, %jit3A_1622, %sign3A_1634 : i32
      %sign3A_1636 = arith.extui %sign3A_1635 : i1 to i32
      %sign3A_1637 = arith.subi %sign3A_1633, %sign3A_1636 : i32
      %ne3A_1638 = arith.cmpi ne, %sign3A_1630, %sign3A_1637 : i32
      %rem3A_1639 = arith.remsi %squeeze3A_1621, %jit3A_1622 : i32
      %ne3A_1640 = arith.constant 0 : i32
      %ne3A_1641 = arith.cmpi ne, %rem3A_1639, %ne3A_1640 : i32
      %and3A_1642 = arith.andi %ne3A_1638, %ne3A_1641 : i1
      %sub3A_1643 = arith.constant 1 : i32
      %sub3A_1644 = arith.subi %div3A_1623, %sub3A_1643 : i32
      %select_n3A_1645 = arith.select %and3A_1642, %sub3A_1644, %div3A_1623 : i32
      %mul3A_1646 = arith.constant 128 : i32
      %mul3A_1647 = arith.muli %select_n3A_1645, %mul3A_1646 : i32
      %sub3A_1648 = arith.subi %squeeze3A_1621, %mul3A_1647 : i32
      %broadcast_in_dim3A_1649 = vector.broadcast %sub3A_1648 : i32 to vector<16xi32>
      %broadcast_in_dim3A_1650 = vector.broadcast %add3A_1601 : i32 to vector<16xi32>
      %gather3A_1651 = arith.constant 2 : i32
      %gather3A_1652 = arith.constant 0 : i32
      %gather3A_1653 = arith.constant 0 : i32
      %gather3A_1654 = tpu.memref_slice %arg6[%gather3A_1651, %gather3A_1652, %gather3A_1653] : memref<8x32x128xf32, #tpu.memory_space<vmem>> -> memref<1x32x128xf32, #tpu.memory_space<vmem>>
      %gather3A_1655 = tpu.memref_squeeze %gather3A_1654 : memref<1x32x128xf32, #tpu.memory_space<vmem>> -> memref<32x128xf32, #tpu.memory_space<vmem>>
      %gather3A_1656 = tpu.vector_load_idx %gather3A_1655[%iota3A, %broadcast_in_dim3A_1649] : memref<32x128xf32, #tpu.memory_space<vmem>>[vector<16xi32>, vector<16xi32>], vector<16xf32>,
      %gather3A_1657 = arith.constant 2 : i32
      %gather3A_1658 = arith.constant 0 : i32
      %gather3A_1659 = arith.constant 0 : i32
      %gather3A_1660 = tpu.memref_slice %arg6[%gather3A_1657, %gather3A_1658, %gather3A_1659] : memref<8x32x128xf32, #tpu.memory_space<vmem>> -> memref<1x32x128xf32, #tpu.memory_space<vmem>>
      %gather3A_1661 = tpu.memref_squeeze %gather3A_1660 : memref<1x32x128xf32, #tpu.memory_space<vmem>> -> memref<32x128xf32, #tpu.memory_space<vmem>>
      %gather3A_1662 = tpu.vector_load_idx %gather3A_1661[%add3A_5, %broadcast_in_dim3A_1649] : memref<32x128xf32, #tpu.memory_space<vmem>>[vector<16xi32>, vector<16xi32>], vector<16xf32>,
      tpu.vector_store_idx %arg9[%iota3A, %broadcast_in_dim3A_1650], %gather3A_1656 : memref<32x512xf32, #tpu.memory_space<vmem>>[vector<16xi32>, vector<16xi32>], vector<16xf32>,
      tpu.vector_store_idx %arg9[%add3A_5, %broadcast_in_dim3A_1650], %gather3A_1662 : memref<32x512xf32, #tpu.memory_space<vmem>>[vector<16xi32>, vector<16xi32>], vector<16xf32>,
      %add3A_1663 = arith.constant 1 : i32
      %add3A_1664 = arith.addi %scan3A_696, %add3A_1663 : i32
      %lt3A_1665 = arith.constant 32 : i32
      %lt3A_1666 = arith.cmpi slt, %add3A_1664, %lt3A_1665 : i32
      %convert_element_type3A_1667 = arith.extui %lt3A_1666 : i1 to i32
      %cond3A_1668 = arith.constant 0 : i32
      %cond3A_1669 = arith.cmpi ne, %convert_element_type3A_1667, %cond3A_1668 : i32
      scf.if %cond3A_1669 {
        %slice3A_2420 = vector.extract_strided_slice %get3A_707 {offsets = [2], sizes = [1], strides = [1]} : vector<16xi32> to vector<1xi32>
        %squeeze3A_2421 = vector.extract %slice3A_2420[0] : i32 from vector<1xi32>
        %jit3A_2422 = arith.constant 128 : i32
        %div3A_2423 = arith.divsi %squeeze3A_2421, %jit3A_2422 : i32
        %sign3A_2424 = arith.constant 0 : i32
        %sign3A_2425 = arith.cmpi sgt, %squeeze3A_2421, %sign3A_2424 : i32
        %sign3A_2426 = arith.extui %sign3A_2425 : i1 to i32
        %sign3A_2427 = arith.constant 0 : i32
        %sign3A_2428 = arith.cmpi slt, %squeeze3A_2421, %sign3A_2427 : i32
        %sign3A_2429 = arith.extui %sign3A_2428 : i1 to i32
        %sign3A_2430 = arith.subi %sign3A_2426, %sign3A_2429 : i32
        %sign3A_2431 = arith.constant 0 : i32
        %sign3A_2432 = arith.cmpi sgt, %jit3A_2422, %sign3A_2431 : i32
        %sign3A_2433 = arith.extui %sign3A_2432 : i1 to i32
        %sign3A_2434 = arith.constant 0 : i32
        %sign3A_2435 = arith.cmpi slt, %jit3A_2422, %sign3A_2434 : i32
        %sign3A_2436 = arith.extui %sign3A_2435 : i1 to i32
        %sign3A_2437 = arith.subi %sign3A_2433, %sign3A_2436 : i32
        %ne3A_2438 = arith.cmpi ne, %sign3A_2430, %sign3A_2437 : i32
        %rem3A_2439 = arith.remsi %squeeze3A_2421, %jit3A_2422 : i32
        %ne3A_2440 = arith.constant 0 : i32
        %ne3A_2441 = arith.cmpi ne, %rem3A_2439, %ne3A_2440 : i32
        %and3A_2442 = arith.andi %ne3A_2438, %ne3A_2441 : i1
        %sub3A_2443 = arith.constant 1 : i32
        %sub3A_2444 = arith.subi %div3A_2423, %sub3A_2443 : i32
        %select_n3A_2445 = arith.select %and3A_2442, %sub3A_2444, %div3A_2423 : i32
        %mul3A_2446 = arith.constant 128 : i32
        %mul3A_2447 = arith.muli %select_n3A_2445, %mul3A_2446 : i32
        %dma_start3A_2448 = arith.constant 2 : i32
        %dma_start3A_2449 = arith.constant 2 : i32
        %dma_start3A_2450 = arith.constant 0 : i32
        %dma_start3A_2451 = arith.constant 0 : i32
        %dma_start3A_2452 = tpu.memref_slice %arg6[%dma_start3A_2448, %dma_start3A_2450, %dma_start3A_2451] : memref<8x32x128xf32, #tpu.memory_space<vmem>> -> memref<1x32x128xf32, #tpu.memory_space<vmem>>
        %dma_start3A_2453 = tpu.memref_squeeze %dma_start3A_2452 : memref<1x32x128xf32, #tpu.memory_space<vmem>> -> memref<32x128xf32, #tpu.memory_space<vmem>>
        %dma_start3A_2454 = arith.constant 0 : i32
        %dma_start3A_2455 = tpu.memref_slice %arg3[%dma_start3A_2454, %mul3A_2447] : memref<32x1000000xf32, #tpu.memory_space<hbm>> -> memref<32x128xf32, #tpu.memory_space<hbm>>
        %dma_start3A_2456 = tpu.memref_slice %arg10[%dma_start3A_2449] : memref<8x!tpu.dma_semaphore, #tpu.memory_space<semaphore_mem>> -> memref<1x!tpu.dma_semaphore, #tpu.memory_space<semaphore_mem>>
        %dma_start3A_2457 = tpu.memref_squeeze %dma_start3A_2456 : memref<1x!tpu.dma_semaphore, #tpu.memory_space<semaphore_mem>> -> memref<!tpu.dma_semaphore, #tpu.memory_space<semaphore_mem>>
        %dma_start3A_2458 = arith.constant 0 : i32
        %dma_start3A_2459 = arith.constant 0 : i32
        %dma_start3A_2460 = tpu.memref_slice %arg6[%dma_start3A_2448, %dma_start3A_2458, %dma_start3A_2459] : memref<8x32x128xf32, #tpu.memory_space<vmem>> -> memref<1x32x128xf32, #tpu.memory_space<vmem>>
        %dma_start3A_2461 = tpu.memref_squeeze %dma_start3A_2460 : memref<1x32x128xf32, #tpu.memory_space<vmem>> -> memref<32x128xf32, #tpu.memory_space<vmem>>
        %dma_start3A_2462 = arith.constant 0 : i32
        %dma_start3A_2463 = tpu.memref_slice %arg3[%dma_start3A_2462, %mul3A_2447] : memref<32x1000000xf32, #tpu.memory_space<hbm>> -> memref<32x128xf32, #tpu.memory_space<hbm>>
        tpu.enqueue_dma source(%dma_start3A_2463 : memref<32x128xf32, #tpu.memory_space<hbm>>) target(%dma_start3A_2461 : memref<32x128xf32, #tpu.memory_space<vmem>>) target_semaphore(%dma_start3A_2457 : memref<!tpu.dma_semaphore, #tpu.memory_space<semaphore_mem>>)
      } else {
      }
      %mul3A_1670 = arith.constant 16 : i32
      %mul3A_1671 = arith.muli %scan3A_696, %mul3A_1670 : i32
      %add3A_1672 = arith.constant 3 : i32
      %add3A_1673 = arith.addi %mul3A_1671, %add3A_1672 : i32
      %dma_wait3A_1674 = arith.constant 3 : i32
      %dma_wait3A_1675 = arith.constant 3 : i32
      %dma_wait3A_1676 = arith.constant 0 : i32
      %dma_wait3A_1677 = arith.constant 0 : i32
      %dma_wait3A_1678 = tpu.memref_slice %arg6[%dma_wait3A_1674, %dma_wait3A_1676, %dma_wait3A_1677] : memref<8x32x128xf32, #tpu.memory_space<vmem>> -> memref<1x32x128xf32, #tpu.memory_space<vmem>>
      %dma_wait3A_1679 = tpu.memref_squeeze %dma_wait3A_1678 : memref<1x32x128xf32, #tpu.memory_space<vmem>> -> memref<32x128xf32, #tpu.memory_space<vmem>>
      %dma_wait3A_1680 = arith.constant 0 : i32
      %dma_wait3A_1681 = arith.constant 0 : i32
      %dma_wait3A_1682 = tpu.memref_slice %arg3[%dma_wait3A_1680, %dma_wait3A_1681] : memref<32x1000000xf32, #tpu.memory_space<hbm>> -> memref<32x128xf32, #tpu.memory_space<hbm>>
      %dma_wait3A_1683 = tpu.memref_slice %arg10[%dma_wait3A_1675] : memref<8x!tpu.dma_semaphore, #tpu.memory_space<semaphore_mem>> -> memref<1x!tpu.dma_semaphore, #tpu.memory_space<semaphore_mem>>
      %dma_wait3A_1684 = tpu.memref_squeeze %dma_wait3A_1683 : memref<1x!tpu.dma_semaphore, #tpu.memory_space<semaphore_mem>> -> memref<!tpu.dma_semaphore, #tpu.memory_space<semaphore_mem>>
      %dma_wait3A_1685 = arith.constant 0 : i32
      %dma_wait3A_1686 = arith.constant 0 : i32
      %dma_wait3A_1687 = tpu.memref_slice %arg6[%dma_wait3A_1674, %dma_wait3A_1685, %dma_wait3A_1686] : memref<8x32x128xf32, #tpu.memory_space<vmem>> -> memref<1x32x128xf32, #tpu.memory_space<vmem>>
      %dma_wait3A_1688 = tpu.memref_squeeze %dma_wait3A_1687 : memref<1x32x128xf32, #tpu.memory_space<vmem>> -> memref<32x128xf32, #tpu.memory_space<vmem>>
      %dma_wait3A_1689 = arith.constant 0 : i32
      %dma_wait3A_1690 = arith.constant 0 : i32
      %dma_wait3A_1691 = tpu.memref_slice %arg3[%dma_wait3A_1689, %dma_wait3A_1690] : memref<32x1000000xf32, #tpu.memory_space<hbm>> -> memref<32x128xf32, #tpu.memory_space<hbm>>
      tpu.wait_dma2 semaphore(%dma_wait3A_1684 : memref<!tpu.dma_semaphore, #tpu.memory_space<semaphore_mem>>) src(%dma_wait3A_1691 : memref<32x128xf32, #tpu.memory_space<hbm>>) dst(%dma_wait3A_1688 : memref<32x128xf32, #tpu.memory_space<vmem>>)
      %slice3A_1692 = vector.extract_strided_slice %get3A_700 {offsets = [3], sizes = [1], strides = [1]} : vector<16xi32> to vector<1xi32>
      %squeeze3A_1693 = vector.extract %slice3A_1692[0] : i32 from vector<1xi32>
      %jit3A_1694 = arith.constant 128 : i32
      %div3A_1695 = arith.divsi %squeeze3A_1693, %jit3A_1694 : i32
      %sign3A_1696 = arith.constant 0 : i32
      %sign3A_1697 = arith.cmpi sgt, %squeeze3A_1693, %sign3A_1696 : i32
      %sign3A_1698 = arith.extui %sign3A_1697 : i1 to i32
      %sign3A_1699 = arith.constant 0 : i32
      %sign3A_1700 = arith.cmpi slt, %squeeze3A_1693, %sign3A_1699 : i32
      %sign3A_1701 = arith.extui %sign3A_1700 : i1 to i32
      %sign3A_1702 = arith.subi %sign3A_1698, %sign3A_1701 : i32
      %sign3A_1703 = arith.constant 0 : i32
      %sign3A_1704 = arith.cmpi sgt, %jit3A_1694, %sign3A_1703 : i32
      %sign3A_1705 = arith.extui %sign3A_1704 : i1 to i32
      %sign3A_1706 = arith.constant 0 : i32
      %sign3A_1707 = arith.cmpi slt, %jit3A_1694, %sign3A_1706 : i32
      %sign3A_1708 = arith.extui %sign3A_1707 : i1 to i32
      %sign3A_1709 = arith.subi %sign3A_1705, %sign3A_1708 : i32
      %ne3A_1710 = arith.cmpi ne, %sign3A_1702, %sign3A_1709 : i32
      %rem3A_1711 = arith.remsi %squeeze3A_1693, %jit3A_1694 : i32
      %ne3A_1712 = arith.constant 0 : i32
      %ne3A_1713 = arith.cmpi ne, %rem3A_1711, %ne3A_1712 : i32
      %and3A_1714 = arith.andi %ne3A_1710, %ne3A_1713 : i1
      %sub3A_1715 = arith.constant 1 : i32
      %sub3A_1716 = arith.subi %div3A_1695, %sub3A_1715 : i32
      %select_n3A_1717 = arith.select %and3A_1714, %sub3A_1716, %div3A_1695 : i32
      %mul3A_1718 = arith.constant 128 : i32
      %mul3A_1719 = arith.muli %select_n3A_1717, %mul3A_1718 : i32
      %sub3A_1720 = arith.subi %squeeze3A_1693, %mul3A_1719 : i32
      %broadcast_in_dim3A_1721 = vector.broadcast %sub3A_1720 : i32 to vector<16xi32>
      %broadcast_in_dim3A_1722 = vector.broadcast %add3A_1673 : i32 to vector<16xi32>
      %gather3A_1723 = arith.constant 3 : i32
      %gather3A_1724 = arith.constant 0 : i32
      %gather3A_1725 = arith.constant 0 : i32
      %gather3A_1726 = tpu.memref_slice %arg6[%gather3A_1723, %gather3A_1724, %gather3A_1725] : memref<8x32x128xf32, #tpu.memory_space<vmem>> -> memref<1x32x128xf32, #tpu.memory_space<vmem>>
      %gather3A_1727 = tpu.memref_squeeze %gather3A_1726 : memref<1x32x128xf32, #tpu.memory_space<vmem>> -> memref<32x128xf32, #tpu.memory_space<vmem>>
      %gather3A_1728 = tpu.vector_load_idx %gather3A_1727[%iota3A, %broadcast_in_dim3A_1721] : memref<32x128xf32, #tpu.memory_space<vmem>>[vector<16xi32>, vector<16xi32>], vector<16xf32>,
      %gather3A_1729 = arith.constant 3 : i32
      %gather3A_1730 = arith.constant 0 : i32
      %gather3A_1731 = arith.constant 0 : i32
      %gather3A_1732 = tpu.memref_slice %arg6[%gather3A_1729, %gather3A_1730, %gather3A_1731] : memref<8x32x128xf32, #tpu.memory_space<vmem>> -> memref<1x32x128xf32, #tpu.memory_space<vmem>>
      %gather3A_1733 = tpu.memref_squeeze %gather3A_1732 : memref<1x32x128xf32, #tpu.memory_space<vmem>> -> memref<32x128xf32, #tpu.memory_space<vmem>>
      %gather3A_1734 = tpu.vector_load_idx %gather3A_1733[%add3A_5, %broadcast_in_dim3A_1721] : memref<32x128xf32, #tpu.memory_space<vmem>>[vector<16xi32>, vector<16xi32>], vector<16xf32>,
      tpu.vector_store_idx %arg9[%iota3A, %broadcast_in_dim3A_1722], %gather3A_1728 : memref<32x512xf32, #tpu.memory_space<vmem>>[vector<16xi32>, vector<16xi32>], vector<16xf32>,
      tpu.vector_store_idx %arg9[%add3A_5, %broadcast_in_dim3A_1722], %gather3A_1734 : memref<32x512xf32, #tpu.memory_space<vmem>>[vector<16xi32>, vector<16xi32>], vector<16xf32>,
      %add3A_1735 = arith.constant 1 : i32
      %add3A_1736 = arith.addi %scan3A_696, %add3A_1735 : i32
      %lt3A_1737 = arith.constant 32 : i32
      %lt3A_1738 = arith.cmpi slt, %add3A_1736, %lt3A_1737 : i32
      %convert_element_type3A_1739 = arith.extui %lt3A_1738 : i1 to i32
      %cond3A_1740 = arith.constant 0 : i32
      %cond3A_1741 = arith.cmpi ne, %convert_element_type3A_1739, %cond3A_1740 : i32
      scf.if %cond3A_1741 {
        %slice3A_2420 = vector.extract_strided_slice %get3A_707 {offsets = [3], sizes = [1], strides = [1]} : vector<16xi32> to vector<1xi32>
        %squeeze3A_2421 = vector.extract %slice3A_2420[0] : i32 from vector<1xi32>
        %jit3A_2422 = arith.constant 128 : i32
        %div3A_2423 = arith.divsi %squeeze3A_2421, %jit3A_2422 : i32
        %sign3A_2424 = arith.constant 0 : i32
        %sign3A_2425 = arith.cmpi sgt, %squeeze3A_2421, %sign3A_2424 : i32
        %sign3A_2426 = arith.extui %sign3A_2425 : i1 to i32
        %sign3A_2427 = arith.constant 0 : i32
        %sign3A_2428 = arith.cmpi slt, %squeeze3A_2421, %sign3A_2427 : i32
        %sign3A_2429 = arith.extui %sign3A_2428 : i1 to i32
        %sign3A_2430 = arith.subi %sign3A_2426, %sign3A_2429 : i32
        %sign3A_2431 = arith.constant 0 : i32
        %sign3A_2432 = arith.cmpi sgt, %jit3A_2422, %sign3A_2431 : i32
        %sign3A_2433 = arith.extui %sign3A_2432 : i1 to i32
        %sign3A_2434 = arith.constant 0 : i32
        %sign3A_2435 = arith.cmpi slt, %jit3A_2422, %sign3A_2434 : i32
        %sign3A_2436 = arith.extui %sign3A_2435 : i1 to i32
        %sign3A_2437 = arith.subi %sign3A_2433, %sign3A_2436 : i32
        %ne3A_2438 = arith.cmpi ne, %sign3A_2430, %sign3A_2437 : i32
        %rem3A_2439 = arith.remsi %squeeze3A_2421, %jit3A_2422 : i32
        %ne3A_2440 = arith.constant 0 : i32
        %ne3A_2441 = arith.cmpi ne, %rem3A_2439, %ne3A_2440 : i32
        %and3A_2442 = arith.andi %ne3A_2438, %ne3A_2441 : i1
        %sub3A_2443 = arith.constant 1 : i32
        %sub3A_2444 = arith.subi %div3A_2423, %sub3A_2443 : i32
        %select_n3A_2445 = arith.select %and3A_2442, %sub3A_2444, %div3A_2423 : i32
        %mul3A_2446 = arith.constant 128 : i32
        %mul3A_2447 = arith.muli %select_n3A_2445, %mul3A_2446 : i32
        %dma_start3A_2448 = arith.constant 3 : i32
        %dma_start3A_2449 = arith.constant 3 : i32
        %dma_start3A_2450 = arith.constant 0 : i32
        %dma_start3A_2451 = arith.constant 0 : i32
        %dma_start3A_2452 = tpu.memref_slice %arg6[%dma_start3A_2448, %dma_start3A_2450, %dma_start3A_2451] : memref<8x32x128xf32, #tpu.memory_space<vmem>> -> memref<1x32x128xf32, #tpu.memory_space<vmem>>
        %dma_start3A_2453 = tpu.memref_squeeze %dma_start3A_2452 : memref<1x32x128xf32, #tpu.memory_space<vmem>> -> memref<32x128xf32, #tpu.memory_space<vmem>>
        %dma_start3A_2454 = arith.constant 0 : i32
        %dma_start3A_2455 = tpu.memref_slice %arg3[%dma_start3A_2454, %mul3A_2447] : memref<32x1000000xf32, #tpu.memory_space<hbm>> -> memref<32x128xf32, #tpu.memory_space<hbm>>
        %dma_start3A_2456 = tpu.memref_slice %arg10[%dma_start3A_2449] : memref<8x!tpu.dma_semaphore, #tpu.memory_space<semaphore_mem>> -> memref<1x!tpu.dma_semaphore, #tpu.memory_space<semaphore_mem>>
        %dma_start3A_2457 = tpu.memref_squeeze %dma_start3A_2456 : memref<1x!tpu.dma_semaphore, #tpu.memory_space<semaphore_mem>> -> memref<!tpu.dma_semaphore, #tpu.memory_space<semaphore_mem>>
        %dma_start3A_2458 = arith.constant 0 : i32
        %dma_start3A_2459 = arith.constant 0 : i32
        %dma_start3A_2460 = tpu.memref_slice %arg6[%dma_start3A_2448, %dma_start3A_2458, %dma_start3A_2459] : memref<8x32x128xf32, #tpu.memory_space<vmem>> -> memref<1x32x128xf32, #tpu.memory_space<vmem>>
        %dma_start3A_2461 = tpu.memref_squeeze %dma_start3A_2460 : memref<1x32x128xf32, #tpu.memory_space<vmem>> -> memref<32x128xf32, #tpu.memory_space<vmem>>
        %dma_start3A_2462 = arith.constant 0 : i32
        %dma_start3A_2463 = tpu.memref_slice %arg3[%dma_start3A_2462, %mul3A_2447] : memref<32x1000000xf32, #tpu.memory_space<hbm>> -> memref<32x128xf32, #tpu.memory_space<hbm>>
        tpu.enqueue_dma source(%dma_start3A_2463 : memref<32x128xf32, #tpu.memory_space<hbm>>) target(%dma_start3A_2461 : memref<32x128xf32, #tpu.memory_space<vmem>>) target_semaphore(%dma_start3A_2457 : memref<!tpu.dma_semaphore, #tpu.memory_space<semaphore_mem>>)
      } else {
      }
      %mul3A_1742 = arith.constant 16 : i32
      %mul3A_1743 = arith.muli %scan3A_696, %mul3A_1742 : i32
      %add3A_1744 = arith.constant 4 : i32
      %add3A_1745 = arith.addi %mul3A_1743, %add3A_1744 : i32
      %dma_wait3A_1746 = arith.constant 4 : i32
      %dma_wait3A_1747 = arith.constant 4 : i32
      %dma_wait3A_1748 = arith.constant 0 : i32
      %dma_wait3A_1749 = arith.constant 0 : i32
      %dma_wait3A_1750 = tpu.memref_slice %arg6[%dma_wait3A_1746, %dma_wait3A_1748, %dma_wait3A_1749] : memref<8x32x128xf32, #tpu.memory_space<vmem>> -> memref<1x32x128xf32, #tpu.memory_space<vmem>>
      %dma_wait3A_1751 = tpu.memref_squeeze %dma_wait3A_1750 : memref<1x32x128xf32, #tpu.memory_space<vmem>> -> memref<32x128xf32, #tpu.memory_space<vmem>>
      %dma_wait3A_1752 = arith.constant 0 : i32
      %dma_wait3A_1753 = arith.constant 0 : i32
      %dma_wait3A_1754 = tpu.memref_slice %arg3[%dma_wait3A_1752, %dma_wait3A_1753] : memref<32x1000000xf32, #tpu.memory_space<hbm>> -> memref<32x128xf32, #tpu.memory_space<hbm>>
      %dma_wait3A_1755 = tpu.memref_slice %arg10[%dma_wait3A_1747] : memref<8x!tpu.dma_semaphore, #tpu.memory_space<semaphore_mem>> -> memref<1x!tpu.dma_semaphore, #tpu.memory_space<semaphore_mem>>
      %dma_wait3A_1756 = tpu.memref_squeeze %dma_wait3A_1755 : memref<1x!tpu.dma_semaphore, #tpu.memory_space<semaphore_mem>> -> memref<!tpu.dma_semaphore, #tpu.memory_space<semaphore_mem>>
      %dma_wait3A_1757 = arith.constant 0 : i32
      %dma_wait3A_1758 = arith.constant 0 : i32
      %dma_wait3A_1759 = tpu.memref_slice %arg6[%dma_wait3A_1746, %dma_wait3A_1757, %dma_wait3A_1758] : memref<8x32x128xf32, #tpu.memory_space<vmem>> -> memref<1x32x128xf32, #tpu.memory_space<vmem>>
      %dma_wait3A_1760 = tpu.memref_squeeze %dma_wait3A_1759 : memref<1x32x128xf32, #tpu.memory_space<vmem>> -> memref<32x128xf32, #tpu.memory_space<vmem>>
      %dma_wait3A_1761 = arith.constant 0 : i32
      %dma_wait3A_1762 = arith.constant 0 : i32
      %dma_wait3A_1763 = tpu.memref_slice %arg3[%dma_wait3A_1761, %dma_wait3A_1762] : memref<32x1000000xf32, #tpu.memory_space<hbm>> -> memref<32x128xf32, #tpu.memory_space<hbm>>
      tpu.wait_dma2 semaphore(%dma_wait3A_1756 : memref<!tpu.dma_semaphore, #tpu.memory_space<semaphore_mem>>) src(%dma_wait3A_1763 : memref<32x128xf32, #tpu.memory_space<hbm>>) dst(%dma_wait3A_1760 : memref<32x128xf32, #tpu.memory_space<vmem>>)
      %slice3A_1764 = vector.extract_strided_slice %get3A_700 {offsets = [4], sizes = [1], strides = [1]} : vector<16xi32> to vector<1xi32>
      %squeeze3A_1765 = vector.extract %slice3A_1764[0] : i32 from vector<1xi32>
      %jit3A_1766 = arith.constant 128 : i32
      %div3A_1767 = arith.divsi %squeeze3A_1765, %jit3A_1766 : i32
      %sign3A_1768 = arith.constant 0 : i32
      %sign3A_1769 = arith.cmpi sgt, %squeeze3A_1765, %sign3A_1768 : i32
      %sign3A_1770 = arith.extui %sign3A_1769 : i1 to i32
      %sign3A_1771 = arith.constant 0 : i32
      %sign3A_1772 = arith.cmpi slt, %squeeze3A_1765, %sign3A_1771 : i32
      %sign3A_1773 = arith.extui %sign3A_1772 : i1 to i32
      %sign3A_1774 = arith.subi %sign3A_1770, %sign3A_1773 : i32
      %sign3A_1775 = arith.constant 0 : i32
      %sign3A_1776 = arith.cmpi sgt, %jit3A_1766, %sign3A_1775 : i32
      %sign3A_1777 = arith.extui %sign3A_1776 : i1 to i32
      %sign3A_1778 = arith.constant 0 : i32
      %sign3A_1779 = arith.cmpi slt, %jit3A_1766, %sign3A_1778 : i32
      %sign3A_1780 = arith.extui %sign3A_1779 : i1 to i32
      %sign3A_1781 = arith.subi %sign3A_1777, %sign3A_1780 : i32
      %ne3A_1782 = arith.cmpi ne, %sign3A_1774, %sign3A_1781 : i32
      %rem3A_1783 = arith.remsi %squeeze3A_1765, %jit3A_1766 : i32
      %ne3A_1784 = arith.constant 0 : i32
      %ne3A_1785 = arith.cmpi ne, %rem3A_1783, %ne3A_1784 : i32
      %and3A_1786 = arith.andi %ne3A_1782, %ne3A_1785 : i1
      %sub3A_1787 = arith.constant 1 : i32
      %sub3A_1788 = arith.subi %div3A_1767, %sub3A_1787 : i32
      %select_n3A_1789 = arith.select %and3A_1786, %sub3A_1788, %div3A_1767 : i32
      %mul3A_1790 = arith.constant 128 : i32
      %mul3A_1791 = arith.muli %select_n3A_1789, %mul3A_1790 : i32
      %sub3A_1792 = arith.subi %squeeze3A_1765, %mul3A_1791 : i32
      %broadcast_in_dim3A_1793 = vector.broadcast %sub3A_1792 : i32 to vector<16xi32>
      %broadcast_in_dim3A_1794 = vector.broadcast %add3A_1745 : i32 to vector<16xi32>
      %gather3A_1795 = arith.constant 4 : i32
      %gather3A_1796 = arith.constant 0 : i32
      %gather3A_1797 = arith.constant 0 : i32
      %gather3A_1798 = tpu.memref_slice %arg6[%gather3A_1795, %gather3A_1796, %gather3A_1797] : memref<8x32x128xf32, #tpu.memory_space<vmem>> -> memref<1x32x128xf32, #tpu.memory_space<vmem>>
      %gather3A_1799 = tpu.memref_squeeze %gather3A_1798 : memref<1x32x128xf32, #tpu.memory_space<vmem>> -> memref<32x128xf32, #tpu.memory_space<vmem>>
      %gather3A_1800 = tpu.vector_load_idx %gather3A_1799[%iota3A, %broadcast_in_dim3A_1793] : memref<32x128xf32, #tpu.memory_space<vmem>>[vector<16xi32>, vector<16xi32>], vector<16xf32>,
      %gather3A_1801 = arith.constant 4 : i32
      %gather3A_1802 = arith.constant 0 : i32
      %gather3A_1803 = arith.constant 0 : i32
      %gather3A_1804 = tpu.memref_slice %arg6[%gather3A_1801, %gather3A_1802, %gather3A_1803] : memref<8x32x128xf32, #tpu.memory_space<vmem>> -> memref<1x32x128xf32, #tpu.memory_space<vmem>>
      %gather3A_1805 = tpu.memref_squeeze %gather3A_1804 : memref<1x32x128xf32, #tpu.memory_space<vmem>> -> memref<32x128xf32, #tpu.memory_space<vmem>>
      %gather3A_1806 = tpu.vector_load_idx %gather3A_1805[%add3A_5, %broadcast_in_dim3A_1793] : memref<32x128xf32, #tpu.memory_space<vmem>>[vector<16xi32>, vector<16xi32>], vector<16xf32>,
      tpu.vector_store_idx %arg9[%iota3A, %broadcast_in_dim3A_1794], %gather3A_1800 : memref<32x512xf32, #tpu.memory_space<vmem>>[vector<16xi32>, vector<16xi32>], vector<16xf32>,
      tpu.vector_store_idx %arg9[%add3A_5, %broadcast_in_dim3A_1794], %gather3A_1806 : memref<32x512xf32, #tpu.memory_space<vmem>>[vector<16xi32>, vector<16xi32>], vector<16xf32>,
      %add3A_1807 = arith.constant 1 : i32
      %add3A_1808 = arith.addi %scan3A_696, %add3A_1807 : i32
      %lt3A_1809 = arith.constant 32 : i32
      %lt3A_1810 = arith.cmpi slt, %add3A_1808, %lt3A_1809 : i32
      %convert_element_type3A_1811 = arith.extui %lt3A_1810 : i1 to i32
      %cond3A_1812 = arith.constant 0 : i32
      %cond3A_1813 = arith.cmpi ne, %convert_element_type3A_1811, %cond3A_1812 : i32
      scf.if %cond3A_1813 {
        %slice3A_2420 = vector.extract_strided_slice %get3A_707 {offsets = [4], sizes = [1], strides = [1]} : vector<16xi32> to vector<1xi32>
        %squeeze3A_2421 = vector.extract %slice3A_2420[0] : i32 from vector<1xi32>
        %jit3A_2422 = arith.constant 128 : i32
        %div3A_2423 = arith.divsi %squeeze3A_2421, %jit3A_2422 : i32
        %sign3A_2424 = arith.constant 0 : i32
        %sign3A_2425 = arith.cmpi sgt, %squeeze3A_2421, %sign3A_2424 : i32
        %sign3A_2426 = arith.extui %sign3A_2425 : i1 to i32
        %sign3A_2427 = arith.constant 0 : i32
        %sign3A_2428 = arith.cmpi slt, %squeeze3A_2421, %sign3A_2427 : i32
        %sign3A_2429 = arith.extui %sign3A_2428 : i1 to i32
        %sign3A_2430 = arith.subi %sign3A_2426, %sign3A_2429 : i32
        %sign3A_2431 = arith.constant 0 : i32
        %sign3A_2432 = arith.cmpi sgt, %jit3A_2422, %sign3A_2431 : i32
        %sign3A_2433 = arith.extui %sign3A_2432 : i1 to i32
        %sign3A_2434 = arith.constant 0 : i32
        %sign3A_2435 = arith.cmpi slt, %jit3A_2422, %sign3A_2434 : i32
        %sign3A_2436 = arith.extui %sign3A_2435 : i1 to i32
        %sign3A_2437 = arith.subi %sign3A_2433, %sign3A_2436 : i32
        %ne3A_2438 = arith.cmpi ne, %sign3A_2430, %sign3A_2437 : i32
        %rem3A_2439 = arith.remsi %squeeze3A_2421, %jit3A_2422 : i32
        %ne3A_2440 = arith.constant 0 : i32
        %ne3A_2441 = arith.cmpi ne, %rem3A_2439, %ne3A_2440 : i32
        %and3A_2442 = arith.andi %ne3A_2438, %ne3A_2441 : i1
        %sub3A_2443 = arith.constant 1 : i32
        %sub3A_2444 = arith.subi %div3A_2423, %sub3A_2443 : i32
        %select_n3A_2445 = arith.select %and3A_2442, %sub3A_2444, %div3A_2423 : i32
        %mul3A_2446 = arith.constant 128 : i32
        %mul3A_2447 = arith.muli %select_n3A_2445, %mul3A_2446 : i32
        %dma_start3A_2448 = arith.constant 4 : i32
        %dma_start3A_2449 = arith.constant 4 : i32
        %dma_start3A_2450 = arith.constant 0 : i32
        %dma_start3A_2451 = arith.constant 0 : i32
        %dma_start3A_2452 = tpu.memref_slice %arg6[%dma_start3A_2448, %dma_start3A_2450, %dma_start3A_2451] : memref<8x32x128xf32, #tpu.memory_space<vmem>> -> memref<1x32x128xf32, #tpu.memory_space<vmem>>
        %dma_start3A_2453 = tpu.memref_squeeze %dma_start3A_2452 : memref<1x32x128xf32, #tpu.memory_space<vmem>> -> memref<32x128xf32, #tpu.memory_space<vmem>>
        %dma_start3A_2454 = arith.constant 0 : i32
        %dma_start3A_2455 = tpu.memref_slice %arg3[%dma_start3A_2454, %mul3A_2447] : memref<32x1000000xf32, #tpu.memory_space<hbm>> -> memref<32x128xf32, #tpu.memory_space<hbm>>
        %dma_start3A_2456 = tpu.memref_slice %arg10[%dma_start3A_2449] : memref<8x!tpu.dma_semaphore, #tpu.memory_space<semaphore_mem>> -> memref<1x!tpu.dma_semaphore, #tpu.memory_space<semaphore_mem>>
        %dma_start3A_2457 = tpu.memref_squeeze %dma_start3A_2456 : memref<1x!tpu.dma_semaphore, #tpu.memory_space<semaphore_mem>> -> memref<!tpu.dma_semaphore, #tpu.memory_space<semaphore_mem>>
        %dma_start3A_2458 = arith.constant 0 : i32
        %dma_start3A_2459 = arith.constant 0 : i32
        %dma_start3A_2460 = tpu.memref_slice %arg6[%dma_start3A_2448, %dma_start3A_2458, %dma_start3A_2459] : memref<8x32x128xf32, #tpu.memory_space<vmem>> -> memref<1x32x128xf32, #tpu.memory_space<vmem>>
        %dma_start3A_2461 = tpu.memref_squeeze %dma_start3A_2460 : memref<1x32x128xf32, #tpu.memory_space<vmem>> -> memref<32x128xf32, #tpu.memory_space<vmem>>
        %dma_start3A_2462 = arith.constant 0 : i32
        %dma_start3A_2463 = tpu.memref_slice %arg3[%dma_start3A_2462, %mul3A_2447] : memref<32x1000000xf32, #tpu.memory_space<hbm>> -> memref<32x128xf32, #tpu.memory_space<hbm>>
        tpu.enqueue_dma source(%dma_start3A_2463 : memref<32x128xf32, #tpu.memory_space<hbm>>) target(%dma_start3A_2461 : memref<32x128xf32, #tpu.memory_space<vmem>>) target_semaphore(%dma_start3A_2457 : memref<!tpu.dma_semaphore, #tpu.memory_space<semaphore_mem>>)
      } else {
      }
      %mul3A_1814 = arith.constant 16 : i32
      %mul3A_1815 = arith.muli %scan3A_696, %mul3A_1814 : i32
      %add3A_1816 = arith.constant 5 : i32
      %add3A_1817 = arith.addi %mul3A_1815, %add3A_1816 : i32
      %dma_wait3A_1818 = arith.constant 5 : i32
      %dma_wait3A_1819 = arith.constant 5 : i32
      %dma_wait3A_1820 = arith.constant 0 : i32
      %dma_wait3A_1821 = arith.constant 0 : i32
      %dma_wait3A_1822 = tpu.memref_slice %arg6[%dma_wait3A_1818, %dma_wait3A_1820, %dma_wait3A_1821] : memref<8x32x128xf32, #tpu.memory_space<vmem>> -> memref<1x32x128xf32, #tpu.memory_space<vmem>>
      %dma_wait3A_1823 = tpu.memref_squeeze %dma_wait3A_1822 : memref<1x32x128xf32, #tpu.memory_space<vmem>> -> memref<32x128xf32, #tpu.memory_space<vmem>>
      %dma_wait3A_1824 = arith.constant 0 : i32
      %dma_wait3A_1825 = arith.constant 0 : i32
      %dma_wait3A_1826 = tpu.memref_slice %arg3[%dma_wait3A_1824, %dma_wait3A_1825] : memref<32x1000000xf32, #tpu.memory_space<hbm>> -> memref<32x128xf32, #tpu.memory_space<hbm>>
      %dma_wait3A_1827 = tpu.memref_slice %arg10[%dma_wait3A_1819] : memref<8x!tpu.dma_semaphore, #tpu.memory_space<semaphore_mem>> -> memref<1x!tpu.dma_semaphore, #tpu.memory_space<semaphore_mem>>
      %dma_wait3A_1828 = tpu.memref_squeeze %dma_wait3A_1827 : memref<1x!tpu.dma_semaphore, #tpu.memory_space<semaphore_mem>> -> memref<!tpu.dma_semaphore, #tpu.memory_space<semaphore_mem>>
      %dma_wait3A_1829 = arith.constant 0 : i32
      %dma_wait3A_1830 = arith.constant 0 : i32
      %dma_wait3A_1831 = tpu.memref_slice %arg6[%dma_wait3A_1818, %dma_wait3A_1829, %dma_wait3A_1830] : memref<8x32x128xf32, #tpu.memory_space<vmem>> -> memref<1x32x128xf32, #tpu.memory_space<vmem>>
      %dma_wait3A_1832 = tpu.memref_squeeze %dma_wait3A_1831 : memref<1x32x128xf32, #tpu.memory_space<vmem>> -> memref<32x128xf32, #tpu.memory_space<vmem>>
      %dma_wait3A_1833 = arith.constant 0 : i32
      %dma_wait3A_1834 = arith.constant 0 : i32
      %dma_wait3A_1835 = tpu.memref_slice %arg3[%dma_wait3A_1833, %dma_wait3A_1834] : memref<32x1000000xf32, #tpu.memory_space<hbm>> -> memref<32x128xf32, #tpu.memory_space<hbm>>
      tpu.wait_dma2 semaphore(%dma_wait3A_1828 : memref<!tpu.dma_semaphore, #tpu.memory_space<semaphore_mem>>) src(%dma_wait3A_1835 : memref<32x128xf32, #tpu.memory_space<hbm>>) dst(%dma_wait3A_1832 : memref<32x128xf32, #tpu.memory_space<vmem>>)
      %slice3A_1836 = vector.extract_strided_slice %get3A_700 {offsets = [5], sizes = [1], strides = [1]} : vector<16xi32> to vector<1xi32>
      %squeeze3A_1837 = vector.extract %slice3A_1836[0] : i32 from vector<1xi32>
      %jit3A_1838 = arith.constant 128 : i32
      %div3A_1839 = arith.divsi %squeeze3A_1837, %jit3A_1838 : i32
      %sign3A_1840 = arith.constant 0 : i32
      %sign3A_1841 = arith.cmpi sgt, %squeeze3A_1837, %sign3A_1840 : i32
      %sign3A_1842 = arith.extui %sign3A_1841 : i1 to i32
      %sign3A_1843 = arith.constant 0 : i32
      %sign3A_1844 = arith.cmpi slt, %squeeze3A_1837, %sign3A_1843 : i32
      %sign3A_1845 = arith.extui %sign3A_1844 : i1 to i32
      %sign3A_1846 = arith.subi %sign3A_1842, %sign3A_1845 : i32
      %sign3A_1847 = arith.constant 0 : i32
      %sign3A_1848 = arith.cmpi sgt, %jit3A_1838, %sign3A_1847 : i32
      %sign3A_1849 = arith.extui %sign3A_1848 : i1 to i32
      %sign3A_1850 = arith.constant 0 : i32
      %sign3A_1851 = arith.cmpi slt, %jit3A_1838, %sign3A_1850 : i32
      %sign3A_1852 = arith.extui %sign3A_1851 : i1 to i32
      %sign3A_1853 = arith.subi %sign3A_1849, %sign3A_1852 : i32
      %ne3A_1854 = arith.cmpi ne, %sign3A_1846, %sign3A_1853 : i32
      %rem3A_1855 = arith.remsi %squeeze3A_1837, %jit3A_1838 : i32
      %ne3A_1856 = arith.constant 0 : i32
      %ne3A_1857 = arith.cmpi ne, %rem3A_1855, %ne3A_1856 : i32
      %and3A_1858 = arith.andi %ne3A_1854, %ne3A_1857 : i1
      %sub3A_1859 = arith.constant 1 : i32
      %sub3A_1860 = arith.subi %div3A_1839, %sub3A_1859 : i32
      %select_n3A_1861 = arith.select %and3A_1858, %sub3A_1860, %div3A_1839 : i32
      %mul3A_1862 = arith.constant 128 : i32
      %mul3A_1863 = arith.muli %select_n3A_1861, %mul3A_1862 : i32
      %sub3A_1864 = arith.subi %squeeze3A_1837, %mul3A_1863 : i32
      %broadcast_in_dim3A_1865 = vector.broadcast %sub3A_1864 : i32 to vector<16xi32>
      %broadcast_in_dim3A_1866 = vector.broadcast %add3A_1817 : i32 to vector<16xi32>
      %gather3A_1867 = arith.constant 5 : i32
      %gather3A_1868 = arith.constant 0 : i32
      %gather3A_1869 = arith.constant 0 : i32
      %gather3A_1870 = tpu.memref_slice %arg6[%gather3A_1867, %gather3A_1868, %gather3A_1869] : memref<8x32x128xf32, #tpu.memory_space<vmem>> -> memref<1x32x128xf32, #tpu.memory_space<vmem>>
      %gather3A_1871 = tpu.memref_squeeze %gather3A_1870 : memref<1x32x128xf32, #tpu.memory_space<vmem>> -> memref<32x128xf32, #tpu.memory_space<vmem>>
      %gather3A_1872 = tpu.vector_load_idx %gather3A_1871[%iota3A, %broadcast_in_dim3A_1865] : memref<32x128xf32, #tpu.memory_space<vmem>>[vector<16xi32>, vector<16xi32>], vector<16xf32>,
      %gather3A_1873 = arith.constant 5 : i32
      %gather3A_1874 = arith.constant 0 : i32
      %gather3A_1875 = arith.constant 0 : i32
      %gather3A_1876 = tpu.memref_slice %arg6[%gather3A_1873, %gather3A_1874, %gather3A_1875] : memref<8x32x128xf32, #tpu.memory_space<vmem>> -> memref<1x32x128xf32, #tpu.memory_space<vmem>>
      %gather3A_1877 = tpu.memref_squeeze %gather3A_1876 : memref<1x32x128xf32, #tpu.memory_space<vmem>> -> memref<32x128xf32, #tpu.memory_space<vmem>>
      %gather3A_1878 = tpu.vector_load_idx %gather3A_1877[%add3A_5, %broadcast_in_dim3A_1865] : memref<32x128xf32, #tpu.memory_space<vmem>>[vector<16xi32>, vector<16xi32>], vector<16xf32>,
      tpu.vector_store_idx %arg9[%iota3A, %broadcast_in_dim3A_1866], %gather3A_1872 : memref<32x512xf32, #tpu.memory_space<vmem>>[vector<16xi32>, vector<16xi32>], vector<16xf32>,
      tpu.vector_store_idx %arg9[%add3A_5, %broadcast_in_dim3A_1866], %gather3A_1878 : memref<32x512xf32, #tpu.memory_space<vmem>>[vector<16xi32>, vector<16xi32>], vector<16xf32>,
      %add3A_1879 = arith.constant 1 : i32
      %add3A_1880 = arith.addi %scan3A_696, %add3A_1879 : i32
      %lt3A_1881 = arith.constant 32 : i32
      %lt3A_1882 = arith.cmpi slt, %add3A_1880, %lt3A_1881 : i32
      %convert_element_type3A_1883 = arith.extui %lt3A_1882 : i1 to i32
      %cond3A_1884 = arith.constant 0 : i32
      %cond3A_1885 = arith.cmpi ne, %convert_element_type3A_1883, %cond3A_1884 : i32
      scf.if %cond3A_1885 {
        %slice3A_2420 = vector.extract_strided_slice %get3A_707 {offsets = [5], sizes = [1], strides = [1]} : vector<16xi32> to vector<1xi32>
        %squeeze3A_2421 = vector.extract %slice3A_2420[0] : i32 from vector<1xi32>
        %jit3A_2422 = arith.constant 128 : i32
        %div3A_2423 = arith.divsi %squeeze3A_2421, %jit3A_2422 : i32
        %sign3A_2424 = arith.constant 0 : i32
        %sign3A_2425 = arith.cmpi sgt, %squeeze3A_2421, %sign3A_2424 : i32
        %sign3A_2426 = arith.extui %sign3A_2425 : i1 to i32
        %sign3A_2427 = arith.constant 0 : i32
        %sign3A_2428 = arith.cmpi slt, %squeeze3A_2421, %sign3A_2427 : i32
        %sign3A_2429 = arith.extui %sign3A_2428 : i1 to i32
        %sign3A_2430 = arith.subi %sign3A_2426, %sign3A_2429 : i32
        %sign3A_2431 = arith.constant 0 : i32
        %sign3A_2432 = arith.cmpi sgt, %jit3A_2422, %sign3A_2431 : i32
        %sign3A_2433 = arith.extui %sign3A_2432 : i1 to i32
        %sign3A_2434 = arith.constant 0 : i32
        %sign3A_2435 = arith.cmpi slt, %jit3A_2422, %sign3A_2434 : i32
        %sign3A_2436 = arith.extui %sign3A_2435 : i1 to i32
        %sign3A_2437 = arith.subi %sign3A_2433, %sign3A_2436 : i32
        %ne3A_2438 = arith.cmpi ne, %sign3A_2430, %sign3A_2437 : i32
        %rem3A_2439 = arith.remsi %squeeze3A_2421, %jit3A_2422 : i32
        %ne3A_2440 = arith.constant 0 : i32
        %ne3A_2441 = arith.cmpi ne, %rem3A_2439, %ne3A_2440 : i32
        %and3A_2442 = arith.andi %ne3A_2438, %ne3A_2441 : i1
        %sub3A_2443 = arith.constant 1 : i32
        %sub3A_2444 = arith.subi %div3A_2423, %sub3A_2443 : i32
        %select_n3A_2445 = arith.select %and3A_2442, %sub3A_2444, %div3A_2423 : i32
        %mul3A_2446 = arith.constant 128 : i32
        %mul3A_2447 = arith.muli %select_n3A_2445, %mul3A_2446 : i32
        %dma_start3A_2448 = arith.constant 5 : i32
        %dma_start3A_2449 = arith.constant 5 : i32
        %dma_start3A_2450 = arith.constant 0 : i32
        %dma_start3A_2451 = arith.constant 0 : i32
        %dma_start3A_2452 = tpu.memref_slice %arg6[%dma_start3A_2448, %dma_start3A_2450, %dma_start3A_2451] : memref<8x32x128xf32, #tpu.memory_space<vmem>> -> memref<1x32x128xf32, #tpu.memory_space<vmem>>
        %dma_start3A_2453 = tpu.memref_squeeze %dma_start3A_2452 : memref<1x32x128xf32, #tpu.memory_space<vmem>> -> memref<32x128xf32, #tpu.memory_space<vmem>>
        %dma_start3A_2454 = arith.constant 0 : i32
        %dma_start3A_2455 = tpu.memref_slice %arg3[%dma_start3A_2454, %mul3A_2447] : memref<32x1000000xf32, #tpu.memory_space<hbm>> -> memref<32x128xf32, #tpu.memory_space<hbm>>
        %dma_start3A_2456 = tpu.memref_slice %arg10[%dma_start3A_2449] : memref<8x!tpu.dma_semaphore, #tpu.memory_space<semaphore_mem>> -> memref<1x!tpu.dma_semaphore, #tpu.memory_space<semaphore_mem>>
        %dma_start3A_2457 = tpu.memref_squeeze %dma_start3A_2456 : memref<1x!tpu.dma_semaphore, #tpu.memory_space<semaphore_mem>> -> memref<!tpu.dma_semaphore, #tpu.memory_space<semaphore_mem>>
        %dma_start3A_2458 = arith.constant 0 : i32
        %dma_start3A_2459 = arith.constant 0 : i32
        %dma_start3A_2460 = tpu.memref_slice %arg6[%dma_start3A_2448, %dma_start3A_2458, %dma_start3A_2459] : memref<8x32x128xf32, #tpu.memory_space<vmem>> -> memref<1x32x128xf32, #tpu.memory_space<vmem>>
        %dma_start3A_2461 = tpu.memref_squeeze %dma_start3A_2460 : memref<1x32x128xf32, #tpu.memory_space<vmem>> -> memref<32x128xf32, #tpu.memory_space<vmem>>
        %dma_start3A_2462 = arith.constant 0 : i32
        %dma_start3A_2463 = tpu.memref_slice %arg3[%dma_start3A_2462, %mul3A_2447] : memref<32x1000000xf32, #tpu.memory_space<hbm>> -> memref<32x128xf32, #tpu.memory_space<hbm>>
        tpu.enqueue_dma source(%dma_start3A_2463 : memref<32x128xf32, #tpu.memory_space<hbm>>) target(%dma_start3A_2461 : memref<32x128xf32, #tpu.memory_space<vmem>>) target_semaphore(%dma_start3A_2457 : memref<!tpu.dma_semaphore, #tpu.memory_space<semaphore_mem>>)
      } else {
      }
      %mul3A_1886 = arith.constant 16 : i32
      %mul3A_1887 = arith.muli %scan3A_696, %mul3A_1886 : i32
      %add3A_1888 = arith.constant 6 : i32
      %add3A_1889 = arith.addi %mul3A_1887, %add3A_1888 : i32
      %dma_wait3A_1890 = arith.constant 6 : i32
      %dma_wait3A_1891 = arith.constant 6 : i32
      %dma_wait3A_1892 = arith.constant 0 : i32
      %dma_wait3A_1893 = arith.constant 0 : i32
      %dma_wait3A_1894 = tpu.memref_slice %arg6[%dma_wait3A_1890, %dma_wait3A_1892, %dma_wait3A_1893] : memref<8x32x128xf32, #tpu.memory_space<vmem>> -> memref<1x32x128xf32, #tpu.memory_space<vmem>>
      %dma_wait3A_1895 = tpu.memref_squeeze %dma_wait3A_1894 : memref<1x32x128xf32, #tpu.memory_space<vmem>> -> memref<32x128xf32, #tpu.memory_space<vmem>>
      %dma_wait3A_1896 = arith.constant 0 : i32
      %dma_wait3A_1897 = arith.constant 0 : i32
      %dma_wait3A_1898 = tpu.memref_slice %arg3[%dma_wait3A_1896, %dma_wait3A_1897] : memref<32x1000000xf32, #tpu.memory_space<hbm>> -> memref<32x128xf32, #tpu.memory_space<hbm>>
      %dma_wait3A_1899 = tpu.memref_slice %arg10[%dma_wait3A_1891] : memref<8x!tpu.dma_semaphore, #tpu.memory_space<semaphore_mem>> -> memref<1x!tpu.dma_semaphore, #tpu.memory_space<semaphore_mem>>
      %dma_wait3A_1900 = tpu.memref_squeeze %dma_wait3A_1899 : memref<1x!tpu.dma_semaphore, #tpu.memory_space<semaphore_mem>> -> memref<!tpu.dma_semaphore, #tpu.memory_space<semaphore_mem>>
      %dma_wait3A_1901 = arith.constant 0 : i32
      %dma_wait3A_1902 = arith.constant 0 : i32
      %dma_wait3A_1903 = tpu.memref_slice %arg6[%dma_wait3A_1890, %dma_wait3A_1901, %dma_wait3A_1902] : memref<8x32x128xf32, #tpu.memory_space<vmem>> -> memref<1x32x128xf32, #tpu.memory_space<vmem>>
      %dma_wait3A_1904 = tpu.memref_squeeze %dma_wait3A_1903 : memref<1x32x128xf32, #tpu.memory_space<vmem>> -> memref<32x128xf32, #tpu.memory_space<vmem>>
      %dma_wait3A_1905 = arith.constant 0 : i32
      %dma_wait3A_1906 = arith.constant 0 : i32
      %dma_wait3A_1907 = tpu.memref_slice %arg3[%dma_wait3A_1905, %dma_wait3A_1906] : memref<32x1000000xf32, #tpu.memory_space<hbm>> -> memref<32x128xf32, #tpu.memory_space<hbm>>
      tpu.wait_dma2 semaphore(%dma_wait3A_1900 : memref<!tpu.dma_semaphore, #tpu.memory_space<semaphore_mem>>) src(%dma_wait3A_1907 : memref<32x128xf32, #tpu.memory_space<hbm>>) dst(%dma_wait3A_1904 : memref<32x128xf32, #tpu.memory_space<vmem>>)
      %slice3A_1908 = vector.extract_strided_slice %get3A_700 {offsets = [6], sizes = [1], strides = [1]} : vector<16xi32> to vector<1xi32>
      %squeeze3A_1909 = vector.extract %slice3A_1908[0] : i32 from vector<1xi32>
      %jit3A_1910 = arith.constant 128 : i32
      %div3A_1911 = arith.divsi %squeeze3A_1909, %jit3A_1910 : i32
      %sign3A_1912 = arith.constant 0 : i32
      %sign3A_1913 = arith.cmpi sgt, %squeeze3A_1909, %sign3A_1912 : i32
      %sign3A_1914 = arith.extui %sign3A_1913 : i1 to i32
      %sign3A_1915 = arith.constant 0 : i32
      %sign3A_1916 = arith.cmpi slt, %squeeze3A_1909, %sign3A_1915 : i32
      %sign3A_1917 = arith.extui %sign3A_1916 : i1 to i32
      %sign3A_1918 = arith.subi %sign3A_1914, %sign3A_1917 : i32
      %sign3A_1919 = arith.constant 0 : i32
      %sign3A_1920 = arith.cmpi sgt, %jit3A_1910, %sign3A_1919 : i32
      %sign3A_1921 = arith.extui %sign3A_1920 : i1 to i32
      %sign3A_1922 = arith.constant 0 : i32
      %sign3A_1923 = arith.cmpi slt, %jit3A_1910, %sign3A_1922 : i32
      %sign3A_1924 = arith.extui %sign3A_1923 : i1 to i32
      %sign3A_1925 = arith.subi %sign3A_1921, %sign3A_1924 : i32
      %ne3A_1926 = arith.cmpi ne, %sign3A_1918, %sign3A_1925 : i32
      %rem3A_1927 = arith.remsi %squeeze3A_1909, %jit3A_1910 : i32
      %ne3A_1928 = arith.constant 0 : i32
      %ne3A_1929 = arith.cmpi ne, %rem3A_1927, %ne3A_1928 : i32
      %and3A_1930 = arith.andi %ne3A_1926, %ne3A_1929 : i1
      %sub3A_1931 = arith.constant 1 : i32
      %sub3A_1932 = arith.subi %div3A_1911, %sub3A_1931 : i32
      %select_n3A_1933 = arith.select %and3A_1930, %sub3A_1932, %div3A_1911 : i32
      %mul3A_1934 = arith.constant 128 : i32
      %mul3A_1935 = arith.muli %select_n3A_1933, %mul3A_1934 : i32
      %sub3A_1936 = arith.subi %squeeze3A_1909, %mul3A_1935 : i32
      %broadcast_in_dim3A_1937 = vector.broadcast %sub3A_1936 : i32 to vector<16xi32>
      %broadcast_in_dim3A_1938 = vector.broadcast %add3A_1889 : i32 to vector<16xi32>
      %gather3A_1939 = arith.constant 6 : i32
      %gather3A_1940 = arith.constant 0 : i32
      %gather3A_1941 = arith.constant 0 : i32
      %gather3A_1942 = tpu.memref_slice %arg6[%gather3A_1939, %gather3A_1940, %gather3A_1941] : memref<8x32x128xf32, #tpu.memory_space<vmem>> -> memref<1x32x128xf32, #tpu.memory_space<vmem>>
      %gather3A_1943 = tpu.memref_squeeze %gather3A_1942 : memref<1x32x128xf32, #tpu.memory_space<vmem>> -> memref<32x128xf32, #tpu.memory_space<vmem>>
      %gather3A_1944 = tpu.vector_load_idx %gather3A_1943[%iota3A, %broadcast_in_dim3A_1937] : memref<32x128xf32, #tpu.memory_space<vmem>>[vector<16xi32>, vector<16xi32>], vector<16xf32>,
      %gather3A_1945 = arith.constant 6 : i32
      %gather3A_1946 = arith.constant 0 : i32
      %gather3A_1947 = arith.constant 0 : i32
      %gather3A_1948 = tpu.memref_slice %arg6[%gather3A_1945, %gather3A_1946, %gather3A_1947] : memref<8x32x128xf32, #tpu.memory_space<vmem>> -> memref<1x32x128xf32, #tpu.memory_space<vmem>>
      %gather3A_1949 = tpu.memref_squeeze %gather3A_1948 : memref<1x32x128xf32, #tpu.memory_space<vmem>> -> memref<32x128xf32, #tpu.memory_space<vmem>>
      %gather3A_1950 = tpu.vector_load_idx %gather3A_1949[%add3A_5, %broadcast_in_dim3A_1937] : memref<32x128xf32, #tpu.memory_space<vmem>>[vector<16xi32>, vector<16xi32>], vector<16xf32>,
      tpu.vector_store_idx %arg9[%iota3A, %broadcast_in_dim3A_1938], %gather3A_1944 : memref<32x512xf32, #tpu.memory_space<vmem>>[vector<16xi32>, vector<16xi32>], vector<16xf32>,
      tpu.vector_store_idx %arg9[%add3A_5, %broadcast_in_dim3A_1938], %gather3A_1950 : memref<32x512xf32, #tpu.memory_space<vmem>>[vector<16xi32>, vector<16xi32>], vector<16xf32>,
      %add3A_1951 = arith.constant 1 : i32
      %add3A_1952 = arith.addi %scan3A_696, %add3A_1951 : i32
      %lt3A_1953 = arith.constant 32 : i32
      %lt3A_1954 = arith.cmpi slt, %add3A_1952, %lt3A_1953 : i32
      %convert_element_type3A_1955 = arith.extui %lt3A_1954 : i1 to i32
      %cond3A_1956 = arith.constant 0 : i32
      %cond3A_1957 = arith.cmpi ne, %convert_element_type3A_1955, %cond3A_1956 : i32
      scf.if %cond3A_1957 {
        %slice3A_2420 = vector.extract_strided_slice %get3A_707 {offsets = [6], sizes = [1], strides = [1]} : vector<16xi32> to vector<1xi32>
        %squeeze3A_2421 = vector.extract %slice3A_2420[0] : i32 from vector<1xi32>
        %jit3A_2422 = arith.constant 128 : i32
        %div3A_2423 = arith.divsi %squeeze3A_2421, %jit3A_2422 : i32
        %sign3A_2424 = arith.constant 0 : i32
        %sign3A_2425 = arith.cmpi sgt, %squeeze3A_2421, %sign3A_2424 : i32
        %sign3A_2426 = arith.extui %sign3A_2425 : i1 to i32
        %sign3A_2427 = arith.constant 0 : i32
        %sign3A_2428 = arith.cmpi slt, %squeeze3A_2421, %sign3A_2427 : i32
        %sign3A_2429 = arith.extui %sign3A_2428 : i1 to i32
        %sign3A_2430 = arith.subi %sign3A_2426, %sign3A_2429 : i32
        %sign3A_2431 = arith.constant 0 : i32
        %sign3A_2432 = arith.cmpi sgt, %jit3A_2422, %sign3A_2431 : i32
        %sign3A_2433 = arith.extui %sign3A_2432 : i1 to i32
        %sign3A_2434 = arith.constant 0 : i32
        %sign3A_2435 = arith.cmpi slt, %jit3A_2422, %sign3A_2434 : i32
        %sign3A_2436 = arith.extui %sign3A_2435 : i1 to i32
        %sign3A_2437 = arith.subi %sign3A_2433, %sign3A_2436 : i32
        %ne3A_2438 = arith.cmpi ne, %sign3A_2430, %sign3A_2437 : i32
        %rem3A_2439 = arith.remsi %squeeze3A_2421, %jit3A_2422 : i32
        %ne3A_2440 = arith.constant 0 : i32
        %ne3A_2441 = arith.cmpi ne, %rem3A_2439, %ne3A_2440 : i32
        %and3A_2442 = arith.andi %ne3A_2438, %ne3A_2441 : i1
        %sub3A_2443 = arith.constant 1 : i32
        %sub3A_2444 = arith.subi %div3A_2423, %sub3A_2443 : i32
        %select_n3A_2445 = arith.select %and3A_2442, %sub3A_2444, %div3A_2423 : i32
        %mul3A_2446 = arith.constant 128 : i32
        %mul3A_2447 = arith.muli %select_n3A_2445, %mul3A_2446 : i32
        %dma_start3A_2448 = arith.constant 6 : i32
        %dma_start3A_2449 = arith.constant 6 : i32
        %dma_start3A_2450 = arith.constant 0 : i32
        %dma_start3A_2451 = arith.constant 0 : i32
        %dma_start3A_2452 = tpu.memref_slice %arg6[%dma_start3A_2448, %dma_start3A_2450, %dma_start3A_2451] : memref<8x32x128xf32, #tpu.memory_space<vmem>> -> memref<1x32x128xf32, #tpu.memory_space<vmem>>
        %dma_start3A_2453 = tpu.memref_squeeze %dma_start3A_2452 : memref<1x32x128xf32, #tpu.memory_space<vmem>> -> memref<32x128xf32, #tpu.memory_space<vmem>>
        %dma_start3A_2454 = arith.constant 0 : i32
        %dma_start3A_2455 = tpu.memref_slice %arg3[%dma_start3A_2454, %mul3A_2447] : memref<32x1000000xf32, #tpu.memory_space<hbm>> -> memref<32x128xf32, #tpu.memory_space<hbm>>
        %dma_start3A_2456 = tpu.memref_slice %arg10[%dma_start3A_2449] : memref<8x!tpu.dma_semaphore, #tpu.memory_space<semaphore_mem>> -> memref<1x!tpu.dma_semaphore, #tpu.memory_space<semaphore_mem>>
        %dma_start3A_2457 = tpu.memref_squeeze %dma_start3A_2456 : memref<1x!tpu.dma_semaphore, #tpu.memory_space<semaphore_mem>> -> memref<!tpu.dma_semaphore, #tpu.memory_space<semaphore_mem>>
        %dma_start3A_2458 = arith.constant 0 : i32
        %dma_start3A_2459 = arith.constant 0 : i32
        %dma_start3A_2460 = tpu.memref_slice %arg6[%dma_start3A_2448, %dma_start3A_2458, %dma_start3A_2459] : memref<8x32x128xf32, #tpu.memory_space<vmem>> -> memref<1x32x128xf32, #tpu.memory_space<vmem>>
        %dma_start3A_2461 = tpu.memref_squeeze %dma_start3A_2460 : memref<1x32x128xf32, #tpu.memory_space<vmem>> -> memref<32x128xf32, #tpu.memory_space<vmem>>
        %dma_start3A_2462 = arith.constant 0 : i32
        %dma_start3A_2463 = tpu.memref_slice %arg3[%dma_start3A_2462, %mul3A_2447] : memref<32x1000000xf32, #tpu.memory_space<hbm>> -> memref<32x128xf32, #tpu.memory_space<hbm>>
        tpu.enqueue_dma source(%dma_start3A_2463 : memref<32x128xf32, #tpu.memory_space<hbm>>) target(%dma_start3A_2461 : memref<32x128xf32, #tpu.memory_space<vmem>>) target_semaphore(%dma_start3A_2457 : memref<!tpu.dma_semaphore, #tpu.memory_space<semaphore_mem>>)
      } else {
      }
      %mul3A_1958 = arith.constant 16 : i32
      %mul3A_1959 = arith.muli %scan3A_696, %mul3A_1958 : i32
      %add3A_1960 = arith.constant 7 : i32
      %add3A_1961 = arith.addi %mul3A_1959, %add3A_1960 : i32
      %dma_wait3A_1962 = arith.constant 7 : i32
      %dma_wait3A_1963 = arith.constant 7 : i32
      %dma_wait3A_1964 = arith.constant 0 : i32
      %dma_wait3A_1965 = arith.constant 0 : i32
      %dma_wait3A_1966 = tpu.memref_slice %arg6[%dma_wait3A_1962, %dma_wait3A_1964, %dma_wait3A_1965] : memref<8x32x128xf32, #tpu.memory_space<vmem>> -> memref<1x32x128xf32, #tpu.memory_space<vmem>>
      %dma_wait3A_1967 = tpu.memref_squeeze %dma_wait3A_1966 : memref<1x32x128xf32, #tpu.memory_space<vmem>> -> memref<32x128xf32, #tpu.memory_space<vmem>>
      %dma_wait3A_1968 = arith.constant 0 : i32
      %dma_wait3A_1969 = arith.constant 0 : i32
      %dma_wait3A_1970 = tpu.memref_slice %arg3[%dma_wait3A_1968, %dma_wait3A_1969] : memref<32x1000000xf32, #tpu.memory_space<hbm>> -> memref<32x128xf32, #tpu.memory_space<hbm>>
      %dma_wait3A_1971 = tpu.memref_slice %arg10[%dma_wait3A_1963] : memref<8x!tpu.dma_semaphore, #tpu.memory_space<semaphore_mem>> -> memref<1x!tpu.dma_semaphore, #tpu.memory_space<semaphore_mem>>
      %dma_wait3A_1972 = tpu.memref_squeeze %dma_wait3A_1971 : memref<1x!tpu.dma_semaphore, #tpu.memory_space<semaphore_mem>> -> memref<!tpu.dma_semaphore, #tpu.memory_space<semaphore_mem>>
      %dma_wait3A_1973 = arith.constant 0 : i32
      %dma_wait3A_1974 = arith.constant 0 : i32
      %dma_wait3A_1975 = tpu.memref_slice %arg6[%dma_wait3A_1962, %dma_wait3A_1973, %dma_wait3A_1974] : memref<8x32x128xf32, #tpu.memory_space<vmem>> -> memref<1x32x128xf32, #tpu.memory_space<vmem>>
      %dma_wait3A_1976 = tpu.memref_squeeze %dma_wait3A_1975 : memref<1x32x128xf32, #tpu.memory_space<vmem>> -> memref<32x128xf32, #tpu.memory_space<vmem>>
      %dma_wait3A_1977 = arith.constant 0 : i32
      %dma_wait3A_1978 = arith.constant 0 : i32
      %dma_wait3A_1979 = tpu.memref_slice %arg3[%dma_wait3A_1977, %dma_wait3A_1978] : memref<32x1000000xf32, #tpu.memory_space<hbm>> -> memref<32x128xf32, #tpu.memory_space<hbm>>
      tpu.wait_dma2 semaphore(%dma_wait3A_1972 : memref<!tpu.dma_semaphore, #tpu.memory_space<semaphore_mem>>) src(%dma_wait3A_1979 : memref<32x128xf32, #tpu.memory_space<hbm>>) dst(%dma_wait3A_1976 : memref<32x128xf32, #tpu.memory_space<vmem>>)
      %slice3A_1980 = vector.extract_strided_slice %get3A_700 {offsets = [7], sizes = [1], strides = [1]} : vector<16xi32> to vector<1xi32>
      %squeeze3A_1981 = vector.extract %slice3A_1980[0] : i32 from vector<1xi32>
      %jit3A_1982 = arith.constant 128 : i32
      %div3A_1983 = arith.divsi %squeeze3A_1981, %jit3A_1982 : i32
      %sign3A_1984 = arith.constant 0 : i32
      %sign3A_1985 = arith.cmpi sgt, %squeeze3A_1981, %sign3A_1984 : i32
      %sign3A_1986 = arith.extui %sign3A_1985 : i1 to i32
      %sign3A_1987 = arith.constant 0 : i32
      %sign3A_1988 = arith.cmpi slt, %squeeze3A_1981, %sign3A_1987 : i32
      %sign3A_1989 = arith.extui %sign3A_1988 : i1 to i32
      %sign3A_1990 = arith.subi %sign3A_1986, %sign3A_1989 : i32
      %sign3A_1991 = arith.constant 0 : i32
      %sign3A_1992 = arith.cmpi sgt, %jit3A_1982, %sign3A_1991 : i32
      %sign3A_1993 = arith.extui %sign3A_1992 : i1 to i32
      %sign3A_1994 = arith.constant 0 : i32
      %sign3A_1995 = arith.cmpi slt, %jit3A_1982, %sign3A_1994 : i32
      %sign3A_1996 = arith.extui %sign3A_1995 : i1 to i32
      %sign3A_1997 = arith.subi %sign3A_1993, %sign3A_1996 : i32
      %ne3A_1998 = arith.cmpi ne, %sign3A_1990, %sign3A_1997 : i32
      %rem3A_1999 = arith.remsi %squeeze3A_1981, %jit3A_1982 : i32
      %ne3A_2000 = arith.constant 0 : i32
      %ne3A_2001 = arith.cmpi ne, %rem3A_1999, %ne3A_2000 : i32
      %and3A_2002 = arith.andi %ne3A_1998, %ne3A_2001 : i1
      %sub3A_2003 = arith.constant 1 : i32
      %sub3A_2004 = arith.subi %div3A_1983, %sub3A_2003 : i32
      %select_n3A_2005 = arith.select %and3A_2002, %sub3A_2004, %div3A_1983 : i32
      %mul3A_2006 = arith.constant 128 : i32
      %mul3A_2007 = arith.muli %select_n3A_2005, %mul3A_2006 : i32
      %sub3A_2008 = arith.subi %squeeze3A_1981, %mul3A_2007 : i32
      %broadcast_in_dim3A_2009 = vector.broadcast %sub3A_2008 : i32 to vector<16xi32>
      %broadcast_in_dim3A_2010 = vector.broadcast %add3A_1961 : i32 to vector<16xi32>
      %gather3A_2011 = arith.constant 7 : i32
      %gather3A_2012 = arith.constant 0 : i32
      %gather3A_2013 = arith.constant 0 : i32
      %gather3A_2014 = tpu.memref_slice %arg6[%gather3A_2011, %gather3A_2012, %gather3A_2013] : memref<8x32x128xf32, #tpu.memory_space<vmem>> -> memref<1x32x128xf32, #tpu.memory_space<vmem>>
      %gather3A_2015 = tpu.memref_squeeze %gather3A_2014 : memref<1x32x128xf32, #tpu.memory_space<vmem>> -> memref<32x128xf32, #tpu.memory_space<vmem>>
      %gather3A_2016 = tpu.vector_load_idx %gather3A_2015[%iota3A, %broadcast_in_dim3A_2009] : memref<32x128xf32, #tpu.memory_space<vmem>>[vector<16xi32>, vector<16xi32>], vector<16xf32>,
      %gather3A_2017 = arith.constant 7 : i32
      %gather3A_2018 = arith.constant 0 : i32
      %gather3A_2019 = arith.constant 0 : i32
      %gather3A_2020 = tpu.memref_slice %arg6[%gather3A_2017, %gather3A_2018, %gather3A_2019] : memref<8x32x128xf32, #tpu.memory_space<vmem>> -> memref<1x32x128xf32, #tpu.memory_space<vmem>>
      %gather3A_2021 = tpu.memref_squeeze %gather3A_2020 : memref<1x32x128xf32, #tpu.memory_space<vmem>> -> memref<32x128xf32, #tpu.memory_space<vmem>>
      %gather3A_2022 = tpu.vector_load_idx %gather3A_2021[%add3A_5, %broadcast_in_dim3A_2009] : memref<32x128xf32, #tpu.memory_space<vmem>>[vector<16xi32>, vector<16xi32>], vector<16xf32>,
      tpu.vector_store_idx %arg9[%iota3A, %broadcast_in_dim3A_2010], %gather3A_2016 : memref<32x512xf32, #tpu.memory_space<vmem>>[vector<16xi32>, vector<16xi32>], vector<16xf32>,
      tpu.vector_store_idx %arg9[%add3A_5, %broadcast_in_dim3A_2010], %gather3A_2022 : memref<32x512xf32, #tpu.memory_space<vmem>>[vector<16xi32>, vector<16xi32>], vector<16xf32>,
      %add3A_2023 = arith.constant 1 : i32
      %add3A_2024 = arith.addi %scan3A_696, %add3A_2023 : i32
      %lt3A_2025 = arith.constant 32 : i32
      %lt3A_2026 = arith.cmpi slt, %add3A_2024, %lt3A_2025 : i32
      %convert_element_type3A_2027 = arith.extui %lt3A_2026 : i1 to i32
      %cond3A_2028 = arith.constant 0 : i32
      %cond3A_2029 = arith.cmpi ne, %convert_element_type3A_2027, %cond3A_2028 : i32
      scf.if %cond3A_2029 {
        %slice3A_2420 = vector.extract_strided_slice %get3A_707 {offsets = [7], sizes = [1], strides = [1]} : vector<16xi32> to vector<1xi32>
        %squeeze3A_2421 = vector.extract %slice3A_2420[0] : i32 from vector<1xi32>
        %jit3A_2422 = arith.constant 128 : i32
        %div3A_2423 = arith.divsi %squeeze3A_2421, %jit3A_2422 : i32
        %sign3A_2424 = arith.constant 0 : i32
        %sign3A_2425 = arith.cmpi sgt, %squeeze3A_2421, %sign3A_2424 : i32
        %sign3A_2426 = arith.extui %sign3A_2425 : i1 to i32
        %sign3A_2427 = arith.constant 0 : i32
        %sign3A_2428 = arith.cmpi slt, %squeeze3A_2421, %sign3A_2427 : i32
        %sign3A_2429 = arith.extui %sign3A_2428 : i1 to i32
        %sign3A_2430 = arith.subi %sign3A_2426, %sign3A_2429 : i32
        %sign3A_2431 = arith.constant 0 : i32
        %sign3A_2432 = arith.cmpi sgt, %jit3A_2422, %sign3A_2431 : i32
        %sign3A_2433 = arith.extui %sign3A_2432 : i1 to i32
        %sign3A_2434 = arith.constant 0 : i32
        %sign3A_2435 = arith.cmpi slt, %jit3A_2422, %sign3A_2434 : i32
        %sign3A_2436 = arith.extui %sign3A_2435 : i1 to i32
        %sign3A_2437 = arith.subi %sign3A_2433, %sign3A_2436 : i32
        %ne3A_2438 = arith.cmpi ne, %sign3A_2430, %sign3A_2437 : i32
        %rem3A_2439 = arith.remsi %squeeze3A_2421, %jit3A_2422 : i32
        %ne3A_2440 = arith.constant 0 : i32
        %ne3A_2441 = arith.cmpi ne, %rem3A_2439, %ne3A_2440 : i32
        %and3A_2442 = arith.andi %ne3A_2438, %ne3A_2441 : i1
        %sub3A_2443 = arith.constant 1 : i32
        %sub3A_2444 = arith.subi %div3A_2423, %sub3A_2443 : i32
        %select_n3A_2445 = arith.select %and3A_2442, %sub3A_2444, %div3A_2423 : i32
        %mul3A_2446 = arith.constant 128 : i32
        %mul3A_2447 = arith.muli %select_n3A_2445, %mul3A_2446 : i32
        %dma_start3A_2448 = arith.constant 7 : i32
        %dma_start3A_2449 = arith.constant 7 : i32
        %dma_start3A_2450 = arith.constant 0 : i32
        %dma_start3A_2451 = arith.constant 0 : i32
        %dma_start3A_2452 = tpu.memref_slice %arg6[%dma_start3A_2448, %dma_start3A_2450, %dma_start3A_2451] : memref<8x32x128xf32, #tpu.memory_space<vmem>> -> memref<1x32x128xf32, #tpu.memory_space<vmem>>
        %dma_start3A_2453 = tpu.memref_squeeze %dma_start3A_2452 : memref<1x32x128xf32, #tpu.memory_space<vmem>> -> memref<32x128xf32, #tpu.memory_space<vmem>>
        %dma_start3A_2454 = arith.constant 0 : i32
        %dma_start3A_2455 = tpu.memref_slice %arg3[%dma_start3A_2454, %mul3A_2447] : memref<32x1000000xf32, #tpu.memory_space<hbm>> -> memref<32x128xf32, #tpu.memory_space<hbm>>
        %dma_start3A_2456 = tpu.memref_slice %arg10[%dma_start3A_2449] : memref<8x!tpu.dma_semaphore, #tpu.memory_space<semaphore_mem>> -> memref<1x!tpu.dma_semaphore, #tpu.memory_space<semaphore_mem>>
        %dma_start3A_2457 = tpu.memref_squeeze %dma_start3A_2456 : memref<1x!tpu.dma_semaphore, #tpu.memory_space<semaphore_mem>> -> memref<!tpu.dma_semaphore, #tpu.memory_space<semaphore_mem>>
        %dma_start3A_2458 = arith.constant 0 : i32
        %dma_start3A_2459 = arith.constant 0 : i32
        %dma_start3A_2460 = tpu.memref_slice %arg6[%dma_start3A_2448, %dma_start3A_2458, %dma_start3A_2459] : memref<8x32x128xf32, #tpu.memory_space<vmem>> -> memref<1x32x128xf32, #tpu.memory_space<vmem>>
        %dma_start3A_2461 = tpu.memref_squeeze %dma_start3A_2460 : memref<1x32x128xf32, #tpu.memory_space<vmem>> -> memref<32x128xf32, #tpu.memory_space<vmem>>
        %dma_start3A_2462 = arith.constant 0 : i32
        %dma_start3A_2463 = tpu.memref_slice %arg3[%dma_start3A_2462, %mul3A_2447] : memref<32x1000000xf32, #tpu.memory_space<hbm>> -> memref<32x128xf32, #tpu.memory_space<hbm>>
        tpu.enqueue_dma source(%dma_start3A_2463 : memref<32x128xf32, #tpu.memory_space<hbm>>) target(%dma_start3A_2461 : memref<32x128xf32, #tpu.memory_space<vmem>>) target_semaphore(%dma_start3A_2457 : memref<!tpu.dma_semaphore, #tpu.memory_space<semaphore_mem>>)
      } else {
      }
      %dma_wait3A_2030 = arith.constant 0 : i32
      %dma_wait3A_2031 = arith.constant 0 : i32
      %dma_wait3A_2032 = tpu.memref_slice %arg3[%dma_wait3A_2030, %dma_wait3A_2031] : memref<32x1000000xf32, #tpu.memory_space<hbm>> -> memref<32x128xf32, #tpu.memory_space<hbm>>
      %dma_wait3A_2033 = arith.constant 0 : i32
      %dma_wait3A_2034 = arith.constant 0 : i32
      %dma_wait3A_2035 = tpu.memref_slice %arg3[%dma_wait3A_2033, %dma_wait3A_2034] : memref<32x1000000xf32, #tpu.memory_space<hbm>> -> memref<32x128xf32, #tpu.memory_space<hbm>>
      tpu.wait_dma2 semaphore(%arg12 : memref<!tpu.dma_semaphore, #tpu.memory_space<semaphore_mem>>) src(%dma_wait3A_2035 : memref<32x128xf32, #tpu.memory_space<hbm>>) dst(%arg8 : memref<32x128xf32, #tpu.memory_space<vmem>>)
      %mul3A_2036 = arith.constant 16 : i32
      %mul3A_2037 = arith.muli %scan3A_696, %mul3A_2036 : i32
      %add3A_2038 = arith.constant 8 : i32
      %add3A_2039 = arith.addi %mul3A_2037, %add3A_2038 : i32
      %add3A_2040 = arith.constant 0 : i32
      %add3A_2041 = arith.addi %add3A_2039, %add3A_2040 : i32
      %slice3A_2042 = vector.extract_strided_slice %get3A_700 {offsets = [8], sizes = [1], strides = [1]} : vector<16xi32> to vector<1xi32>
      %squeeze3A_2043 = vector.extract %slice3A_2042[0] : i32 from vector<1xi32>
      %jit3A_2044 = arith.constant 16 : i32
      %div3A_2045 = arith.divsi %squeeze3A_2043, %jit3A_2044 : i32
      %sign3A_2046 = arith.constant 0 : i32
      %sign3A_2047 = arith.cmpi sgt, %squeeze3A_2043, %sign3A_2046 : i32
      %sign3A_2048 = arith.extui %sign3A_2047 : i1 to i32
      %sign3A_2049 = arith.constant 0 : i32
      %sign3A_2050 = arith.cmpi slt, %squeeze3A_2043, %sign3A_2049 : i32
      %sign3A_2051 = arith.extui %sign3A_2050 : i1 to i32
      %sign3A_2052 = arith.subi %sign3A_2048, %sign3A_2051 : i32
      %sign3A_2053 = arith.constant 0 : i32
      %sign3A_2054 = arith.cmpi sgt, %jit3A_2044, %sign3A_2053 : i32
      %sign3A_2055 = arith.extui %sign3A_2054 : i1 to i32
      %sign3A_2056 = arith.constant 0 : i32
      %sign3A_2057 = arith.cmpi slt, %jit3A_2044, %sign3A_2056 : i32
      %sign3A_2058 = arith.extui %sign3A_2057 : i1 to i32
      %sign3A_2059 = arith.subi %sign3A_2055, %sign3A_2058 : i32
      %ne3A_2060 = arith.cmpi ne, %sign3A_2052, %sign3A_2059 : i32
      %rem3A_2061 = arith.remsi %squeeze3A_2043, %jit3A_2044 : i32
      %ne3A_2062 = arith.constant 0 : i32
      %ne3A_2063 = arith.cmpi ne, %rem3A_2061, %ne3A_2062 : i32
      %and3A_2064 = arith.andi %ne3A_2060, %ne3A_2063 : i1
      %sub3A_2065 = arith.constant 1 : i32
      %sub3A_2066 = arith.subi %div3A_2045, %sub3A_2065 : i32
      %select_n3A_2067 = arith.select %and3A_2064, %sub3A_2066, %div3A_2045 : i32
      %mul3A_2068 = arith.constant 16 : i32
      %mul3A_2069 = arith.muli %select_n3A_2067, %mul3A_2068 : i32
      %sub3A_2070 = arith.subi %squeeze3A_2043, %mul3A_2069 : i32
      %add3A_2071 = arith.constant 0 : i32
      %add3A_2072 = arith.addi %add3A_2071, %sub3A_2070 : i32
      %broadcast_in_dim3A_2073 = vector.broadcast %add3A_2072 : i32 to vector<16xi32>
      %broadcast_in_dim3A_2074 = vector.broadcast %add3A_2041 : i32 to vector<16xi32>
      %gather3A_2075 = tpu.vector_load_idx %arg8[%iota3A, %broadcast_in_dim3A_2073] : memref<32x128xf32, #tpu.memory_space<vmem>>[vector<16xi32>, vector<16xi32>], vector<16xf32>,
      %gather3A_2076 = tpu.vector_load_idx %arg8[%add3A_5, %broadcast_in_dim3A_2073] : memref<32x128xf32, #tpu.memory_space<vmem>>[vector<16xi32>, vector<16xi32>], vector<16xf32>,
      tpu.vector_store_idx %arg9[%iota3A, %broadcast_in_dim3A_2074], %gather3A_2075 : memref<32x512xf32, #tpu.memory_space<vmem>>[vector<16xi32>, vector<16xi32>], vector<16xf32>,
      tpu.vector_store_idx %arg9[%add3A_5, %broadcast_in_dim3A_2074], %gather3A_2076 : memref<32x512xf32, #tpu.memory_space<vmem>>[vector<16xi32>, vector<16xi32>], vector<16xf32>,
      %add3A_2077 = arith.constant 1 : i32
      %add3A_2078 = arith.addi %scan3A_696, %add3A_2077 : i32
      %lt3A_2079 = arith.constant 32 : i32
      %lt3A_2080 = arith.cmpi slt, %add3A_2078, %lt3A_2079 : i32
      %convert_element_type3A_2081 = arith.extui %lt3A_2080 : i1 to i32
      %cond3A_2082 = arith.constant 0 : i32
      %cond3A_2083 = arith.cmpi ne, %convert_element_type3A_2081, %cond3A_2082 : i32
      scf.if %cond3A_2083 {
        %slice3A_2420 = vector.extract_strided_slice %get3A_707 {offsets = [8], sizes = [1], strides = [1]} : vector<16xi32> to vector<1xi32>
        %squeeze3A_2421 = vector.extract %slice3A_2420[0] : i32 from vector<1xi32>
        %jit3A_2422 = arith.constant 128 : i32
        %div3A_2423 = arith.divsi %squeeze3A_2421, %jit3A_2422 : i32
        %sign3A_2424 = arith.constant 0 : i32
        %sign3A_2425 = arith.cmpi sgt, %squeeze3A_2421, %sign3A_2424 : i32
        %sign3A_2426 = arith.extui %sign3A_2425 : i1 to i32
        %sign3A_2427 = arith.constant 0 : i32
        %sign3A_2428 = arith.cmpi slt, %squeeze3A_2421, %sign3A_2427 : i32
        %sign3A_2429 = arith.extui %sign3A_2428 : i1 to i32
        %sign3A_2430 = arith.subi %sign3A_2426, %sign3A_2429 : i32
        %sign3A_2431 = arith.constant 0 : i32
        %sign3A_2432 = arith.cmpi sgt, %jit3A_2422, %sign3A_2431 : i32
        %sign3A_2433 = arith.extui %sign3A_2432 : i1 to i32
        %sign3A_2434 = arith.constant 0 : i32
        %sign3A_2435 = arith.cmpi slt, %jit3A_2422, %sign3A_2434 : i32
        %sign3A_2436 = arith.extui %sign3A_2435 : i1 to i32
        %sign3A_2437 = arith.subi %sign3A_2433, %sign3A_2436 : i32
        %ne3A_2438 = arith.cmpi ne, %sign3A_2430, %sign3A_2437 : i32
        %rem3A_2439 = arith.remsi %squeeze3A_2421, %jit3A_2422 : i32
        %ne3A_2440 = arith.constant 0 : i32
        %ne3A_2441 = arith.cmpi ne, %rem3A_2439, %ne3A_2440 : i32
        %and3A_2442 = arith.andi %ne3A_2438, %ne3A_2441 : i1
        %sub3A_2443 = arith.constant 1 : i32
        %sub3A_2444 = arith.subi %div3A_2423, %sub3A_2443 : i32
        %select_n3A_2445 = arith.select %and3A_2442, %sub3A_2444, %div3A_2423 : i32
        %mul3A_2446 = arith.constant 128 : i32
        %mul3A_2447 = arith.muli %select_n3A_2445, %mul3A_2446 : i32
        %dma_start3A_2448 = arith.constant 0 : i32
        %dma_start3A_2449 = arith.constant 0 : i32
        %dma_start3A_2450 = tpu.memref_slice %arg11[%dma_start3A_2449] : memref<8x!tpu.dma_semaphore, #tpu.memory_space<semaphore_mem>> -> memref<1x!tpu.dma_semaphore, #tpu.memory_space<semaphore_mem>>
        %dma_start3A_2451 = tpu.memref_squeeze %dma_start3A_2450 : memref<1x!tpu.dma_semaphore, #tpu.memory_space<semaphore_mem>> -> memref<!tpu.dma_semaphore, #tpu.memory_space<semaphore_mem>>
        %dma_start3A_2452 = arith.constant 0 : i32
        %dma_start3A_2453 = arith.constant 0 : i32
        %dma_start3A_2454 = arith.constant 0 : i32
        %dma_start3A_2455 = tpu.memref_slice %arg7[%arg1, %dma_start3A_2452, %dma_start3A_2453, %dma_start3A_2454] : memref<16x8x32x128xf32, #tpu.memory_space<vmem_shared>> -> memref<1x8x32x128xf32, #tpu.memory_space<vmem_shared>>
        %dma_start3A_2456 = tpu.memref_squeeze %dma_start3A_2455 : memref<1x8x32x128xf32, #tpu.memory_space<vmem_shared>> -> memref<8x32x128xf32, #tpu.memory_space<vmem_shared>>
        %dma_start3A_2457 = arith.constant 0 : i32
        %dma_start3A_2458 = arith.constant 0 : i32
        %dma_start3A_2459 = tpu.memref_slice %dma_start3A_2456[%dma_start3A_2448, %dma_start3A_2457, %dma_start3A_2458] : memref<8x32x128xf32, #tpu.memory_space<vmem_shared>> -> memref<1x32x128xf32, #tpu.memory_space<vmem_shared>>
        %dma_start3A_2460 = tpu.memref_squeeze %dma_start3A_2459 : memref<1x32x128xf32, #tpu.memory_space<vmem_shared>> -> memref<32x128xf32, #tpu.memory_space<vmem_shared>>
        %dma_start3A_2461 = arith.constant 0 : i32
        %dma_start3A_2462 = tpu.memref_slice %arg3[%dma_start3A_2461, %mul3A_2447] : memref<32x1000000xf32, #tpu.memory_space<hbm>> -> memref<32x128xf32, #tpu.memory_space<hbm>>
        tpu.enqueue_dma source(%dma_start3A_2462 : memref<32x128xf32, #tpu.memory_space<hbm>>) target(%dma_start3A_2460 : memref<32x128xf32, #tpu.memory_space<vmem_shared>>) target_semaphore(%dma_start3A_2451 : memref<!tpu.dma_semaphore, #tpu.memory_space<semaphore_mem>>)
      } else {
      }
      %mul3A_2084 = arith.constant 16 : i32
      %mul3A_2085 = arith.muli %scan3A_696, %mul3A_2084 : i32
      %add3A_2086 = arith.constant 8 : i32
      %add3A_2087 = arith.addi %mul3A_2085, %add3A_2086 : i32
      %add3A_2088 = arith.constant 1 : i32
      %add3A_2089 = arith.addi %add3A_2087, %add3A_2088 : i32
      %slice3A_2090 = vector.extract_strided_slice %get3A_700 {offsets = [9], sizes = [1], strides = [1]} : vector<16xi32> to vector<1xi32>
      %squeeze3A_2091 = vector.extract %slice3A_2090[0] : i32 from vector<1xi32>
      %jit3A_2092 = arith.constant 16 : i32
      %div3A_2093 = arith.divsi %squeeze3A_2091, %jit3A_2092 : i32
      %sign3A_2094 = arith.constant 0 : i32
      %sign3A_2095 = arith.cmpi sgt, %squeeze3A_2091, %sign3A_2094 : i32
      %sign3A_2096 = arith.extui %sign3A_2095 : i1 to i32
      %sign3A_2097 = arith.constant 0 : i32
      %sign3A_2098 = arith.cmpi slt, %squeeze3A_2091, %sign3A_2097 : i32
      %sign3A_2099 = arith.extui %sign3A_2098 : i1 to i32
      %sign3A_2100 = arith.subi %sign3A_2096, %sign3A_2099 : i32
      %sign3A_2101 = arith.constant 0 : i32
      %sign3A_2102 = arith.cmpi sgt, %jit3A_2092, %sign3A_2101 : i32
      %sign3A_2103 = arith.extui %sign3A_2102 : i1 to i32
      %sign3A_2104 = arith.constant 0 : i32
      %sign3A_2105 = arith.cmpi slt, %jit3A_2092, %sign3A_2104 : i32
      %sign3A_2106 = arith.extui %sign3A_2105 : i1 to i32
      %sign3A_2107 = arith.subi %sign3A_2103, %sign3A_2106 : i32
      %ne3A_2108 = arith.cmpi ne, %sign3A_2100, %sign3A_2107 : i32
      %rem3A_2109 = arith.remsi %squeeze3A_2091, %jit3A_2092 : i32
      %ne3A_2110 = arith.constant 0 : i32
      %ne3A_2111 = arith.cmpi ne, %rem3A_2109, %ne3A_2110 : i32
      %and3A_2112 = arith.andi %ne3A_2108, %ne3A_2111 : i1
      %sub3A_2113 = arith.constant 1 : i32
      %sub3A_2114 = arith.subi %div3A_2093, %sub3A_2113 : i32
      %select_n3A_2115 = arith.select %and3A_2112, %sub3A_2114, %div3A_2093 : i32
      %mul3A_2116 = arith.constant 16 : i32
      %mul3A_2117 = arith.muli %select_n3A_2115, %mul3A_2116 : i32
      %sub3A_2118 = arith.subi %squeeze3A_2091, %mul3A_2117 : i32
      %add3A_2119 = arith.constant 16 : i32
      %add3A_2120 = arith.addi %add3A_2119, %sub3A_2118 : i32
      %broadcast_in_dim3A_2121 = vector.broadcast %add3A_2120 : i32 to vector<16xi32>
      %broadcast_in_dim3A_2122 = vector.broadcast %add3A_2089 : i32 to vector<16xi32>
      %gather3A_2123 = tpu.vector_load_idx %arg8[%iota3A, %broadcast_in_dim3A_2121] : memref<32x128xf32, #tpu.memory_space<vmem>>[vector<16xi32>, vector<16xi32>], vector<16xf32>,
      %gather3A_2124 = tpu.vector_load_idx %arg8[%add3A_5, %broadcast_in_dim3A_2121] : memref<32x128xf32, #tpu.memory_space<vmem>>[vector<16xi32>, vector<16xi32>], vector<16xf32>,
      tpu.vector_store_idx %arg9[%iota3A, %broadcast_in_dim3A_2122], %gather3A_2123 : memref<32x512xf32, #tpu.memory_space<vmem>>[vector<16xi32>, vector<16xi32>], vector<16xf32>,
      tpu.vector_store_idx %arg9[%add3A_5, %broadcast_in_dim3A_2122], %gather3A_2124 : memref<32x512xf32, #tpu.memory_space<vmem>>[vector<16xi32>, vector<16xi32>], vector<16xf32>,
      %add3A_2125 = arith.constant 1 : i32
      %add3A_2126 = arith.addi %scan3A_696, %add3A_2125 : i32
      %lt3A_2127 = arith.constant 32 : i32
      %lt3A_2128 = arith.cmpi slt, %add3A_2126, %lt3A_2127 : i32
      %convert_element_type3A_2129 = arith.extui %lt3A_2128 : i1 to i32
      %cond3A_2130 = arith.constant 0 : i32
      %cond3A_2131 = arith.cmpi ne, %convert_element_type3A_2129, %cond3A_2130 : i32
      scf.if %cond3A_2131 {
        %slice3A_2420 = vector.extract_strided_slice %get3A_707 {offsets = [9], sizes = [1], strides = [1]} : vector<16xi32> to vector<1xi32>
        %squeeze3A_2421 = vector.extract %slice3A_2420[0] : i32 from vector<1xi32>
        %jit3A_2422 = arith.constant 128 : i32
        %div3A_2423 = arith.divsi %squeeze3A_2421, %jit3A_2422 : i32
        %sign3A_2424 = arith.constant 0 : i32
        %sign3A_2425 = arith.cmpi sgt, %squeeze3A_2421, %sign3A_2424 : i32
        %sign3A_2426 = arith.extui %sign3A_2425 : i1 to i32
        %sign3A_2427 = arith.constant 0 : i32
        %sign3A_2428 = arith.cmpi slt, %squeeze3A_2421, %sign3A_2427 : i32
        %sign3A_2429 = arith.extui %sign3A_2428 : i1 to i32
        %sign3A_2430 = arith.subi %sign3A_2426, %sign3A_2429 : i32
        %sign3A_2431 = arith.constant 0 : i32
        %sign3A_2432 = arith.cmpi sgt, %jit3A_2422, %sign3A_2431 : i32
        %sign3A_2433 = arith.extui %sign3A_2432 : i1 to i32
        %sign3A_2434 = arith.constant 0 : i32
        %sign3A_2435 = arith.cmpi slt, %jit3A_2422, %sign3A_2434 : i32
        %sign3A_2436 = arith.extui %sign3A_2435 : i1 to i32
        %sign3A_2437 = arith.subi %sign3A_2433, %sign3A_2436 : i32
        %ne3A_2438 = arith.cmpi ne, %sign3A_2430, %sign3A_2437 : i32
        %rem3A_2439 = arith.remsi %squeeze3A_2421, %jit3A_2422 : i32
        %ne3A_2440 = arith.constant 0 : i32
        %ne3A_2441 = arith.cmpi ne, %rem3A_2439, %ne3A_2440 : i32
        %and3A_2442 = arith.andi %ne3A_2438, %ne3A_2441 : i1
        %sub3A_2443 = arith.constant 1 : i32
        %sub3A_2444 = arith.subi %div3A_2423, %sub3A_2443 : i32
        %select_n3A_2445 = arith.select %and3A_2442, %sub3A_2444, %div3A_2423 : i32
        %mul3A_2446 = arith.constant 128 : i32
        %mul3A_2447 = arith.muli %select_n3A_2445, %mul3A_2446 : i32
        %dma_start3A_2448 = arith.constant 1 : i32
        %dma_start3A_2449 = arith.constant 1 : i32
        %dma_start3A_2450 = tpu.memref_slice %arg11[%dma_start3A_2449] : memref<8x!tpu.dma_semaphore, #tpu.memory_space<semaphore_mem>> -> memref<1x!tpu.dma_semaphore, #tpu.memory_space<semaphore_mem>>
        %dma_start3A_2451 = tpu.memref_squeeze %dma_start3A_2450 : memref<1x!tpu.dma_semaphore, #tpu.memory_space<semaphore_mem>> -> memref<!tpu.dma_semaphore, #tpu.memory_space<semaphore_mem>>
        %dma_start3A_2452 = arith.constant 0 : i32
        %dma_start3A_2453 = arith.constant 0 : i32
        %dma_start3A_2454 = arith.constant 0 : i32
        %dma_start3A_2455 = tpu.memref_slice %arg7[%arg1, %dma_start3A_2452, %dma_start3A_2453, %dma_start3A_2454] : memref<16x8x32x128xf32, #tpu.memory_space<vmem_shared>> -> memref<1x8x32x128xf32, #tpu.memory_space<vmem_shared>>
        %dma_start3A_2456 = tpu.memref_squeeze %dma_start3A_2455 : memref<1x8x32x128xf32, #tpu.memory_space<vmem_shared>> -> memref<8x32x128xf32, #tpu.memory_space<vmem_shared>>
        %dma_start3A_2457 = arith.constant 0 : i32
        %dma_start3A_2458 = arith.constant 0 : i32
        %dma_start3A_2459 = tpu.memref_slice %dma_start3A_2456[%dma_start3A_2448, %dma_start3A_2457, %dma_start3A_2458] : memref<8x32x128xf32, #tpu.memory_space<vmem_shared>> -> memref<1x32x128xf32, #tpu.memory_space<vmem_shared>>
        %dma_start3A_2460 = tpu.memref_squeeze %dma_start3A_2459 : memref<1x32x128xf32, #tpu.memory_space<vmem_shared>> -> memref<32x128xf32, #tpu.memory_space<vmem_shared>>
        %dma_start3A_2461 = arith.constant 0 : i32
        %dma_start3A_2462 = tpu.memref_slice %arg3[%dma_start3A_2461, %mul3A_2447] : memref<32x1000000xf32, #tpu.memory_space<hbm>> -> memref<32x128xf32, #tpu.memory_space<hbm>>
        tpu.enqueue_dma source(%dma_start3A_2462 : memref<32x128xf32, #tpu.memory_space<hbm>>) target(%dma_start3A_2460 : memref<32x128xf32, #tpu.memory_space<vmem_shared>>) target_semaphore(%dma_start3A_2451 : memref<!tpu.dma_semaphore, #tpu.memory_space<semaphore_mem>>)
      } else {
      }
      %mul3A_2132 = arith.constant 16 : i32
      %mul3A_2133 = arith.muli %scan3A_696, %mul3A_2132 : i32
      %add3A_2134 = arith.constant 8 : i32
      %add3A_2135 = arith.addi %mul3A_2133, %add3A_2134 : i32
      %add3A_2136 = arith.constant 2 : i32
      %add3A_2137 = arith.addi %add3A_2135, %add3A_2136 : i32
      %slice3A_2138 = vector.extract_strided_slice %get3A_700 {offsets = [10], sizes = [1], strides = [1]} : vector<16xi32> to vector<1xi32>
      %squeeze3A_2139 = vector.extract %slice3A_2138[0] : i32 from vector<1xi32>
      %jit3A_2140 = arith.constant 16 : i32
      %div3A_2141 = arith.divsi %squeeze3A_2139, %jit3A_2140 : i32
      %sign3A_2142 = arith.constant 0 : i32
      %sign3A_2143 = arith.cmpi sgt, %squeeze3A_2139, %sign3A_2142 : i32
      %sign3A_2144 = arith.extui %sign3A_2143 : i1 to i32
      %sign3A_2145 = arith.constant 0 : i32
      %sign3A_2146 = arith.cmpi slt, %squeeze3A_2139, %sign3A_2145 : i32
      %sign3A_2147 = arith.extui %sign3A_2146 : i1 to i32
      %sign3A_2148 = arith.subi %sign3A_2144, %sign3A_2147 : i32
      %sign3A_2149 = arith.constant 0 : i32
      %sign3A_2150 = arith.cmpi sgt, %jit3A_2140, %sign3A_2149 : i32
      %sign3A_2151 = arith.extui %sign3A_2150 : i1 to i32
      %sign3A_2152 = arith.constant 0 : i32
      %sign3A_2153 = arith.cmpi slt, %jit3A_2140, %sign3A_2152 : i32
      %sign3A_2154 = arith.extui %sign3A_2153 : i1 to i32
      %sign3A_2155 = arith.subi %sign3A_2151, %sign3A_2154 : i32
      %ne3A_2156 = arith.cmpi ne, %sign3A_2148, %sign3A_2155 : i32
      %rem3A_2157 = arith.remsi %squeeze3A_2139, %jit3A_2140 : i32
      %ne3A_2158 = arith.constant 0 : i32
      %ne3A_2159 = arith.cmpi ne, %rem3A_2157, %ne3A_2158 : i32
      %and3A_2160 = arith.andi %ne3A_2156, %ne3A_2159 : i1
      %sub3A_2161 = arith.constant 1 : i32
      %sub3A_2162 = arith.subi %div3A_2141, %sub3A_2161 : i32
      %select_n3A_2163 = arith.select %and3A_2160, %sub3A_2162, %div3A_2141 : i32
      %mul3A_2164 = arith.constant 16 : i32
      %mul3A_2165 = arith.muli %select_n3A_2163, %mul3A_2164 : i32
      %sub3A_2166 = arith.subi %squeeze3A_2139, %mul3A_2165 : i32
      %add3A_2167 = arith.constant 32 : i32
      %add3A_2168 = arith.addi %add3A_2167, %sub3A_2166 : i32
      %broadcast_in_dim3A_2169 = vector.broadcast %add3A_2168 : i32 to vector<16xi32>
      %broadcast_in_dim3A_2170 = vector.broadcast %add3A_2137 : i32 to vector<16xi32>
      %gather3A_2171 = tpu.vector_load_idx %arg8[%iota3A, %broadcast_in_dim3A_2169] : memref<32x128xf32, #tpu.memory_space<vmem>>[vector<16xi32>, vector<16xi32>], vector<16xf32>,
      %gather3A_2172 = tpu.vector_load_idx %arg8[%add3A_5, %broadcast_in_dim3A_2169] : memref<32x128xf32, #tpu.memory_space<vmem>>[vector<16xi32>, vector<16xi32>], vector<16xf32>,
      tpu.vector_store_idx %arg9[%iota3A, %broadcast_in_dim3A_2170], %gather3A_2171 : memref<32x512xf32, #tpu.memory_space<vmem>>[vector<16xi32>, vector<16xi32>], vector<16xf32>,
      tpu.vector_store_idx %arg9[%add3A_5, %broadcast_in_dim3A_2170], %gather3A_2172 : memref<32x512xf32, #tpu.memory_space<vmem>>[vector<16xi32>, vector<16xi32>], vector<16xf32>,
      %add3A_2173 = arith.constant 1 : i32
      %add3A_2174 = arith.addi %scan3A_696, %add3A_2173 : i32
      %lt3A_2175 = arith.constant 32 : i32
      %lt3A_2176 = arith.cmpi slt, %add3A_2174, %lt3A_2175 : i32
      %convert_element_type3A_2177 = arith.extui %lt3A_2176 : i1 to i32
      %cond3A_2178 = arith.constant 0 : i32
      %cond3A_2179 = arith.cmpi ne, %convert_element_type3A_2177, %cond3A_2178 : i32
      scf.if %cond3A_2179 {
        %slice3A_2420 = vector.extract_strided_slice %get3A_707 {offsets = [10], sizes = [1], strides = [1]} : vector<16xi32> to vector<1xi32>
        %squeeze3A_2421 = vector.extract %slice3A_2420[0] : i32 from vector<1xi32>
        %jit3A_2422 = arith.constant 128 : i32
        %div3A_2423 = arith.divsi %squeeze3A_2421, %jit3A_2422 : i32
        %sign3A_2424 = arith.constant 0 : i32
        %sign3A_2425 = arith.cmpi sgt, %squeeze3A_2421, %sign3A_2424 : i32
        %sign3A_2426 = arith.extui %sign3A_2425 : i1 to i32
        %sign3A_2427 = arith.constant 0 : i32
        %sign3A_2428 = arith.cmpi slt, %squeeze3A_2421, %sign3A_2427 : i32
        %sign3A_2429 = arith.extui %sign3A_2428 : i1 to i32
        %sign3A_2430 = arith.subi %sign3A_2426, %sign3A_2429 : i32
        %sign3A_2431 = arith.constant 0 : i32
        %sign3A_2432 = arith.cmpi sgt, %jit3A_2422, %sign3A_2431 : i32
        %sign3A_2433 = arith.extui %sign3A_2432 : i1 to i32
        %sign3A_2434 = arith.constant 0 : i32
        %sign3A_2435 = arith.cmpi slt, %jit3A_2422, %sign3A_2434 : i32
        %sign3A_2436 = arith.extui %sign3A_2435 : i1 to i32
        %sign3A_2437 = arith.subi %sign3A_2433, %sign3A_2436 : i32
        %ne3A_2438 = arith.cmpi ne, %sign3A_2430, %sign3A_2437 : i32
        %rem3A_2439 = arith.remsi %squeeze3A_2421, %jit3A_2422 : i32
        %ne3A_2440 = arith.constant 0 : i32
        %ne3A_2441 = arith.cmpi ne, %rem3A_2439, %ne3A_2440 : i32
        %and3A_2442 = arith.andi %ne3A_2438, %ne3A_2441 : i1
        %sub3A_2443 = arith.constant 1 : i32
        %sub3A_2444 = arith.subi %div3A_2423, %sub3A_2443 : i32
        %select_n3A_2445 = arith.select %and3A_2442, %sub3A_2444, %div3A_2423 : i32
        %mul3A_2446 = arith.constant 128 : i32
        %mul3A_2447 = arith.muli %select_n3A_2445, %mul3A_2446 : i32
        %dma_start3A_2448 = arith.constant 2 : i32
        %dma_start3A_2449 = arith.constant 2 : i32
        %dma_start3A_2450 = tpu.memref_slice %arg11[%dma_start3A_2449] : memref<8x!tpu.dma_semaphore, #tpu.memory_space<semaphore_mem>> -> memref<1x!tpu.dma_semaphore, #tpu.memory_space<semaphore_mem>>
        %dma_start3A_2451 = tpu.memref_squeeze %dma_start3A_2450 : memref<1x!tpu.dma_semaphore, #tpu.memory_space<semaphore_mem>> -> memref<!tpu.dma_semaphore, #tpu.memory_space<semaphore_mem>>
        %dma_start3A_2452 = arith.constant 0 : i32
        %dma_start3A_2453 = arith.constant 0 : i32
        %dma_start3A_2454 = arith.constant 0 : i32
        %dma_start3A_2455 = tpu.memref_slice %arg7[%arg1, %dma_start3A_2452, %dma_start3A_2453, %dma_start3A_2454] : memref<16x8x32x128xf32, #tpu.memory_space<vmem_shared>> -> memref<1x8x32x128xf32, #tpu.memory_space<vmem_shared>>
        %dma_start3A_2456 = tpu.memref_squeeze %dma_start3A_2455 : memref<1x8x32x128xf32, #tpu.memory_space<vmem_shared>> -> memref<8x32x128xf32, #tpu.memory_space<vmem_shared>>
        %dma_start3A_2457 = arith.constant 0 : i32
        %dma_start3A_2458 = arith.constant 0 : i32
        %dma_start3A_2459 = tpu.memref_slice %dma_start3A_2456[%dma_start3A_2448, %dma_start3A_2457, %dma_start3A_2458] : memref<8x32x128xf32, #tpu.memory_space<vmem_shared>> -> memref<1x32x128xf32, #tpu.memory_space<vmem_shared>>
        %dma_start3A_2460 = tpu.memref_squeeze %dma_start3A_2459 : memref<1x32x128xf32, #tpu.memory_space<vmem_shared>> -> memref<32x128xf32, #tpu.memory_space<vmem_shared>>
        %dma_start3A_2461 = arith.constant 0 : i32
        %dma_start3A_2462 = tpu.memref_slice %arg3[%dma_start3A_2461, %mul3A_2447] : memref<32x1000000xf32, #tpu.memory_space<hbm>> -> memref<32x128xf32, #tpu.memory_space<hbm>>
        tpu.enqueue_dma source(%dma_start3A_2462 : memref<32x128xf32, #tpu.memory_space<hbm>>) target(%dma_start3A_2460 : memref<32x128xf32, #tpu.memory_space<vmem_shared>>) target_semaphore(%dma_start3A_2451 : memref<!tpu.dma_semaphore, #tpu.memory_space<semaphore_mem>>)
      } else {
      }
      %mul3A_2180 = arith.constant 16 : i32
      %mul3A_2181 = arith.muli %scan3A_696, %mul3A_2180 : i32
      %add3A_2182 = arith.constant 8 : i32
      %add3A_2183 = arith.addi %mul3A_2181, %add3A_2182 : i32
      %add3A_2184 = arith.constant 3 : i32
      %add3A_2185 = arith.addi %add3A_2183, %add3A_2184 : i32
      %slice3A_2186 = vector.extract_strided_slice %get3A_700 {offsets = [11], sizes = [1], strides = [1]} : vector<16xi32> to vector<1xi32>
      %squeeze3A_2187 = vector.extract %slice3A_2186[0] : i32 from vector<1xi32>
      %jit3A_2188 = arith.constant 16 : i32
      %div3A_2189 = arith.divsi %squeeze3A_2187, %jit3A_2188 : i32
      %sign3A_2190 = arith.constant 0 : i32
      %sign3A_2191 = arith.cmpi sgt, %squeeze3A_2187, %sign3A_2190 : i32
      %sign3A_2192 = arith.extui %sign3A_2191 : i1 to i32
      %sign3A_2193 = arith.constant 0 : i32
      %sign3A_2194 = arith.cmpi slt, %squeeze3A_2187, %sign3A_2193 : i32
      %sign3A_2195 = arith.extui %sign3A_2194 : i1 to i32
      %sign3A_2196 = arith.subi %sign3A_2192, %sign3A_2195 : i32
      %sign3A_2197 = arith.constant 0 : i32
      %sign3A_2198 = arith.cmpi sgt, %jit3A_2188, %sign3A_2197 : i32
      %sign3A_2199 = arith.extui %sign3A_2198 : i1 to i32
      %sign3A_2200 = arith.constant 0 : i32
      %sign3A_2201 = arith.cmpi slt, %jit3A_2188, %sign3A_2200 : i32
      %sign3A_2202 = arith.extui %sign3A_2201 : i1 to i32
      %sign3A_2203 = arith.subi %sign3A_2199, %sign3A_2202 : i32
      %ne3A_2204 = arith.cmpi ne, %sign3A_2196, %sign3A_2203 : i32
      %rem3A_2205 = arith.remsi %squeeze3A_2187, %jit3A_2188 : i32
      %ne3A_2206 = arith.constant 0 : i32
      %ne3A_2207 = arith.cmpi ne, %rem3A_2205, %ne3A_2206 : i32
      %and3A_2208 = arith.andi %ne3A_2204, %ne3A_2207 : i1
      %sub3A_2209 = arith.constant 1 : i32
      %sub3A_2210 = arith.subi %div3A_2189, %sub3A_2209 : i32
      %select_n3A_2211 = arith.select %and3A_2208, %sub3A_2210, %div3A_2189 : i32
      %mul3A_2212 = arith.constant 16 : i32
      %mul3A_2213 = arith.muli %select_n3A_2211, %mul3A_2212 : i32
      %sub3A_2214 = arith.subi %squeeze3A_2187, %mul3A_2213 : i32
      %add3A_2215 = arith.constant 48 : i32
      %add3A_2216 = arith.addi %add3A_2215, %sub3A_2214 : i32
      %broadcast_in_dim3A_2217 = vector.broadcast %add3A_2216 : i32 to vector<16xi32>
      %broadcast_in_dim3A_2218 = vector.broadcast %add3A_2185 : i32 to vector<16xi32>
      %gather3A_2219 = tpu.vector_load_idx %arg8[%iota3A, %broadcast_in_dim3A_2217] : memref<32x128xf32, #tpu.memory_space<vmem>>[vector<16xi32>, vector<16xi32>], vector<16xf32>,
      %gather3A_2220 = tpu.vector_load_idx %arg8[%add3A_5, %broadcast_in_dim3A_2217] : memref<32x128xf32, #tpu.memory_space<vmem>>[vector<16xi32>, vector<16xi32>], vector<16xf32>,
      tpu.vector_store_idx %arg9[%iota3A, %broadcast_in_dim3A_2218], %gather3A_2219 : memref<32x512xf32, #tpu.memory_space<vmem>>[vector<16xi32>, vector<16xi32>], vector<16xf32>,
      tpu.vector_store_idx %arg9[%add3A_5, %broadcast_in_dim3A_2218], %gather3A_2220 : memref<32x512xf32, #tpu.memory_space<vmem>>[vector<16xi32>, vector<16xi32>], vector<16xf32>,
      %add3A_2221 = arith.constant 1 : i32
      %add3A_2222 = arith.addi %scan3A_696, %add3A_2221 : i32
      %lt3A_2223 = arith.constant 32 : i32
      %lt3A_2224 = arith.cmpi slt, %add3A_2222, %lt3A_2223 : i32
      %convert_element_type3A_2225 = arith.extui %lt3A_2224 : i1 to i32
      %cond3A_2226 = arith.constant 0 : i32
      %cond3A_2227 = arith.cmpi ne, %convert_element_type3A_2225, %cond3A_2226 : i32
      scf.if %cond3A_2227 {
        %slice3A_2420 = vector.extract_strided_slice %get3A_707 {offsets = [11], sizes = [1], strides = [1]} : vector<16xi32> to vector<1xi32>
        %squeeze3A_2421 = vector.extract %slice3A_2420[0] : i32 from vector<1xi32>
        %jit3A_2422 = arith.constant 128 : i32
        %div3A_2423 = arith.divsi %squeeze3A_2421, %jit3A_2422 : i32
        %sign3A_2424 = arith.constant 0 : i32
        %sign3A_2425 = arith.cmpi sgt, %squeeze3A_2421, %sign3A_2424 : i32
        %sign3A_2426 = arith.extui %sign3A_2425 : i1 to i32
        %sign3A_2427 = arith.constant 0 : i32
        %sign3A_2428 = arith.cmpi slt, %squeeze3A_2421, %sign3A_2427 : i32
        %sign3A_2429 = arith.extui %sign3A_2428 : i1 to i32
        %sign3A_2430 = arith.subi %sign3A_2426, %sign3A_2429 : i32
        %sign3A_2431 = arith.constant 0 : i32
        %sign3A_2432 = arith.cmpi sgt, %jit3A_2422, %sign3A_2431 : i32
        %sign3A_2433 = arith.extui %sign3A_2432 : i1 to i32
        %sign3A_2434 = arith.constant 0 : i32
        %sign3A_2435 = arith.cmpi slt, %jit3A_2422, %sign3A_2434 : i32
        %sign3A_2436 = arith.extui %sign3A_2435 : i1 to i32
        %sign3A_2437 = arith.subi %sign3A_2433, %sign3A_2436 : i32
        %ne3A_2438 = arith.cmpi ne, %sign3A_2430, %sign3A_2437 : i32
        %rem3A_2439 = arith.remsi %squeeze3A_2421, %jit3A_2422 : i32
        %ne3A_2440 = arith.constant 0 : i32
        %ne3A_2441 = arith.cmpi ne, %rem3A_2439, %ne3A_2440 : i32
        %and3A_2442 = arith.andi %ne3A_2438, %ne3A_2441 : i1
        %sub3A_2443 = arith.constant 1 : i32
        %sub3A_2444 = arith.subi %div3A_2423, %sub3A_2443 : i32
        %select_n3A_2445 = arith.select %and3A_2442, %sub3A_2444, %div3A_2423 : i32
        %mul3A_2446 = arith.constant 128 : i32
        %mul3A_2447 = arith.muli %select_n3A_2445, %mul3A_2446 : i32
        %dma_start3A_2448 = arith.constant 3 : i32
        %dma_start3A_2449 = arith.constant 3 : i32
        %dma_start3A_2450 = tpu.memref_slice %arg11[%dma_start3A_2449] : memref<8x!tpu.dma_semaphore, #tpu.memory_space<semaphore_mem>> -> memref<1x!tpu.dma_semaphore, #tpu.memory_space<semaphore_mem>>
        %dma_start3A_2451 = tpu.memref_squeeze %dma_start3A_2450 : memref<1x!tpu.dma_semaphore, #tpu.memory_space<semaphore_mem>> -> memref<!tpu.dma_semaphore, #tpu.memory_space<semaphore_mem>>
        %dma_start3A_2452 = arith.constant 0 : i32
        %dma_start3A_2453 = arith.constant 0 : i32
        %dma_start3A_2454 = arith.constant 0 : i32
        %dma_start3A_2455 = tpu.memref_slice %arg7[%arg1, %dma_start3A_2452, %dma_start3A_2453, %dma_start3A_2454] : memref<16x8x32x128xf32, #tpu.memory_space<vmem_shared>> -> memref<1x8x32x128xf32, #tpu.memory_space<vmem_shared>>
        %dma_start3A_2456 = tpu.memref_squeeze %dma_start3A_2455 : memref<1x8x32x128xf32, #tpu.memory_space<vmem_shared>> -> memref<8x32x128xf32, #tpu.memory_space<vmem_shared>>
        %dma_start3A_2457 = arith.constant 0 : i32
        %dma_start3A_2458 = arith.constant 0 : i32
        %dma_start3A_2459 = tpu.memref_slice %dma_start3A_2456[%dma_start3A_2448, %dma_start3A_2457, %dma_start3A_2458] : memref<8x32x128xf32, #tpu.memory_space<vmem_shared>> -> memref<1x32x128xf32, #tpu.memory_space<vmem_shared>>
        %dma_start3A_2460 = tpu.memref_squeeze %dma_start3A_2459 : memref<1x32x128xf32, #tpu.memory_space<vmem_shared>> -> memref<32x128xf32, #tpu.memory_space<vmem_shared>>
        %dma_start3A_2461 = arith.constant 0 : i32
        %dma_start3A_2462 = tpu.memref_slice %arg3[%dma_start3A_2461, %mul3A_2447] : memref<32x1000000xf32, #tpu.memory_space<hbm>> -> memref<32x128xf32, #tpu.memory_space<hbm>>
        tpu.enqueue_dma source(%dma_start3A_2462 : memref<32x128xf32, #tpu.memory_space<hbm>>) target(%dma_start3A_2460 : memref<32x128xf32, #tpu.memory_space<vmem_shared>>) target_semaphore(%dma_start3A_2451 : memref<!tpu.dma_semaphore, #tpu.memory_space<semaphore_mem>>)
      } else {
      }
      %mul3A_2228 = arith.constant 16 : i32
      %mul3A_2229 = arith.muli %scan3A_696, %mul3A_2228 : i32
      %add3A_2230 = arith.constant 8 : i32
      %add3A_2231 = arith.addi %mul3A_2229, %add3A_2230 : i32
      %add3A_2232 = arith.constant 4 : i32
      %add3A_2233 = arith.addi %add3A_2231, %add3A_2232 : i32
      %slice3A_2234 = vector.extract_strided_slice %get3A_700 {offsets = [12], sizes = [1], strides = [1]} : vector<16xi32> to vector<1xi32>
      %squeeze3A_2235 = vector.extract %slice3A_2234[0] : i32 from vector<1xi32>
      %jit3A_2236 = arith.constant 16 : i32
      %div3A_2237 = arith.divsi %squeeze3A_2235, %jit3A_2236 : i32
      %sign3A_2238 = arith.constant 0 : i32
      %sign3A_2239 = arith.cmpi sgt, %squeeze3A_2235, %sign3A_2238 : i32
      %sign3A_2240 = arith.extui %sign3A_2239 : i1 to i32
      %sign3A_2241 = arith.constant 0 : i32
      %sign3A_2242 = arith.cmpi slt, %squeeze3A_2235, %sign3A_2241 : i32
      %sign3A_2243 = arith.extui %sign3A_2242 : i1 to i32
      %sign3A_2244 = arith.subi %sign3A_2240, %sign3A_2243 : i32
      %sign3A_2245 = arith.constant 0 : i32
      %sign3A_2246 = arith.cmpi sgt, %jit3A_2236, %sign3A_2245 : i32
      %sign3A_2247 = arith.extui %sign3A_2246 : i1 to i32
      %sign3A_2248 = arith.constant 0 : i32
      %sign3A_2249 = arith.cmpi slt, %jit3A_2236, %sign3A_2248 : i32
      %sign3A_2250 = arith.extui %sign3A_2249 : i1 to i32
      %sign3A_2251 = arith.subi %sign3A_2247, %sign3A_2250 : i32
      %ne3A_2252 = arith.cmpi ne, %sign3A_2244, %sign3A_2251 : i32
      %rem3A_2253 = arith.remsi %squeeze3A_2235, %jit3A_2236 : i32
      %ne3A_2254 = arith.constant 0 : i32
      %ne3A_2255 = arith.cmpi ne, %rem3A_2253, %ne3A_2254 : i32
      %and3A_2256 = arith.andi %ne3A_2252, %ne3A_2255 : i1
      %sub3A_2257 = arith.constant 1 : i32
      %sub3A_2258 = arith.subi %div3A_2237, %sub3A_2257 : i32
      %select_n3A_2259 = arith.select %and3A_2256, %sub3A_2258, %div3A_2237 : i32
      %mul3A_2260 = arith.constant 16 : i32
      %mul3A_2261 = arith.muli %select_n3A_2259, %mul3A_2260 : i32
      %sub3A_2262 = arith.subi %squeeze3A_2235, %mul3A_2261 : i32
      %add3A_2263 = arith.constant 64 : i32
      %add3A_2264 = arith.addi %add3A_2263, %sub3A_2262 : i32
      %broadcast_in_dim3A_2265 = vector.broadcast %add3A_2264 : i32 to vector<16xi32>
      %broadcast_in_dim3A_2266 = vector.broadcast %add3A_2233 : i32 to vector<16xi32>
      %gather3A_2267 = tpu.vector_load_idx %arg8[%iota3A, %broadcast_in_dim3A_2265] : memref<32x128xf32, #tpu.memory_space<vmem>>[vector<16xi32>, vector<16xi32>], vector<16xf32>,
      %gather3A_2268 = tpu.vector_load_idx %arg8[%add3A_5, %broadcast_in_dim3A_2265] : memref<32x128xf32, #tpu.memory_space<vmem>>[vector<16xi32>, vector<16xi32>], vector<16xf32>,
      tpu.vector_store_idx %arg9[%iota3A, %broadcast_in_dim3A_2266], %gather3A_2267 : memref<32x512xf32, #tpu.memory_space<vmem>>[vector<16xi32>, vector<16xi32>], vector<16xf32>,
      tpu.vector_store_idx %arg9[%add3A_5, %broadcast_in_dim3A_2266], %gather3A_2268 : memref<32x512xf32, #tpu.memory_space<vmem>>[vector<16xi32>, vector<16xi32>], vector<16xf32>,
      %add3A_2269 = arith.constant 1 : i32
      %add3A_2270 = arith.addi %scan3A_696, %add3A_2269 : i32
      %lt3A_2271 = arith.constant 32 : i32
      %lt3A_2272 = arith.cmpi slt, %add3A_2270, %lt3A_2271 : i32
      %convert_element_type3A_2273 = arith.extui %lt3A_2272 : i1 to i32
      %cond3A_2274 = arith.constant 0 : i32
      %cond3A_2275 = arith.cmpi ne, %convert_element_type3A_2273, %cond3A_2274 : i32
      scf.if %cond3A_2275 {
        %slice3A_2420 = vector.extract_strided_slice %get3A_707 {offsets = [12], sizes = [1], strides = [1]} : vector<16xi32> to vector<1xi32>
        %squeeze3A_2421 = vector.extract %slice3A_2420[0] : i32 from vector<1xi32>
        %jit3A_2422 = arith.constant 128 : i32
        %div3A_2423 = arith.divsi %squeeze3A_2421, %jit3A_2422 : i32
        %sign3A_2424 = arith.constant 0 : i32
        %sign3A_2425 = arith.cmpi sgt, %squeeze3A_2421, %sign3A_2424 : i32
        %sign3A_2426 = arith.extui %sign3A_2425 : i1 to i32
        %sign3A_2427 = arith.constant 0 : i32
        %sign3A_2428 = arith.cmpi slt, %squeeze3A_2421, %sign3A_2427 : i32
        %sign3A_2429 = arith.extui %sign3A_2428 : i1 to i32
        %sign3A_2430 = arith.subi %sign3A_2426, %sign3A_2429 : i32
        %sign3A_2431 = arith.constant 0 : i32
        %sign3A_2432 = arith.cmpi sgt, %jit3A_2422, %sign3A_2431 : i32
        %sign3A_2433 = arith.extui %sign3A_2432 : i1 to i32
        %sign3A_2434 = arith.constant 0 : i32
        %sign3A_2435 = arith.cmpi slt, %jit3A_2422, %sign3A_2434 : i32
        %sign3A_2436 = arith.extui %sign3A_2435 : i1 to i32
        %sign3A_2437 = arith.subi %sign3A_2433, %sign3A_2436 : i32
        %ne3A_2438 = arith.cmpi ne, %sign3A_2430, %sign3A_2437 : i32
        %rem3A_2439 = arith.remsi %squeeze3A_2421, %jit3A_2422 : i32
        %ne3A_2440 = arith.constant 0 : i32
        %ne3A_2441 = arith.cmpi ne, %rem3A_2439, %ne3A_2440 : i32
        %and3A_2442 = arith.andi %ne3A_2438, %ne3A_2441 : i1
        %sub3A_2443 = arith.constant 1 : i32
        %sub3A_2444 = arith.subi %div3A_2423, %sub3A_2443 : i32
        %select_n3A_2445 = arith.select %and3A_2442, %sub3A_2444, %div3A_2423 : i32
        %mul3A_2446 = arith.constant 128 : i32
        %mul3A_2447 = arith.muli %select_n3A_2445, %mul3A_2446 : i32
        %dma_start3A_2448 = arith.constant 4 : i32
        %dma_start3A_2449 = arith.constant 4 : i32
        %dma_start3A_2450 = tpu.memref_slice %arg11[%dma_start3A_2449] : memref<8x!tpu.dma_semaphore, #tpu.memory_space<semaphore_mem>> -> memref<1x!tpu.dma_semaphore, #tpu.memory_space<semaphore_mem>>
        %dma_start3A_2451 = tpu.memref_squeeze %dma_start3A_2450 : memref<1x!tpu.dma_semaphore, #tpu.memory_space<semaphore_mem>> -> memref<!tpu.dma_semaphore, #tpu.memory_space<semaphore_mem>>
        %dma_start3A_2452 = arith.constant 0 : i32
        %dma_start3A_2453 = arith.constant 0 : i32
        %dma_start3A_2454 = arith.constant 0 : i32
        %dma_start3A_2455 = tpu.memref_slice %arg7[%arg1, %dma_start3A_2452, %dma_start3A_2453, %dma_start3A_2454] : memref<16x8x32x128xf32, #tpu.memory_space<vmem_shared>> -> memref<1x8x32x128xf32, #tpu.memory_space<vmem_shared>>
        %dma_start3A_2456 = tpu.memref_squeeze %dma_start3A_2455 : memref<1x8x32x128xf32, #tpu.memory_space<vmem_shared>> -> memref<8x32x128xf32, #tpu.memory_space<vmem_shared>>
        %dma_start3A_2457 = arith.constant 0 : i32
        %dma_start3A_2458 = arith.constant 0 : i32
        %dma_start3A_2459 = tpu.memref_slice %dma_start3A_2456[%dma_start3A_2448, %dma_start3A_2457, %dma_start3A_2458] : memref<8x32x128xf32, #tpu.memory_space<vmem_shared>> -> memref<1x32x128xf32, #tpu.memory_space<vmem_shared>>
        %dma_start3A_2460 = tpu.memref_squeeze %dma_start3A_2459 : memref<1x32x128xf32, #tpu.memory_space<vmem_shared>> -> memref<32x128xf32, #tpu.memory_space<vmem_shared>>
        %dma_start3A_2461 = arith.constant 0 : i32
        %dma_start3A_2462 = tpu.memref_slice %arg3[%dma_start3A_2461, %mul3A_2447] : memref<32x1000000xf32, #tpu.memory_space<hbm>> -> memref<32x128xf32, #tpu.memory_space<hbm>>
        tpu.enqueue_dma source(%dma_start3A_2462 : memref<32x128xf32, #tpu.memory_space<hbm>>) target(%dma_start3A_2460 : memref<32x128xf32, #tpu.memory_space<vmem_shared>>) target_semaphore(%dma_start3A_2451 : memref<!tpu.dma_semaphore, #tpu.memory_space<semaphore_mem>>)
      } else {
      }
      %mul3A_2276 = arith.constant 16 : i32
      %mul3A_2277 = arith.muli %scan3A_696, %mul3A_2276 : i32
      %add3A_2278 = arith.constant 8 : i32
      %add3A_2279 = arith.addi %mul3A_2277, %add3A_2278 : i32
      %add3A_2280 = arith.constant 5 : i32
      %add3A_2281 = arith.addi %add3A_2279, %add3A_2280 : i32
      %slice3A_2282 = vector.extract_strided_slice %get3A_700 {offsets = [13], sizes = [1], strides = [1]} : vector<16xi32> to vector<1xi32>
      %squeeze3A_2283 = vector.extract %slice3A_2282[0] : i32 from vector<1xi32>
      %jit3A_2284 = arith.constant 16 : i32
      %div3A_2285 = arith.divsi %squeeze3A_2283, %jit3A_2284 : i32
      %sign3A_2286 = arith.constant 0 : i32
      %sign3A_2287 = arith.cmpi sgt, %squeeze3A_2283, %sign3A_2286 : i32
      %sign3A_2288 = arith.extui %sign3A_2287 : i1 to i32
      %sign3A_2289 = arith.constant 0 : i32
      %sign3A_2290 = arith.cmpi slt, %squeeze3A_2283, %sign3A_2289 : i32
      %sign3A_2291 = arith.extui %sign3A_2290 : i1 to i32
      %sign3A_2292 = arith.subi %sign3A_2288, %sign3A_2291 : i32
      %sign3A_2293 = arith.constant 0 : i32
      %sign3A_2294 = arith.cmpi sgt, %jit3A_2284, %sign3A_2293 : i32
      %sign3A_2295 = arith.extui %sign3A_2294 : i1 to i32
      %sign3A_2296 = arith.constant 0 : i32
      %sign3A_2297 = arith.cmpi slt, %jit3A_2284, %sign3A_2296 : i32
      %sign3A_2298 = arith.extui %sign3A_2297 : i1 to i32
      %sign3A_2299 = arith.subi %sign3A_2295, %sign3A_2298 : i32
      %ne3A_2300 = arith.cmpi ne, %sign3A_2292, %sign3A_2299 : i32
      %rem3A_2301 = arith.remsi %squeeze3A_2283, %jit3A_2284 : i32
      %ne3A_2302 = arith.constant 0 : i32
      %ne3A_2303 = arith.cmpi ne, %rem3A_2301, %ne3A_2302 : i32
      %and3A_2304 = arith.andi %ne3A_2300, %ne3A_2303 : i1
      %sub3A_2305 = arith.constant 1 : i32
      %sub3A_2306 = arith.subi %div3A_2285, %sub3A_2305 : i32
      %select_n3A_2307 = arith.select %and3A_2304, %sub3A_2306, %div3A_2285 : i32
      %mul3A_2308 = arith.constant 16 : i32
      %mul3A_2309 = arith.muli %select_n3A_2307, %mul3A_2308 : i32
      %sub3A_2310 = arith.subi %squeeze3A_2283, %mul3A_2309 : i32
      %add3A_2311 = arith.constant 80 : i32
      %add3A_2312 = arith.addi %add3A_2311, %sub3A_2310 : i32
      %broadcast_in_dim3A_2313 = vector.broadcast %add3A_2312 : i32 to vector<16xi32>
      %broadcast_in_dim3A_2314 = vector.broadcast %add3A_2281 : i32 to vector<16xi32>
      %gather3A_2315 = tpu.vector_load_idx %arg8[%iota3A, %broadcast_in_dim3A_2313] : memref<32x128xf32, #tpu.memory_space<vmem>>[vector<16xi32>, vector<16xi32>], vector<16xf32>,
      %gather3A_2316 = tpu.vector_load_idx %arg8[%add3A_5, %broadcast_in_dim3A_2313] : memref<32x128xf32, #tpu.memory_space<vmem>>[vector<16xi32>, vector<16xi32>], vector<16xf32>,
      tpu.vector_store_idx %arg9[%iota3A, %broadcast_in_dim3A_2314], %gather3A_2315 : memref<32x512xf32, #tpu.memory_space<vmem>>[vector<16xi32>, vector<16xi32>], vector<16xf32>,
      tpu.vector_store_idx %arg9[%add3A_5, %broadcast_in_dim3A_2314], %gather3A_2316 : memref<32x512xf32, #tpu.memory_space<vmem>>[vector<16xi32>, vector<16xi32>], vector<16xf32>,
      %add3A_2317 = arith.constant 1 : i32
      %add3A_2318 = arith.addi %scan3A_696, %add3A_2317 : i32
      %lt3A_2319 = arith.constant 32 : i32
      %lt3A_2320 = arith.cmpi slt, %add3A_2318, %lt3A_2319 : i32
      %convert_element_type3A_2321 = arith.extui %lt3A_2320 : i1 to i32
      %cond3A_2322 = arith.constant 0 : i32
      %cond3A_2323 = arith.cmpi ne, %convert_element_type3A_2321, %cond3A_2322 : i32
      scf.if %cond3A_2323 {
        %slice3A_2420 = vector.extract_strided_slice %get3A_707 {offsets = [13], sizes = [1], strides = [1]} : vector<16xi32> to vector<1xi32>
        %squeeze3A_2421 = vector.extract %slice3A_2420[0] : i32 from vector<1xi32>
        %jit3A_2422 = arith.constant 128 : i32
        %div3A_2423 = arith.divsi %squeeze3A_2421, %jit3A_2422 : i32
        %sign3A_2424 = arith.constant 0 : i32
        %sign3A_2425 = arith.cmpi sgt, %squeeze3A_2421, %sign3A_2424 : i32
        %sign3A_2426 = arith.extui %sign3A_2425 : i1 to i32
        %sign3A_2427 = arith.constant 0 : i32
        %sign3A_2428 = arith.cmpi slt, %squeeze3A_2421, %sign3A_2427 : i32
        %sign3A_2429 = arith.extui %sign3A_2428 : i1 to i32
        %sign3A_2430 = arith.subi %sign3A_2426, %sign3A_2429 : i32
        %sign3A_2431 = arith.constant 0 : i32
        %sign3A_2432 = arith.cmpi sgt, %jit3A_2422, %sign3A_2431 : i32
        %sign3A_2433 = arith.extui %sign3A_2432 : i1 to i32
        %sign3A_2434 = arith.constant 0 : i32
        %sign3A_2435 = arith.cmpi slt, %jit3A_2422, %sign3A_2434 : i32
        %sign3A_2436 = arith.extui %sign3A_2435 : i1 to i32
        %sign3A_2437 = arith.subi %sign3A_2433, %sign3A_2436 : i32
        %ne3A_2438 = arith.cmpi ne, %sign3A_2430, %sign3A_2437 : i32
        %rem3A_2439 = arith.remsi %squeeze3A_2421, %jit3A_2422 : i32
        %ne3A_2440 = arith.constant 0 : i32
        %ne3A_2441 = arith.cmpi ne, %rem3A_2439, %ne3A_2440 : i32
        %and3A_2442 = arith.andi %ne3A_2438, %ne3A_2441 : i1
        %sub3A_2443 = arith.constant 1 : i32
        %sub3A_2444 = arith.subi %div3A_2423, %sub3A_2443 : i32
        %select_n3A_2445 = arith.select %and3A_2442, %sub3A_2444, %div3A_2423 : i32
        %mul3A_2446 = arith.constant 128 : i32
        %mul3A_2447 = arith.muli %select_n3A_2445, %mul3A_2446 : i32
        %dma_start3A_2448 = arith.constant 5 : i32
        %dma_start3A_2449 = arith.constant 5 : i32
        %dma_start3A_2450 = tpu.memref_slice %arg11[%dma_start3A_2449] : memref<8x!tpu.dma_semaphore, #tpu.memory_space<semaphore_mem>> -> memref<1x!tpu.dma_semaphore, #tpu.memory_space<semaphore_mem>>
        %dma_start3A_2451 = tpu.memref_squeeze %dma_start3A_2450 : memref<1x!tpu.dma_semaphore, #tpu.memory_space<semaphore_mem>> -> memref<!tpu.dma_semaphore, #tpu.memory_space<semaphore_mem>>
        %dma_start3A_2452 = arith.constant 0 : i32
        %dma_start3A_2453 = arith.constant 0 : i32
        %dma_start3A_2454 = arith.constant 0 : i32
        %dma_start3A_2455 = tpu.memref_slice %arg7[%arg1, %dma_start3A_2452, %dma_start3A_2453, %dma_start3A_2454] : memref<16x8x32x128xf32, #tpu.memory_space<vmem_shared>> -> memref<1x8x32x128xf32, #tpu.memory_space<vmem_shared>>
        %dma_start3A_2456 = tpu.memref_squeeze %dma_start3A_2455 : memref<1x8x32x128xf32, #tpu.memory_space<vmem_shared>> -> memref<8x32x128xf32, #tpu.memory_space<vmem_shared>>
        %dma_start3A_2457 = arith.constant 0 : i32
        %dma_start3A_2458 = arith.constant 0 : i32
        %dma_start3A_2459 = tpu.memref_slice %dma_start3A_2456[%dma_start3A_2448, %dma_start3A_2457, %dma_start3A_2458] : memref<8x32x128xf32, #tpu.memory_space<vmem_shared>> -> memref<1x32x128xf32, #tpu.memory_space<vmem_shared>>
        %dma_start3A_2460 = tpu.memref_squeeze %dma_start3A_2459 : memref<1x32x128xf32, #tpu.memory_space<vmem_shared>> -> memref<32x128xf32, #tpu.memory_space<vmem_shared>>
        %dma_start3A_2461 = arith.constant 0 : i32
        %dma_start3A_2462 = tpu.memref_slice %arg3[%dma_start3A_2461, %mul3A_2447] : memref<32x1000000xf32, #tpu.memory_space<hbm>> -> memref<32x128xf32, #tpu.memory_space<hbm>>
        tpu.enqueue_dma source(%dma_start3A_2462 : memref<32x128xf32, #tpu.memory_space<hbm>>) target(%dma_start3A_2460 : memref<32x128xf32, #tpu.memory_space<vmem_shared>>) target_semaphore(%dma_start3A_2451 : memref<!tpu.dma_semaphore, #tpu.memory_space<semaphore_mem>>)
      } else {
      }
      %mul3A_2324 = arith.constant 16 : i32
      %mul3A_2325 = arith.muli %scan3A_696, %mul3A_2324 : i32
      %add3A_2326 = arith.constant 8 : i32
      %add3A_2327 = arith.addi %mul3A_2325, %add3A_2326 : i32
      %add3A_2328 = arith.constant 6 : i32
      %add3A_2329 = arith.addi %add3A_2327, %add3A_2328 : i32
      %slice3A_2330 = vector.extract_strided_slice %get3A_700 {offsets = [14], sizes = [1], strides = [1]} : vector<16xi32> to vector<1xi32>
      %squeeze3A_2331 = vector.extract %slice3A_2330[0] : i32 from vector<1xi32>
      %jit3A_2332 = arith.constant 16 : i32
      %div3A_2333 = arith.divsi %squeeze3A_2331, %jit3A_2332 : i32
      %sign3A_2334 = arith.constant 0 : i32
      %sign3A_2335 = arith.cmpi sgt, %squeeze3A_2331, %sign3A_2334 : i32
      %sign3A_2336 = arith.extui %sign3A_2335 : i1 to i32
      %sign3A_2337 = arith.constant 0 : i32
      %sign3A_2338 = arith.cmpi slt, %squeeze3A_2331, %sign3A_2337 : i32
      %sign3A_2339 = arith.extui %sign3A_2338 : i1 to i32
      %sign3A_2340 = arith.subi %sign3A_2336, %sign3A_2339 : i32
      %sign3A_2341 = arith.constant 0 : i32
      %sign3A_2342 = arith.cmpi sgt, %jit3A_2332, %sign3A_2341 : i32
      %sign3A_2343 = arith.extui %sign3A_2342 : i1 to i32
      %sign3A_2344 = arith.constant 0 : i32
      %sign3A_2345 = arith.cmpi slt, %jit3A_2332, %sign3A_2344 : i32
      %sign3A_2346 = arith.extui %sign3A_2345 : i1 to i32
      %sign3A_2347 = arith.subi %sign3A_2343, %sign3A_2346 : i32
      %ne3A_2348 = arith.cmpi ne, %sign3A_2340, %sign3A_2347 : i32
      %rem3A_2349 = arith.remsi %squeeze3A_2331, %jit3A_2332 : i32
      %ne3A_2350 = arith.constant 0 : i32
      %ne3A_2351 = arith.cmpi ne, %rem3A_2349, %ne3A_2350 : i32
      %and3A_2352 = arith.andi %ne3A_2348, %ne3A_2351 : i1
      %sub3A_2353 = arith.constant 1 : i32
      %sub3A_2354 = arith.subi %div3A_2333, %sub3A_2353 : i32
      %select_n3A_2355 = arith.select %and3A_2352, %sub3A_2354, %div3A_2333 : i32
      %mul3A_2356 = arith.constant 16 : i32
      %mul3A_2357 = arith.muli %select_n3A_2355, %mul3A_2356 : i32
      %sub3A_2358 = arith.subi %squeeze3A_2331, %mul3A_2357 : i32
      %add3A_2359 = arith.constant 96 : i32
      %add3A_2360 = arith.addi %add3A_2359, %sub3A_2358 : i32
      %broadcast_in_dim3A_2361 = vector.broadcast %add3A_2360 : i32 to vector<16xi32>
      %broadcast_in_dim3A_2362 = vector.broadcast %add3A_2329 : i32 to vector<16xi32>
      %gather3A_2363 = tpu.vector_load_idx %arg8[%iota3A, %broadcast_in_dim3A_2361] : memref<32x128xf32, #tpu.memory_space<vmem>>[vector<16xi32>, vector<16xi32>], vector<16xf32>,
      %gather3A_2364 = tpu.vector_load_idx %arg8[%add3A_5, %broadcast_in_dim3A_2361] : memref<32x128xf32, #tpu.memory_space<vmem>>[vector<16xi32>, vector<16xi32>], vector<16xf32>,
      tpu.vector_store_idx %arg9[%iota3A, %broadcast_in_dim3A_2362], %gather3A_2363 : memref<32x512xf32, #tpu.memory_space<vmem>>[vector<16xi32>, vector<16xi32>], vector<16xf32>,
      tpu.vector_store_idx %arg9[%add3A_5, %broadcast_in_dim3A_2362], %gather3A_2364 : memref<32x512xf32, #tpu.memory_space<vmem>>[vector<16xi32>, vector<16xi32>], vector<16xf32>,
      %add3A_2365 = arith.constant 1 : i32
      %add3A_2366 = arith.addi %scan3A_696, %add3A_2365 : i32
      %lt3A_2367 = arith.constant 32 : i32
      %lt3A_2368 = arith.cmpi slt, %add3A_2366, %lt3A_2367 : i32
      %convert_element_type3A_2369 = arith.extui %lt3A_2368 : i1 to i32
      %cond3A_2370 = arith.constant 0 : i32
      %cond3A_2371 = arith.cmpi ne, %convert_element_type3A_2369, %cond3A_2370 : i32
      scf.if %cond3A_2371 {
        %slice3A_2420 = vector.extract_strided_slice %get3A_707 {offsets = [14], sizes = [1], strides = [1]} : vector<16xi32> to vector<1xi32>
        %squeeze3A_2421 = vector.extract %slice3A_2420[0] : i32 from vector<1xi32>
        %jit3A_2422 = arith.constant 128 : i32
        %div3A_2423 = arith.divsi %squeeze3A_2421, %jit3A_2422 : i32
        %sign3A_2424 = arith.constant 0 : i32
        %sign3A_2425 = arith.cmpi sgt, %squeeze3A_2421, %sign3A_2424 : i32
        %sign3A_2426 = arith.extui %sign3A_2425 : i1 to i32
        %sign3A_2427 = arith.constant 0 : i32
        %sign3A_2428 = arith.cmpi slt, %squeeze3A_2421, %sign3A_2427 : i32
        %sign3A_2429 = arith.extui %sign3A_2428 : i1 to i32
        %sign3A_2430 = arith.subi %sign3A_2426, %sign3A_2429 : i32
        %sign3A_2431 = arith.constant 0 : i32
        %sign3A_2432 = arith.cmpi sgt, %jit3A_2422, %sign3A_2431 : i32
        %sign3A_2433 = arith.extui %sign3A_2432 : i1 to i32
        %sign3A_2434 = arith.constant 0 : i32
        %sign3A_2435 = arith.cmpi slt, %jit3A_2422, %sign3A_2434 : i32
        %sign3A_2436 = arith.extui %sign3A_2435 : i1 to i32
        %sign3A_2437 = arith.subi %sign3A_2433, %sign3A_2436 : i32
        %ne3A_2438 = arith.cmpi ne, %sign3A_2430, %sign3A_2437 : i32
        %rem3A_2439 = arith.remsi %squeeze3A_2421, %jit3A_2422 : i32
        %ne3A_2440 = arith.constant 0 : i32
        %ne3A_2441 = arith.cmpi ne, %rem3A_2439, %ne3A_2440 : i32
        %and3A_2442 = arith.andi %ne3A_2438, %ne3A_2441 : i1
        %sub3A_2443 = arith.constant 1 : i32
        %sub3A_2444 = arith.subi %div3A_2423, %sub3A_2443 : i32
        %select_n3A_2445 = arith.select %and3A_2442, %sub3A_2444, %div3A_2423 : i32
        %mul3A_2446 = arith.constant 128 : i32
        %mul3A_2447 = arith.muli %select_n3A_2445, %mul3A_2446 : i32
        %dma_start3A_2448 = arith.constant 6 : i32
        %dma_start3A_2449 = arith.constant 6 : i32
        %dma_start3A_2450 = tpu.memref_slice %arg11[%dma_start3A_2449] : memref<8x!tpu.dma_semaphore, #tpu.memory_space<semaphore_mem>> -> memref<1x!tpu.dma_semaphore, #tpu.memory_space<semaphore_mem>>
        %dma_start3A_2451 = tpu.memref_squeeze %dma_start3A_2450 : memref<1x!tpu.dma_semaphore, #tpu.memory_space<semaphore_mem>> -> memref<!tpu.dma_semaphore, #tpu.memory_space<semaphore_mem>>
        %dma_start3A_2452 = arith.constant 0 : i32
        %dma_start3A_2453 = arith.constant 0 : i32
        %dma_start3A_2454 = arith.constant 0 : i32
        %dma_start3A_2455 = tpu.memref_slice %arg7[%arg1, %dma_start3A_2452, %dma_start3A_2453, %dma_start3A_2454] : memref<16x8x32x128xf32, #tpu.memory_space<vmem_shared>> -> memref<1x8x32x128xf32, #tpu.memory_space<vmem_shared>>
        %dma_start3A_2456 = tpu.memref_squeeze %dma_start3A_2455 : memref<1x8x32x128xf32, #tpu.memory_space<vmem_shared>> -> memref<8x32x128xf32, #tpu.memory_space<vmem_shared>>
        %dma_start3A_2457 = arith.constant 0 : i32
        %dma_start3A_2458 = arith.constant 0 : i32
        %dma_start3A_2459 = tpu.memref_slice %dma_start3A_2456[%dma_start3A_2448, %dma_start3A_2457, %dma_start3A_2458] : memref<8x32x128xf32, #tpu.memory_space<vmem_shared>> -> memref<1x32x128xf32, #tpu.memory_space<vmem_shared>>
        %dma_start3A_2460 = tpu.memref_squeeze %dma_start3A_2459 : memref<1x32x128xf32, #tpu.memory_space<vmem_shared>> -> memref<32x128xf32, #tpu.memory_space<vmem_shared>>
        %dma_start3A_2461 = arith.constant 0 : i32
        %dma_start3A_2462 = tpu.memref_slice %arg3[%dma_start3A_2461, %mul3A_2447] : memref<32x1000000xf32, #tpu.memory_space<hbm>> -> memref<32x128xf32, #tpu.memory_space<hbm>>
        tpu.enqueue_dma source(%dma_start3A_2462 : memref<32x128xf32, #tpu.memory_space<hbm>>) target(%dma_start3A_2460 : memref<32x128xf32, #tpu.memory_space<vmem_shared>>) target_semaphore(%dma_start3A_2451 : memref<!tpu.dma_semaphore, #tpu.memory_space<semaphore_mem>>)
      } else {
      }
      %mul3A_2372 = arith.constant 16 : i32
      %mul3A_2373 = arith.muli %scan3A_696, %mul3A_2372 : i32
      %add3A_2374 = arith.constant 8 : i32
      %add3A_2375 = arith.addi %mul3A_2373, %add3A_2374 : i32
      %add3A_2376 = arith.constant 7 : i32
      %add3A_2377 = arith.addi %add3A_2375, %add3A_2376 : i32
      %slice3A_2378 = vector.extract_strided_slice %get3A_700 {offsets = [15], sizes = [1], strides = [1]} : vector<16xi32> to vector<1xi32>
      %squeeze3A_2379 = vector.extract %slice3A_2378[0] : i32 from vector<1xi32>
      %jit3A_2380 = arith.constant 16 : i32
      %div3A_2381 = arith.divsi %squeeze3A_2379, %jit3A_2380 : i32
      %sign3A_2382 = arith.constant 0 : i32
      %sign3A_2383 = arith.cmpi sgt, %squeeze3A_2379, %sign3A_2382 : i32
      %sign3A_2384 = arith.extui %sign3A_2383 : i1 to i32
      %sign3A_2385 = arith.constant 0 : i32
      %sign3A_2386 = arith.cmpi slt, %squeeze3A_2379, %sign3A_2385 : i32
      %sign3A_2387 = arith.extui %sign3A_2386 : i1 to i32
      %sign3A_2388 = arith.subi %sign3A_2384, %sign3A_2387 : i32
      %sign3A_2389 = arith.constant 0 : i32
      %sign3A_2390 = arith.cmpi sgt, %jit3A_2380, %sign3A_2389 : i32
      %sign3A_2391 = arith.extui %sign3A_2390 : i1 to i32
      %sign3A_2392 = arith.constant 0 : i32
      %sign3A_2393 = arith.cmpi slt, %jit3A_2380, %sign3A_2392 : i32
      %sign3A_2394 = arith.extui %sign3A_2393 : i1 to i32
      %sign3A_2395 = arith.subi %sign3A_2391, %sign3A_2394 : i32
      %ne3A_2396 = arith.cmpi ne, %sign3A_2388, %sign3A_2395 : i32
      %rem3A_2397 = arith.remsi %squeeze3A_2379, %jit3A_2380 : i32
      %ne3A_2398 = arith.constant 0 : i32
      %ne3A_2399 = arith.cmpi ne, %rem3A_2397, %ne3A_2398 : i32
      %and3A_2400 = arith.andi %ne3A_2396, %ne3A_2399 : i1
      %sub3A_2401 = arith.constant 1 : i32
      %sub3A_2402 = arith.subi %div3A_2381, %sub3A_2401 : i32
      %select_n3A_2403 = arith.select %and3A_2400, %sub3A_2402, %div3A_2381 : i32
      %mul3A_2404 = arith.constant 16 : i32
      %mul3A_2405 = arith.muli %select_n3A_2403, %mul3A_2404 : i32
      %sub3A_2406 = arith.subi %squeeze3A_2379, %mul3A_2405 : i32
      %add3A_2407 = arith.constant 112 : i32
      %add3A_2408 = arith.addi %add3A_2407, %sub3A_2406 : i32
      %broadcast_in_dim3A_2409 = vector.broadcast %add3A_2408 : i32 to vector<16xi32>
      %broadcast_in_dim3A_2410 = vector.broadcast %add3A_2377 : i32 to vector<16xi32>
      %gather3A_2411 = tpu.vector_load_idx %arg8[%iota3A, %broadcast_in_dim3A_2409] : memref<32x128xf32, #tpu.memory_space<vmem>>[vector<16xi32>, vector<16xi32>], vector<16xf32>,
      %gather3A_2412 = tpu.vector_load_idx %arg8[%add3A_5, %broadcast_in_dim3A_2409] : memref<32x128xf32, #tpu.memory_space<vmem>>[vector<16xi32>, vector<16xi32>], vector<16xf32>,
      tpu.vector_store_idx %arg9[%iota3A, %broadcast_in_dim3A_2410], %gather3A_2411 : memref<32x512xf32, #tpu.memory_space<vmem>>[vector<16xi32>, vector<16xi32>], vector<16xf32>,
      tpu.vector_store_idx %arg9[%add3A_5, %broadcast_in_dim3A_2410], %gather3A_2412 : memref<32x512xf32, #tpu.memory_space<vmem>>[vector<16xi32>, vector<16xi32>], vector<16xf32>,
      %add3A_2413 = arith.constant 1 : i32
      %add3A_2414 = arith.addi %scan3A_696, %add3A_2413 : i32
      %lt3A_2415 = arith.constant 32 : i32
      %lt3A_2416 = arith.cmpi slt, %add3A_2414, %lt3A_2415 : i32
      %convert_element_type3A_2417 = arith.extui %lt3A_2416 : i1 to i32
      %cond3A_2418 = arith.constant 0 : i32
      %cond3A_2419 = arith.cmpi ne, %convert_element_type3A_2417, %cond3A_2418 : i32
      scf.if %cond3A_2419 {
        %slice3A_2420 = vector.extract_strided_slice %get3A_707 {offsets = [15], sizes = [1], strides = [1]} : vector<16xi32> to vector<1xi32>
        %squeeze3A_2421 = vector.extract %slice3A_2420[0] : i32 from vector<1xi32>
        %jit3A_2422 = arith.constant 128 : i32
        %div3A_2423 = arith.divsi %squeeze3A_2421, %jit3A_2422 : i32
        %sign3A_2424 = arith.constant 0 : i32
        %sign3A_2425 = arith.cmpi sgt, %squeeze3A_2421, %sign3A_2424 : i32
        %sign3A_2426 = arith.extui %sign3A_2425 : i1 to i32
        %sign3A_2427 = arith.constant 0 : i32
        %sign3A_2428 = arith.cmpi slt, %squeeze3A_2421, %sign3A_2427 : i32
        %sign3A_2429 = arith.extui %sign3A_2428 : i1 to i32
        %sign3A_2430 = arith.subi %sign3A_2426, %sign3A_2429 : i32
        %sign3A_2431 = arith.constant 0 : i32
        %sign3A_2432 = arith.cmpi sgt, %jit3A_2422, %sign3A_2431 : i32
        %sign3A_2433 = arith.extui %sign3A_2432 : i1 to i32
        %sign3A_2434 = arith.constant 0 : i32
        %sign3A_2435 = arith.cmpi slt, %jit3A_2422, %sign3A_2434 : i32
        %sign3A_2436 = arith.extui %sign3A_2435 : i1 to i32
        %sign3A_2437 = arith.subi %sign3A_2433, %sign3A_2436 : i32
        %ne3A_2438 = arith.cmpi ne, %sign3A_2430, %sign3A_2437 : i32
        %rem3A_2439 = arith.remsi %squeeze3A_2421, %jit3A_2422 : i32
        %ne3A_2440 = arith.constant 0 : i32
        %ne3A_2441 = arith.cmpi ne, %rem3A_2439, %ne3A_2440 : i32
        %and3A_2442 = arith.andi %ne3A_2438, %ne3A_2441 : i1
        %sub3A_2443 = arith.constant 1 : i32
        %sub3A_2444 = arith.subi %div3A_2423, %sub3A_2443 : i32
        %select_n3A_2445 = arith.select %and3A_2442, %sub3A_2444, %div3A_2423 : i32
        %mul3A_2446 = arith.constant 128 : i32
        %mul3A_2447 = arith.muli %select_n3A_2445, %mul3A_2446 : i32
        %dma_start3A_2448 = arith.constant 7 : i32
        %dma_start3A_2449 = arith.constant 7 : i32
        %dma_start3A_2450 = tpu.memref_slice %arg11[%dma_start3A_2449] : memref<8x!tpu.dma_semaphore, #tpu.memory_space<semaphore_mem>> -> memref<1x!tpu.dma_semaphore, #tpu.memory_space<semaphore_mem>>
        %dma_start3A_2451 = tpu.memref_squeeze %dma_start3A_2450 : memref<1x!tpu.dma_semaphore, #tpu.memory_space<semaphore_mem>> -> memref<!tpu.dma_semaphore, #tpu.memory_space<semaphore_mem>>
        %dma_start3A_2452 = arith.constant 0 : i32
        %dma_start3A_2453 = arith.constant 0 : i32
        %dma_start3A_2454 = arith.constant 0 : i32
        %dma_start3A_2455 = tpu.memref_slice %arg7[%arg1, %dma_start3A_2452, %dma_start3A_2453, %dma_start3A_2454] : memref<16x8x32x128xf32, #tpu.memory_space<vmem_shared>> -> memref<1x8x32x128xf32, #tpu.memory_space<vmem_shared>>
        %dma_start3A_2456 = tpu.memref_squeeze %dma_start3A_2455 : memref<1x8x32x128xf32, #tpu.memory_space<vmem_shared>> -> memref<8x32x128xf32, #tpu.memory_space<vmem_shared>>
        %dma_start3A_2457 = arith.constant 0 : i32
        %dma_start3A_2458 = arith.constant 0 : i32
        %dma_start3A_2459 = tpu.memref_slice %dma_start3A_2456[%dma_start3A_2448, %dma_start3A_2457, %dma_start3A_2458] : memref<8x32x128xf32, #tpu.memory_space<vmem_shared>> -> memref<1x32x128xf32, #tpu.memory_space<vmem_shared>>
        %dma_start3A_2460 = tpu.memref_squeeze %dma_start3A_2459 : memref<1x32x128xf32, #tpu.memory_space<vmem_shared>> -> memref<32x128xf32, #tpu.memory_space<vmem_shared>>
        %dma_start3A_2461 = arith.constant 0 : i32
        %dma_start3A_2462 = tpu.memref_slice %arg3[%dma_start3A_2461, %mul3A_2447] : memref<32x1000000xf32, #tpu.memory_space<hbm>> -> memref<32x128xf32, #tpu.memory_space<hbm>>
        tpu.enqueue_dma source(%dma_start3A_2462 : memref<32x128xf32, #tpu.memory_space<hbm>>) target(%dma_start3A_2460 : memref<32x128xf32, #tpu.memory_space<vmem_shared>>) target_semaphore(%dma_start3A_2451 : memref<!tpu.dma_semaphore, #tpu.memory_space<semaphore_mem>>)
      } else {
      }
    }
    %scan3A_695 = arith.constant 32 : i32
    "tpu.region"() ({
      %run_scoped3A = tpu.sem_alloc : memref<!tpu.dma_semaphore, #tpu.memory_space<semaphore_mem>>
      %dma_start3A_696 = arith.constant 0 : i32
      %dma_start3A_697 = tpu.memref_slice %arg4[%dma_start3A_696, %mul3A_2] : memref<32x16384xf32, #tpu.memory_space<hbm>> -> memref<32x512xf32, #tpu.memory_space<hbm>>
      %dma_start3A_698 = arith.constant 0 : i32
      %dma_start3A_699 = tpu.memref_slice %arg4[%dma_start3A_698, %mul3A_2] : memref<32x16384xf32, #tpu.memory_space<hbm>> -> memref<32x512xf32, #tpu.memory_space<hbm>>
      tpu.enqueue_dma source(%arg9 : memref<32x512xf32, #tpu.memory_space<vmem>>) target(%dma_start3A_699 : memref<32x512xf32, #tpu.memory_space<hbm>>) target_semaphore(%run_scoped3A : memref<!tpu.dma_semaphore, #tpu.memory_space<semaphore_mem>>)
      %dma_wait3A = arith.constant 0 : i32
      %dma_wait3A_700 = tpu.memref_slice %arg4[%dma_wait3A, %mul3A_2] : memref<32x16384xf32, #tpu.memory_space<hbm>> -> memref<32x512xf32, #tpu.memory_space<hbm>>
      %dma_wait3A_701 = arith.constant 0 : i32
      %dma_wait3A_702 = tpu.memref_slice %arg4[%dma_wait3A_701, %mul3A_2] : memref<32x16384xf32, #tpu.memory_space<hbm>> -> memref<32x512xf32, #tpu.memory_space<hbm>>
      tpu.wait_dma2 semaphore(%run_scoped3A : memref<!tpu.dma_semaphore, #tpu.memory_space<semaphore_mem>>) src(%arg9 : memref<32x512xf32, #tpu.memory_space<vmem>>) dst(%dma_wait3A_702 : memref<32x512xf32, #tpu.memory_space<hbm>>)
      tpu.yield
    }) : () -> ()
    return
  }
}

</mosaic_0001>

<sc_bundles>
// kernel: kernel.3.cloned.1.call-start
scs
__scs_entry_jumppad:
0x0: {  	(pc) =	sbr.rel $0x88, $3  }
0x1: {  	(tag) =	ssettag $0x0;
	lr =	simm.s32 $0x1  }
0x2: {  	[smem:$0x3F9F] =	sst lr;
	_ =	strace $0xD0000000  }
0x3: {  	_ = 	snop  }
0x4: {  	_ = 	snop  }
0x5: {  	_ = 	snop  }
0x6: {  	_ = 	snop  }
0x7: {  	_ = 	snop  }
__scs_overlays_trampoline_lowered:
0x8: {  	[smem:$0x3FAE] =	sst s0  }
0x9: {  	[smem:$0x3FAF] =	sst s1  }
0xa: {  	[smem:$0x3FB0] =	sst s2  }
0xb: {  	[smem:$0x3FB1] =	sst s3  }
0xc: {  	[smem:$0x3FB2] =	sst s4  }
0xd: {  	[smem:$0x3FB3] =	sst s5  }
0xe: {  	[smem:$0x3FB4] =	sst s6  }
0xf: {  	[smem:$0x3FB5] =	sst s7  }
0x10: {  	[smem:$0x3FB6] =	sst s8  }
0x11: {  	[smem:$0x3FB7] =	sst s9;
	s0 =	simm.s32 @!p0 $0x0  }
0x12: {  	s1 =	sld [smem:$0x3F9D];
	s0 =	simm.s32 @p0 $0x1  }
0x13: {  	[smem:$0x3FB8] =	sst s0;
	s0 =	simm.s32 @!p1 $0x0  }
0x14: {  	s2 =	sld [smem:$0x3F9C];
	s0 =	simm.s32 @p1 $0x1  }
0x15: {  	[smem:$0x3FB9] =	sst s0;
	s0 =	simm.s32 @!p2 $0x0  }
0x16: {  	s3 =	sld [smem:$0x3FDB];
	s0 =	simm.s32 @p2 $0x1  }
0x17: {  	s4 =	simm.s32 $0x1BF5;
	[smem:$0x3FBB] =	sst s0  }
0x18: {  	s0 =	sld [smem:$0x3F9E];
	_ =	swait.ge [sflag:s4], $0x0  }
0x19: {  	s7 =	sld [smem:$0x3F9F]  }
0x1a: {  	s8 =	sadd.s32 $0xFFFFE003, lr  }
0x1b: {  	s9 =	sadd.s32 $0xFFFFFEF7, lr;
	s5 =	simm.s32 $0xFFFFFFFF;
	p2 =	slt.u32 s8, $0xFFFFF086  }
0x1c: {  	p1 =	slt.u32 s9, $0xF7A;
	s5 =	simm.s32 @!p2 $0x0  }
0x1d: {  	s5 =	simm.s32 @p1 $0x1;
	p0 =	seq.s32 s7, s2  }
0x1e: {  	s7 =	smul.u32 @!p0 $0xF7A, s2;
	p2 =	seq.s32 @!p0 s5, $0x0  }
0x1f: {  	s9 =	smul.u32 $0xF7A, s1;
	s8 =	simm.s32 @!p0 $0x1BF5;
	p2 =	por !p2, p0  }
0x20: {  	[sflag:s8] =	ssyncset.s32 @!p0 $0xFFFFF086;
	s6 =	sadd.s32 @!p0 s3, s7;
	s7 =	simm.s32 @!p0 $0x108  }
0x21: {  	s3 =	sadd.s32 s3, s9;
	s6 =	sadd.s32 @!p0 $0x88, s6;
	s7 =	simm.s32 @p2 $0x1082  }
0x22: {  	[simem:s7], [sflag:s8] =	dma.local @!p0 [hbm:s6], $0xF7A  }
0x23: {  	s9 =	sor.u32 $0xD0000000, s2;
	s6 =	simm.s32 $0x108;
	_ =	swait.ge @!p0 [sflag:s8], $0x0  }
0x24: {  	s3 =	sadd.s32 $0x88, s3;
	s6 =	simm.s32 @!p1 $0x1082;
	[sflag:s4] =	ssyncset.s32 $0xFFFFF086  }
0x25: {  	[simem:s6], [sflag:s4] =	dma.local [hbm:s3], $0xF7A  }
0x26: {  	[smem:$0x3F9F] =	sst s1;
	(tag) =	ssettag s2;
	_ =	strace s9  }
0x27: {  	s1 =	sld [smem:$0x3FAF]  }
0x28: {  	s2 =	sld [smem:$0x3FB0]  }
0x29: {  	s4 =	sld [smem:$0x3FB2]  }
0x2a: {  	p0 =	seq.s32 s5, $0x0;
	s5 =	sld [smem:$0x3FB3]  }
0x2b: {  	s6 =	sld [smem:$0x3FB4]  }
0x2c: {  	s7 =	sld [smem:$0x3FB5]  }
0x2d: {  	s3 =	simm.s32 $0x108;
	s8 =	sld [smem:$0x3FB6]  }
0x2e: {  	s3 =	simm.s32 @!p0 $0x1082;
	s9 =	sld [smem:$0x3FB7]  }
0x2f: {  	lr =	sadd.s32 s0, s3;
	s0 =	sld [smem:$0x3FAE]  }
0x30: {  	s3 =	sld [smem:$0x3FB1]  }
0x31: {  	[smem:$0x3FBA] =	sst s10  }
0x32: {  	s10 =	sld [smem:$0x3FB8];
	_ =	sdelay $0x3  }
0x33: {  	p0 =	seq.s32 s10, $0x1;
	s10 =	sld [smem:$0x3FBA];
	_ =	sdelay $0x3  }
0x34: {  	[smem:$0x3FBA] =	sst s10  }
0x35: {  	s10 =	sld [smem:$0x3FB9];
	_ =	sdelay $0x3  }
0x36: {  	p1 =	seq.s32 s10, $0x1;
	s10 =	sld [smem:$0x3FBA];
	_ =	sdelay $0x3  }
0x37: {  	[smem:$0x3FBA] =	sst s10  }
0x38: {  	s10 =	sld [smem:$0x3FBB]  }
0x39: {  	_ = 	snop;
	(pc) =	sbr.ind lr, $3  }
0x3a: {  	_ = 	snop  }
0x3b: {  	_ = 	snop  }
0x3c: {  	p2 =	seq.s32 s10, $0x1;
	s10 =	sld [smem:$0x3FBA]  }
0x3d: {  	_ =	shalt  }
0x3e: {  	_ =	shalt  }
0x3f: {  	_ =	shalt  }
0x40: {  	_ =	shalt  }
0x41: {  	_ =	shalt  }
0x42: {  	_ =	shalt  }
0x43: {  	_ =	shalt  }
0x44: {  	_ =	shalt  }
0x45: {  	_ =	shalt  }
0x46: {  	_ =	shalt  }
0x47: {  	_ =	shalt  }
0x48: {  	_ =	shalt  }
0x49: {  	_ =	shalt  }
0x4a: {  	_ =	shalt  }
0x4b: {  	_ =	shalt  }
0x4c: {  	_ =	shalt  }
0x4d: {  	_ =	shalt  }
0x4e: {  	_ =	shalt  }
0x4f: {  	_ =	shalt  }
0x50: {  	_ =	shalt  }
0x51: {  	_ =	shalt  }
0x52: {  	_ =	shalt  }
0x53: {  	_ =	shalt  }
0x54: {  	_ =	shalt  }
0x55: {  	_ =	shalt  }
0x56: {  	_ =	shalt  }
0x57: {  	_ =	shalt  }
0x58: {  	_ =	shalt  }
0x59: {  	_ =	shalt  }
0x5a: {  	_ =	shalt  }
0x5b: {  	_ =	shalt  }
0x5c: {  	_ =	shalt  }
0x5d: {  	_ =	shalt  }
0x5e: {  	_ =	shalt  }
0x5f: {  	_ =	shalt  }
0x60: {  	_ =	shalt  }
0x61: {  	_ =	shalt  }
0x62: {  	_ =	shalt  }
0x63: {  	_ =	shalt  }
0x64: {  	_ =	shalt  }
0x65: {  	_ =	shalt  }
0x66: {  	_ =	shalt  }
0x67: {  	_ =	shalt  }
0x68: {  	_ =	shalt  }
0x69: {  	_ =	shalt  }
0x6a: {  	_ =	shalt  }
0x6b: {  	_ =	shalt  }
0x6c: {  	_ =	shalt  }
0x6d: {  	_ =	shalt  }
0x6e: {  	_ =	shalt  }
0x6f: {  	_ =	shalt  }
0x70: {  	_ =	shalt  }
0x71: {  	_ =	shalt  }
0x72: {  	_ =	shalt  }
0x73: {  	_ =	shalt  }
0x74: {  	_ =	shalt  }
0x75: {  	_ =	shalt  }
0x76: {  	_ =	shalt  }
0x77: {  	_ =	shalt  }
0x78: {  	_ =	shalt  }
0x79: {  	_ =	shalt  }
0x7a: {  	_ =	shalt  }
0x7b: {  	_ =	shalt  }
0x7c: {  	_ =	shalt  }
0x7d: {  	_ =	shalt  }
0x7e: {  	_ =	shalt  }
0x7f: {  	_ =	shalt  }
0x80: {  	_ =	shalt  }
0x81: {  	_ =	shalt  }
0x82: {  	_ =	shalt  }
0x83: {  	_ =	shalt  }
0x84: {  	_ =	shalt  }
0x85: {  	_ =	shalt  }
0x86: {  	_ =	shalt  }
0x87: {  	_ =	shalt  }
.Lfunc_end0:
.L_simem_size_0:
called_computation_lowered:
.L_overlay_start_0:
0x88: {  	s2 =	sld [smem:$0x3FD9]  }
0x89: {  	s3 =	sld [smem:$0x3FFE];
	_ =	sdelay $0x1  }
0x8a: {  	s1 =	srdreg.scid  }
0x8b: {  	s0 =	sand.u32 $0x1, s1  }
0x8c: {  	s15 =	sshll.u32 s0, $0xA;
	s2 =	sadd.s32 s3, s2  }
0x8d: {  	s2 =	sadd.s32 s2, s15  }
0x8e: {  	[smem:$0x3FC6] =	sst s2  }
0x8f: {  	_ = 	snop  }
0x90: {  	s2 =	sld [smem:$0x3FD0];
	_ =	sdelay $0x1  }
0x91: {  	s16 =	sld [smem:$0x3FC9]  }
0x92: {  	s5 =	simm.s32 $0xA;
	s6 =	simm.s32 $0x10;
	s4 =	sld [smem:$0x3FC8]  }
0x93: {  	[smem:s6], [sflag:s5] =	dma.local [hbm:s2], $0x1  }
0x94: {  	_ =	swait.eq [sflag:s5], $0x1  }
0x95: {  	[sflag:s5] =	ssyncset.done $0x0  }
0x96: {  	[sflag:s5] =	ssyncadd.s32 $0xFFFFFFFF  }
0x97: {  	s17 =	sld [smem:$0x10];
	(tm) =	ssettm $0x1  }
0x98: {  	s18 =	sld [smem:$0x3FFB];
	_ =	sdelay $0x3  }
0x99: {  	_ =	strace s18  }
0x9a: {  	s5 =	sld [smem:$0x3FFC];
	_ =	sdelay $0x3  }
0x9b: {  	_ =	strace s5  }
0x9c: {  	s5 =	sld [smem:$0x3FFD];
	_ =	sdelay $0x3  }
0x9d: {  	_ =	strace s5  }
0x9e: {  	_ =	strace $0x8FFFFFFF  }
0x9f: {  	s19 =	sld [smem:$0x3FDB];
	_ =	sdelay $0x1  }
0xa0: {  	s20 =	simm.s32 $_scs_section_size  }
0xa1: {  	s7 =	simm.s32 $_size__tile_overlayer_lowered;
	s8 =	simm.s32 $_tile_overlayer_lowered  }
0xa2: {  	s23 =	simm.s32 $0x1BFF;
	s22 =	sshll.u32 s8, $0x1;
	s5 =	sadd.s32 s20, s19  }
0xa3: {  	s9 =	simm.s32 $0x0;
	s21 =	sshll.u32 s7, $0x1;
	s7 =	sadd.s32 s22, s5  }
0xa4: {  	[timem:s9], [sflag:s23] =	dma.local [hbm:s7], s21  }
0xa5: {  	_ =	swait.ge [sflag:s23], s21  }
0xa6: {  	s6 =	ssub.s32 $0x0, s21;
	[sflag:s23] =	ssyncset.done $0x0  }
0xa7: {  	[sflag:s23] =	ssyncadd.s32 s6;
	_ =	sdelay $0x1  }
0xa8: {  	s24 =	simm.s32 $0x1B8B  }
0xa9: {  	_ =	swait.ge [sflag:s24], $0x1  }
0xaa: {  	[sflag:s24] =	ssyncset.done $0x0  }
0xab: {  	s25 =	simm.s32 $0x1B8E;
	[sflag:s24] =	ssyncadd.s32 $0xFFFFFFFF  }
0xac: {  	s26 =	simm.s32 $execute0_lowered;
	[smem:$0x3FD2] =	sst s25  }
0xad: {  	s6 =	sshll.u32 s26, $0x1;
	_ =	strace $0x80000046;
	[dreg:$0x1] =	wrdreg $0xFFFFFFFF  }
0xae: {  	s28 =	simm.s32 $_size_execute0_lowered;
	s5 =	sadd.s32 s5, s6;
	[dreg:$0x0] =	wrdreg $0x0  }
0xaf: {  	s6 =	sshll.u32 s28, $0x1;
	[dreg:$0x2] =	wrdreg s5  }
0xb0: {  	[dreg:$0x3] =	wrdreg s6  }
0xb1: {  	[dreg:$0x4] =	wrdreg $0xC0  }
0xb2: {  	_ =	task [dreg:s9], $0x5FFFF  }
0xb3: {  	[dreg:$0x1] =	wrdreg $0xFFFFFFFF  }
0xb4: {  	[dreg:$0x0] =	wrdreg $0x60  }
0xb5: {  	[dreg:$0x2] =	wrdreg s16  }
0xb6: {  	[dreg:$0x3] =	wrdreg s4  }
0xb7: {  	[dreg:$0x4] =	wrdreg s17  }
0xb8: {  	[dreg:$0x5] =	wrdreg $0x82000  }
0xb9: {  	[dreg:$0x6] =	wrdreg $0x9  }
0xba: {  	_ =	task.clear_ibuf [dreg:s9], $0x7FFFF;
	_ =	strace $0x90000046  }
0xbb: {  	s29 =	simm.s32 $0x9;
	_ =	strace $0x80000048  }
0xbc: {  	_ =	swait.ge [sflag:s29], $0x1  }
0xbd: {  	[sflag:s29] =	ssyncadd.s32 $0xFFFFFFFF  }
0xbe: {  	_ =	strace $0x90000048  }
0xbf: {  	_ =	sfence  }
0xc0: {  	s30 =	sld [smem:$0x0];
	_ =	sdelay $0x2  }
0xc1: {  	s31 =	sshll.u32 s1, $0xD;
	s1 =	sshrl.u32 s1, $0x2  }
0xc2: {  	s3 =	sand.u32 $0x4000, s31;
	s1 =	sadd.s32 s1, s30  }
0xc3: {  	s0 =	sor.u32 s3, s0;
	s1 =	sshll.u32 s1, $0x11  }
0xc4: {  	s0 =	sor.u32 s1, s0  }
0xc5: {  	s0 =	sadd.s32 $0x8F2B, s0  }
0xc6: {  	[sflag:s0] =	ssyncadd.remote.s32 $0x1  }
0xc7: {  	_ =	sfence.sel $0xFFFF  }
0xc8: {  	[dreg:$0x0] =	wrdreg $0xFFFFFFFF;
	(pc) =	sbr.abs _section_cstart, $3  }
0xc9: {  	[dreg:$0x1] =	wrdreg $0xFFFFFFFF  }
0xca: {  	_ =	task.clear_ibuf [dreg:s9], $0x2FFFF;
	_ =	strace $0x9FFFFFFF  }
0xcb: {  	(tm) =	ssettm $0x7FFFFFFF  }
tec
execute0_lowered:
.L_overlay_start_1:
0x0: {  	(tag) =	ssettag $0x1  }
0x1: {  	s0 =	rddreg [dreg:$0x0]  }
0x2: {  	s1 =	rddreg [dreg:$0x1]  }
0x3: {  	s2 =	rddreg [dreg:$0x2];
	v0 =	vlaneseq.u32;
	v1 =	vimm.s32 $0x1380  }
0x4: {  	s3 =	rddreg [dreg:$0x3];
	s4 =	srdreg.scid;
	vm0 =	vcmask $0x300;
	v2 =	vimm.s32 $0x3380;
	vm1 =	vcmask $0x704  }
0x5: {  	s5 =	simm.s32 $0x0;
	s13 =	stileid.u32;
	vm15 =	vcmask $0xB08;
	s12 =	simm.s32 $0x1200;
	v1 =	vsel vm0, $0x0, v1;
	v2 =	vsel vm0, $0x2000, v2  }
0x6: {  	vm4 =	vcmask $0xF0C;
	s14 =	simm.s32 $0x3200;
	s17 =	simm.s32 $0x4200;
	s31 =	simm.s32 $0x6200;
	v1 =	vsel vm1, $0x80, v1;
	v2 =	vsel vm1, $0x2080, v2  }
0x7: {  	vm5 =	vcmask $0x1310;
	s19 =	simm.s32 $0x7200;
	s18 =	simm.s32 $0x11200;
	s4 =	sand.u32 $0x1, s4;
	v1 =	vsel vm15, $0x100, v1;
	v2 =	vsel vm15, $0x2100, v2  }
0x8: {  	vm6 =	vcmask $0x1714;
	[smem:$0x7FF] =	sst s5;
	s21 =	sshll.u32 s13, $0xA;
	s8 =	sshll.u32 s13, $0xF;
	v1 =	vsel vm4, $0x180, v1;
	v2 =	vsel vm4, $0x2180, v2  }
0x9: {  	vm7 =	vcmask $0x1B18;
	s30 =	sshll.u32 s13, $0x6;
	s6 =	sshll.u32 s4, $0x9;
	_ =	strace $0x80000047;
	v1 =	vsel vm5, $0x200, v1;
	v2 =	vsel vm5, $0x2200, v2  }
0xa: {  	vm8 =	vcmask $0x1F1C;
	s4 =	ssub.s32 $0x2, s4;
	[dreg:$0xd] =	wrdreg s30;
	s5 =	sor.u32 s6, s21;
	v1 =	vsel vm6, $0x280, v1;
	v2 =	vsel vm6, $0x2280, v2  }
0xb: {  	vm9 =	vcmask $0x2320;
	s22 =	sshrl.u32 s4, $0x1;
	s7 =	sshrl.u32 s5, $0x3;
	s26 =	sadd.s32 s2, s5;
	v1 =	vsel vm7, $0x300, v1;
	v2 =	vsel vm7, $0x2300, v2  }
0xc: {  	vm10 =	vcmask $0x2724;
	s4 =	ssub.s32 s4, s22;
	s0 =	sadd.s32 s0, s7;
	[dreg:$0x9] =	wrdreg s26;
	v1 =	vsel vm8, $0x380, v1;
	v2 =	vsel vm8, $0x2380, v2  }
0xd: {  	vm11 =	vcmask $0x2B28;
	s22 =	simm.s32 $0x2200;
	s28 =	smax.u32 s4, $0x1;
	[dreg:$0x5] =	wrdreg s0;
	v1 =	vsel vm9, $0x1000, v1;
	v2 =	vsel vm9, $0x3000, v2  }
0xe: {  	vm12 =	vcmask $0x2F2C;
	s2 =	simm.s32 $0x0;
	s7 =	sadd.s32 s8, s3;
	[dreg:$0xa] =	wrdreg s28;
	v1 =	vsel vm10, $0x1080, v1;
	v2 =	vsel vm10, $0x3080, v2  }
0xf: {  	vm13 =	vcmask $0x3330;
	s3 =	simm.s32 $0x12;
	s23 =	sadd.s32 $0x5000, s7;
	[dreg:$0xb] =	wrdreg s7;
	v1 =	vsel vm11, $0x1100, v1;
	v2 =	vsel vm11, $0x3100, v2  }
0x10: {  	vm14 =	vcmask $0x3734;
	s8 =	simm.s32 $0x5200;
	s24 =	sadd.s32 $0x6000, s7;
	[dreg:$0x6] =	wrdreg s23;
	v1 =	vsel vm12, $0x1180, v1;
	v2 =	vsel vm12, $0x3180, v2  }
0x11: {  	v0 =	vmul.u32 $0x80, v0;
	s29 =	sadd.s32 $0x1000, s7;
	s25 =	sadd.s32 $0x7000, s7;
	[dreg:$0x7] =	wrdreg s24;
	v1 =	vsel vm13, $0x1200, v1;
	v2 =	vsel vm13, $0x3200, v2  }
0x12: {  	vm15 =	vcmask $0x3B38;
	s9 =	sadd.s32 $0x2000, s7;
	s10 =	sadd.s32 $0x4000, s7;
	[dreg:$0x8] =	wrdreg s25;
	v3 =	vsel vm14, $0x1280, v1;
	v4 =	vsel vm14, $0x3280, v2  }
0x13: {  	s11 =	sadd.s32 $0x3000, s7;
	s23 =	simm.s32 $0x10200;
	[dreg:$0xc] =	wrdreg s10;
	v1 =	vor.u32 $0x800, v0;
	v2 =	vsel vm15, $0x1300, v3;
	v3 =	vsel vm15, $0x3300, v4  }
.LBB2_1:
0x14: {  	[dreg:$0xe] =	wrdreg s2  }
0x15: {  	s0 =	simm.s32 $0x0;
	s6 =	rddreg [dreg:$0x5]  }
0x16: {  	[tilespmem:s0], [sflag:$0x12] =	stream.linear.gather [hbm4b:s6+s0], $0x200, $0x38;
	[tilespmem:$0x15200] =	vst v63  }
0x17: {  	_ =	swait.ge [sflag:s3], $0x200  }
0x18: {  	[sflag:s3] =	ssyncset.done $0x0  }
0x19: {  	[sflag:s3] =	ssyncadd.s32 $0xFFFFFE00  }
0x1a: {  	v4 =	vld [tilespmem:$0x0];
	_ =	sdelay $0x4  }
0x1b: {  	(v2sf) =	vpush v4, $0x0;
	_ =	sdelay $0x5  }
0x1c: {  	(v2sf) =	vpush v4, $0x1;
	_ =	sdelay $0x8  }
0x1d: {  	s13 =	spop (v2sf)  }
0x1e: {  	(v2sf) =	vpush v4, $0x2;
	s15 =	sand.u32 $0x7F, s13  }
0x1f: {  	s16 =	sshra.s32 s13, $0x1F;
	p0 =	slt.s32 s13, $0x1;
	p1 =	sne.s32 s15, $0x0  }
0x20: {  	s2 =	simm.s32 $0x1;
	s20 =	sshrl.u32 s16, $0x19;
	p0 =	por !p0, !p1  }
0x21: {  	s4 =	simm.s32 $0x400;
	s0 =	sadd.s32 s20, s13;
	p0 =	por !p0, !p0  }
0x22: {  	s5 =	simm.s32 $0x7A1400;
	s0 =	sshrl.u32 s0, $0x7;
	s2 =	simm.s32 @!p0 $0x0  }
0x23: {  	s21 =	simm.s32 $0x200;
	s24 =	spop (v2sf);
	s0 =	ssub.s32 s0, s2  }
0x24: {  	s25 =	sand.u32 $0x7F, s24;
	s26 =	sshra.s32 s24, $0x1F;
	s0 =	sshll.u32 s0, $0x7  }
0x25: {  	(v2sf) =	vpush v4, $0x3;
	p1 =	slt.s32 s24, $0x1;
	p2 =	sne.s32 s25, $0x0;
	s0 =	sand.u32 $0x1FFFFF80, s0  }
0x26: {  	s28 =	sshrl.u32 s26, $0x19;
	p0 =	por !p1, !p2;
	s0 =	sadd.s32 s1, s0  }
0x27: {  	[tilespmem:s21], [sflag:$0x1] =	stream.strided.gather [hbm4b:s0+s4], $0x1000, s5, s4, $0x38;
	[tilespmem:$0x15200] =	vst v63  }
0x28: {  	p0 =	por !p0, !p0;
	s2 =	simm.s32 $0x1;
	s0 =	sadd.s32 s28, s24  }
0x29: {  	s2 =	simm.s32 @!p0 $0x0;
	s0 =	sshrl.u32 s0, $0x7  }
0x2a: {  	s0 =	ssub.s32 s0, s2  }
0x2b: {  	s0 =	sshll.u32 s0, $0x7  }
0x2c: {  	s0 =	sand.u32 $0x1FFFFF80, s0  }
0x2d: {  	s0 =	sadd.s32 s1, s0;
	s30 =	spop (v2sf)  }
0x2e: {  	[tilespmem:s12], [sflag:$0x2] =	stream.strided.gather [hbm4b:s0+s4], $0x1000, s5, s4, $0x38;
	[tilespmem:$0x15200] =	vst v63  }
0x2f: {  	(v2sf) =	vpush v4, $0x4;
	s3 =	sand.u32 $0x7F, s30  }
0x30: {  	s6 =	sshra.s32 s30, $0x1F;
	p3 =	slt.s32 s30, $0x1;
	p4 =	sne.s32 s3, $0x0  }
0x31: {  	s12 =	sshrl.u32 s6, $0x19;
	p0 =	por !p3, !p4  }
0x32: {  	s2 =	simm.s32 $0x1;
	s0 =	sadd.s32 s12, s30;
	p0 =	por !p0, !p0  }
0x33: {  	s0 =	sshrl.u32 s0, $0x7;
	s2 =	simm.s32 @!p0 $0x0  }
0x34: {  	s13 =	spop (v2sf);
	s0 =	ssub.s32 s0, s2  }
0x35: {  	s15 =	sand.u32 $0x7F, s13;
	s16 =	sshra.s32 s13, $0x1F;
	s0 =	sshll.u32 s0, $0x7  }
0x36: {  	(v2sf) =	vpush v4, $0x5;
	p5 =	slt.s32 s13, $0x1;
	p6 =	sne.s32 s15, $0x0;
	s0 =	sand.u32 $0x1FFFFF80, s0  }
0x37: {  	s20 =	sshrl.u32 s16, $0x19;
	p0 =	por !p5, !p6;
	s0 =	sadd.s32 s1, s0  }
0x38: {  	[tilespmem:s22], [sflag:$0x3] =	stream.strided.gather [hbm4b:s0+s4], $0x1000, s5, s4, $0x38;
	[tilespmem:$0x15200] =	vst v63  }
0x39: {  	p0 =	por !p0, !p0;
	s2 =	simm.s32 $0x1;
	s0 =	sadd.s32 s20, s13  }
0x3a: {  	s2 =	simm.s32 @!p0 $0x0;
	s0 =	sshrl.u32 s0, $0x7  }
0x3b: {  	s0 =	ssub.s32 s0, s2  }
0x3c: {  	s0 =	sshll.u32 s0, $0x7  }
0x3d: {  	s0 =	sand.u32 $0x1FFFFF80, s0  }
0x3e: {  	s0 =	sadd.s32 s1, s0;
	s21 =	spop (v2sf)  }
0x3f: {  	[tilespmem:s14], [sflag:$0x4] =	stream.strided.gather [hbm4b:s0+s4], $0x1000, s5, s4, $0x38;
	[tilespmem:$0x15200] =	vst v63  }
0x40: {  	s22 =	sand.u32 $0x7F, s21  }
0x41: {  	s24 =	sshra.s32 s21, $0x1F;
	p1 =	slt.s32 s21, $0x1;
	p2 =	sne.s32 s22, $0x0  }
0x42: {  	(v2sf) =	vpush v4, $0x6;
	s25 =	sshrl.u32 s24, $0x19;
	p0 =	por !p1, !p2  }
0x43: {  	s2 =	simm.s32 $0x1;
	s0 =	sadd.s32 s25, s21;
	p0 =	por !p0, !p0  }
0x44: {  	s0 =	sshrl.u32 s0, $0x7;
	s2 =	simm.s32 @!p0 $0x0  }
0x45: {  	s26 =	spop (v2sf);
	s0 =	ssub.s32 s0, s2  }
0x46: {  	s28 =	sand.u32 $0x7F, s26;
	s30 =	sshra.s32 s26, $0x1F;
	s0 =	sshll.u32 s0, $0x7  }
0x47: {  	p3 =	slt.s32 s26, $0x1;
	p4 =	sne.s32 s28, $0x0;
	s0 =	sand.u32 $0x1FFFFF80, s0  }
0x48: {  	(v2sf) =	vpush v4, $0x7;
	s6 =	sshrl.u32 s30, $0x19;
	p0 =	por !p3, !p4;
	s0 =	sadd.s32 s1, s0  }
0x49: {  	[tilespmem:s17], [sflag:$0x5] =	stream.strided.gather [hbm4b:s0+s4], $0x1000, s5, s4, $0x38;
	[tilespmem:$0x15200] =	vst v63  }
0x4a: {  	p0 =	por !p0, !p0;
	s2 =	simm.s32 $0x1;
	s0 =	sadd.s32 s6, s26  }
0x4b: {  	s2 =	simm.s32 @!p0 $0x0;
	s0 =	sshrl.u32 s0, $0x7  }
0x4c: {  	s0 =	ssub.s32 s0, s2  }
0x4d: {  	s0 =	sshll.u32 s0, $0x7  }
0x4e: {  	s0 =	sand.u32 $0x1FFFFF80, s0  }
0x4f: {  	s0 =	sadd.s32 s1, s0  }
0x50: {  	[tilespmem:s8], [sflag:$0x6] =	stream.strided.gather [hbm4b:s0+s4], $0x1000, s5, s4, $0x38;
	[tilespmem:$0x15200] =	vst v63  }
0x51: {  	s8 =	spop (v2sf)  }
0x52: {  	(v2sf) =	vpush v4, $0x8;
	s12 =	sand.u32 $0x7F, s8  }
0x53: {  	s13 =	sshra.s32 s8, $0x1F;
	p5 =	slt.s32 s8, $0x1;
	p6 =	sne.s32 s12, $0x0  }
0x54: {  	s14 =	sshrl.u32 s13, $0x19;
	p0 =	por !p5, !p6  }
0x55: {  	s2 =	simm.s32 $0x1;
	s0 =	sadd.s32 s14, s8;
	p0 =	por !p0, !p0  }
0x56: {  	s0 =	sshrl.u32 s0, $0x7;
	s2 =	simm.s32 @!p0 $0x0  }
0x57: {  	s15 =	spop (v2sf);
	s0 =	ssub.s32 s0, s2  }
0x58: {  	s16 =	sand.u32 $0x7F, s15;
	s17 =	sshra.s32 s15, $0x1F;
	s0 =	sshll.u32 s0, $0x7  }
0x59: {  	p1 =	slt.s32 s15, $0x1;
	p2 =	sne.s32 s16, $0x0;
	s0 =	sand.u32 $0x1FFFFF80, s0  }
0x5a: {  	s20 =	sshrl.u32 s17, $0x19;
	p0 =	por !p1, !p2;
	s0 =	sadd.s32 s1, s0  }
0x5b: {  	[tilespmem:s31], [sflag:$0x7] =	stream.strided.gather [hbm4b:s0+s4], $0x1000, s5, s4, $0x38;
	[tilespmem:$0x15200] =	vst v63  }
0x5c: {  	p0 =	por !p0, !p0;
	s2 =	simm.s32 $0x1;
	s0 =	sadd.s32 s20, s15  }
0x5d: {  	s2 =	simm.s32 @!p0 $0x0;
	s0 =	sshrl.u32 s0, $0x7  }
0x5e: {  	s0 =	ssub.s32 s0, s2  }
0x5f: {  	s0 =	sshll.u32 s0, $0x7  }
0x60: {  	s0 =	sand.u32 $0x1FFFFF80, s0  }
0x61: {  	s0 =	sadd.s32 s1, s0;
	s21 =	spop (v2sf)  }
0x62: {  	[tilespmem:s19], [sflag:$0x8] =	stream.strided.gather [hbm4b:s0+s4], $0x1000, s5, s4, $0x38;
	[tilespmem:$0x15200] =	vst v63  }
0x63: {  	s22 =	sand.u32 $0x7F, s21  }
0x64: {  	s24 =	sshra.s32 s21, $0x1F;
	p3 =	slt.s32 s21, $0x1;
	p4 =	sne.s32 s22, $0x0  }
0x65: {  	s25 =	sshrl.u32 s24, $0x19;
	p0 =	por !p3, !p4  }
0x66: {  	s2 =	simm.s32 $0x1;
	s0 =	sadd.s32 s25, s21;
	p0 =	por !p0, !p0  }
0x67: {  	s0 =	sshrl.u32 s0, $0x7;
	s2 =	simm.s32 @!p0 $0x0  }
0x68: {  	s28 =	sshrl.u32 s7, $0x3;
	s0 =	ssub.s32 s0, s2  }
0x69: {  	s6 =	simm.s32 $0x80;
	s4 =	rddreg [dreg:$0xd];
	s0 =	sshll.u32 s0, $0x7  }
0x6a: {  	s8 =	simm.s32 $0xF4280;
	s26 =	sor.u32 $0x1C09, s4;
	s0 =	sand.u32 $0x1FFFFF80, s0  }
0x6b: {  	s5 =	simm.s32 $0x8;
	[dreg:$0xf] =	wrdreg s26;
	s0 =	sadd.s32 s1, s0  }
0x6c: {  	[spmem:s28@s6], [sflag:s26] =	dma.strided [hbm:s0@s8], $0x200, s5, $0x10   }
0x6d: {  	(v2sf) =	vpush v4, $0x9;
	_ =	sdelay $0xe  }
0x6e: {  	s0 =	spop (v2sf)  }
0x6f: {  	s30 =	sand.u32 $0x7F, s0  }
0x70: {  	s31 =	sshra.s32 s0, $0x1F;
	p5 =	slt.s32 s0, $0x1;
	p6 =	sne.s32 s30, $0x0  }
0x71: {  	s12 =	sshrl.u32 s31, $0x19;
	p0 =	por !p5, !p6  }
0x72: {  	s2 =	simm.s32 $0x1;
	s0 =	sadd.s32 s12, s0;
	p0 =	por !p0, !p0  }
0x73: {  	s0 =	sshrl.u32 s0, $0x7;
	s2 =	simm.s32 @!p0 $0x0  }
0x74: {  	s0 =	ssub.s32 s0, s2  }
0x75: {  	s0 =	sshll.u32 s0, $0x7  }
0x76: {  	s13 =	sor.u32 $0x1C0A, s4;
	s0 =	sand.u32 $0x1FFFFF80, s0  }
0x77: {  	s14 =	sshrl.u32 s29, $0x3;
	[dreg:$0x10] =	wrdreg s13;
	s0 =	sadd.s32 s1, s0  }
0x78: {  	[spmem:s14@s6], [sflag:s13] =	dma.strided [hbm:s0@s8], $0x200, s5, $0x10   }
0x79: {  	(v2sf) =	vpush v4, $0xA;
	_ =	sdelay $0xe  }
0x7a: {  	s0 =	spop (v2sf)  }
0x7b: {  	s15 =	sand.u32 $0x7F, s0  }
0x7c: {  	s16 =	sshra.s32 s0, $0x1F;
	p1 =	slt.s32 s0, $0x1;
	p2 =	sne.s32 s15, $0x0  }
0x7d: {  	s17 =	sshrl.u32 s16, $0x19;
	p0 =	por !p1, !p2  }
0x7e: {  	s2 =	simm.s32 $0x1;
	s0 =	sadd.s32 s17, s0;
	p0 =	por !p0, !p0  }
0x7f: {  	s0 =	sshrl.u32 s0, $0x7;
	s2 =	simm.s32 @!p0 $0x0  }
0x80: {  	s0 =	ssub.s32 s0, s2  }
0x81: {  	s0 =	sshll.u32 s0, $0x7  }
0x82: {  	s19 =	sor.u32 $0x1C0B, s4;
	s0 =	sand.u32 $0x1FFFFF80, s0  }
0x83: {  	s20 =	sshrl.u32 s9, $0x3;
	[dreg:$0x11] =	wrdreg s19;
	s0 =	sadd.s32 s1, s0  }
0x84: {  	[spmem:s20@s6], [sflag:s19] =	dma.strided [hbm:s0@s8], $0x200, s5, $0x10   }
0x85: {  	(v2sf) =	vpush v4, $0xB;
	_ =	sdelay $0xe  }
0x86: {  	s0 =	spop (v2sf)  }
0x87: {  	s21 =	sand.u32 $0x7F, s0  }
0x88: {  	s22 =	sshra.s32 s0, $0x1F;
	p3 =	slt.s32 s0, $0x1;
	p4 =	sne.s32 s21, $0x0  }
0x89: {  	s24 =	sshrl.u32 s22, $0x19;
	p0 =	por !p3, !p4  }
0x8a: {  	s2 =	simm.s32 $0x1;
	s0 =	sadd.s32 s24, s0;
	p0 =	por !p0, !p0  }
0x8b: {  	s0 =	sshrl.u32 s0, $0x7;
	s2 =	simm.s32 @!p0 $0x0  }
0x8c: {  	s0 =	ssub.s32 s0, s2  }
0x8d: {  	s0 =	sshll.u32 s0, $0x7  }
0x8e: {  	s25 =	sor.u32 $0x1C0C, s4;
	s0 =	sand.u32 $0x1FFFFF80, s0  }
0x8f: {  	s26 =	sshrl.u32 s11, $0x3;
	[dreg:$0x12] =	wrdreg s25;
	s0 =	sadd.s32 s1, s0  }
0x90: {  	[spmem:s26@s6], [sflag:s25] =	dma.strided [hbm:s0@s8], $0x200, s5, $0x10   }
0x91: {  	(v2sf) =	vpush v4, $0xC;
	_ =	sdelay $0xe  }
0x92: {  	s0 =	spop (v2sf)  }
0x93: {  	s28 =	sand.u32 $0x7F, s0  }
0x94: {  	s30 =	sshra.s32 s0, $0x1F;
	p5 =	slt.s32 s0, $0x1;
	p6 =	sne.s32 s28, $0x0  }
0x95: {  	s31 =	sshrl.u32 s30, $0x19;
	p0 =	por !p5, !p6  }
0x96: {  	s2 =	simm.s32 $0x1;
	s0 =	sadd.s32 s31, s0;
	p0 =	por !p0, !p0  }
0x97: {  	s0 =	sshrl.u32 s0, $0x7;
	s2 =	simm.s32 @!p0 $0x0  }
0x98: {  	s0 =	ssub.s32 s0, s2  }
0x99: {  	s0 =	sshll.u32 s0, $0x7  }
0x9a: {  	s2 =	sor.u32 $0x1C0D, s4;
	s0 =	sand.u32 $0x1FFFFF80, s0  }
0x9b: {  	s12 =	sshrl.u32 s10, $0x3;
	[dreg:$0x13] =	wrdreg s2;
	s0 =	sadd.s32 s1, s0  }
0x9c: {  	[spmem:s12@s6], [sflag:s2] =	dma.strided [hbm:s0@s8], $0x200, s5, $0x10   }
0x9d: {  	(v2sf) =	vpush v4, $0xD;
	_ =	sdelay $0xe  }
0x9e: {  	s0 =	spop (v2sf)  }
0x9f: {  	s13 =	sand.u32 $0x7F, s0  }
0xa0: {  	s14 =	sshra.s32 s0, $0x1F;
	p1 =	slt.s32 s0, $0x1;
	p2 =	sne.s32 s13, $0x0  }
0xa1: {  	s15 =	sshrl.u32 s14, $0x19;
	p0 =	por !p1, !p2  }
0xa2: {  	s2 =	simm.s32 $0x1;
	s0 =	sadd.s32 s15, s0;
	p0 =	por !p0, !p0  }
0xa3: {  	s0 =	sshrl.u32 s0, $0x7;
	s2 =	simm.s32 @!p0 $0x0  }
0xa4: {  	s0 =	ssub.s32 s0, s2  }
0xa5: {  	s0 =	sshll.u32 s0, $0x7  }
0xa6: {  	s16 =	sor.u32 $0x1C0E, s4;
	s17 =	rddreg [dreg:$0x6];
	s0 =	sand.u32 $0x1FFFFF80, s0  }
0xa7: {  	[dreg:$0x14] =	wrdreg s16;
	s2 =	sshrl.u32 s17, $0x3;
	s0 =	sadd.s32 s1, s0  }
0xa8: {  	[spmem:s2@s6], [sflag:s16] =	dma.strided [hbm:s0@s8], $0x200, s5, $0x10   }
0xa9: {  	(v2sf) =	vpush v4, $0xE;
	_ =	sdelay $0xe  }
0xaa: {  	s0 =	spop (v2sf)  }
0xab: {  	s19 =	sand.u32 $0x7F, s0  }
0xac: {  	s20 =	sshra.s32 s0, $0x1F;
	p3 =	slt.s32 s0, $0x1;
	p4 =	sne.s32 s19, $0x0  }
0xad: {  	s21 =	sshrl.u32 s20, $0x19;
	p0 =	por !p3, !p4  }
0xae: {  	s2 =	simm.s32 $0x1;
	s0 =	sadd.s32 s21, s0;
	p0 =	por !p0, !p0  }
0xaf: {  	s0 =	sshrl.u32 s0, $0x7;
	s2 =	simm.s32 @!p0 $0x0  }
0xb0: {  	s0 =	ssub.s32 s0, s2  }
0xb1: {  	s0 =	sshll.u32 s0, $0x7  }
0xb2: {  	s22 =	sor.u32 $0x1C0F, s4;
	s24 =	rddreg [dreg:$0x7];
	s0 =	sand.u32 $0x1FFFFF80, s0  }
0xb3: {  	[dreg:$0x15] =	wrdreg s22;
	s2 =	sshrl.u32 s24, $0x3;
	s0 =	sadd.s32 s1, s0  }
0xb4: {  	[spmem:s2@s6], [sflag:s22] =	dma.strided [hbm:s0@s8], $0x200, s5, $0x10   }
0xb5: {  	(v2sf) =	vpush v4, $0xF;
	_ =	sdelay $0xe  }
0xb6: {  	s0 =	spop (v2sf)  }
0xb7: {  	s25 =	sand.u32 $0x7F, s0  }
0xb8: {  	s26 =	sshra.s32 s0, $0x1F;
	p5 =	slt.s32 s0, $0x1;
	p6 =	sne.s32 s25, $0x0  }
0xb9: {  	s28 =	sshrl.u32 s26, $0x19;
	p0 =	por !p5, !p6  }
0xba: {  	s2 =	simm.s32 $0x1;
	s0 =	sadd.s32 s28, s0;
	p0 =	por !p0, !p0  }
0xbb: {  	s0 =	sshrl.u32 s0, $0x7;
	s2 =	simm.s32 @!p0 $0x0  }
0xbc: {  	s30 =	sor.u32 $0x1C10, s4;
	s0 =	ssub.s32 s0, s2  }
0xbd: {  	[dreg:$0x16] =	wrdreg s30;
	s0 =	sshll.u32 s0, $0x7  }
0xbe: {  	s31 =	rddreg [dreg:$0x8];
	s0 =	sand.u32 $0x1FFFFF80, s0  }
0xbf: {  	s26 =	simm.s32 $0x0;
	s2 =	sshrl.u32 s31, $0x3;
	s0 =	sadd.s32 s1, s0  }
0xc0: {  	[spmem:s2@s6], [sflag:s30] =	dma.strided [hbm:s0@s8], $0x200, s5, $0x10   }
.LBB2_2:
0xc1: {  	s24 =	sshll.u32 s26, $0x4  }
0xc2: {  	v5 =	vld [tilespmem:s24+$0x0]  }
0xc3: {  	s0 =	sadd.s32 $0x1, s26  }
0xc4: {  	[dreg:$0x17] =	wrdreg s0;
	s0 =	smin.u32 s0, $0x1F  }
0xc5: {  	s5 =	simm.s32 $0x9;
	s0 =	sshll.u32 s0, $0x4  }
0xc6: {  	v4 =	vld [tilespmem:s0+$0x0];
	_ =	swait.ge [sflag:s5], $0x200  }
0xc7: {  	(v2sf) =	vpush v5, $0x8;
	_ =	sdelay $0xe  }
0xc8: {  	s25 =	spop (v2sf)  }
0xc9: {  	s2 =	sand.u32 $0x7F, s25;
	s0 =	sshra.s32 s25, $0x1F;
	p1 =	slt.s32 s25, $0x1  }
0xca: {  	p0 =	sne.s32 s2, $0x0;
	s28 =	sshrl.u32 s0, $0x19;
	s3 =	simm.s32 @!p1 $0x0  }
0xcb: {  	s3 =	simm.s32 @p1 $0x1;
	p0 =	por !p1, !p0;
	s2 =	sadd.s32 s28, s25  }
0xcc: {  	[smem:$0x7FC] =	sst s3;
	p0 =	por !p0, !p0;
	s3 =	simm.s32 $0x1  }
0xcd: {  	s2 =	sshrl.u32 s2, $0x7;
	s3 =	simm.s32 @!p0 $0x0  }
0xce: {  	s2 =	ssub.s32 s3, s2  }
0xcf: {  	s2 =	sshll.u32 s2, $0x7  }
0xd0: {  	s30 =	sand.u32 $0xF, s25;
	s2 =	sadd.s32 s25, s2  }
0xd1: {  	p1 =	sne.s32 s30, $0x0;
	s4 =	sshra.s32 s2, $0x1F;
	p6 =	slt.s32 s2, $0x1  }
0xd2: {  	s31 =	sshrl.u32 s4, $0x1C;
	p0 =	por !p1, !p6  }
0xd3: {  	s3 =	simm.s32 $0xFFFFFFFF;
	s2 =	sadd.s32 s31, s2;
	p0 =	por !p0, !p0  }
0xd4: {  	s3 =	simm.s32 @!p0 $0x0;
	s2 =	sshll.u32 s2, $0x2  }
0xd5: {  	s2 =	sand.u32 $0xFFFFFFC0, s2;
	s3 =	sshll.u32 s3, $0x6  }
0xd6: {  	s6 =	simm.s32 $0x10200;
	s2 =	sadd.s32 s3, s2  }
0xd7: {  	[sflag:s5] =	ssyncset.done $0x0;
	s4 =	simm.s32 @!p1 $0x0;
	s2 =	sshra.s32 s2, $0x2  }
0xd8: {  	[sflag:s5] =	ssyncadd.s32 $0xFFFFFE00;
	s4 =	simm.s32 @p1 $0x1;
	s2 =	sadd.s32 s2, s7  }
0xd9: {  	[smem:$0x7FD] =	sst s4;
	s3 =	simm.s32 $0x200;
	s4 =	sadd.s32 $0x0, s2  }
.LBB2_3:
0xda: {  	[tilespmem:s6], [sflag:$0x11] =	stream.linear.gather [spmem:s4], $0x10, $0x38;
	[tilespmem:$0x15200] =	vst v63  }
0xdb: {  	s4 =	smov.u32 s3;
	p0 =	sne.s32 s3, $0x3E00  }
.Ltmp0:
0xdc: {  	s3 =	sadd.s32 $0x200, s3;
	(pc) =	sbr.rel @p0 .LBB2_3-.Ltmp0, $3  }
0xdd: {  	_ =	sdelay $0x1  }
0xde: {  	s5 =	sshra.s32 s4, $0x2  }
0xdf: {  	s4 =	sadd.s32 s5, s2;
	s6 =	sadd.s32 $0x10200, s5  }
0xe0: {  	[tilespmem:s6], [sflag:$0x11] =	stream.linear.gather [spmem:s4], $0x10, $0x38;
	[tilespmem:$0x15200] =	vst v63  }
0xe1: {  	s22 =	simm.s32 $0xA  }
0xe2: {  	_ =	swait.ge [sflag:s22], $0x200  }
0xe3: {  	(v2sf) =	vpush v5, $0x9;
	_ =	sdelay $0xe  }
0xe4: {  	s16 =	spop (v2sf)  }
0xe5: {  	s3 =	sand.u32 $0x7F, s16;
	s2 =	sshra.s32 s16, $0x1F;
	p1 =	slt.s32 s16, $0x1  }
0xe6: {  	p0 =	sne.s32 s3, $0x0;
	s28 =	sshrl.u32 s2, $0x19;
	s4 =	simm.s32 @!p1 $0x0  }
0xe7: {  	s4 =	simm.s32 @p1 $0x1;
	p0 =	por !p1, !p0;
	s3 =	sadd.s32 s28, s16  }
0xe8: {  	[smem:$0x7FA] =	sst s4;
	p0 =	por !p0, !p0;
	s4 =	simm.s32 $0x1  }
0xe9: {  	s3 =	sshrl.u32 s3, $0x7;
	s4 =	simm.s32 @!p0 $0x0  }
0xea: {  	s3 =	ssub.s32 s4, s3  }
0xeb: {  	s3 =	sshll.u32 s3, $0x7  }
0xec: {  	s30 =	sand.u32 $0xF, s16;
	s3 =	sadd.s32 s16, s3  }
0xed: {  	p1 =	sne.s32 s30, $0x0;
	s5 =	sshra.s32 s3, $0x1F;
	p6 =	slt.s32 s3, $0x1  }
0xee: {  	s31 =	sshrl.u32 s5, $0x1C;
	p0 =	por !p1, !p6  }
0xef: {  	s4 =	simm.s32 $0x1;
	s3 =	sadd.s32 s31, s3;
	p0 =	por !p0, !p0  }
0xf0: {  	s3 =	sshra.s32 s3, $0x4;
	s4 =	simm.s32 @!p0 $0x0  }
0xf1: {  	s3 =	ssub.s32 s3, s4  }
0xf2: {  	s4 =	sshll.u32 s3, $0x6;
	s3 =	sand.u32 $0x7, s3  }
0xf3: {  	s4 =	sand.u32 $0xFFFFFE00, s4;
	s3 =	sshll.u32 s3, $0x6  }
0xf4: {  	s7 =	simm.s32 $0x10210;
	s3 =	sor.u32 s3, s4  }
0xf5: {  	[sflag:s22] =	ssyncset.done $0x0;
	s5 =	simm.s32 @!p1 $0x0;
	s3 =	sshra.s32 s3, $0x2  }
0xf6: {  	[sflag:s22] =	ssyncadd.s32 $0xFFFFFE00;
	s5 =	simm.s32 @p1 $0x1;
	s3 =	sadd.s32 s3, s29  }
0xf7: {  	[smem:$0x7FB] =	sst s5;
	s4 =	simm.s32 $0x200;
	s6 =	sadd.s32 $0x0, s3  }
.LBB2_5:
0xf8: {  	[tilespmem:s7], [sflag:$0x11] =	stream.linear.gather [spmem:s6], $0x10, $0x38;
	[tilespmem:$0x15200] =	vst v63  }
0xf9: {  	s5 =	smov.u32 s4;
	p0 =	sne.s32 s4, $0x3E00  }
.Ltmp1:
0xfa: {  	s4 =	sadd.s32 $0x200, s4;
	(pc) =	sbr.rel @p0 .LBB2_5-.Ltmp1, $3  }
0xfb: {  	_ =	sdelay $0x1  }
0xfc: {  	s5 =	sshra.s32 s5, $0x2  }
0xfd: {  	s6 =	sadd.s32 s5, s3;
	s7 =	sadd.s32 $0x10210, s5  }
0xfe: {  	[tilespmem:s7], [sflag:$0x11] =	stream.linear.gather [spmem:s6], $0x10, $0x38;
	[tilespmem:$0x15200] =	vst v63  }
0xff: {  	s8 =	simm.s32 $0xB  }
0x100: {  	_ =	swait.ge [sflag:s8], $0x200  }
0x101: {  	(v2sf) =	vpush v5, $0xA;
	_ =	sdelay $0xe  }
0x102: {  	s3 =	spop (v2sf)  }
0x103: {  	s5 =	sand.u32 $0x7F, s3;
	s4 =	sshra.s32 s3, $0x1F;
	p1 =	slt.s32 s3, $0x1  }
0x104: {  	p0 =	sne.s32 s5, $0x0;
	s22 =	sshrl.u32 s4, $0x19;
	s6 =	simm.s32 @!p1 $0x0  }
0x105: {  	s6 =	simm.s32 @p1 $0x1;
	p0 =	por !p1, !p0;
	s5 =	sadd.s32 s22, s3  }
0x106: {  	[smem:$0x7F8] =	sst s6;
	p0 =	por !p0, !p0;
	s6 =	simm.s32 $0x1  }
0x107: {  	s5 =	sshrl.u32 s5, $0x7;
	s6 =	simm.s32 @!p0 $0x0  }
0x108: {  	s5 =	ssub.s32 s6, s5  }
0x109: {  	s5 =	sshll.u32 s5, $0x7  }
0x10a: {  	s28 =	sand.u32 $0xF, s3;
	s5 =	sadd.s32 s3, s5  }
0x10b: {  	p1 =	sne.s32 s28, $0x0;
	s30 =	sshra.s32 s5, $0x1F;
	p6 =	slt.s32 s5, $0x1  }
0x10c: {  	s31 =	sshrl.u32 s30, $0x1C;
	p0 =	por !p1, !p6  }
0x10d: {  	s6 =	simm.s32 $0x1;
	s5 =	sadd.s32 s31, s5;
	p0 =	por !p0, !p0  }
0x10e: {  	s5 =	sshra.s32 s5, $0x4;
	s6 =	simm.s32 @!p0 $0x0  }
0x10f: {  	s5 =	ssub.s32 s5, s6  }
0x110: {  	s6 =	sshll.u32 s5, $0x6;
	s5 =	sand.u32 $0x7, s5  }
0x111: {  	s6 =	sand.u32 $0xFFFFFE00, s6;
	s5 =	sshll.u32 s5, $0x6  }
0x112: {  	s14 =	simm.s32 $0x200;
	s5 =	sor.u32 s5, s6  }
0x113: {  	[sflag:s8] =	ssyncset.done $0x0;
	s7 =	simm.s32 @!p1 $0x0;
	s5 =	sshra.s32 s5, $0x2  }
0x114: {  	[sflag:s8] =	ssyncadd.s32 $0xFFFFFE00;
	s7 =	simm.s32 @p1 $0x1;
	s13 =	sadd.s32 s5, s9  }
0x115: {  	[smem:$0x7F9] =	sst s7;
	s7 =	simm.s32 $0x10220;
	s6 =	sadd.s32 $0x0, s13  }
.LBB2_7:
0x116: {  	[tilespmem:s7], [sflag:$0x11] =	stream.linear.gather [spmem:s6], $0x10, $0x38;
	[tilespmem:$0x15200] =	vst v63  }
0x117: {  	s5 =	smov.u32 s14;
	p0 =	sne.s32 s14, $0x3E00  }
.Ltmp2:
0x118: {  	s14 =	sadd.s32 $0x200, s14;
	(pc) =	sbr.rel @p0 .LBB2_7-.Ltmp2, $3  }
0x119: {  	_ =	sdelay $0x1  }
0x11a: {  	s5 =	sshra.s32 s5, $0x2  }
0x11b: {  	s6 =	sadd.s32 s5, s13;
	s7 =	sadd.s32 $0x10220, s5  }
0x11c: {  	[tilespmem:s7], [sflag:$0x11] =	stream.linear.gather [spmem:s6], $0x10, $0x38;
	[tilespmem:$0x15200] =	vst v63  }
0x11d: {  	s8 =	simm.s32 $0xC  }
0x11e: {  	_ =	swait.ge [sflag:s8], $0x200  }
0x11f: {  	(v2sf) =	vpush v5, $0xB;
	_ =	sdelay $0xe  }
0x120: {  	s13 =	spop (v2sf)  }
0x121: {  	s5 =	sand.u32 $0x7F, s13;
	s21 =	sshra.s32 s13, $0x1F;
	p1 =	slt.s32 s13, $0x1  }
0x122: {  	p0 =	sne.s32 s5, $0x0;
	s22 =	sshrl.u32 s21, $0x19;
	s6 =	simm.s32 @!p1 $0x0  }
0x123: {  	s6 =	simm.s32 @p1 $0x1;
	p0 =	por !p1, !p0;
	s5 =	sadd.s32 s22, s13  }
0x124: {  	[smem:$0x7F6] =	sst s6;
	p0 =	por !p0, !p0;
	s6 =	simm.s32 $0x1  }
0x125: {  	s5 =	sshrl.u32 s5, $0x7;
	s6 =	simm.s32 @!p0 $0x0  }
0x126: {  	s5 =	ssub.s32 s6, s5  }
0x127: {  	s5 =	sshll.u32 s5, $0x7  }
0x128: {  	s28 =	sand.u32 $0xF, s13;
	s5 =	sadd.s32 s13, s5  }
0x129: {  	p1 =	sne.s32 s28, $0x0;
	s30 =	sshra.s32 s5, $0x1F;
	p6 =	slt.s32 s5, $0x1  }
0x12a: {  	s31 =	sshrl.u32 s30, $0x1C;
	p0 =	por !p1, !p6  }
0x12b: {  	s6 =	simm.s32 $0x1;
	s5 =	sadd.s32 s31, s5;
	p0 =	por !p0, !p0  }
0x12c: {  	s5 =	sshra.s32 s5, $0x4;
	s6 =	simm.s32 @!p0 $0x0  }
0x12d: {  	s5 =	ssub.s32 s5, s6  }
0x12e: {  	s6 =	sshll.u32 s5, $0x6;
	s5 =	sand.u32 $0x7, s5  }
0x12f: {  	s6 =	sand.u32 $0xFFFFFE00, s6;
	s5 =	sshll.u32 s5, $0x6  }
0x130: {  	s17 =	simm.s32 $0x200;
	[sflag:s8] =	ssyncset.done $0x0;
	s5 =	sor.u32 s5, s6  }
0x131: {  	[sflag:s8] =	ssyncadd.s32 $0xFFFFFE00;
	s7 =	simm.s32 @!p1 $0x0;
	s5 =	sshra.s32 s5, $0x2  }
0x132: {  	[dreg:$0x18] =	wrdreg s21;
	s7 =	simm.s32 @p1 $0x1;
	s15 =	sadd.s32 s5, s11  }
0x133: {  	[smem:$0x7F7] =	sst s7;
	s7 =	simm.s32 $0x10230;
	s6 =	sadd.s32 $0x0, s15  }
.LBB2_9:
0x134: {  	[tilespmem:s7], [sflag:$0x11] =	stream.linear.gather [spmem:s6], $0x10, $0x38;
	[tilespmem:$0x15200] =	vst v63  }
0x135: {  	s5 =	smov.u32 s17;
	p0 =	sne.s32 s17, $0x3E00  }
.Ltmp3:
0x136: {  	s17 =	sadd.s32 $0x200, s17;
	(pc) =	sbr.rel @p0 .LBB2_9-.Ltmp3, $3  }
0x137: {  	_ =	sdelay $0x1  }
0x138: {  	s5 =	sshra.s32 s5, $0x2  }
0x139: {  	s6 =	sadd.s32 s5, s15;
	s7 =	sadd.s32 $0x10230, s5  }
0x13a: {  	[tilespmem:s7], [sflag:$0x11] =	stream.linear.gather [spmem:s6], $0x10, $0x38;
	[tilespmem:$0x15200] =	vst v63  }
0x13b: {  	s8 =	simm.s32 $0xD  }
0x13c: {  	_ =	swait.ge [sflag:s8], $0x200  }
0x13d: {  	(v2sf) =	vpush v5, $0xC;
	_ =	sdelay $0xe  }
0x13e: {  	s15 =	spop (v2sf)  }
0x13f: {  	s5 =	sand.u32 $0x7F, s15;
	s21 =	sshra.s32 s15, $0x1F;
	p1 =	slt.s32 s15, $0x1  }
0x140: {  	p0 =	sne.s32 s5, $0x0;
	s22 =	sshrl.u32 s21, $0x19;
	s6 =	simm.s32 @!p1 $0x0  }
0x141: {  	s6 =	simm.s32 @p1 $0x1;
	p0 =	por !p1, !p0;
	s5 =	sadd.s32 s22, s15  }
0x142: {  	[smem:$0x7F4] =	sst s6;
	p0 =	por !p0, !p0;
	s6 =	simm.s32 $0x1  }
0x143: {  	s5 =	sshrl.u32 s5, $0x7;
	s6 =	simm.s32 @!p0 $0x0  }
0x144: {  	s5 =	ssub.s32 s6, s5  }
0x145: {  	s5 =	sshll.u32 s5, $0x7  }
0x146: {  	s28 =	sand.u32 $0xF, s15;
	s5 =	sadd.s32 s15, s5  }
0x147: {  	p1 =	sne.s32 s28, $0x0;
	s30 =	sshra.s32 s5, $0x1F;
	p6 =	slt.s32 s5, $0x1  }
0x148: {  	s31 =	sshrl.u32 s30, $0x1C;
	p0 =	por !p1, !p6  }
0x149: {  	s6 =	simm.s32 $0x1;
	s5 =	sadd.s32 s31, s5;
	p0 =	por !p0, !p0  }
0x14a: {  	s5 =	sshra.s32 s5, $0x4;
	s6 =	simm.s32 @!p0 $0x0  }
0x14b: {  	s5 =	ssub.s32 s5, s6  }
0x14c: {  	s6 =	sshll.u32 s5, $0x6;
	s5 =	sand.u32 $0x7, s5  }
0x14d: {  	s6 =	sand.u32 $0xFFFFFE00, s6;
	s5 =	sshll.u32 s5, $0x6  }
0x14e: {  	s20 =	simm.s32 $0x200;
	[sflag:s8] =	ssyncset.done $0x0;
	s5 =	sor.u32 s5, s6  }
0x14f: {  	[sflag:s8] =	ssyncadd.s32 $0xFFFFFE00;
	s7 =	simm.s32 @!p1 $0x0;
	s5 =	sshra.s32 s5, $0x2  }
0x150: {  	[dreg:$0x19] =	wrdreg s21;
	s7 =	simm.s32 @p1 $0x1;
	s19 =	sadd.s32 s5, s10  }
0x151: {  	[smem:$0x7F5] =	sst s7;
	s7 =	simm.s32 $0x10240;
	s6 =	sadd.s32 $0x0, s19  }
.LBB2_11:
0x152: {  	[tilespmem:s7], [sflag:$0x11] =	stream.linear.gather [spmem:s6], $0x10, $0x38;
	[tilespmem:$0x15200] =	vst v63  }
0x153: {  	s5 =	smov.u32 s20;
	p0 =	sne.s32 s20, $0x3E00  }
.Ltmp4:
0x154: {  	s20 =	sadd.s32 $0x200, s20;
	(pc) =	sbr.rel @p0 .LBB2_11-.Ltmp4, $3  }
0x155: {  	_ =	sdelay $0x1  }
0x156: {  	s5 =	sshra.s32 s5, $0x2  }
0x157: {  	s6 =	sadd.s32 s5, s19;
	s7 =	sadd.s32 $0x10240, s5  }
0x158: {  	[tilespmem:s7], [sflag:$0x11] =	stream.linear.gather [spmem:s6], $0x10, $0x38;
	[tilespmem:$0x15200] =	vst v63  }
0x159: {  	s8 =	simm.s32 $0xE  }
0x15a: {  	_ =	swait.ge [sflag:s8], $0x200  }
0x15b: {  	(v2sf) =	vpush v5, $0xD;
	_ =	sdelay $0xe  }
0x15c: {  	s30 =	spop (v2sf)  }
0x15d: {  	s5 =	sand.u32 $0x7F, s30;
	s19 =	sshra.s32 s30, $0x1F;
	p1 =	slt.s32 s30, $0x1  }
0x15e: {  	p0 =	sne.s32 s5, $0x0;
	s20 =	sshrl.u32 s19, $0x19;
	s6 =	simm.s32 @!p1 $0x0  }
0x15f: {  	s6 =	simm.s32 @p1 $0x1;
	p0 =	por !p1, !p0;
	s5 =	sadd.s32 s20, s30  }
0x160: {  	[smem:$0x7F3] =	sst s6;
	p0 =	por !p0, !p0;
	s6 =	simm.s32 $0x1  }
0x161: {  	s5 =	sshrl.u32 s5, $0x7;
	s6 =	simm.s32 @!p0 $0x0  }
0x162: {  	s5 =	ssub.s32 s6, s5  }
0x163: {  	s5 =	sshll.u32 s5, $0x7  }
0x164: {  	s21 =	sand.u32 $0xF, s30;
	s5 =	sadd.s32 s30, s5  }
0x165: {  	p5 =	sne.s32 s21, $0x0;
	s22 =	sshra.s32 s5, $0x1F;
	p6 =	slt.s32 s5, $0x1  }
0x166: {  	s28 =	sshrl.u32 s22, $0x1C;
	p0 =	por !p5, !p6  }
0x167: {  	s6 =	simm.s32 $0x1;
	s5 =	sadd.s32 s28, s5;
	p0 =	por !p0, !p0  }
0x168: {  	s5 =	sshra.s32 s5, $0x4;
	s6 =	simm.s32 @!p0 $0x0  }
0x169: {  	s5 =	ssub.s32 s5, s6  }
0x16a: {  	s6 =	sshll.u32 s5, $0x6;
	s5 =	sand.u32 $0x7, s5  }
0x16b: {  	s6 =	sand.u32 $0xFFFFFE00, s6;
	s5 =	sshll.u32 s5, $0x6  }
0x16c: {  	s10 =	smov.u32 s9;
	s5 =	sor.u32 s5, s6  }
0x16d: {  	s7 =	simm.s32 $0x10250;
	s31 =	rddreg [dreg:$0x6];
	s5 =	sshra.s32 s5, $0x2  }
0x16e: {  	[sflag:s8] =	ssyncset.done $0x0;
	[dreg:$0x1a] =	wrdreg s19;
	s19 =	sadd.s32 s5, s31  }
0x16f: {  	[sflag:s8] =	ssyncadd.s32 $0xFFFFFE00;
	s20 =	simm.s32 $0x200;
	s6 =	sadd.s32 $0x0, s19  }
.LBB2_13:
0x170: {  	[tilespmem:s7], [sflag:$0x11] =	stream.linear.gather [spmem:s6], $0x10, $0x38;
	[tilespmem:$0x15200] =	vst v63  }
0x171: {  	s5 =	smov.u32 s20;
	p0 =	sne.s32 s20, $0x3E00  }
.Ltmp5:
0x172: {  	s20 =	sadd.s32 $0x200, s20;
	(pc) =	sbr.rel @p0 .LBB2_13-.Ltmp5, $3  }
0x173: {  	_ =	sdelay $0x1  }
0x174: {  	s5 =	sshra.s32 s5, $0x2  }
0x175: {  	s6 =	sadd.s32 s5, s19;
	s7 =	sadd.s32 $0x10250, s5  }
0x176: {  	[tilespmem:s7], [sflag:$0x11] =	stream.linear.gather [spmem:s6], $0x10, $0x38;
	[tilespmem:$0x15200] =	vst v63  }
0x177: {  	s8 =	simm.s32 $0xF  }
0x178: {  	_ =	swait.ge [sflag:s8], $0x200  }
0x179: {  	(v2sf) =	vpush v5, $0xE;
	_ =	sdelay $0xe  }
0x17a: {  	s28 =	spop (v2sf)  }
0x17b: {  	s5 =	sand.u32 $0x7F, s28;
	s19 =	sshra.s32 s28, $0x1F;
	p1 =	slt.s32 s28, $0x1  }
0x17c: {  	p0 =	sne.s32 s5, $0x0;
	s20 =	sshrl.u32 s19, $0x19;
	s6 =	simm.s32 @!p1 $0x0  }
0x17d: {  	s6 =	simm.s32 @p1 $0x1;
	p0 =	por !p1, !p0;
	s5 =	sadd.s32 s20, s28  }
0x17e: {  	[smem:$0x7F2] =	sst s6;
	p0 =	por !p0, !p0;
	s6 =	simm.s32 $0x1  }
0x17f: {  	s5 =	sshrl.u32 s5, $0x7;
	s6 =	simm.s32 @!p0 $0x0  }
0x180: {  	s5 =	ssub.s32 s6, s5  }
0x181: {  	s5 =	sshll.u32 s5, $0x7  }
0x182: {  	s21 =	sand.u32 $0xF, s28;
	s5 =	sadd.s32 s28, s5  }
0x183: {  	p0 =	sne.s32 s21, $0x0;
	s22 =	sshra.s32 s5, $0x1F;
	p6 =	slt.s32 s5, $0x1  }
0x184: {  	s9 =	smov.u32 s29;
	s29 =	sshrl.u32 s22, $0x1C;
	p1 =	por !p0, !p6  }
0x185: {  	s6 =	simm.s32 $0x1;
	s5 =	sadd.s32 s29, s5;
	p1 =	por !p1, !p1  }
0x186: {  	s5 =	sshra.s32 s5, $0x4;
	s6 =	simm.s32 @!p1 $0x0  }
0x187: {  	s5 =	ssub.s32 s5, s6  }
0x188: {  	s6 =	sshll.u32 s5, $0x6;
	s5 =	sand.u32 $0x7, s5  }
0x189: {  	s6 =	sand.u32 $0xFFFFFE00, s6;
	s5 =	sshll.u32 s5, $0x6  }
0x18a: {  	s5 =	sor.u32 s5, s6  }
0x18b: {  	[sflag:s8] =	ssyncset.done $0x0;
	s31 =	rddreg [dreg:$0x7];
	s5 =	sshra.s32 s5, $0x2  }
0x18c: {  	s7 =	simm.s32 $0x10260;
	[sflag:s8] =	ssyncadd.s32 $0xFFFFFE00;
	s20 =	sadd.s32 s5, s31  }
0x18d: {  	[dreg:$0x1b] =	wrdreg s19;
	s21 =	simm.s32 $0x200;
	s6 =	sadd.s32 $0x0, s20  }
.LBB2_15:
0x18e: {  	[tilespmem:s7], [sflag:$0x11] =	stream.linear.gather [spmem:s6], $0x10, $0x38;
	[tilespmem:$0x15200] =	vst v63  }
0x18f: {  	s5 =	smov.u32 s21;
	p1 =	sne.s32 s21, $0x3E00  }
.Ltmp6:
0x190: {  	s21 =	sadd.s32 $0x200, s21;
	(pc) =	sbr.rel @p1 .LBB2_15-.Ltmp6, $3  }
0x191: {  	_ =	sdelay $0x1  }
0x192: {  	s5 =	sshra.s32 s5, $0x2  }
0x193: {  	s6 =	sadd.s32 s5, s20;
	s7 =	sadd.s32 $0x10260, s5  }
0x194: {  	[tilespmem:s7], [sflag:$0x11] =	stream.linear.gather [spmem:s6], $0x10, $0x38;
	[tilespmem:$0x15200] =	vst v63  }
0x195: {  	s8 =	simm.s32 $0x10  }
0x196: {  	_ =	swait.ge [sflag:s8], $0x200  }
0x197: {  	(v2sf) =	vpush v5, $0xF;
	_ =	sdelay $0xe  }
0x198: {  	s20 =	spop (v2sf)  }
0x199: {  	s5 =	sand.u32 $0x7F, s20  }
0x19a: {  	s21 =	sshra.s32 s20, $0x1F;
	p6 =	slt.s32 s20, $0x1;
	p1 =	sne.s32 s5, $0x0  }
0x19b: {  	s14 =	sshrl.u32 s21, $0x19;
	p1 =	por !p6, !p1  }
0x19c: {  	s6 =	simm.s32 $0x1;
	s5 =	sadd.s32 s14, s20;
	p1 =	por !p1, !p1  }
0x19d: {  	s5 =	sshrl.u32 s5, $0x7;
	s6 =	simm.s32 @!p1 $0x0  }
0x19e: {  	s5 =	ssub.s32 s6, s5  }
0x19f: {  	s5 =	sshll.u32 s5, $0x7  }
0x1a0: {  	s17 =	sand.u32 $0xF, s20;
	s5 =	sadd.s32 s20, s5  }
0x1a1: {  	p2 =	sne.s32 s17, $0x0;
	s19 =	sshra.s32 s5, $0x1F;
	p4 =	slt.s32 s5, $0x1  }
0x1a2: {  	s22 =	sshrl.u32 s19, $0x1C;
	p1 =	por !p2, !p4  }
0x1a3: {  	s6 =	simm.s32 $0x1;
	s5 =	sadd.s32 s22, s5;
	p1 =	por !p1, !p1  }
0x1a4: {  	s5 =	sshra.s32 s5, $0x4;
	s6 =	simm.s32 @!p1 $0x0  }
0x1a5: {  	s5 =	ssub.s32 s5, s6  }
0x1a6: {  	s6 =	sshll.u32 s5, $0x6;
	s5 =	sand.u32 $0x7, s5  }
0x1a7: {  	s6 =	sand.u32 $0xFFFFFE00, s6;
	s5 =	sshll.u32 s5, $0x6  }
0x1a8: {  	s5 =	sor.u32 s5, s6  }
0x1a9: {  	[sflag:s8] =	ssyncset.done $0x0;
	s31 =	rddreg [dreg:$0x8];
	s5 =	sshra.s32 s5, $0x2  }
0x1aa: {  	[sflag:s8] =	ssyncadd.s32 $0xFFFFFE00;
	s29 =	sadd.s32 s5, s31  }
0x1ab: {  	s6 =	simm.s32 $0x200;
	s5 =	simm.s32 $0x10270;
	s7 =	sadd.s32 $0x0, s29  }
.LBB2_17:
0x1ac: {  	[tilespmem:s5], [sflag:$0x11] =	stream.linear.gather [spmem:s7], $0x10, $0x38;
	[tilespmem:$0x15200] =	vst v63  }
0x1ad: {  	s5 =	smov.u32 s6;
	p1 =	sne.s32 s6, $0x3E00  }
.Ltmp7:
0x1ae: {  	s6 =	sadd.s32 $0x200, s6;
	(pc) =	sbr.rel @p1 .LBB2_17-.Ltmp7, $3  }
0x1af: {  	_ =	sdelay $0x1  }
0x1b0: {  	s5 =	sshra.s32 s5, $0x2  }
0x1b1: {  	s7 =	sadd.s32 s5, s29;
	s5 =	sadd.s32 $0x10270, s5  }
0x1b2: {  	[tilespmem:s5], [sflag:$0x11] =	stream.linear.gather [spmem:s7], $0x10, $0x38;
	[tilespmem:$0x15200] =	vst v63  }
0x1b3: {  	s29 =	simm.s32 $0x1  }
0x1b4: {  	_ =	swait.ge [sflag:s29], $0x1000  }
0x1b5: {  	(v2sf) =	vpush v5, $0x0;
	_ =	sdelay $0x8  }
0x1b6: {  	p1 =	seq.s32 s26, $0x1F  }
0x1b7: {  	(v2sf) =	vpush @!p1 v4, $0x0;
	_ =	sdelay $0x4  }
0x1b8: {  	s22 =	spop (v2sf)  }
0x1b9: {  	s6 =	sand.u32 $0x7F, s22  }
0x1ba: {  	s26 =	sshra.s32 s22, $0x1F;
	p3 =	slt.s32 s22, $0x1;
	p4 =	sne.s32 s6, $0x0  }
0x1bb: {  	s8 =	sshrl.u32 s26, $0x19;
	p3 =	por !p3, !p4  }
0x1bc: {  	s7 =	simm.s32 $0x1;
	s6 =	sadd.s32 s8, s22;
	p3 =	por !p3, !p3  }
0x1bd: {  	s6 =	sshrl.u32 s6, $0x7;
	s7 =	simm.s32 @!p3 $0x0  }
0x1be: {  	s6 =	ssub.s32 s7, s6  }
0x1bf: {  	s6 =	sshll.u32 s6, $0x7  }
0x1c0: {  	s5 =	sadd.s32 s22, s6  }
0x1c1: {  	v6 =	vadd.s32 s5, v0  }
0x1c2: {  	v7 =	vmov s24;
	s6 =	spop @!p1 (v2sf);
	v8 =	vadd.s32 s5, v1  }
0x1c3: {  	s12 =	simm.s32 $0x200;
	v9 =	vshll.u32 v7, $0x3;
	s5 =	sand.u32 @!p1 $0x7F, s6  }
0x1c4: {  	v7 =	vand.u32 $0x70, v7;
	[sflag:s29] =	ssyncset.done $0x0;
	v9 =	vand.u32 $0xC00, v9;
	p3 =	slt.s32 @!p1 s6, $0x1;
	p4 =	sne.s32 @!p1 s5, $0x0  }
0x1c5: {  	[sflag:s29] =	ssyncadd.s32 $0xFFFFF000;
	v7 =	vor.u32 v7, v9;
	s5 =	sshra.s32 @!p1 s6, $0x1F;
	p3 =	por @!p1 !p3, !p4  }
0x1c6: {  	v9 =	vor.u32 v2, v7;
	s5 =	sshrl.u32 @!p1 s5, $0x19;
	p3 =	por @!p1 !p3, !p3;
	v6 =	vld.idx.msk [tilespmem:v6+s12+$0x0], $0xffff  }
0x1c7: {  	v7 =	vor.u32 v3, v7;
	s5 =	sadd.s32 @!p1 s5, s6;
	s6 =	simm.s32 @!p1 $0x1;
	p3 =	por !p3, p1;
	v8 =	vld.idx.msk [tilespmem:v8+s12+$0x0], $0xffff  }
0x1c8: {  	s5 =	sshrl.u32 @!p1 s5, $0x7;
	s6 =	simm.s32 @p3 $0x0  }
0x1c9: {  	s5 =	ssub.s32 @!p1 s5, s6  }
0x1ca: {  	s29 =	simm.s32 @!p1 $0x7A1400;
	s5 =	sshll.u32 @!p1 s5, $0x7  }
0x1cb: {  	s26 =	simm.s32 @!p1 $0x400;
	s5 =	sand.u32 @!p1 $0x1FFFFF80, s5;
	[tilespmem:v9+s18+$0x0] =	vst.idx.msk $0xffff, v6  }
0x1cc: {  	s8 =	simm.s32 $0x2;
	s6 =	simm.s32 @!p1 $0x200;
	s5 =	sadd.s32 @!p1 s1, s5;
	[tilespmem:v7+s18+$0x0] =	vst.idx.msk $0xffff, v8  }
0x1cd: {  	[tilespmem:s6], [sflag:$0x1] =	stream.strided.gather @!p1 [hbm4b:s5+s26], $0x1000, s29, s26, $0x38;
	[tilespmem:$0x15200] =	vst v63  }
0x1ce: {  	_ =	swait.ge [sflag:s8], $0x1000  }
0x1cf: {  	(v2sf) =	vpush v5, $0x1;
	_ =	sdelay $0x9  }
0x1d0: {  	(v2sf) =	vpush @!p1 v4, $0x1;
	_ =	sdelay $0x4  }
0x1d1: {  	s14 =	spop (v2sf)  }
0x1d2: {  	s17 =	sand.u32 $0x7F, s14  }
0x1d3: {  	s19 =	sshra.s32 s14, $0x1F;
	p3 =	slt.s32 s14, $0x1;
	p4 =	sne.s32 s17, $0x0  }
0x1d4: {  	s22 =	sshrl.u32 s19, $0x19;
	p3 =	por !p3, !p4  }
0x1d5: {  	s7 =	simm.s32 $0x1;
	s6 =	sadd.s32 s22, s14;
	p3 =	por !p3, !p3  }
0x1d6: {  	s6 =	sshrl.u32 s6, $0x7;
	s7 =	simm.s32 @!p3 $0x0  }
0x1d7: {  	s6 =	ssub.s32 s7, s6  }
0x1d8: {  	s6 =	sshll.u32 s6, $0x7  }
0x1d9: {  	s5 =	sadd.s32 s14, s6  }
0x1da: {  	s7 =	sor.u32 $0x1, s24;
	v14 =	vadd.s32 s5, v0  }
0x1db: {  	v15 =	vmov s7;
	v16 =	vadd.s32 s5, v1;
	s5 =	spop @!p1 (v2sf)  }
0x1dc: {  	[sflag:s8] =	ssyncset.done $0x0;
	v17 =	vshll.u32 v15, $0x3;
	s6 =	sand.u32 @!p1 $0x7F, s5  }
0x1dd: {  	[sflag:s8] =	ssyncadd.s32 $0xFFFFF000;
	v7 =	vand.u32 $0x71, v15;
	v9 =	vand.u32 $0xC00, v17;
	p3 =	slt.s32 @!p1 s5, $0x1;
	p4 =	sne.s32 @!p1 s6, $0x0  }
0x1de: {  	s8 =	simm.s32 $0x1200;
	v7 =	vor.u32 v7, v9;
	s6 =	sshra.s32 @!p1 s5, $0x1F;
	p3 =	por @!p1 !p3, !p4  }
0x1df: {  	v9 =	vor.u32 v2, v7;
	s6 =	sshrl.u32 @!p1 s6, $0x19;
	p3 =	por @!p1 !p3, !p3;
	v6 =	vld.idx.msk [tilespmem:v14+s8+$0x0], $0xffff  }
0x1e0: {  	v7 =	vor.u32 v3, v7;
	s5 =	sadd.s32 @!p1 s6, s5;
	s6 =	simm.s32 @!p1 $0x1;
	v8 =	vld.idx.msk [tilespmem:v16+s8+$0x0], $0xffff;
	p3 =	por !p3, p1  }
0x1e1: {  	s5 =	sshrl.u32 @!p1 s5, $0x7;
	s6 =	simm.s32 @p3 $0x0  }
0x1e2: {  	s5 =	ssub.s32 @!p1 s5, s6  }
0x1e3: {  	s5 =	sshll.u32 @!p1 s5, $0x7  }
0x1e4: {  	s5 =	sand.u32 @!p1 $0x1FFFFF80, s5;
	[tilespmem:v9+s18+$0x0] =	vst.idx.msk $0xffff, v6  }
0x1e5: {  	s8 =	simm.s32 $0x3;
	s6 =	simm.s32 @!p1 $0x1200;
	s5 =	sadd.s32 @!p1 s1, s5;
	[tilespmem:v7+s18+$0x0] =	vst.idx.msk $0xffff, v8  }
0x1e6: {  	[tilespmem:s6], [sflag:$0x2] =	stream.strided.gather @!p1 [hbm4b:s5+s26], $0x1000, s29, s26, $0x38;
	[tilespmem:$0x15200] =	vst v63  }
0x1e7: {  	_ =	swait.ge [sflag:s8], $0x1000  }
0x1e8: {  	(v2sf) =	vpush v5, $0x2;
	_ =	sdelay $0x9  }
0x1e9: {  	(v2sf) =	vpush @!p1 v4, $0x2;
	_ =	sdelay $0x4  }
0x1ea: {  	s14 =	spop (v2sf)  }
0x1eb: {  	s17 =	sand.u32 $0x7F, s14  }
0x1ec: {  	s19 =	sshra.s32 s14, $0x1F;
	p3 =	slt.s32 s14, $0x1;
	p4 =	sne.s32 s17, $0x0  }
0x1ed: {  	s22 =	sshrl.u32 s19, $0x19;
	p3 =	por !p3, !p4  }
0x1ee: {  	s7 =	simm.s32 $0x1;
	s6 =	sadd.s32 s22, s14;
	p3 =	por !p3, !p3  }
0x1ef: {  	s6 =	sshrl.u32 s6, $0x7;
	s7 =	simm.s32 @!p3 $0x0  }
0x1f0: {  	s6 =	ssub.s32 s7, s6  }
0x1f1: {  	s6 =	sshll.u32 s6, $0x7  }
0x1f2: {  	s5 =	sadd.s32 s14, s6  }
0x1f3: {  	s7 =	sor.u32 $0x2, s24;
	v18 =	vadd.s32 s5, v0  }
0x1f4: {  	v19 =	vmov s7;
	v20 =	vadd.s32 s5, v1;
	s5 =	spop @!p1 (v2sf)  }
0x1f5: {  	[sflag:s8] =	ssyncset.done $0x0;
	v21 =	vshll.u32 v19, $0x3;
	s6 =	sand.u32 @!p1 $0x7F, s5  }
0x1f6: {  	[sflag:s8] =	ssyncadd.s32 $0xFFFFF000;
	v7 =	vand.u32 $0x72, v19;
	v9 =	vand.u32 $0xC00, v21;
	p3 =	slt.s32 @!p1 s5, $0x1;
	p4 =	sne.s32 @!p1 s6, $0x0  }
0x1f7: {  	s8 =	simm.s32 $0x2200;
	v7 =	vor.u32 v7, v9;
	s6 =	sshra.s32 @!p1 s5, $0x1F;
	p3 =	por @!p1 !p3, !p4  }
0x1f8: {  	v9 =	vor.u32 v2, v7;
	s6 =	sshrl.u32 @!p1 s6, $0x19;
	p3 =	por @!p1 !p3, !p3;
	v6 =	vld.idx.msk [tilespmem:v18+s8+$0x0], $0xffff  }
0x1f9: {  	v7 =	vor.u32 v3, v7;
	s5 =	sadd.s32 @!p1 s6, s5;
	s6 =	simm.s32 @!p1 $0x1;
	v8 =	vld.idx.msk [tilespmem:v20+s8+$0x0], $0xffff;
	p3 =	por !p3, p1  }
0x1fa: {  	s5 =	sshrl.u32 @!p1 s5, $0x7;
	s6 =	simm.s32 @p3 $0x0  }
0x1fb: {  	s5 =	ssub.s32 @!p1 s5, s6  }
0x1fc: {  	s5 =	sshll.u32 @!p1 s5, $0x7  }
0x1fd: {  	s5 =	sand.u32 @!p1 $0x1FFFFF80, s5;
	[tilespmem:v9+s18+$0x0] =	vst.idx.msk $0xffff, v6  }
0x1fe: {  	s8 =	simm.s32 $0x4;
	s6 =	simm.s32 @!p1 $0x2200;
	s5 =	sadd.s32 @!p1 s1, s5;
	[tilespmem:v7+s18+$0x0] =	vst.idx.msk $0xffff, v8  }
0x1ff: {  	[tilespmem:s6], [sflag:$0x3] =	stream.strided.gather @!p1 [hbm4b:s5+s26], $0x1000, s29, s26, $0x38;
	[tilespmem:$0x15200] =	vst v63  }
0x200: {  	_ =	swait.ge [sflag:s8], $0x1000  }
0x201: {  	(v2sf) =	vpush v5, $0x3;
	_ =	sdelay $0x9  }
0x202: {  	(v2sf) =	vpush @!p1 v4, $0x3;
	_ =	sdelay $0x4  }
0x203: {  	s5 =	spop (v2sf)  }
0x204: {  	s14 =	sand.u32 $0x7F, s5  }
0x205: {  	s17 =	sshra.s32 s5, $0x1F;
	p3 =	slt.s32 s5, $0x1;
	p4 =	sne.s32 s14, $0x0  }
0x206: {  	s19 =	sshrl.u32 s17, $0x19;
	p3 =	por !p3, !p4  }
0x207: {  	s7 =	simm.s32 $0x1;
	s6 =	sadd.s32 s19, s5;
	p3 =	por !p3, !p3  }
0x208: {  	s6 =	sshrl.u32 s6, $0x7;
	s7 =	simm.s32 @!p3 $0x0  }
0x209: {  	s6 =	ssub.s32 s7, s6  }
0x20a: {  	s6 =	sshll.u32 s6, $0x7  }
0x20b: {  	s5 =	sadd.s32 s5, s6  }
0x20c: {  	s7 =	sor.u32 $0x3, s24;
	v22 =	vadd.s32 s5, v0  }
0x20d: {  	v23 =	vmov s7;
	v24 =	vadd.s32 s5, v1;
	s5 =	spop @!p1 (v2sf)  }
0x20e: {  	[sflag:s8] =	ssyncset.done $0x0;
	v25 =	vshll.u32 v23, $0x3;
	s6 =	sand.u32 @!p1 $0x7F, s5  }
0x20f: {  	[sflag:s8] =	ssyncadd.s32 $0xFFFFF000;
	v7 =	vand.u32 $0x73, v23;
	v9 =	vand.u32 $0xC00, v25;
	p3 =	slt.s32 @!p1 s5, $0x1;
	p4 =	sne.s32 @!p1 s6, $0x0  }
0x210: {  	s8 =	simm.s32 $0x3200;
	v7 =	vor.u32 v7, v9;
	s6 =	sshra.s32 @!p1 s5, $0x1F;
	p3 =	por @!p1 !p3, !p4  }
0x211: {  	v9 =	vor.u32 v2, v7;
	s6 =	sshrl.u32 @!p1 s6, $0x19;
	p3 =	por @!p1 !p3, !p3;
	v6 =	vld.idx.msk [tilespmem:v22+s8+$0x0], $0xffff  }
0x212: {  	v7 =	vor.u32 v3, v7;
	s5 =	sadd.s32 @!p1 s6, s5;
	s6 =	simm.s32 @!p1 $0x1;
	v8 =	vld.idx.msk [tilespmem:v24+s8+$0x0], $0xffff;
	p3 =	por !p3, p1  }
0x213: {  	s5 =	sshrl.u32 @!p1 s5, $0x7;
	s6 =	simm.s32 @p3 $0x0  }
0x214: {  	s5 =	ssub.s32 @!p1 s5, s6  }
0x215: {  	s5 =	sshll.u32 @!p1 s5, $0x7  }
0x216: {  	s5 =	sand.u32 @!p1 $0x1FFFFF80, s5;
	[tilespmem:v9+s18+$0x0] =	vst.idx.msk $0xffff, v6  }
0x217: {  	s8 =	simm.s32 $0x5;
	s6 =	simm.s32 @!p1 $0x3200;
	s5 =	sadd.s32 @!p1 s1, s5;
	[tilespmem:v7+s18+$0x0] =	vst.idx.msk $0xffff, v8  }
0x218: {  	[tilespmem:s6], [sflag:$0x4] =	stream.strided.gather @!p1 [hbm4b:s5+s26], $0x1000, s29, s26, $0x38;
	[tilespmem:$0x15200] =	vst v63  }
0x219: {  	_ =	swait.ge [sflag:s8], $0x1000  }
0x21a: {  	(v2sf) =	vpush v5, $0x4;
	_ =	sdelay $0x9  }
0x21b: {  	(v2sf) =	vpush @!p1 v4, $0x4;
	_ =	sdelay $0x4  }
0x21c: {  	s5 =	spop (v2sf)  }
0x21d: {  	s17 =	sand.u32 $0x7F, s5  }
0x21e: {  	s19 =	sshra.s32 s5, $0x1F;
	p3 =	slt.s32 s5, $0x1;
	p4 =	sne.s32 s17, $0x0  }
0x21f: {  	s7 =	sshrl.u32 s19, $0x19;
	p3 =	por !p3, !p4  }
0x220: {  	s6 =	sadd.s32 s7, s5;
	s7 =	simm.s32 $0x1;
	p3 =	por !p3, !p3  }
0x221: {  	s6 =	sshrl.u32 s6, $0x7;
	s7 =	simm.s32 @!p3 $0x0  }
0x222: {  	s6 =	ssub.s32 s7, s6  }
0x223: {  	s6 =	sshll.u32 s6, $0x7  }
0x224: {  	s5 =	sadd.s32 s5, s6  }
0x225: {  	s17 =	sor.u32 $0x4, s24;
	v26 =	vadd.s32 s5, v0  }
0x226: {  	v27 =	vmov s17;
	v28 =	vadd.s32 s5, v1;
	s5 =	spop @!p1 (v2sf)  }
0x227: {  	[sflag:s8] =	ssyncset.done $0x0;
	v29 =	vshll.u32 v27, $0x3;
	s6 =	sand.u32 @!p1 $0x7F, s5  }
0x228: {  	[sflag:s8] =	ssyncadd.s32 $0xFFFFF000;
	v7 =	vand.u32 $0x74, v27;
	v9 =	vand.u32 $0xC00, v29;
	p3 =	slt.s32 @!p1 s5, $0x1;
	p4 =	sne.s32 @!p1 s6, $0x0  }
0x229: {  	s19 =	simm.s32 $0x4200;
	v7 =	vor.u32 v7, v9;
	s6 =	sshra.s32 @!p1 s5, $0x1F;
	p3 =	por @!p1 !p3, !p4  }
0x22a: {  	v9 =	vor.u32 v2, v7;
	s6 =	sshrl.u32 @!p1 s6, $0x19;
	p3 =	por @!p1 !p3, !p3;
	v6 =	vld.idx.msk [tilespmem:v26+s19+$0x0], $0xffff  }
0x22b: {  	v7 =	vor.u32 v3, v7;
	s5 =	sadd.s32 @!p1 s6, s5;
	s6 =	simm.s32 @!p1 $0x1;
	v8 =	vld.idx.msk [tilespmem:v28+s19+$0x0], $0xffff;
	p3 =	por !p3, p1  }
0x22c: {  	s5 =	sshrl.u32 @!p1 s5, $0x7;
	s6 =	simm.s32 @p3 $0x0  }
0x22d: {  	s5 =	ssub.s32 @!p1 s5, s6  }
0x22e: {  	s5 =	sshll.u32 @!p1 s5, $0x7  }
0x22f: {  	s5 =	sand.u32 @!p1 $0x1FFFFF80, s5;
	[tilespmem:v9+s18+$0x0] =	vst.idx.msk $0xffff, v6  }
0x230: {  	s8 =	simm.s32 $0x6;
	s6 =	simm.s32 @!p1 $0x4200;
	s5 =	sadd.s32 @!p1 s1, s5;
	[tilespmem:v7+s18+$0x0] =	vst.idx.msk $0xffff, v8  }
0x231: {  	[tilespmem:s6], [sflag:$0x5] =	stream.strided.gather @!p1 [hbm4b:s5+s26], $0x1000, s29, s26, $0x38;
	[tilespmem:$0x15200] =	vst v63  }
0x232: {  	_ =	swait.ge [sflag:s8], $0x1000  }
0x233: {  	(v2sf) =	vpush v5, $0x5;
	_ =	sdelay $0x9  }
0x234: {  	(v2sf) =	vpush @!p1 v4, $0x5;
	_ =	sdelay $0x4  }
0x235: {  	s5 =	spop (v2sf)  }
0x236: {  	s7 =	sand.u32 $0x7F, s5  }
0x237: {  	s19 =	sshra.s32 s5, $0x1F;
	p3 =	slt.s32 s5, $0x1;
	p4 =	sne.s32 s7, $0x0  }
0x238: {  	s19 =	sshrl.u32 s19, $0x19;
	p3 =	por !p3, !p4  }
0x239: {  	s7 =	simm.s32 $0x1;
	s6 =	sadd.s32 s19, s5;
	p3 =	por !p3, !p3  }
0x23a: {  	s6 =	sshrl.u32 s6, $0x7;
	s7 =	simm.s32 @!p3 $0x0  }
0x23b: {  	s6 =	ssub.s32 s7, s6  }
0x23c: {  	s6 =	sshll.u32 s6, $0x7  }
0x23d: {  	s5 =	sadd.s32 s5, s6  }
0x23e: {  	s7 =	sor.u32 $0x5, s24;
	v30 =	vadd.s32 s5, v0  }
0x23f: {  	v31 =	vmov s7;
	v32 =	vadd.s32 s5, v1;
	s5 =	spop @!p1 (v2sf)  }
0x240: {  	[sflag:s8] =	ssyncset.done $0x0;
	v33 =	vshll.u32 v31, $0x3;
	s6 =	sand.u32 @!p1 $0x7F, s5  }
0x241: {  	[sflag:s8] =	ssyncadd.s32 $0xFFFFF000;
	v7 =	vand.u32 $0x75, v31;
	v9 =	vand.u32 $0xC00, v33;
	p3 =	slt.s32 @!p1 s5, $0x1;
	p4 =	sne.s32 @!p1 s6, $0x0  }
0x242: {  	s19 =	simm.s32 $0x5200;
	v7 =	vor.u32 v7, v9;
	s6 =	sshra.s32 @!p1 s5, $0x1F;
	p3 =	por @!p1 !p3, !p4  }
0x243: {  	v9 =	vor.u32 v2, v7;
	s6 =	sshrl.u32 @!p1 s6, $0x19;
	p3 =	por @!p1 !p3, !p3;
	v6 =	vld.idx.msk [tilespmem:v30+s19+$0x0], $0xffff  }
0x244: {  	v7 =	vor.u32 v3, v7;
	s5 =	sadd.s32 @!p1 s6, s5;
	s6 =	simm.s32 @!p1 $0x1;
	v8 =	vld.idx.msk [tilespmem:v32+s19+$0x0], $0xffff;
	p3 =	por !p3, p1  }
0x245: {  	s5 =	sshrl.u32 @!p1 s5, $0x7;
	s6 =	simm.s32 @p3 $0x0  }
0x246: {  	s5 =	ssub.s32 @!p1 s5, s6  }
0x247: {  	s5 =	sshll.u32 @!p1 s5, $0x7  }
0x248: {  	s5 =	sand.u32 @!p1 $0x1FFFFF80, s5;
	[tilespmem:v9+s18+$0x0] =	vst.idx.msk $0xffff, v6  }
0x249: {  	s19 =	simm.s32 $0x7;
	s6 =	simm.s32 @!p1 $0x5200;
	s5 =	sadd.s32 @!p1 s1, s5;
	[tilespmem:v7+s18+$0x0] =	vst.idx.msk $0xffff, v8  }
0x24a: {  	[tilespmem:s6], [sflag:$0x6] =	stream.strided.gather @!p1 [hbm4b:s5+s26], $0x1000, s29, s26, $0x38;
	[tilespmem:$0x15200] =	vst v63  }
0x24b: {  	_ =	swait.ge [sflag:s19], $0x1000  }
0x24c: {  	(v2sf) =	vpush v5, $0x6;
	_ =	sdelay $0x9  }
0x24d: {  	(v2sf) =	vpush @!p1 v4, $0x6;
	_ =	sdelay $0x4  }
0x24e: {  	s5 =	spop (v2sf)  }
0x24f: {  	s6 =	sand.u32 $0x7F, s5  }
0x250: {  	s7 =	sshra.s32 s5, $0x1F;
	p3 =	slt.s32 s5, $0x1;
	p4 =	sne.s32 s6, $0x0  }
0x251: {  	s7 =	sshrl.u32 s7, $0x19;
	p3 =	por !p3, !p4  }
0x252: {  	s6 =	sadd.s32 s7, s5;
	s7 =	simm.s32 $0x1;
	p3 =	por !p3, !p3  }
0x253: {  	s6 =	sshrl.u32 s6, $0x7;
	s7 =	simm.s32 @!p3 $0x0  }
0x254: {  	s6 =	ssub.s32 s7, s6  }
0x255: {  	s6 =	sshll.u32 s6, $0x7  }
0x256: {  	s5 =	sadd.s32 s5, s6  }
0x257: {  	s7 =	sor.u32 $0x6, s24;
	v34 =	vadd.s32 s5, v0  }
0x258: {  	v35 =	vmov s7;
	v36 =	vadd.s32 s5, v1;
	s5 =	spop @!p1 (v2sf)  }
0x259: {  	[sflag:s19] =	ssyncset.done $0x0;
	v37 =	vshll.u32 v35, $0x3;
	s6 =	sand.u32 @!p1 $0x7F, s5  }
0x25a: {  	[sflag:s19] =	ssyncadd.s32 $0xFFFFF000;
	v7 =	vand.u32 $0x76, v35;
	v9 =	vand.u32 $0xC00, v37;
	p3 =	slt.s32 @!p1 s5, $0x1;
	p4 =	sne.s32 @!p1 s6, $0x0  }
0x25b: {  	s19 =	simm.s32 $0x6200;
	v7 =	vor.u32 v7, v9;
	s6 =	sshra.s32 @!p1 s5, $0x1F;
	p3 =	por @!p1 !p3, !p4  }
0x25c: {  	v9 =	vor.u32 v2, v7;
	s6 =	sshrl.u32 @!p1 s6, $0x19;
	p3 =	por @!p1 !p3, !p3;
	v6 =	vld.idx.msk [tilespmem:v34+s19+$0x0], $0xffff  }
0x25d: {  	v7 =	vor.u32 v3, v7;
	s5 =	sadd.s32 @!p1 s6, s5;
	s6 =	simm.s32 @!p1 $0x1;
	v8 =	vld.idx.msk [tilespmem:v36+s19+$0x0], $0xffff;
	p3 =	por !p3, p1  }
0x25e: {  	s5 =	sshrl.u32 @!p1 s5, $0x7;
	s6 =	simm.s32 @p3 $0x0  }
0x25f: {  	s5 =	ssub.s32 @!p1 s5, s6  }
0x260: {  	s5 =	sshll.u32 @!p1 s5, $0x7  }
0x261: {  	s5 =	sand.u32 @!p1 $0x1FFFFF80, s5;
	[tilespmem:v9+s18+$0x0] =	vst.idx.msk $0xffff, v6  }
0x262: {  	s19 =	simm.s32 $0x8;
	s6 =	simm.s32 @!p1 $0x6200;
	s5 =	sadd.s32 @!p1 s1, s5;
	[tilespmem:v7+s18+$0x0] =	vst.idx.msk $0xffff, v8  }
0x263: {  	[tilespmem:s6], [sflag:$0x7] =	stream.strided.gather @!p1 [hbm4b:s5+s26], $0x1000, s29, s26, $0x38;
	[tilespmem:$0x15200] =	vst v63  }
0x264: {  	_ =	swait.ge [sflag:s19], $0x1000  }
0x265: {  	(v2sf) =	vpush v5, $0x7;
	_ =	sdelay $0x9  }
0x266: {  	(v2sf) =	vpush @!p1 v4, $0x7;
	_ =	sdelay $0x4  }
0x267: {  	s5 =	spop (v2sf)  }
0x268: {  	s6 =	sand.u32 $0x7F, s5  }
0x269: {  	s7 =	sshra.s32 s5, $0x1F;
	p3 =	slt.s32 s5, $0x1;
	p4 =	sne.s32 s6, $0x0  }
0x26a: {  	s7 =	sshrl.u32 s7, $0x19;
	p3 =	por !p3, !p4  }
0x26b: {  	s6 =	sadd.s32 s7, s5;
	s7 =	simm.s32 $0x1;
	p3 =	por !p3, !p3  }
0x26c: {  	s6 =	sshrl.u32 s6, $0x7;
	s7 =	simm.s32 @!p3 $0x0  }
0x26d: {  	s6 =	ssub.s32 s7, s6  }
0x26e: {  	s6 =	sshll.u32 s6, $0x7  }
0x26f: {  	s5 =	sadd.s32 s5, s6  }
0x270: {  	s7 =	sor.u32 $0x7, s24;
	v5 =	vadd.s32 s5, v0  }
0x271: {  	v38 =	vmov s7;
	v39 =	vadd.s32 s5, v1;
	s5 =	spop @!p1 (v2sf)  }
0x272: {  	[sflag:s19] =	ssyncset.done $0x0;
	v40 =	vshll.u32 v38, $0x3;
	s6 =	sand.u32 @!p1 $0x7F, s5  }
0x273: {  	[sflag:s19] =	ssyncadd.s32 $0xFFFFF000;
	v6 =	vand.u32 $0x77, v38;
	v8 =	vand.u32 $0xC00, v40;
	p3 =	slt.s32 @!p1 s5, $0x1;
	p4 =	sne.s32 @!p1 s6, $0x0  }
0x274: {  	s7 =	simm.s32 $0x7200;
	v6 =	vor.u32 v6, v8;
	s6 =	sshra.s32 @!p1 s5, $0x1F;
	p3 =	por @!p1 !p3, !p4  }
0x275: {  	v8 =	vor.u32 v2, v6;
	s6 =	sshrl.u32 @!p1 s6, $0x19;
	p3 =	por @!p1 !p3, !p3;
	v5 =	vld.idx.msk [tilespmem:v5+s7+$0x0], $0xffff  }
0x276: {  	v6 =	vor.u32 v3, v6;
	s5 =	sadd.s32 @!p1 s6, s5;
	s6 =	simm.s32 @!p1 $0x1;
	v7 =	vld.idx.msk [tilespmem:v39+s7+$0x0], $0xffff;
	p3 =	por !p3, p1  }
0x277: {  	s5 =	sshrl.u32 @!p1 s5, $0x7;
	s6 =	simm.s32 @p3 $0x0  }
0x278: {  	s5 =	ssub.s32 @!p1 s5, s6  }
0x279: {  	s5 =	sshll.u32 @!p1 s5, $0x7  }
0x27a: {  	s5 =	sand.u32 @!p1 $0x1FFFFF80, s5;
	[tilespmem:v8+s18+$0x0] =	vst.idx.msk $0xffff, v5  }
0x27b: {  	s7 =	simm.s32 $0x11;
	s6 =	simm.s32 @!p1 $0x7200;
	s5 =	sadd.s32 @!p1 s1, s5;
	[tilespmem:v6+s18+$0x0] =	vst.idx.msk $0xffff, v7  }
0x27c: {  	[tilespmem:s6], [sflag:$0x8] =	stream.strided.gather @!p1 [hbm4b:s5+s26], $0x1000, s29, s26, $0x38;
	[tilespmem:$0x15200] =	vst v63  }
0x27d: {  	_ =	swait.ge [sflag:s7], $0x1000  }
0x27e: {  	(v2sf) =	vpush @!p1 v4, $0x8;
	_ =	sdelay $0x2  }
0x27f: {  	s26 =	sld [smem:$0x7FC]  }
0x280: {  	s6 =	sld [smem:$0x7FD];
	_ =	sdelay $0x2  }
0x281: {  	p3 =	seq.s32 s26, $0x1;
	p4 =	seq.s32 s6, $0x1  }
0x282: {  	s0 =	sshrl.u32 s0, $0x1C;
	p3 =	por !p3, !p4  }
0x283: {  	s0 =	sadd.s32 s0, s25;
	s5 =	simm.s32 $0x1;
	p3 =	por !p3, !p3  }
0x284: {  	s0 =	sshrl.u32 s0, $0x4;
	s5 =	simm.s32 @!p3 $0x0  }
0x285: {  	s0 =	ssub.s32 s5, s0  }
0x286: {  	s0 =	sshll.u32 s0, $0x4  }
0x287: {  	s0 =	sadd.s32 s25, s0  }
0x288: {  	s26 =	sor.u32 $0x8, s24;
	v5 =	vadd.s32 s0, v0  }
0x289: {  	v41 =	vmov s26;
	v42 =	vadd.s32 s0, v1;
	s6 =	spop @!p1 (v2sf)  }
0x28a: {  	v43 =	vshll.u32 v41, $0x3;
	s0 =	sand.u32 @!p1 $0x7F, s6  }
0x28b: {  	[sflag:s7] =	ssyncset.done $0x0;
	v6 =	vand.u32 $0x78, v41;
	v8 =	vand.u32 $0xC00, v43;
	p3 =	slt.s32 @!p1 s6, $0x1;
	p4 =	sne.s32 @!p1 s0, $0x0  }
0x28c: {  	[sflag:s7] =	ssyncadd.s32 $0xFFFFF000;
	v6 =	vor.u32 v6, v8;
	s0 =	sshra.s32 @!p1 s6, $0x1F;
	p3 =	por @!p1 !p3, !p4  }
0x28d: {  	v8 =	vor.u32 v2, v6;
	v5 =	vld.idx.msk [tilespmem:v5+s23+$0x0], $0xffff;
	s0 =	sshrl.u32 @!p1 s0, $0x19;
	p3 =	por @!p1 !p3, !p3  }
0x28e: {  	s5 =	simm.s32 @!p1 $0x1;
	v6 =	vor.u32 v3, v6;
	v7 =	vld.idx.msk [tilespmem:v42+s23+$0x0], $0xffff;
	s0 =	sadd.s32 @!p1 s0, s6;
	p3 =	por !p3, p1  }
0x28f: {  	s0 =	sshrl.u32 @!p1 s0, $0x7;
	s5 =	simm.s32 @p3 $0x0  }
0x290: {  	s29 =	rddreg [dreg:$0xf];
	s0 =	ssub.s32 @!p1 s0, s5  }
0x291: {  	s7 =	rddreg [dreg:$0xb];
	s0 =	sshll.u32 @!p1 s0, $0x7  }
0x292: {  	s26 =	simm.s32 @!p1 $0xF4280;
	s25 =	simm.s32 @!p1 $0x80;
	[tilespmem:v8+s18+$0x0] =	vst.idx.msk $0xffff, v5;
	s0 =	sand.u32 @!p1 $0x1FFFFF80, s0  }
0x293: {  	s6 =	sshrl.u32 @!p1 s7, $0x3;
	[tilespmem:v6+s18+$0x0] =	vst.idx.msk $0xffff, v7;
	s5 =	sadd.s32 @!p1 s1, s0;
	s0 =	simm.s32 @!p1 $0x8  }
0x294: {  	[spmem:s6@s25], [sflag:s29] =	dma.strided @!p1 [hbm:s5@s26], $0x200, s0, $0x10   }
0x295: {  	(v2sf) =	vpush @!p1 v4, $0x9;
	_ =	sdelay $0x1  }
0x296: {  	s5 =	sld [smem:$0x7FA]  }
0x297: {  	s6 =	sld [smem:$0x7FB];
	_ =	sdelay $0x2  }
0x298: {  	p3 =	seq.s32 s5, $0x1;
	p4 =	seq.s32 s6, $0x1  }
0x299: {  	s2 =	sshrl.u32 s2, $0x1C;
	p3 =	por !p3, !p4  }
0x29a: {  	s2 =	sadd.s32 s2, s16;
	s5 =	simm.s32 $0x1;
	p3 =	por !p3, !p3  }
0x29b: {  	s2 =	sshrl.u32 s2, $0x4;
	s5 =	simm.s32 @!p3 $0x0  }
0x29c: {  	s2 =	ssub.s32 s5, s2  }
0x29d: {  	s2 =	sshll.u32 s2, $0x4  }
0x29e: {  	s2 =	sadd.s32 s2, s16  }
0x29f: {  	s2 =	sadd.s32 $0x10, s2  }
0x2a0: {  	s16 =	sor.u32 $0x9, s24;
	v5 =	vadd.s32 s2, v0  }
0x2a1: {  	v44 =	vmov s16;
	v45 =	vadd.s32 s2, v1;
	s2 =	spop @!p1 (v2sf)  }
0x2a2: {  	v46 =	vshll.u32 v44, $0x3;
	s5 =	sand.u32 @!p1 $0x7F, s2  }
0x2a3: {  	v6 =	vand.u32 $0x79, v44;
	v8 =	vand.u32 $0xC00, v46;
	p3 =	slt.s32 @!p1 s2, $0x1;
	p4 =	sne.s32 @!p1 s5, $0x0  }
0x2a4: {  	v6 =	vor.u32 v6, v8;
	s5 =	sshra.s32 @!p1 s2, $0x1F;
	p3 =	por @!p1 !p3, !p4  }
0x2a5: {  	v8 =	vor.u32 v2, v6;
	v5 =	vld.idx.msk [tilespmem:v5+s23+$0x0], $0xffff;
	s5 =	sshrl.u32 @!p1 s5, $0x19;
	p3 =	por @!p1 !p3, !p3  }
0x2a6: {  	v6 =	vor.u32 v3, v6;
	v7 =	vld.idx.msk [tilespmem:v45+s23+$0x0], $0xffff;
	s2 =	sadd.s32 @!p1 s5, s2;
	s5 =	simm.s32 @!p1 $0x1;
	p3 =	por !p3, p1  }
0x2a7: {  	s2 =	sshrl.u32 @!p1 s2, $0x7;
	s5 =	simm.s32 @p3 $0x0  }
0x2a8: {  	s2 =	ssub.s32 @!p1 s2, s5  }
0x2a9: {  	s2 =	sshll.u32 @!p1 s2, $0x7  }
0x2aa: {  	[tilespmem:v8+s18+$0x0] =	vst.idx.msk $0xffff, v5;
	s2 =	sand.u32 @!p1 $0x1FFFFF80, s2  }
0x2ab: {  	s6 =	rddreg [dreg:$0x10];
	[tilespmem:v6+s18+$0x0] =	vst.idx.msk $0xffff, v7;
	s5 =	sshrl.u32 @!p1 s9, $0x3;
	s2 =	sadd.s32 @!p1 s1, s2  }
0x2ac: {  	[spmem:s5@s25], [sflag:s6] =	dma.strided @!p1 [hbm:s2@s26], $0x200, s0, $0x10   }
0x2ad: {  	(v2sf) =	vpush @!p1 v4, $0xA;
	_ =	sdelay $0x1  }
0x2ae: {  	s2 =	sld [smem:$0x7F8]  }
0x2af: {  	s6 =	sld [smem:$0x7F9];
	_ =	sdelay $0x2  }
0x2b0: {  	p3 =	seq.s32 s2, $0x1;
	p4 =	seq.s32 s6, $0x1  }
0x2b1: {  	s29 =	smov.u32 s9;
	s9 =	sshrl.u32 s4, $0x1C;
	p3 =	por !p3, !p4  }
0x2b2: {  	s4 =	simm.s32 $0x1;
	s2 =	sadd.s32 s9, s3;
	p3 =	por !p3, !p3  }
0x2b3: {  	s2 =	sshrl.u32 s2, $0x4;
	s4 =	simm.s32 @!p3 $0x0  }
0x2b4: {  	s2 =	ssub.s32 s4, s2  }
0x2b5: {  	s2 =	sshll.u32 s2, $0x4  }
0x2b6: {  	s2 =	sadd.s32 s2, s3  }
0x2b7: {  	s2 =	sadd.s32 $0x20, s2  }
0x2b8: {  	s16 =	sor.u32 $0xA, s24;
	v5 =	vadd.s32 s2, v0  }
0x2b9: {  	v47 =	vmov s16;
	v48 =	vadd.s32 s2, v1;
	s2 =	spop @!p1 (v2sf)  }
0x2ba: {  	v49 =	vshll.u32 v47, $0x3;
	s3 =	sand.u32 @!p1 $0x7F, s2  }
0x2bb: {  	v8 =	vand.u32 $0xC00, v49;
	v6 =	vand.u32 $0x7A, v47;
	p3 =	slt.s32 @!p1 s2, $0x1;
	p4 =	sne.s32 @!p1 s3, $0x0  }
0x2bc: {  	v6 =	vor.u32 v6, v8;
	s3 =	sshra.s32 @!p1 s2, $0x1F;
	p3 =	por @!p1 !p3, !p4  }
0x2bd: {  	v8 =	vor.u32 v2, v6;
	v5 =	vld.idx.msk [tilespmem:v5+s23+$0x0], $0xffff;
	s3 =	sshrl.u32 @!p1 s3, $0x19;
	p3 =	por @!p1 !p3, !p3  }
0x2be: {  	v6 =	vor.u32 v3, v6;
	v7 =	vld.idx.msk [tilespmem:v48+s23+$0x0], $0xffff;
	s2 =	sadd.s32 @!p1 s3, s2;
	s3 =	simm.s32 @!p1 $0x1;
	p3 =	por !p3, p1  }
0x2bf: {  	s2 =	sshrl.u32 @!p1 s2, $0x7;
	s3 =	simm.s32 @p3 $0x0  }
0x2c0: {  	s2 =	ssub.s32 @!p1 s2, s3  }
0x2c1: {  	s2 =	sshll.u32 @!p1 s2, $0x7  }
0x2c2: {  	[tilespmem:v8+s18+$0x0] =	vst.idx.msk $0xffff, v5;
	s2 =	sand.u32 @!p1 $0x1FFFFF80, s2  }
0x2c3: {  	s4 =	rddreg [dreg:$0x11];
	[tilespmem:v6+s18+$0x0] =	vst.idx.msk $0xffff, v7;
	s3 =	sshrl.u32 @!p1 s10, $0x3;
	s2 =	sadd.s32 @!p1 s1, s2  }
0x2c4: {  	[spmem:s3@s25], [sflag:s4] =	dma.strided @!p1 [hbm:s2@s26], $0x200, s0, $0x10   }
0x2c5: {  	(v2sf) =	vpush @!p1 v4, $0xB;
	_ =	sdelay $0x1  }
0x2c6: {  	s2 =	sld [smem:$0x7F6]  }
0x2c7: {  	s3 =	sld [smem:$0x7F7];
	_ =	sdelay $0x2  }
0x2c8: {  	s4 =	rddreg [dreg:$0x18];
	p3 =	seq.s32 s2, $0x1;
	p4 =	seq.s32 s3, $0x1  }
0x2c9: {  	s2 =	sshrl.u32 s4, $0x1C;
	p3 =	por !p3, !p4  }
0x2ca: {  	s3 =	simm.s32 $0x1;
	s2 =	sadd.s32 s2, s13;
	p3 =	por !p3, !p3  }
0x2cb: {  	s2 =	sshrl.u32 s2, $0x4;
	s3 =	simm.s32 @!p3 $0x0  }
0x2cc: {  	s2 =	ssub.s32 s3, s2  }
0x2cd: {  	s2 =	sshll.u32 s2, $0x4  }
0x2ce: {  	s2 =	sadd.s32 s2, s13  }
0x2cf: {  	s2 =	sadd.s32 $0x30, s2  }
0x2d0: {  	s5 =	sor.u32 $0xB, s24;
	v5 =	vadd.s32 s2, v0  }
0x2d1: {  	v50 =	vmov s5;
	v51 =	vadd.s32 s2, v1;
	s2 =	spop @!p1 (v2sf)  }
0x2d2: {  	v52 =	vshll.u32 v50, $0x3;
	s3 =	sand.u32 @!p1 $0x7F, s2  }
0x2d3: {  	v8 =	vand.u32 $0xC00, v52;
	v6 =	vand.u32 $0x7B, v50;
	p3 =	slt.s32 @!p1 s2, $0x1;
	p4 =	sne.s32 @!p1 s3, $0x0  }
0x2d4: {  	v6 =	vor.u32 v6, v8;
	s3 =	sshra.s32 @!p1 s2, $0x1F;
	p3 =	por @!p1 !p3, !p4  }
0x2d5: {  	v8 =	vor.u32 v2, v6;
	v5 =	vld.idx.msk [tilespmem:v5+s23+$0x0], $0xffff;
	s3 =	sshrl.u32 @!p1 s3, $0x19;
	p3 =	por @!p1 !p3, !p3  }
0x2d6: {  	v6 =	vor.u32 v3, v6;
	v7 =	vld.idx.msk [tilespmem:v51+s23+$0x0], $0xffff;
	s2 =	sadd.s32 @!p1 s3, s2;
	s3 =	simm.s32 @!p1 $0x1;
	p3 =	por !p3, p1  }
0x2d7: {  	s2 =	sshrl.u32 @!p1 s2, $0x7;
	s3 =	simm.s32 @p3 $0x0  }
0x2d8: {  	s2 =	ssub.s32 @!p1 s2, s3  }
0x2d9: {  	s2 =	sshll.u32 @!p1 s2, $0x7  }
0x2da: {  	[tilespmem:v8+s18+$0x0] =	vst.idx.msk $0xffff, v5;
	s2 =	sand.u32 @!p1 $0x1FFFFF80, s2  }
0x2db: {  	s4 =	rddreg [dreg:$0x12];
	[tilespmem:v6+s18+$0x0] =	vst.idx.msk $0xffff, v7;
	s3 =	sshrl.u32 @!p1 s11, $0x3;
	s2 =	sadd.s32 @!p1 s1, s2  }
0x2dc: {  	[spmem:s3@s25], [sflag:s4] =	dma.strided @!p1 [hbm:s2@s26], $0x200, s0, $0x10   }
0x2dd: {  	(v2sf) =	vpush @!p1 v4, $0xC;
	_ =	sdelay $0x1  }
0x2de: {  	s2 =	sld [smem:$0x7F4]  }
0x2df: {  	s6 =	sld [smem:$0x7F5];
	_ =	sdelay $0x1  }
0x2e0: {  	s9 =	smov.u32 s10  }
0x2e1: {  	s10 =	rddreg [dreg:$0x19];
	p3 =	seq.s32 s2, $0x1;
	p4 =	seq.s32 s6, $0x1  }
0x2e2: {  	s2 =	sshrl.u32 s10, $0x1C;
	p3 =	por !p3, !p4  }
0x2e3: {  	s3 =	simm.s32 $0x1;
	s2 =	sadd.s32 s2, s15;
	p3 =	por !p3, !p3  }
0x2e4: {  	s2 =	sshrl.u32 s2, $0x4;
	s3 =	simm.s32 @!p3 $0x0  }
0x2e5: {  	s2 =	ssub.s32 s3, s2  }
0x2e6: {  	s2 =	sshll.u32 s2, $0x4  }
0x2e7: {  	s2 =	sadd.s32 s2, s15  }
0x2e8: {  	s2 =	sadd.s32 $0x40, s2  }
0x2e9: {  	s13 =	sor.u32 $0xC, s24;
	v5 =	vadd.s32 s2, v0  }
0x2ea: {  	v53 =	vmov s13;
	v54 =	vadd.s32 s2, v1;
	s2 =	spop @!p1 (v2sf)  }
0x2eb: {  	v55 =	vshll.u32 v53, $0x3;
	s3 =	sand.u32 @!p1 $0x7F, s2  }
0x2ec: {  	v8 =	vand.u32 $0xC00, v55;
	v6 =	vand.u32 $0x7C, v53;
	p3 =	slt.s32 @!p1 s2, $0x1;
	p4 =	sne.s32 @!p1 s3, $0x0  }
0x2ed: {  	v6 =	vor.u32 v6, v8;
	s3 =	sshra.s32 @!p1 s2, $0x1F;
	p3 =	por @!p1 !p3, !p4  }
0x2ee: {  	v8 =	vor.u32 v2, v6;
	v5 =	vld.idx.msk [tilespmem:v5+s23+$0x0], $0xffff;
	s3 =	sshrl.u32 @!p1 s3, $0x19;
	p3 =	por @!p1 !p3, !p3  }
0x2ef: {  	v6 =	vor.u32 v3, v6;
	v7 =	vld.idx.msk [tilespmem:v54+s23+$0x0], $0xffff;
	s2 =	sadd.s32 @!p1 s3, s2;
	s3 =	simm.s32 @!p1 $0x1;
	p3 =	por !p3, p1  }
0x2f0: {  	s2 =	sshrl.u32 @!p1 s2, $0x7;
	s3 =	simm.s32 @p3 $0x0  }
0x2f1: {  	s2 =	ssub.s32 @!p1 s2, s3  }
0x2f2: {  	s2 =	sshll.u32 @!p1 s2, $0x7  }
0x2f3: {  	s10 =	rddreg [dreg:$0xc];
	[tilespmem:v8+s18+$0x0] =	vst.idx.msk $0xffff, v5;
	s2 =	sand.u32 @!p1 $0x1FFFFF80, s2  }
0x2f4: {  	s4 =	rddreg [dreg:$0x13];
	[tilespmem:v6+s18+$0x0] =	vst.idx.msk $0xffff, v7;
	s3 =	sshrl.u32 @!p1 s10, $0x3;
	s2 =	sadd.s32 @!p1 s1, s2  }
0x2f5: {  	[spmem:s3@s25], [sflag:s4] =	dma.strided @!p1 [hbm:s2@s26], $0x200, s0, $0x10   }
0x2f6: {  	(v2sf) =	vpush @!p1 v4, $0xD;
	_ =	sdelay $0x2  }
0x2f7: {  	s3 =	sld [smem:$0x7F3];
	_ =	sdelay $0x2  }
0x2f8: {  	s2 =	rddreg [dreg:$0x1a];
	p4 =	seq.s32 s3, $0x1  }
0x2f9: {  	s2 =	sshrl.u32 s2, $0x1C;
	p3 =	por !p4, !p5  }
0x2fa: {  	s2 =	sadd.s32 s2, s30;
	s3 =	simm.s32 $0x1;
	p3 =	por !p3, !p3  }
0x2fb: {  	s2 =	sshrl.u32 s2, $0x4;
	s3 =	simm.s32 @!p3 $0x0  }
0x2fc: {  	s2 =	ssub.s32 s3, s2  }
0x2fd: {  	s2 =	sshll.u32 s2, $0x4  }
0x2fe: {  	s2 =	sadd.s32 s2, s30  }
0x2ff: {  	s2 =	sadd.s32 $0x50, s2  }
0x300: {  	s15 =	sor.u32 $0xD, s24;
	v5 =	vadd.s32 s2, v0  }
0x301: {  	v56 =	vmov s15;
	v57 =	vadd.s32 s2, v1;
	s2 =	spop @!p1 (v2sf)  }
0x302: {  	v58 =	vshll.u32 v56, $0x3;
	s3 =	sand.u32 @!p1 $0x7F, s2  }
0x303: {  	v8 =	vand.u32 $0xC00, v58;
	v6 =	vand.u32 $0x7D, v56;
	p3 =	slt.s32 @!p1 s2, $0x1;
	p4 =	sne.s32 @!p1 s3, $0x0  }
0x304: {  	v6 =	vor.u32 v6, v8;
	s3 =	sshra.s32 @!p1 s2, $0x1F;
	p3 =	por @!p1 !p3, !p4  }
0x305: {  	v8 =	vor.u32 v2, v6;
	v5 =	vld.idx.msk [tilespmem:v5+s23+$0x0], $0xffff;
	s3 =	sshrl.u32 @!p1 s3, $0x19;
	p3 =	por @!p1 !p3, !p3  }
0x306: {  	v6 =	vor.u32 v3, v6;
	v7 =	vld.idx.msk [tilespmem:v57+s23+$0x0], $0xffff;
	s2 =	sadd.s32 @!p1 s3, s2;
	s3 =	simm.s32 @!p1 $0x1;
	p3 =	por !p3, p1  }
0x307: {  	s2 =	sshrl.u32 @!p1 s2, $0x7;
	s3 =	simm.s32 @p3 $0x0  }
0x308: {  	s2 =	ssub.s32 @!p1 s2, s3  }
0x309: {  	s2 =	sshll.u32 @!p1 s2, $0x7  }
0x30a: {  	[tilespmem:v8+s18+$0x0] =	vst.idx.msk $0xffff, v5;
	s3 =	rddreg [dreg:$0x6];
	s2 =	sand.u32 @!p1 $0x1FFFFF80, s2  }
0x30b: {  	s4 =	rddreg [dreg:$0x14];
	[tilespmem:v6+s18+$0x0] =	vst.idx.msk $0xffff, v7;
	s3 =	sshrl.u32 @!p1 s3, $0x3;
	s2 =	sadd.s32 @!p1 s1, s2  }
0x30c: {  	[spmem:s3@s25], [sflag:s4] =	dma.strided @!p1 [hbm:s2@s26], $0x200, s0, $0x10   }
0x30d: {  	(v2sf) =	vpush @!p1 v4, $0xE;
	_ =	sdelay $0x2  }
0x30e: {  	s3 =	sld [smem:$0x7F2];
	_ =	sdelay $0x2  }
0x30f: {  	s2 =	rddreg [dreg:$0x1b];
	p5 =	seq.s32 s3, $0x1  }
0x310: {  	s2 =	sshrl.u32 s2, $0x1C;
	p0 =	por !p5, !p0  }
0x311: {  	s2 =	sadd.s32 s2, s28;
	s3 =	simm.s32 $0x1;
	p0 =	por !p0, !p0  }
0x312: {  	s2 =	sshrl.u32 s2, $0x4;
	s3 =	simm.s32 @!p0 $0x0  }
0x313: {  	s2 =	ssub.s32 s3, s2  }
0x314: {  	s2 =	sshll.u32 s2, $0x4  }
0x315: {  	s2 =	sadd.s32 s2, s28  }
0x316: {  	s2 =	sadd.s32 $0x60, s2  }
0x317: {  	s16 =	sor.u32 $0xE, s24;
	v5 =	vadd.s32 s2, v0  }
0x318: {  	v59 =	vmov s16;
	v60 =	vadd.s32 s2, v1;
	s2 =	spop @!p1 (v2sf)  }
0x319: {  	v61 =	vshll.u32 v59, $0x3;
	s3 =	sand.u32 @!p1 $0x7F, s2  }
0x31a: {  	v8 =	vand.u32 $0xC00, v61;
	v6 =	vand.u32 $0x7E, v59;
	p0 =	slt.s32 @!p1 s2, $0x1;
	p3 =	sne.s32 @!p1 s3, $0x0  }
0x31b: {  	v6 =	vor.u32 v6, v8;
	s3 =	sshra.s32 @!p1 s2, $0x1F;
	p0 =	por @!p1 !p0, !p3  }
0x31c: {  	v8 =	vor.u32 v2, v6;
	v5 =	vld.idx.msk [tilespmem:v5+s23+$0x0], $0xffff;
	s3 =	sshrl.u32 @!p1 s3, $0x19;
	p0 =	por @!p1 !p0, !p0  }
0x31d: {  	v6 =	vor.u32 v3, v6;
	v7 =	vld.idx.msk [tilespmem:v60+s23+$0x0], $0xffff;
	s2 =	sadd.s32 @!p1 s3, s2;
	s3 =	simm.s32 @!p1 $0x1;
	p0 =	por !p0, p1  }
0x31e: {  	s2 =	sshrl.u32 @!p1 s2, $0x7;
	s3 =	simm.s32 @p0 $0x0  }
0x31f: {  	s2 =	ssub.s32 @!p1 s2, s3  }
0x320: {  	s2 =	sshll.u32 @!p1 s2, $0x7  }
0x321: {  	[tilespmem:v8+s18+$0x0] =	vst.idx.msk $0xffff, v5;
	s3 =	rddreg [dreg:$0x7];
	s2 =	sand.u32 @!p1 $0x1FFFFF80, s2  }
0x322: {  	s4 =	rddreg [dreg:$0x15];
	[tilespmem:v6+s18+$0x0] =	vst.idx.msk $0xffff, v7;
	s3 =	sshrl.u32 @!p1 s3, $0x3;
	s2 =	sadd.s32 @!p1 s1, s2  }
0x323: {  	[spmem:s3@s25], [sflag:s4] =	dma.strided @!p1 [hbm:s2@s26], $0x200, s0, $0x10   }
0x324: {  	(v2sf) =	vpush @!p1 v4, $0xF;
	_ =	sdelay $0x6  }
0x325: {  	p6 =	por !p6, !p2;
	s28 =	sshrl.u32 s21, $0x1C  }
0x326: {  	p0 =	por !p6, !p6;
	s2 =	sadd.s32 s28, s20;
	s3 =	simm.s32 $0x1  }
0x327: {  	s2 =	sshrl.u32 s2, $0x4;
	s3 =	simm.s32 @!p0 $0x0  }
0x328: {  	s2 =	ssub.s32 s3, s2  }
0x329: {  	s2 =	sshll.u32 s2, $0x4  }
0x32a: {  	s2 =	sadd.s32 s2, s20  }
0x32b: {  	s2 =	sadd.s32 $0x70, s2  }
0x32c: {  	s30 =	sor.u32 $0xF, s24;
	v4 =	vadd.s32 s2, v0  }
0x32d: {  	v5 =	vmov s30;
	v62 =	vadd.s32 s2, v1;
	s2 =	spop @!p1 (v2sf)  }
0x32e: {  	v63 =	vshll.u32 v5, $0x3;
	s3 =	sand.u32 @!p1 $0x7F, s2  }
0x32f: {  	v5 =	vand.u32 $0x7F, v5;
	v7 =	vand.u32 $0xC00, v63;
	p0 =	slt.s32 @!p1 s2, $0x1;
	p2 =	sne.s32 @!p1 s3, $0x0  }
0x330: {  	v5 =	vor.u32 v5, v7;
	s3 =	sshra.s32 @!p1 s2, $0x1F;
	p0 =	por @!p1 !p0, !p2  }
0x331: {  	v7 =	vor.u32 v2, v5;
	v4 =	vld.idx.msk [tilespmem:v4+s23+$0x0], $0xffff;
	s3 =	sshrl.u32 @!p1 s3, $0x19;
	p0 =	por @!p1 !p0, !p0  }
0x332: {  	v5 =	vor.u32 v3, v5;
	v6 =	vld.idx.msk [tilespmem:v62+s23+$0x0], $0xffff;
	s2 =	sadd.s32 @!p1 s3, s2;
	s3 =	simm.s32 @!p1 $0x1;
	p0 =	por !p0, p1  }
0x333: {  	s2 =	sshrl.u32 @!p1 s2, $0x7;
	s3 =	simm.s32 @p0 $0x0  }
0x334: {  	s2 =	ssub.s32 @!p1 s2, s3  }
0x335: {  	s2 =	sshll.u32 @!p1 s2, $0x7  }
0x336: {  	[tilespmem:v7+s18+$0x0] =	vst.idx.msk $0xffff, v4;
	s3 =	rddreg [dreg:$0x8];
	s2 =	sand.u32 @!p1 $0x1FFFFF80, s2  }
0x337: {  	s4 =	rddreg [dreg:$0x16];
	[tilespmem:v5+s18+$0x0] =	vst.idx.msk $0xffff, v6;
	s3 =	sshrl.u32 @!p1 s3, $0x3;
	s2 =	sadd.s32 @!p1 s1, s2  }
0x338: {  	[spmem:s3@s25], [sflag:s4] =	dma.strided @!p1 [hbm:s2@s26], $0x200, s0, $0x10   }
0x339: {  	s26 =	rddreg [dreg:$0x17]  }
0x33a: {  	p0 =	sne.s32 @!p1 s26, $0x20  }
0x33b: {  	p0 =	por p1, !p0  }
.Ltmp8:
0x33c: {  	_ = 	snop;
	(pc) =	sbr.rel @!p0 .LBB2_2-.Ltmp8, $4  }
0x33d: {  	_ = 	snop  }
0x33e: {  	s31 =	simm.s32 $0x6200  }
0x33f: {  	s12 =	simm.s32 $0x1200;
	s22 =	simm.s32 $0x2200;
	s14 =	simm.s32 $0x3200  }
0x340: {  	s17 =	simm.s32 $0x4200;
	s8 =	simm.s32 $0x5200;
	s19 =	simm.s32 $0x7200  }
0x341: {  	s0 =	rddreg [dreg:$0x9];
	s2 =	simm.s32 $0x1000;
	s3 =	simm.s32 $0x20000  }
0x342: {  	[hbm4b:s0+s2] =	stream.strided.scatter [tilespmem:s18], [sflag:$0x12], $0x4000, s3, s2, $0x38;
	[tilespmem:$0x15200] =	vst v63  }
0x343: {  	s3 =	simm.s32 $0x12  }
0x344: {  	_ =	swait.ge [sflag:s3], $0x4000  }
0x345: {  	s28 =	rddreg [dreg:$0xe]  }
0x346: {  	s30 =	rddreg [dreg:$0xa];
	s2 =	sadd.s32 $0x1, s28  }
0x347: {  	p0 =	sne.s32 s2, s30  }
.Ltmp9:
0x348: {  	_ = 	snop;
	(pc) =	sbr.rel @p0 .LBB2_1-.Ltmp9, $3  }
0x349: {  	_ =	sdelay $0x1  }
0x34a: {  	[sflag:s3] =	ssyncset.done $0x0  }
0x34b: {  	[sflag:s3] =	ssyncadd.s32 $0xFFFFC000  }
0x34c: {  	_ =	sfence.sel $0x180000  }
0x34d: {  	[bflag:$0x0] =	sbarrier.arrive $0xFFFF  }
0x34e: {  	_ =	strace $0x90000047  }
0x34f: {  	s0 =	stileid.u32;
	[bflag:$0x2] =	sbarrier.arrive $0xFFFF  }
0x350: {  	p0 =	sne.s32 s0, $0x0;
	s0 =	rddreg [dreg:$0x4]  }
0x351: {  	s0 =	sadd.s32 @!p0 $0x100000, s0  }
0x352: {  	[sflag:s0] =	ssyncadd.tile.s32 @!p0 $0x1;
	_ =	shalt  }
.Lfunc_end2:
_tile_overlayer_lowered:
.L_overlay_start_2:
0x353: {  	(tag) =	ssettag $0x2  }
0x354: {  	s0 =	rddreg [dreg:$0x0];
	s2 =	stileid.u32  }
0x355: {  	s1 =	rddreg [dreg:$0x1];
	p0 =	sne.s32 s2, $0x0  }
0x356: {  	s3 =	rddreg [dreg:$0x2];
	[bflag:$0x3] =	sbarrier.arrive $0xFFFF;
	s2 =	simm.s32 @!p0 $0x1C12  }
0x357: {  	[timem:s3], [sflag:s2] =	dma.local @!p0 [hbm:s0], s1  }
0x358: {  	s0 =	simm.s32 @!p0 $0x12  }
0x359: {  	_ =	swait.ge @!p0 [sflag:s0], s1  }
0x35a: {  	s1 =	ssub.s32 @!p0 $0x0, s1;
	[sflag:s0] =	ssyncset.done @!p0 $0x0  }
0x35b: {  	[sflag:s0] =	ssyncadd.s32 @!p0 s1  }
0x35c: {  	[bflag:$0x3] =	sbarrier.arrive $0xFFFF  }
0x35d: {  	_ =	shalt  }

</sc_bundles>
